<compile_context>
chip_gen: v7x
topology: tpu7x:2x2x1
jax: 0.10.2.dev20260603
libtpu: 0.0.44.dev20260713+nightly
codegen_flags: <defaults>
</compile_context>

<pallas_src>
import functools
import jax
import jax.numpy as jnp
from jax import lax
from jax.experimental import pallas as pl
from jax.experimental.pallas import tpu as pltpu
from jax.experimental.pallas import tpu_sc as plsc

N = 10000
E = 320000
NFEAT = 128
NHID = 16
NCLASS = 40
HEADS = 8
H1 = HEADS * NHID
R1 = 144
R2 = 48

NC, NS, LN = 2, 16, 16
NW = NC * NS
EPT = E // NW
K = 40
NB = EPT // K
K2 = 80
NB2 = EPT // K2
NPAD = 10240
RPT = NPAD // NS
ZR = 128

BLK = 2000
f32 = jnp.float32
i32 = jnp.int32


def _head_bcast_mask(rows, cols, transpose=False):
  a = lax.broadcasted_iota(i32, (rows, cols), 0)
  b = lax.broadcasted_iota(i32, (rows, cols), 1)
  if transpose:
    m = a == b // NHID
  else:
    m = a // NHID == b
  return m.astype(f32)


def _phase_a_body(x_ref, w1_ref, as1_ref, ad1_ref, row1_ref, adt_ref):
  h = jnp.dot(x_ref[...], w1_ref[...], preferred_element_type=f32)
  m = _head_bcast_mask(H1, HEADS)
  a_s = jnp.dot(h, as1_ref[...] * m, preferred_element_type=f32)
  a_d = jnp.dot(h, ad1_ref[...] * m, preferred_element_type=f32)
  row1_ref[:, 0:H1] = h
  row1_ref[:, H1:H1 + HEADS] = a_s
  row1_ref[:, H1 + HEADS:R1] = jnp.zeros((BLK, HEADS), f32)
  adt_ref[:, 0:HEADS] = a_d
  adt_ref[:, HEADS:16] = jnp.zeros((BLK, 8), f32)


def _phase_a(x, w1, as1c, ad1c):
  return pl.pallas_call(
      _phase_a_body,
      grid=(N // BLK,),
      in_specs=[
          pl.BlockSpec((BLK, NFEAT), lambda i: (i, 0)),
          pl.BlockSpec((NFEAT, H1), lambda i: (0, 0)),
          pl.BlockSpec((H1, 1), lambda i: (0, 0)),
          pl.BlockSpec((H1, 1), lambda i: (0, 0)),
      ],
      out_specs=[
          pl.BlockSpec((BLK, R1), lambda i: (i, 0)),
          pl.BlockSpec((BLK, 16), lambda i: (i, 0)),
      ],
      out_shape=[
          jax.ShapeDtypeStruct((N, R1), f32),
          jax.ShapeDtypeStruct((N, 16), f32),
      ],
  )(x, w1, as1c, ad1c)


def _leaky_exp(a):
  return jnp.exp(jnp.where(a >= 0, a, a * 0.2))


_BCAST_DNUMS = lax.GatherDimensionNumbers(
    offset_dims=(), collapsed_slice_dims=(0,), start_index_map=(0,))


def _bcast_lane(v, k):
  idx = jnp.full((LN, 1), k, i32)
  return lax.gather(v, idx, _BCAST_DNUMS, slice_sizes=(1,),
                    mode=lax.GatherScatterMode.PROMISE_IN_BOUNDS)


def _sc1_body(src_hbm, dst_hbm, row1_hbm, adt_hbm, out_hbm,
              rows0_v, rows1_v, adr0_v, adr1_v, sidx_v, didx_v, acc,
              sem_r, sem_a, sem_s):
  cid = lax.axis_index("c")
  sid = lax.axis_index("s")
  wid = sid * NC + cid

  def _z(r, _):
    for j in range(R1 // LN):
      rows0_v[r, pl.ds(j * LN, LN)] = jnp.zeros((LN,), f32)
    return 0
  lax.fori_loop(0, K, _z, 0)
  for z in range(RPT // K):
    pltpu.sync_copy(rows0_v, acc.at[pl.ds(sid * RPT + z * K, K)])

  pltpu.sync_copy(src_hbm.at[wid], sidx_v)
  pltpu.sync_copy(dst_hbm.at[wid], didx_v)

  plsc.subcore_barrier()

  lane = lax.iota(i32, LN)
  rows_bufs = (rows0_v, rows1_v)
  adr_bufs = (adr0_v, adr1_v)

  def _fire(b, par):
    rb, ab = rows_bufs[par], adr_bufs[par]
    pltpu.async_copy(row1_hbm.at[sidx_v.at[b]], rb, sem_r)
    pltpu.async_copy(adt_hbm.at[didx_v.at[b]], ab, sem_a)

  def _wait(par):
    rb, ab = rows_bufs[par], adr_bufs[par]
    pltpu.make_async_copy(row1_hbm.at[sidx_v.at[0]], rb, sem_r).wait()
    pltpu.make_async_copy(adt_hbm.at[didx_v.at[0]], ab, sem_a).wait()

  def _wait_scatter(par):
    pltpu.make_async_copy(rows_bufs[par], acc.at[didx_v.at[0]], sem_s).wait()

  _fire(0, 0)

  def _pair(p, _):
    for par in range(2):
      b = p * 2 + par

      @pl.when(b >= 1)
      def _():
        _wait_scatter((par + 1) % 2)

      @pl.when(b + 1 < NB)
      def _():
        _fire(b + 1, (par + 1) % 2)

      _wait(par)
      rb, ab = rows_bufs[par], adr_bufs[par]

      def _edge(i, _):
        for u in range(4):
          r = i * 4 + u
          asr = rb[r, pl.ds(H1, LN)]
          ads = ab[r, :]
          e = jnp.where(lane < HEADS, _leaky_exp(asr + ads), 0.0)
          rb[r, pl.ds(H1, LN)] = e
          for k in range(HEADS):
            bc = _bcast_lane(e, k)
            rb[r, pl.ds(k * LN, LN)] = rb[r, pl.ds(k * LN, LN)] * bc
        return 0
      lax.fori_loop(0, K // 4, _edge, 0)

      pltpu.async_copy(rb, acc.at[didx_v.at[b]], sem_s, add=True)
    return 0

  lax.fori_loop(0, NB // 2, _pair, 0)
  _wait_scatter((NB - 1) % 2)

  plsc.subcore_barrier()
  pltpu.sync_copy(acc.at[pl.ds(sid * RPT, RPT)],
                  out_hbm.at[cid, pl.ds(sid * RPT, RPT)])


def _sc_layer1(src, dst, row1, adt):
  mesh = plsc.VectorSubcoreMesh(core_axis_name="c", subcore_axis_name="s",
                                num_cores=NC, num_subcores=NS)
  kern = functools.partial(
      pl.kernel,
      out_type=jax.ShapeDtypeStruct((NC, NPAD, R1), f32),
      mesh=mesh,
      compiler_params=pltpu.CompilerParams(use_tc_tiling_on_sc=False,
                                           needs_layout_passes=False),
      scratch_types=[
          pltpu.VMEM((K, R1), f32),
          pltpu.VMEM((K, R1), f32),
          pltpu.VMEM((K, 16), f32),
          pltpu.VMEM((K, 16), f32),
          pltpu.VMEM((NB, K), i32),
          pltpu.VMEM((NB, K), i32),
          pltpu.VMEM_SHARED((NPAD, R1), f32),
          pltpu.SemaphoreType.DMA,
          pltpu.SemaphoreType.DMA,
          pltpu.SemaphoreType.DMA,
      ],
  )(_sc1_body)
  return kern(src.reshape(NW, NB, K), dst.reshape(NW, NB, K), row1, adt)


def _sc2_body(src_hbm, dst_hbm, row2_hbm, meta_hbm, out_hbm,
              rows0_v, rows1_v, mr0_v, mr1_v, sidx_v, didx_v, acc,
              sem_r, sem_a, sem_s):
  cid = lax.axis_index("c")
  sid = lax.axis_index("s")
  wid = sid * NC + cid

  def _z(r, _):
    for j in range(R2 // LN):
      rows0_v[r, pl.ds(j * LN, LN)] = jnp.zeros((LN,), f32)
    return 0
  lax.fori_loop(0, K2, _z, 0)
  for z in range(RPT // K2):
    pltpu.sync_copy(rows0_v, acc.at[pl.ds(sid * RPT + z * K2, K2)])

  pltpu.sync_copy(src_hbm.at[wid], sidx_v)
  pltpu.sync_copy(dst_hbm.at[wid], didx_v)

  plsc.subcore_barrier()

  lane = lax.iota(i32, LN)
  rows_bufs = (rows0_v, rows1_v)
  mr_bufs = (mr0_v, mr1_v)

  def _fire(b, par):
    rb, mb = rows_bufs[par], mr_bufs[par]
    pltpu.async_copy(row2_hbm.at[sidx_v.at[b]], rb, sem_r)
    pltpu.async_copy(meta_hbm.at[didx_v.at[b]], mb, sem_a)

  def _wait(par):
    rb, mb = rows_bufs[par], mr_bufs[par]
    pltpu.make_async_copy(row2_hbm.at[sidx_v.at[0]], rb, sem_r).wait()
    pltpu.make_async_copy(meta_hbm.at[didx_v.at[0]], mb, sem_a).wait()

  def _wait_scatter(par):
    pltpu.make_async_copy(rows_bufs[par], acc.at[didx_v.at[0]], sem_s).wait()

  _fire(0, 0)

  def _pair(p, _):
    for par in range(2):
      b = p * 2 + par

      @pl.when(b >= 1)
      def _():
        _wait_scatter((par + 1) % 2)

      @pl.when(b + 1 < NB2)
      def _():
        _fire(b + 1, (par + 1) % 2)

      _wait(par)
      rb, mb = rows_bufs[par], mr_bufs[par]

      def _edge(i, _):
        for u in range(4):
          r = i * 4 + u
          v2 = rb[r, pl.ds(2 * LN, LN)]
          a1 = _bcast_lane(v2, NCLASS - 2 * LN)
          a2 = _bcast_lane(mb[r, :], 1)
          e = _leaky_exp(a1 + a2)
          rb[r, pl.ds(0, LN)] = rb[r, pl.ds(0, LN)] * e
          rb[r, pl.ds(LN, LN)] = rb[r, pl.ds(LN, LN)] * e
          rb[r, pl.ds(2 * LN, LN)] = jnp.where(lane == NCLASS - 2 * LN,
                                               e, v2 * e)
        return 0
      lax.fori_loop(0, K2 // 4, _edge, 0)

      pltpu.async_copy(rb, acc.at[didx_v.at[b]], sem_s, add=True)
    return 0

  lax.fori_loop(0, NB2 // 2, _pair, 0)

  if NB2 % 2 == 1:
    b = NB2 - 1
    par = b % 2
    _wait_scatter((par + 1) % 2)
    _wait(par)
    rb, mb = rows_bufs[par], mr_bufs[par]

    def _edge_tail(i, _):
      for u in range(4):
        r = i * 4 + u
        v2 = rb[r, pl.ds(2 * LN, LN)]
        a1 = _bcast_lane(v2, NCLASS - 2 * LN)
        a2 = _bcast_lane(mb[r, :], 1)
        e = _leaky_exp(a1 + a2)
        rb[r, pl.ds(0, LN)] = rb[r, pl.ds(0, LN)] * e
        rb[r, pl.ds(LN, LN)] = rb[r, pl.ds(LN, LN)] * e
        rb[r, pl.ds(2 * LN, LN)] = jnp.where(lane == NCLASS - 2 * LN,
                                             e, v2 * e)
      return 0
    lax.fori_loop(0, K2 // 4, _edge_tail, 0)
    pltpu.async_copy(rb, acc.at[didx_v.at[b]], sem_s, add=True)
  _wait_scatter((NB2 - 1) % 2)

  plsc.subcore_barrier()
  pltpu.sync_copy(acc.at[pl.ds(sid * RPT, RPT)],
                  out_hbm.at[cid, pl.ds(sid * RPT, RPT)])


def _sc_layer2(src, dst, row2, meta2):
  mesh = plsc.VectorSubcoreMesh(core_axis_name="c", subcore_axis_name="s",
                                num_cores=NC, num_subcores=NS)
  kern = functools.partial(
      pl.kernel,
      out_type=jax.ShapeDtypeStruct((NC, NPAD, R2), f32),
      mesh=mesh,
      compiler_params=pltpu.CompilerParams(use_tc_tiling_on_sc=False,
                                           needs_layout_passes=False),
      scratch_types=[
          pltpu.VMEM((K2, R2), f32),
          pltpu.VMEM((K2, R2), f32),
          pltpu.VMEM((K2, 16), f32),
          pltpu.VMEM((K2, 16), f32),
          pltpu.VMEM((NB2, K2), i32),
          pltpu.VMEM((NB2, K2), i32),
          pltpu.VMEM_SHARED((NPAD, R2), f32),
          pltpu.SemaphoreType.DMA,
          pltpu.SemaphoreType.DMA,
          pltpu.SemaphoreType.DMA,
      ],
  )(_sc2_body)
  return kern(src.reshape(NW, NB2, K2), dst.reshape(NW, NB2, K2), row2, meta2)


def _phase_c_body(p_ref, row1_ref, adt_ref, w2_ref, as2_ref, ad2_ref, b1_ref,
                  feat_ref, row2_ref, meta_ref):
  s = p_ref[0] + p_ref[1]
  h = row1_ref[:, 0:H1]
  a_s = row1_ref[:, H1:H1 + HEADS]
  a_d = adt_ref[:, 0:HEADS]
  e_self = _leaky_exp(a_s + a_d)
  bm = _head_bcast_mask(HEADS, H1, transpose=True)
  num = s[:, 0:H1] + h * jnp.dot(e_self, bm, preferred_element_type=f32)
  den = s[:, H1:H1 + HEADS] + e_self
  denb = jnp.dot(den, bm, preferred_element_type=f32)
  o = num / (denb + 1e-16) + b1_ref[...]
  feat = jnp.where(o > 0, o, jnp.exp(jnp.minimum(o, 0.0)) - 1.0)
  feat_ref[...] = feat
  g = jnp.dot(feat, w2_ref[...], preferred_element_type=f32)
  a_s2 = jnp.dot(g, as2_ref[...], preferred_element_type=f32)
  a_d2 = jnp.dot(g, ad2_ref[...], preferred_element_type=f32)
  row2_ref[:, 0:NCLASS] = g
  row2_ref[:, NCLASS:NCLASS + 1] = a_s2
  row2_ref[:, NCLASS + 1:R2] = jnp.zeros((BLK, R2 - NCLASS - 1), f32)
  meta_ref[:, 0:1] = a_s2
  meta_ref[:, 1:2] = a_d2
  meta_ref[:, 2:16] = jnp.zeros((BLK, 14), f32)


def _phase_c(p1, row1, adt, w2, as2c, ad2c, b1r):
  return pl.pallas_call(
      _phase_c_body,
      grid=(N // BLK,),
      in_specs=[
          pl.BlockSpec((NC, BLK, R1), lambda i: (0, i, 0)),
          pl.BlockSpec((BLK, R1), lambda i: (i, 0)),
          pl.BlockSpec((BLK, 16), lambda i: (i, 0)),
          pl.BlockSpec((H1, NCLASS), lambda i: (0, 0)),
          pl.BlockSpec((NCLASS, 1), lambda i: (0, 0)),
          pl.BlockSpec((NCLASS, 1), lambda i: (0, 0)),
          pl.BlockSpec((1, H1), lambda i: (0, 0)),
      ],
      out_specs=[
          pl.BlockSpec((BLK, H1), lambda i: (i, 0)),
          pl.BlockSpec((BLK, R2), lambda i: (i, 0)),
          pl.BlockSpec((BLK, 16), lambda i: (i, 0)),
      ],
      out_shape=[
          jax.ShapeDtypeStruct((N, H1), f32),
          jax.ShapeDtypeStruct((N, R2), f32),
          jax.ShapeDtypeStruct((N, 16), f32),
      ],
  )(p1, row1, adt, w2, as2c, ad2c, b1r)


def _phase_e_body(p_ref, row2_ref, meta_ref, b2_ref, out_ref):
  s = p_ref[0] + p_ref[1]
  g = row2_ref[:, 0:NCLASS]
  e_self = _leaky_exp(meta_ref[:, 0:1] + meta_ref[:, 1:2])
  num = s[:, 0:NCLASS] + g * e_self
  den = s[:, NCLASS:NCLASS + 1] + e_self
  o = num / (den + 1e-16) + b2_ref[...]
  m = jnp.max(o, axis=1, keepdims=True)
  lse = jnp.log(jnp.sum(jnp.exp(o - m), axis=1, keepdims=True)) + m
  out_ref[...] = o - lse


def _phase_e(p2, row2, meta2, b2r):
  return pl.pallas_call(
      _phase_e_body,
      grid=(N // BLK,),
      in_specs=[
          pl.BlockSpec((NC, BLK, R2), lambda i: (0, i, 0)),
          pl.BlockSpec((BLK, R2), lambda i: (i, 0)),
          pl.BlockSpec((BLK, 16), lambda i: (i, 0)),
          pl.BlockSpec((1, NCLASS), lambda i: (0, 0)),
      ],
      out_specs=pl.BlockSpec((BLK, NCLASS), lambda i: (i, 0)),
      out_shape=jax.ShapeDtypeStruct((N, NCLASS), f32),
  )(p2, row2, meta2, b2r)


@jax.jit
def kernel(x, edge_index, W1, att_src1, att_dst1, b1, W2, att_src2,
           att_dst2, b2):
  src = edge_index[0].astype(i32)
  dst = edge_index[1].astype(i32)
  as1c = att_src1.reshape(H1, 1)
  ad1c = att_dst1.reshape(H1, 1)
  row1, adt = _phase_a(x, W1, as1c, ad1c)
  p1 = _sc_layer1(src, dst, row1, adt)
  feat, row2, meta2 = _phase_c(p1, row1, adt, W2,
                               att_src2.reshape(NCLASS, 1),
                               att_dst2.reshape(NCLASS, 1),
                               b1.reshape(1, H1))
  p2 = _sc_layer2(src, dst, row2, meta2)
  out = _phase_e(p2, row2, meta2, b2.reshape(1, NCLASS))
  return (out, feat)

# --- scband reference (transcript-rebuilt; emitter-appended) ---
"""Pipeline reference for scband-gat-21835613733612 (READ-ONLY COPY).

The authoritative reference and input builder live on the scoring server;
editing this copy changes nothing except your own understanding.
"""

import jax, jax.numpy as jnp
import numpy as np

N = 10000
E = 320000
NFEAT = 128
NHID = 16
NCLASS = 40
HEADS = 8


def _gat_conv(x, edge_index, W, att_src, att_dst, bias, heads, out_ch, concat):
    n = x.shape[0]
    loops = jnp.arange(n, dtype=edge_index.dtype)
    ei = jnp.concatenate([edge_index, jnp.stack([loops, loops])], axis=1)
    src, dst = ei[0], ei[1]
    h = (x @ W).reshape(n, heads, out_ch)
    a_src = (h * att_src[None, :, :]).sum(-1)  # [n, heads]
    a_dst = (h * att_dst[None, :, :]).sum(-1)  # [n, heads]
    alpha = a_src[src] + a_dst[dst]            # [E', heads]
    alpha = jax.nn.leaky_relu(alpha, negative_slope=0.2)
    amax = jax.ops.segment_max(alpha, dst, num_segments=n)
    alpha = jnp.exp(alpha - amax[dst])
    denom = jax.ops.segment_sum(alpha, dst, num_segments=n)
    alpha = alpha / (denom[dst] + 1e-16)
    msg = h[src] * alpha[:, :, None]
    out = jax.ops.segment_sum(msg, dst, num_segments=n)
    if concat:
        out = out.reshape(n, heads * out_ch)
    else:
        out = out.mean(axis=1)
    return out + bias


def setup_inputs(seed: int = 0):
    key = jax.random.key(seed)
    ks = jax.random.split(key, 10)
    x = jax.random.normal(ks[0], (N, NFEAT), dtype=jnp.float32)
    edge_index = jax.random.randint(ks[1], (2, E), 0, N)
    W1 = jax.random.normal(ks[2], (NFEAT, HEADS * NHID), dtype=jnp.float32) * (1.0 / np.sqrt(NFEAT))
    att_src1 = jax.random.normal(ks[3], (HEADS, NHID), dtype=jnp.float32) * 0.1
    att_dst1 = jax.random.normal(ks[4], (HEADS, NHID), dtype=jnp.float32) * 0.1
    b1 = jnp.zeros((HEADS * NHID,), dtype=jnp.float32)
    W2 = jax.random.normal(ks[5], (HEADS * NHID, NCLASS), dtype=jnp.float32) * (1.0 / np.sqrt(HEADS * NHID))
    att_src2 = jax.random.normal(ks[6], (1, NCLASS), dtype=jnp.float32) * 0.1
    att_dst2 = jax.random.normal(ks[7], (1, NCLASS), dtype=jnp.float32) * 0.1
    b2 = jnp.zeros((NCLASS,), dtype=jnp.float32)
    return {"x": x, "edge_index": edge_index, "W1": W1, "att_src1": att_src1,
            "att_dst1": att_dst1, "b1": b1, "W2": W2, "att_src2": att_src2,
            "att_dst2": att_dst2, "b2": b2}


def reference(x, edge_index, W1, att_src1, att_dst1, b1, W2, att_src2, att_dst2, b2):
    # eval mode: dropout is identity
    h = jax.nn.elu(_gat_conv(x, edge_index, W1, att_src1, att_dst1, b1, HEADS, NHID, True))
    features = h
    out = _gat_conv(h, edge_index, W2, att_src2, att_dst2, b2, 1, NCLASS, False)
    return (jax.nn.log_softmax(out, axis=1), features)

if __name__ == "__main__":
    import jax
    _d = setup_inputs()
    print(jax.jit(kernel)(*tuple(_d.values())))

</pallas_src>

<mosaic_0001>
#map = affine_map<(d0, d1) -> (0, 0, 0)>
#map1 = affine_map<(d0, d1) -> (0, 0)>
module attributes {stable_mosaic.version = 14 : i64} {
  func.func @_sc1_body(%arg0: i32, %arg1: i32, %arg2: memref<32x250x40xi32, #tpu.memory_space<hbm>>, %arg3: memref<32x250x40xi32, #tpu.memory_space<hbm>>, %arg4: memref<10000x144xf32, #tpu.memory_space<hbm>>, %arg5: memref<10000x16xf32, #tpu.memory_space<hbm>>, %arg6: memref<2x10240x144xf32, #tpu.memory_space<hbm>>, %arg7: memref<40x144xf32, #tpu.memory_space<vmem>>, %arg8: memref<40x144xf32, #tpu.memory_space<vmem>>, %arg9: memref<40x16xf32, #tpu.memory_space<vmem>>, %arg10: memref<40x16xf32, #tpu.memory_space<vmem>>, %arg11: memref<250x40xi32, #tpu.memory_space<vmem>>, %arg12: memref<250x40xi32, #tpu.memory_space<vmem>>, %arg13: memref<10240x144xf32, #tpu.memory_space<vmem_shared>>, %arg14: memref<!tpu.dma_semaphore, #tpu.memory_space<semaphore_mem>>, %arg15: memref<!tpu.dma_semaphore, #tpu.memory_space<semaphore_mem>>, %arg16: memref<!tpu.dma_semaphore, #tpu.memory_space<semaphore_mem>>) attributes {dimension_semantics = [#tpu.dimension_semantics<core_parallel>, #tpu.dimension_semantics<subcore_parallel>], iteration_bounds = array<i64: 2, 16>, scalar_prefetch = 0 : i64, scratch_operands = 10 : i64, tpu.core_type = #tpu.core_type<sc_vector_subcore>, window_params = [{transform_indices = #map}, {transform_indices = #map}, {transform_indices = #map1}, {transform_indices = #map1}, {transform_indices = #map}]} {
    %mul3A = arith.constant 2 : i32
    %mul3A_0 = arith.muli %arg1, %mul3A : i32
    %add3A = arith.addi %mul3A_0, %arg0 : i32
    %scan3A = arith.constant 0 : i32
    %scan3A_1 = arith.constant 0 : i32
    %scan3A_2 = arith.constant 40 : i32
    %scan3A_3 = arith.addi %scan3A_1, %scan3A_2 : i32
    %scan3A_4 = arith.constant 1 : i32
    %scan3A_5 = scf.for %scan3A_102 = %scan3A_1 to %scan3A_3 step %scan3A_4 iter_args(%scan3A_103 = %scan3A) -> (i32)  : i32 {
      %broadcast_in_dim3A = arith.constant 0.000000e+00 : f32
      %broadcast_in_dim3A_104 = vector.broadcast %broadcast_in_dim3A : f32 to vector<16xf32>
      %swap3A = arith.index_cast %scan3A_102 : i32 to index
      %swap3A_105 = arith.constant 0 : index
      %swap3A_106 = tpu.vector_load %arg7[%swap3A, %swap3A_105] {strides = array<i32>} : memref<40x144xf32, #tpu.memory_space<vmem>>, vector<16xf32>,
      tpu.vector_store %arg7[%swap3A, %swap3A_105], %broadcast_in_dim3A_104 {strides = array<i32>} : memref<40x144xf32, #tpu.memory_space<vmem>>, vector<16xf32>,
      %broadcast_in_dim3A_107 = arith.constant 0.000000e+00 : f32
      %broadcast_in_dim3A_108 = vector.broadcast %broadcast_in_dim3A_107 : f32 to vector<16xf32>
      %swap3A_109 = arith.index_cast %scan3A_102 : i32 to index
      %swap3A_110 = arith.constant 16 : index
      %swap3A_111 = tpu.vector_load %arg7[%swap3A_109, %swap3A_110] {strides = array<i32>} : memref<40x144xf32, #tpu.memory_space<vmem>>, vector<16xf32>,
      tpu.vector_store %arg7[%swap3A_109, %swap3A_110], %broadcast_in_dim3A_108 {strides = array<i32>} : memref<40x144xf32, #tpu.memory_space<vmem>>, vector<16xf32>,
      %broadcast_in_dim3A_112 = arith.constant 0.000000e+00 : f32
      %broadcast_in_dim3A_113 = vector.broadcast %broadcast_in_dim3A_112 : f32 to vector<16xf32>
      %swap3A_114 = arith.index_cast %scan3A_102 : i32 to index
      %swap3A_115 = arith.constant 32 : index
      %swap3A_116 = tpu.vector_load %arg7[%swap3A_114, %swap3A_115] {strides = array<i32>} : memref<40x144xf32, #tpu.memory_space<vmem>>, vector<16xf32>,
      tpu.vector_store %arg7[%swap3A_114, %swap3A_115], %broadcast_in_dim3A_113 {strides = array<i32>} : memref<40x144xf32, #tpu.memory_space<vmem>>, vector<16xf32>,
      %broadcast_in_dim3A_117 = arith.constant 0.000000e+00 : f32
      %broadcast_in_dim3A_118 = vector.broadcast %broadcast_in_dim3A_117 : f32 to vector<16xf32>
      %swap3A_119 = arith.index_cast %scan3A_102 : i32 to index
      %swap3A_120 = arith.constant 48 : index
      %swap3A_121 = tpu.vector_load %arg7[%swap3A_119, %swap3A_120] {strides = array<i32>} : memref<40x144xf32, #tpu.memory_space<vmem>>, vector<16xf32>,
      tpu.vector_store %arg7[%swap3A_119, %swap3A_120], %broadcast_in_dim3A_118 {strides = array<i32>} : memref<40x144xf32, #tpu.memory_space<vmem>>, vector<16xf32>,
      %broadcast_in_dim3A_122 = arith.constant 0.000000e+00 : f32
      %broadcast_in_dim3A_123 = vector.broadcast %broadcast_in_dim3A_122 : f32 to vector<16xf32>
      %swap3A_124 = arith.index_cast %scan3A_102 : i32 to index
      %swap3A_125 = arith.constant 64 : index
      %swap3A_126 = tpu.vector_load %arg7[%swap3A_124, %swap3A_125] {strides = array<i32>} : memref<40x144xf32, #tpu.memory_space<vmem>>, vector<16xf32>,
      tpu.vector_store %arg7[%swap3A_124, %swap3A_125], %broadcast_in_dim3A_123 {strides = array<i32>} : memref<40x144xf32, #tpu.memory_space<vmem>>, vector<16xf32>,
      %broadcast_in_dim3A_127 = arith.constant 0.000000e+00 : f32
      %broadcast_in_dim3A_128 = vector.broadcast %broadcast_in_dim3A_127 : f32 to vector<16xf32>
      %swap3A_129 = arith.index_cast %scan3A_102 : i32 to index
      %swap3A_130 = arith.constant 80 : index
      %swap3A_131 = tpu.vector_load %arg7[%swap3A_129, %swap3A_130] {strides = array<i32>} : memref<40x144xf32, #tpu.memory_space<vmem>>, vector<16xf32>,
      tpu.vector_store %arg7[%swap3A_129, %swap3A_130], %broadcast_in_dim3A_128 {strides = array<i32>} : memref<40x144xf32, #tpu.memory_space<vmem>>, vector<16xf32>,
      %broadcast_in_dim3A_132 = arith.constant 0.000000e+00 : f32
      %broadcast_in_dim3A_133 = vector.broadcast %broadcast_in_dim3A_132 : f32 to vector<16xf32>
      %swap3A_134 = arith.index_cast %scan3A_102 : i32 to index
      %swap3A_135 = arith.constant 96 : index
      %swap3A_136 = tpu.vector_load %arg7[%swap3A_134, %swap3A_135] {strides = array<i32>} : memref<40x144xf32, #tpu.memory_space<vmem>>, vector<16xf32>,
      tpu.vector_store %arg7[%swap3A_134, %swap3A_135], %broadcast_in_dim3A_133 {strides = array<i32>} : memref<40x144xf32, #tpu.memory_space<vmem>>, vector<16xf32>,
      %broadcast_in_dim3A_137 = arith.constant 0.000000e+00 : f32
      %broadcast_in_dim3A_138 = vector.broadcast %broadcast_in_dim3A_137 : f32 to vector<16xf32>
      %swap3A_139 = arith.index_cast %scan3A_102 : i32 to index
      %swap3A_140 = arith.constant 112 : index
      %swap3A_141 = tpu.vector_load %arg7[%swap3A_139, %swap3A_140] {strides = array<i32>} : memref<40x144xf32, #tpu.memory_space<vmem>>, vector<16xf32>,
      tpu.vector_store %arg7[%swap3A_139, %swap3A_140], %broadcast_in_dim3A_138 {strides = array<i32>} : memref<40x144xf32, #tpu.memory_space<vmem>>, vector<16xf32>,
      %broadcast_in_dim3A_142 = arith.constant 0.000000e+00 : f32
      %broadcast_in_dim3A_143 = vector.broadcast %broadcast_in_dim3A_142 : f32 to vector<16xf32>
      %swap3A_144 = arith.index_cast %scan3A_102 : i32 to index
      %swap3A_145 = arith.constant 128 : index
      %swap3A_146 = tpu.vector_load %arg7[%swap3A_144, %swap3A_145] {strides = array<i32>} : memref<40x144xf32, #tpu.memory_space<vmem>>, vector<16xf32>,
      tpu.vector_store %arg7[%swap3A_144, %swap3A_145], %broadcast_in_dim3A_143 {strides = array<i32>} : memref<40x144xf32, #tpu.memory_space<vmem>>, vector<16xf32>,
      %scan3A_147 = arith.constant 0 : i32
      scf.yield %scan3A_147 : i32
    }
    %scan3A_6 = arith.constant 40 : i32
    %mul3A_7 = arith.constant 640 : i32
    %mul3A_8 = arith.muli %arg1, %mul3A_7 : i32
    %add3A_9 = arith.constant 0 : i32
    %add3A_10 = arith.addi %mul3A_8, %add3A_9 : i32
    "tpu.region"() ({
      %run_scoped3A = tpu.sem_alloc : memref<!tpu.dma_semaphore, #tpu.memory_space<semaphore_mem>>
      %dma_start3A_102 = arith.constant 0 : i32
      %dma_start3A_103 = tpu.memref_slice %arg13[%add3A_10, %dma_start3A_102] : memref<10240x144xf32, #tpu.memory_space<vmem_shared>> -> memref<40x144xf32, #tpu.memory_space<vmem_shared>>
      %dma_start3A_104 = arith.constant 0 : i32
      %dma_start3A_105 = tpu.memref_slice %arg13[%add3A_10, %dma_start3A_104] : memref<10240x144xf32, #tpu.memory_space<vmem_shared>> -> memref<40x144xf32, #tpu.memory_space<vmem_shared>>
      tpu.enqueue_dma source(%arg7 : memref<40x144xf32, #tpu.memory_space<vmem>>) target(%dma_start3A_105 : memref<40x144xf32, #tpu.memory_space<vmem_shared>>) target_semaphore(%run_scoped3A : memref<!tpu.dma_semaphore, #tpu.memory_space<semaphore_mem>>)
      %dma_wait3A_106 = arith.constant 0 : i32
      %dma_wait3A_107 = tpu.memref_slice %arg13[%add3A_10, %dma_wait3A_106] : memref<10240x144xf32, #tpu.memory_space<vmem_shared>> -> memref<40x144xf32, #tpu.memory_space<vmem_shared>>
      %dma_wait3A_108 = arith.constant 0 : i32
      %dma_wait3A_109 = tpu.memref_slice %arg13[%add3A_10, %dma_wait3A_108] : memref<10240x144xf32, #tpu.memory_space<vmem_shared>> -> memref<40x144xf32, #tpu.memory_space<vmem_shared>>
      tpu.wait_dma2 semaphore(%run_scoped3A : memref<!tpu.dma_semaphore, #tpu.memory_space<semaphore_mem>>) src(%arg7 : memref<40x144xf32, #tpu.memory_space<vmem>>) dst(%dma_wait3A_109 : memref<40x144xf32, #tpu.memory_space<vmem_shared>>)
      tpu.yield
    }) : () -> ()
    %mul3A_11 = arith.constant 640 : i32
    %mul3A_12 = arith.muli %arg1, %mul3A_11 : i32
    %add3A_13 = arith.constant 40 : i32
    %add3A_14 = arith.addi %mul3A_12, %add3A_13 : i32
    "tpu.region"() ({
      %run_scoped3A = tpu.sem_alloc : memref<!tpu.dma_semaphore, #tpu.memory_space<semaphore_mem>>
      %dma_start3A_102 = arith.constant 0 : i32
      %dma_start3A_103 = tpu.memref_slice %arg13[%add3A_14, %dma_start3A_102] : memref<10240x144xf32, #tpu.memory_space<vmem_shared>> -> memref<40x144xf32, #tpu.memory_space<vmem_shared>>
      %dma_start3A_104 = arith.constant 0 : i32
      %dma_start3A_105 = tpu.memref_slice %arg13[%add3A_14, %dma_start3A_104] : memref<10240x144xf32, #tpu.memory_space<vmem_shared>> -> memref<40x144xf32, #tpu.memory_space<vmem_shared>>
      tpu.enqueue_dma source(%arg7 : memref<40x144xf32, #tpu.memory_space<vmem>>) target(%dma_start3A_105 : memref<40x144xf32, #tpu.memory_space<vmem_shared>>) target_semaphore(%run_scoped3A : memref<!tpu.dma_semaphore, #tpu.memory_space<semaphore_mem>>)
      %dma_wait3A_106 = arith.constant 0 : i32
      %dma_wait3A_107 = tpu.memref_slice %arg13[%add3A_14, %dma_wait3A_106] : memref<10240x144xf32, #tpu.memory_space<vmem_shared>> -> memref<40x144xf32, #tpu.memory_space<vmem_shared>>
      %dma_wait3A_108 = arith.constant 0 : i32
      %dma_wait3A_109 = tpu.memref_slice %arg13[%add3A_14, %dma_wait3A_108] : memref<10240x144xf32, #tpu.memory_space<vmem_shared>> -> memref<40x144xf32, #tpu.memory_space<vmem_shared>>
      tpu.wait_dma2 semaphore(%run_scoped3A : memref<!tpu.dma_semaphore, #tpu.memory_space<semaphore_mem>>) src(%arg7 : memref<40x144xf32, #tpu.memory_space<vmem>>) dst(%dma_wait3A_109 : memref<40x144xf32, #tpu.memory_space<vmem_shared>>)
      tpu.yield
    }) : () -> ()
    %mul3A_15 = arith.constant 640 : i32
    %mul3A_16 = arith.muli %arg1, %mul3A_15 : i32
    %add3A_17 = arith.constant 80 : i32
    %add3A_18 = arith.addi %mul3A_16, %add3A_17 : i32
    "tpu.region"() ({
      %run_scoped3A = tpu.sem_alloc : memref<!tpu.dma_semaphore, #tpu.memory_space<semaphore_mem>>
      %dma_start3A_102 = arith.constant 0 : i32
      %dma_start3A_103 = tpu.memref_slice %arg13[%add3A_18, %dma_start3A_102] : memref<10240x144xf32, #tpu.memory_space<vmem_shared>> -> memref<40x144xf32, #tpu.memory_space<vmem_shared>>
      %dma_start3A_104 = arith.constant 0 : i32
      %dma_start3A_105 = tpu.memref_slice %arg13[%add3A_18, %dma_start3A_104] : memref<10240x144xf32, #tpu.memory_space<vmem_shared>> -> memref<40x144xf32, #tpu.memory_space<vmem_shared>>
      tpu.enqueue_dma source(%arg7 : memref<40x144xf32, #tpu.memory_space<vmem>>) target(%dma_start3A_105 : memref<40x144xf32, #tpu.memory_space<vmem_shared>>) target_semaphore(%run_scoped3A : memref<!tpu.dma_semaphore, #tpu.memory_space<semaphore_mem>>)
      %dma_wait3A_106 = arith.constant 0 : i32
      %dma_wait3A_107 = tpu.memref_slice %arg13[%add3A_18, %dma_wait3A_106] : memref<10240x144xf32, #tpu.memory_space<vmem_shared>> -> memref<40x144xf32, #tpu.memory_space<vmem_shared>>
      %dma_wait3A_108 = arith.constant 0 : i32
      %dma_wait3A_109 = tpu.memref_slice %arg13[%add3A_18, %dma_wait3A_108] : memref<10240x144xf32, #tpu.memory_space<vmem_shared>> -> memref<40x144xf32, #tpu.memory_space<vmem_shared>>
      tpu.wait_dma2 semaphore(%run_scoped3A : memref<!tpu.dma_semaphore, #tpu.memory_space<semaphore_mem>>) src(%arg7 : memref<40x144xf32, #tpu.memory_space<vmem>>) dst(%dma_wait3A_109 : memref<40x144xf32, #tpu.memory_space<vmem_shared>>)
      tpu.yield
    }) : () -> ()
    %mul3A_19 = arith.constant 640 : i32
    %mul3A_20 = arith.muli %arg1, %mul3A_19 : i32
    %add3A_21 = arith.constant 120 : i32
    %add3A_22 = arith.addi %mul3A_20, %add3A_21 : i32
    "tpu.region"() ({
      %run_scoped3A = tpu.sem_alloc : memref<!tpu.dma_semaphore, #tpu.memory_space<semaphore_mem>>
      %dma_start3A_102 = arith.constant 0 : i32
      %dma_start3A_103 = tpu.memref_slice %arg13[%add3A_22, %dma_start3A_102] : memref<10240x144xf32, #tpu.memory_space<vmem_shared>> -> memref<40x144xf32, #tpu.memory_space<vmem_shared>>
      %dma_start3A_104 = arith.constant 0 : i32
      %dma_start3A_105 = tpu.memref_slice %arg13[%add3A_22, %dma_start3A_104] : memref<10240x144xf32, #tpu.memory_space<vmem_shared>> -> memref<40x144xf32, #tpu.memory_space<vmem_shared>>
      tpu.enqueue_dma source(%arg7 : memref<40x144xf32, #tpu.memory_space<vmem>>) target(%dma_start3A_105 : memref<40x144xf32, #tpu.memory_space<vmem_shared>>) target_semaphore(%run_scoped3A : memref<!tpu.dma_semaphore, #tpu.memory_space<semaphore_mem>>)
      %dma_wait3A_106 = arith.constant 0 : i32
      %dma_wait3A_107 = tpu.memref_slice %arg13[%add3A_22, %dma_wait3A_106] : memref<10240x144xf32, #tpu.memory_space<vmem_shared>> -> memref<40x144xf32, #tpu.memory_space<vmem_shared>>
      %dma_wait3A_108 = arith.constant 0 : i32
      %dma_wait3A_109 = tpu.memref_slice %arg13[%add3A_22, %dma_wait3A_108] : memref<10240x144xf32, #tpu.memory_space<vmem_shared>> -> memref<40x144xf32, #tpu.memory_space<vmem_shared>>
      tpu.wait_dma2 semaphore(%run_scoped3A : memref<!tpu.dma_semaphore, #tpu.memory_space<semaphore_mem>>) src(%arg7 : memref<40x144xf32, #tpu.memory_space<vmem>>) dst(%dma_wait3A_109 : memref<40x144xf32, #tpu.memory_space<vmem_shared>>)
      tpu.yield
    }) : () -> ()
    %mul3A_23 = arith.constant 640 : i32
    %mul3A_24 = arith.muli %arg1, %mul3A_23 : i32
    %add3A_25 = arith.constant 160 : i32
    %add3A_26 = arith.addi %mul3A_24, %add3A_25 : i32
    "tpu.region"() ({
      %run_scoped3A = tpu.sem_alloc : memref<!tpu.dma_semaphore, #tpu.memory_space<semaphore_mem>>
      %dma_start3A_102 = arith.constant 0 : i32
      %dma_start3A_103 = tpu.memref_slice %arg13[%add3A_26, %dma_start3A_102] : memref<10240x144xf32, #tpu.memory_space<vmem_shared>> -> memref<40x144xf32, #tpu.memory_space<vmem_shared>>
      %dma_start3A_104 = arith.constant 0 : i32
      %dma_start3A_105 = tpu.memref_slice %arg13[%add3A_26, %dma_start3A_104] : memref<10240x144xf32, #tpu.memory_space<vmem_shared>> -> memref<40x144xf32, #tpu.memory_space<vmem_shared>>
      tpu.enqueue_dma source(%arg7 : memref<40x144xf32, #tpu.memory_space<vmem>>) target(%dma_start3A_105 : memref<40x144xf32, #tpu.memory_space<vmem_shared>>) target_semaphore(%run_scoped3A : memref<!tpu.dma_semaphore, #tpu.memory_space<semaphore_mem>>)
      %dma_wait3A_106 = arith.constant 0 : i32
      %dma_wait3A_107 = tpu.memref_slice %arg13[%add3A_26, %dma_wait3A_106] : memref<10240x144xf32, #tpu.memory_space<vmem_shared>> -> memref<40x144xf32, #tpu.memory_space<vmem_shared>>
      %dma_wait3A_108 = arith.constant 0 : i32
      %dma_wait3A_109 = tpu.memref_slice %arg13[%add3A_26, %dma_wait3A_108] : memref<10240x144xf32, #tpu.memory_space<vmem_shared>> -> memref<40x144xf32, #tpu.memory_space<vmem_shared>>
      tpu.wait_dma2 semaphore(%run_scoped3A : memref<!tpu.dma_semaphore, #tpu.memory_space<semaphore_mem>>) src(%arg7 : memref<40x144xf32, #tpu.memory_space<vmem>>) dst(%dma_wait3A_109 : memref<40x144xf32, #tpu.memory_space<vmem_shared>>)
      tpu.yield
    }) : () -> ()
    %mul3A_27 = arith.constant 640 : i32
    %mul3A_28 = arith.muli %arg1, %mul3A_27 : i32
    %add3A_29 = arith.constant 200 : i32
    %add3A_30 = arith.addi %mul3A_28, %add3A_29 : i32
    "tpu.region"() ({
      %run_scoped3A = tpu.sem_alloc : memref<!tpu.dma_semaphore, #tpu.memory_space<semaphore_mem>>
      %dma_start3A_102 = arith.constant 0 : i32
      %dma_start3A_103 = tpu.memref_slice %arg13[%add3A_30, %dma_start3A_102] : memref<10240x144xf32, #tpu.memory_space<vmem_shared>> -> memref<40x144xf32, #tpu.memory_space<vmem_shared>>
      %dma_start3A_104 = arith.constant 0 : i32
      %dma_start3A_105 = tpu.memref_slice %arg13[%add3A_30, %dma_start3A_104] : memref<10240x144xf32, #tpu.memory_space<vmem_shared>> -> memref<40x144xf32, #tpu.memory_space<vmem_shared>>
      tpu.enqueue_dma source(%arg7 : memref<40x144xf32, #tpu.memory_space<vmem>>) target(%dma_start3A_105 : memref<40x144xf32, #tpu.memory_space<vmem_shared>>) target_semaphore(%run_scoped3A : memref<!tpu.dma_semaphore, #tpu.memory_space<semaphore_mem>>)
      %dma_wait3A_106 = arith.constant 0 : i32
      %dma_wait3A_107 = tpu.memref_slice %arg13[%add3A_30, %dma_wait3A_106] : memref<10240x144xf32, #tpu.memory_space<vmem_shared>> -> memref<40x144xf32, #tpu.memory_space<vmem_shared>>
      %dma_wait3A_108 = arith.constant 0 : i32
      %dma_wait3A_109 = tpu.memref_slice %arg13[%add3A_30, %dma_wait3A_108] : memref<10240x144xf32, #tpu.memory_space<vmem_shared>> -> memref<40x144xf32, #tpu.memory_space<vmem_shared>>
      tpu.wait_dma2 semaphore(%run_scoped3A : memref<!tpu.dma_semaphore, #tpu.memory_space<semaphore_mem>>) src(%arg7 : memref<40x144xf32, #tpu.memory_space<vmem>>) dst(%dma_wait3A_109 : memref<40x144xf32, #tpu.memory_space<vmem_shared>>)
      tpu.yield
    }) : () -> ()
    %mul3A_31 = arith.constant 640 : i32
    %mul3A_32 = arith.muli %arg1, %mul3A_31 : i32
    %add3A_33 = arith.constant 240 : i32
    %add3A_34 = arith.addi %mul3A_32, %add3A_33 : i32
    "tpu.region"() ({
      %run_scoped3A = tpu.sem_alloc : memref<!tpu.dma_semaphore, #tpu.memory_space<semaphore_mem>>
      %dma_start3A_102 = arith.constant 0 : i32
      %dma_start3A_103 = tpu.memref_slice %arg13[%add3A_34, %dma_start3A_102] : memref<10240x144xf32, #tpu.memory_space<vmem_shared>> -> memref<40x144xf32, #tpu.memory_space<vmem_shared>>
      %dma_start3A_104 = arith.constant 0 : i32
      %dma_start3A_105 = tpu.memref_slice %arg13[%add3A_34, %dma_start3A_104] : memref<10240x144xf32, #tpu.memory_space<vmem_shared>> -> memref<40x144xf32, #tpu.memory_space<vmem_shared>>
      tpu.enqueue_dma source(%arg7 : memref<40x144xf32, #tpu.memory_space<vmem>>) target(%dma_start3A_105 : memref<40x144xf32, #tpu.memory_space<vmem_shared>>) target_semaphore(%run_scoped3A : memref<!tpu.dma_semaphore, #tpu.memory_space<semaphore_mem>>)
      %dma_wait3A_106 = arith.constant 0 : i32
      %dma_wait3A_107 = tpu.memref_slice %arg13[%add3A_34, %dma_wait3A_106] : memref<10240x144xf32, #tpu.memory_space<vmem_shared>> -> memref<40x144xf32, #tpu.memory_space<vmem_shared>>
      %dma_wait3A_108 = arith.constant 0 : i32
      %dma_wait3A_109 = tpu.memref_slice %arg13[%add3A_34, %dma_wait3A_108] : memref<10240x144xf32, #tpu.memory_space<vmem_shared>> -> memref<40x144xf32, #tpu.memory_space<vmem_shared>>
      tpu.wait_dma2 semaphore(%run_scoped3A : memref<!tpu.dma_semaphore, #tpu.memory_space<semaphore_mem>>) src(%arg7 : memref<40x144xf32, #tpu.memory_space<vmem>>) dst(%dma_wait3A_109 : memref<40x144xf32, #tpu.memory_space<vmem_shared>>)
      tpu.yield
    }) : () -> ()
    %mul3A_35 = arith.constant 640 : i32
    %mul3A_36 = arith.muli %arg1, %mul3A_35 : i32
    %add3A_37 = arith.constant 280 : i32
    %add3A_38 = arith.addi %mul3A_36, %add3A_37 : i32
    "tpu.region"() ({
      %run_scoped3A = tpu.sem_alloc : memref<!tpu.dma_semaphore, #tpu.memory_space<semaphore_mem>>
      %dma_start3A_102 = arith.constant 0 : i32
      %dma_start3A_103 = tpu.memref_slice %arg13[%add3A_38, %dma_start3A_102] : memref<10240x144xf32, #tpu.memory_space<vmem_shared>> -> memref<40x144xf32, #tpu.memory_space<vmem_shared>>
      %dma_start3A_104 = arith.constant 0 : i32
      %dma_start3A_105 = tpu.memref_slice %arg13[%add3A_38, %dma_start3A_104] : memref<10240x144xf32, #tpu.memory_space<vmem_shared>> -> memref<40x144xf32, #tpu.memory_space<vmem_shared>>
      tpu.enqueue_dma source(%arg7 : memref<40x144xf32, #tpu.memory_space<vmem>>) target(%dma_start3A_105 : memref<40x144xf32, #tpu.memory_space<vmem_shared>>) target_semaphore(%run_scoped3A : memref<!tpu.dma_semaphore, #tpu.memory_space<semaphore_mem>>)
      %dma_wait3A_106 = arith.constant 0 : i32
      %dma_wait3A_107 = tpu.memref_slice %arg13[%add3A_38, %dma_wait3A_106] : memref<10240x144xf32, #tpu.memory_space<vmem_shared>> -> memref<40x144xf32, #tpu.memory_space<vmem_shared>>
      %dma_wait3A_108 = arith.constant 0 : i32
      %dma_wait3A_109 = tpu.memref_slice %arg13[%add3A_38, %dma_wait3A_108] : memref<10240x144xf32, #tpu.memory_space<vmem_shared>> -> memref<40x144xf32, #tpu.memory_space<vmem_shared>>
      tpu.wait_dma2 semaphore(%run_scoped3A : memref<!tpu.dma_semaphore, #tpu.memory_space<semaphore_mem>>) src(%arg7 : memref<40x144xf32, #tpu.memory_space<vmem>>) dst(%dma_wait3A_109 : memref<40x144xf32, #tpu.memory_space<vmem_shared>>)
      tpu.yield
    }) : () -> ()
    %mul3A_39 = arith.constant 640 : i32
    %mul3A_40 = arith.muli %arg1, %mul3A_39 : i32
    %add3A_41 = arith.constant 320 : i32
    %add3A_42 = arith.addi %mul3A_40, %add3A_41 : i32
    "tpu.region"() ({
      %run_scoped3A = tpu.sem_alloc : memref<!tpu.dma_semaphore, #tpu.memory_space<semaphore_mem>>
      %dma_start3A_102 = arith.constant 0 : i32
      %dma_start3A_103 = tpu.memref_slice %arg13[%add3A_42, %dma_start3A_102] : memref<10240x144xf32, #tpu.memory_space<vmem_shared>> -> memref<40x144xf32, #tpu.memory_space<vmem_shared>>
      %dma_start3A_104 = arith.constant 0 : i32
      %dma_start3A_105 = tpu.memref_slice %arg13[%add3A_42, %dma_start3A_104] : memref<10240x144xf32, #tpu.memory_space<vmem_shared>> -> memref<40x144xf32, #tpu.memory_space<vmem_shared>>
      tpu.enqueue_dma source(%arg7 : memref<40x144xf32, #tpu.memory_space<vmem>>) target(%dma_start3A_105 : memref<40x144xf32, #tpu.memory_space<vmem_shared>>) target_semaphore(%run_scoped3A : memref<!tpu.dma_semaphore, #tpu.memory_space<semaphore_mem>>)
      %dma_wait3A_106 = arith.constant 0 : i32
      %dma_wait3A_107 = tpu.memref_slice %arg13[%add3A_42, %dma_wait3A_106] : memref<10240x144xf32, #tpu.memory_space<vmem_shared>> -> memref<40x144xf32, #tpu.memory_space<vmem_shared>>
      %dma_wait3A_108 = arith.constant 0 : i32
      %dma_wait3A_109 = tpu.memref_slice %arg13[%add3A_42, %dma_wait3A_108] : memref<10240x144xf32, #tpu.memory_space<vmem_shared>> -> memref<40x144xf32, #tpu.memory_space<vmem_shared>>
      tpu.wait_dma2 semaphore(%run_scoped3A : memref<!tpu.dma_semaphore, #tpu.memory_space<semaphore_mem>>) src(%arg7 : memref<40x144xf32, #tpu.memory_space<vmem>>) dst(%dma_wait3A_109 : memref<40x144xf32, #tpu.memory_space<vmem_shared>>)
      tpu.yield
    }) : () -> ()
    %mul3A_43 = arith.constant 640 : i32
    %mul3A_44 = arith.muli %arg1, %mul3A_43 : i32
    %add3A_45 = arith.constant 360 : i32
    %add3A_46 = arith.addi %mul3A_44, %add3A_45 : i32
    "tpu.region"() ({
      %run_scoped3A = tpu.sem_alloc : memref<!tpu.dma_semaphore, #tpu.memory_space<semaphore_mem>>
      %dma_start3A_102 = arith.constant 0 : i32
      %dma_start3A_103 = tpu.memref_slice %arg13[%add3A_46, %dma_start3A_102] : memref<10240x144xf32, #tpu.memory_space<vmem_shared>> -> memref<40x144xf32, #tpu.memory_space<vmem_shared>>
      %dma_start3A_104 = arith.constant 0 : i32
      %dma_start3A_105 = tpu.memref_slice %arg13[%add3A_46, %dma_start3A_104] : memref<10240x144xf32, #tpu.memory_space<vmem_shared>> -> memref<40x144xf32, #tpu.memory_space<vmem_shared>>
      tpu.enqueue_dma source(%arg7 : memref<40x144xf32, #tpu.memory_space<vmem>>) target(%dma_start3A_105 : memref<40x144xf32, #tpu.memory_space<vmem_shared>>) target_semaphore(%run_scoped3A : memref<!tpu.dma_semaphore, #tpu.memory_space<semaphore_mem>>)
      %dma_wait3A_106 = arith.constant 0 : i32
      %dma_wait3A_107 = tpu.memref_slice %arg13[%add3A_46, %dma_wait3A_106] : memref<10240x144xf32, #tpu.memory_space<vmem_shared>> -> memref<40x144xf32, #tpu.memory_space<vmem_shared>>
      %dma_wait3A_108 = arith.constant 0 : i32
      %dma_wait3A_109 = tpu.memref_slice %arg13[%add3A_46, %dma_wait3A_108] : memref<10240x144xf32, #tpu.memory_space<vmem_shared>> -> memref<40x144xf32, #tpu.memory_space<vmem_shared>>
      tpu.wait_dma2 semaphore(%run_scoped3A : memref<!tpu.dma_semaphore, #tpu.memory_space<semaphore_mem>>) src(%arg7 : memref<40x144xf32, #tpu.memory_space<vmem>>) dst(%dma_wait3A_109 : memref<40x144xf32, #tpu.memory_space<vmem_shared>>)
      tpu.yield
    }) : () -> ()
    %mul3A_47 = arith.constant 640 : i32
    %mul3A_48 = arith.muli %arg1, %mul3A_47 : i32
    %add3A_49 = arith.constant 400 : i32
    %add3A_50 = arith.addi %mul3A_48, %add3A_49 : i32
    "tpu.region"() ({
      %run_scoped3A = tpu.sem_alloc : memref<!tpu.dma_semaphore, #tpu.memory_space<semaphore_mem>>
      %dma_start3A_102 = arith.constant 0 : i32
      %dma_start3A_103 = tpu.memref_slice %arg13[%add3A_50, %dma_start3A_102] : memref<10240x144xf32, #tpu.memory_space<vmem_shared>> -> memref<40x144xf32, #tpu.memory_space<vmem_shared>>
      %dma_start3A_104 = arith.constant 0 : i32
      %dma_start3A_105 = tpu.memref_slice %arg13[%add3A_50, %dma_start3A_104] : memref<10240x144xf32, #tpu.memory_space<vmem_shared>> -> memref<40x144xf32, #tpu.memory_space<vmem_shared>>
      tpu.enqueue_dma source(%arg7 : memref<40x144xf32, #tpu.memory_space<vmem>>) target(%dma_start3A_105 : memref<40x144xf32, #tpu.memory_space<vmem_shared>>) target_semaphore(%run_scoped3A : memref<!tpu.dma_semaphore, #tpu.memory_space<semaphore_mem>>)
      %dma_wait3A_106 = arith.constant 0 : i32
      %dma_wait3A_107 = tpu.memref_slice %arg13[%add3A_50, %dma_wait3A_106] : memref<10240x144xf32, #tpu.memory_space<vmem_shared>> -> memref<40x144xf32, #tpu.memory_space<vmem_shared>>
      %dma_wait3A_108 = arith.constant 0 : i32
      %dma_wait3A_109 = tpu.memref_slice %arg13[%add3A_50, %dma_wait3A_108] : memref<10240x144xf32, #tpu.memory_space<vmem_shared>> -> memref<40x144xf32, #tpu.memory_space<vmem_shared>>
      tpu.wait_dma2 semaphore(%run_scoped3A : memref<!tpu.dma_semaphore, #tpu.memory_space<semaphore_mem>>) src(%arg7 : memref<40x144xf32, #tpu.memory_space<vmem>>) dst(%dma_wait3A_109 : memref<40x144xf32, #tpu.memory_space<vmem_shared>>)
      tpu.yield
    }) : () -> ()
    %mul3A_51 = arith.constant 640 : i32
    %mul3A_52 = arith.muli %arg1, %mul3A_51 : i32
    %add3A_53 = arith.constant 440 : i32
    %add3A_54 = arith.addi %mul3A_52, %add3A_53 : i32
    "tpu.region"() ({
      %run_scoped3A = tpu.sem_alloc : memref<!tpu.dma_semaphore, #tpu.memory_space<semaphore_mem>>
      %dma_start3A_102 = arith.constant 0 : i32
      %dma_start3A_103 = tpu.memref_slice %arg13[%add3A_54, %dma_start3A_102] : memref<10240x144xf32, #tpu.memory_space<vmem_shared>> -> memref<40x144xf32, #tpu.memory_space<vmem_shared>>
      %dma_start3A_104 = arith.constant 0 : i32
      %dma_start3A_105 = tpu.memref_slice %arg13[%add3A_54, %dma_start3A_104] : memref<10240x144xf32, #tpu.memory_space<vmem_shared>> -> memref<40x144xf32, #tpu.memory_space<vmem_shared>>
      tpu.enqueue_dma source(%arg7 : memref<40x144xf32, #tpu.memory_space<vmem>>) target(%dma_start3A_105 : memref<40x144xf32, #tpu.memory_space<vmem_shared>>) target_semaphore(%run_scoped3A : memref<!tpu.dma_semaphore, #tpu.memory_space<semaphore_mem>>)
      %dma_wait3A_106 = arith.constant 0 : i32
      %dma_wait3A_107 = tpu.memref_slice %arg13[%add3A_54, %dma_wait3A_106] : memref<10240x144xf32, #tpu.memory_space<vmem_shared>> -> memref<40x144xf32, #tpu.memory_space<vmem_shared>>
      %dma_wait3A_108 = arith.constant 0 : i32
      %dma_wait3A_109 = tpu.memref_slice %arg13[%add3A_54, %dma_wait3A_108] : memref<10240x144xf32, #tpu.memory_space<vmem_shared>> -> memref<40x144xf32, #tpu.memory_space<vmem_shared>>
      tpu.wait_dma2 semaphore(%run_scoped3A : memref<!tpu.dma_semaphore, #tpu.memory_space<semaphore_mem>>) src(%arg7 : memref<40x144xf32, #tpu.memory_space<vmem>>) dst(%dma_wait3A_109 : memref<40x144xf32, #tpu.memory_space<vmem_shared>>)
      tpu.yield
    }) : () -> ()
    %mul3A_55 = arith.constant 640 : i32
    %mul3A_56 = arith.muli %arg1, %mul3A_55 : i32
    %add3A_57 = arith.constant 480 : i32
    %add3A_58 = arith.addi %mul3A_56, %add3A_57 : i32
    "tpu.region"() ({
      %run_scoped3A = tpu.sem_alloc : memref<!tpu.dma_semaphore, #tpu.memory_space<semaphore_mem>>
      %dma_start3A_102 = arith.constant 0 : i32
      %dma_start3A_103 = tpu.memref_slice %arg13[%add3A_58, %dma_start3A_102] : memref<10240x144xf32, #tpu.memory_space<vmem_shared>> -> memref<40x144xf32, #tpu.memory_space<vmem_shared>>
      %dma_start3A_104 = arith.constant 0 : i32
      %dma_start3A_105 = tpu.memref_slice %arg13[%add3A_58, %dma_start3A_104] : memref<10240x144xf32, #tpu.memory_space<vmem_shared>> -> memref<40x144xf32, #tpu.memory_space<vmem_shared>>
      tpu.enqueue_dma source(%arg7 : memref<40x144xf32, #tpu.memory_space<vmem>>) target(%dma_start3A_105 : memref<40x144xf32, #tpu.memory_space<vmem_shared>>) target_semaphore(%run_scoped3A : memref<!tpu.dma_semaphore, #tpu.memory_space<semaphore_mem>>)
      %dma_wait3A_106 = arith.constant 0 : i32
      %dma_wait3A_107 = tpu.memref_slice %arg13[%add3A_58, %dma_wait3A_106] : memref<10240x144xf32, #tpu.memory_space<vmem_shared>> -> memref<40x144xf32, #tpu.memory_space<vmem_shared>>
      %dma_wait3A_108 = arith.constant 0 : i32
      %dma_wait3A_109 = tpu.memref_slice %arg13[%add3A_58, %dma_wait3A_108] : memref<10240x144xf32, #tpu.memory_space<vmem_shared>> -> memref<40x144xf32, #tpu.memory_space<vmem_shared>>
      tpu.wait_dma2 semaphore(%run_scoped3A : memref<!tpu.dma_semaphore, #tpu.memory_space<semaphore_mem>>) src(%arg7 : memref<40x144xf32, #tpu.memory_space<vmem>>) dst(%dma_wait3A_109 : memref<40x144xf32, #tpu.memory_space<vmem_shared>>)
      tpu.yield
    }) : () -> ()
    %mul3A_59 = arith.constant 640 : i32
    %mul3A_60 = arith.muli %arg1, %mul3A_59 : i32
    %add3A_61 = arith.constant 520 : i32
    %add3A_62 = arith.addi %mul3A_60, %add3A_61 : i32
    "tpu.region"() ({
      %run_scoped3A = tpu.sem_alloc : memref<!tpu.dma_semaphore, #tpu.memory_space<semaphore_mem>>
      %dma_start3A_102 = arith.constant 0 : i32
      %dma_start3A_103 = tpu.memref_slice %arg13[%add3A_62, %dma_start3A_102] : memref<10240x144xf32, #tpu.memory_space<vmem_shared>> -> memref<40x144xf32, #tpu.memory_space<vmem_shared>>
      %dma_start3A_104 = arith.constant 0 : i32
      %dma_start3A_105 = tpu.memref_slice %arg13[%add3A_62, %dma_start3A_104] : memref<10240x144xf32, #tpu.memory_space<vmem_shared>> -> memref<40x144xf32, #tpu.memory_space<vmem_shared>>
      tpu.enqueue_dma source(%arg7 : memref<40x144xf32, #tpu.memory_space<vmem>>) target(%dma_start3A_105 : memref<40x144xf32, #tpu.memory_space<vmem_shared>>) target_semaphore(%run_scoped3A : memref<!tpu.dma_semaphore, #tpu.memory_space<semaphore_mem>>)
      %dma_wait3A_106 = arith.constant 0 : i32
      %dma_wait3A_107 = tpu.memref_slice %arg13[%add3A_62, %dma_wait3A_106] : memref<10240x144xf32, #tpu.memory_space<vmem_shared>> -> memref<40x144xf32, #tpu.memory_space<vmem_shared>>
      %dma_wait3A_108 = arith.constant 0 : i32
      %dma_wait3A_109 = tpu.memref_slice %arg13[%add3A_62, %dma_wait3A_108] : memref<10240x144xf32, #tpu.memory_space<vmem_shared>> -> memref<40x144xf32, #tpu.memory_space<vmem_shared>>
      tpu.wait_dma2 semaphore(%run_scoped3A : memref<!tpu.dma_semaphore, #tpu.memory_space<semaphore_mem>>) src(%arg7 : memref<40x144xf32, #tpu.memory_space<vmem>>) dst(%dma_wait3A_109 : memref<40x144xf32, #tpu.memory_space<vmem_shared>>)
      tpu.yield
    }) : () -> ()
    %mul3A_63 = arith.constant 640 : i32
    %mul3A_64 = arith.muli %arg1, %mul3A_63 : i32
    %add3A_65 = arith.constant 560 : i32
    %add3A_66 = arith.addi %mul3A_64, %add3A_65 : i32
    "tpu.region"() ({
      %run_scoped3A = tpu.sem_alloc : memref<!tpu.dma_semaphore, #tpu.memory_space<semaphore_mem>>
      %dma_start3A_102 = arith.constant 0 : i32
      %dma_start3A_103 = tpu.memref_slice %arg13[%add3A_66, %dma_start3A_102] : memref<10240x144xf32, #tpu.memory_space<vmem_shared>> -> memref<40x144xf32, #tpu.memory_space<vmem_shared>>
      %dma_start3A_104 = arith.constant 0 : i32
      %dma_start3A_105 = tpu.memref_slice %arg13[%add3A_66, %dma_start3A_104] : memref<10240x144xf32, #tpu.memory_space<vmem_shared>> -> memref<40x144xf32, #tpu.memory_space<vmem_shared>>
      tpu.enqueue_dma source(%arg7 : memref<40x144xf32, #tpu.memory_space<vmem>>) target(%dma_start3A_105 : memref<40x144xf32, #tpu.memory_space<vmem_shared>>) target_semaphore(%run_scoped3A : memref<!tpu.dma_semaphore, #tpu.memory_space<semaphore_mem>>)
      %dma_wait3A_106 = arith.constant 0 : i32
      %dma_wait3A_107 = tpu.memref_slice %arg13[%add3A_66, %dma_wait3A_106] : memref<10240x144xf32, #tpu.memory_space<vmem_shared>> -> memref<40x144xf32, #tpu.memory_space<vmem_shared>>
      %dma_wait3A_108 = arith.constant 0 : i32
      %dma_wait3A_109 = tpu.memref_slice %arg13[%add3A_66, %dma_wait3A_108] : memref<10240x144xf32, #tpu.memory_space<vmem_shared>> -> memref<40x144xf32, #tpu.memory_space<vmem_shared>>
      tpu.wait_dma2 semaphore(%run_scoped3A : memref<!tpu.dma_semaphore, #tpu.memory_space<semaphore_mem>>) src(%arg7 : memref<40x144xf32, #tpu.memory_space<vmem>>) dst(%dma_wait3A_109 : memref<40x144xf32, #tpu.memory_space<vmem_shared>>)
      tpu.yield
    }) : () -> ()
    %mul3A_67 = arith.constant 640 : i32
    %mul3A_68 = arith.muli %arg1, %mul3A_67 : i32
    %add3A_69 = arith.constant 600 : i32
    %add3A_70 = arith.addi %mul3A_68, %add3A_69 : i32
    "tpu.region"() ({
      %run_scoped3A = tpu.sem_alloc : memref<!tpu.dma_semaphore, #tpu.memory_space<semaphore_mem>>
      %dma_start3A_102 = arith.constant 0 : i32
      %dma_start3A_103 = tpu.memref_slice %arg13[%add3A_70, %dma_start3A_102] : memref<10240x144xf32, #tpu.memory_space<vmem_shared>> -> memref<40x144xf32, #tpu.memory_space<vmem_shared>>
      %dma_start3A_104 = arith.constant 0 : i32
      %dma_start3A_105 = tpu.memref_slice %arg13[%add3A_70, %dma_start3A_104] : memref<10240x144xf32, #tpu.memory_space<vmem_shared>> -> memref<40x144xf32, #tpu.memory_space<vmem_shared>>
      tpu.enqueue_dma source(%arg7 : memref<40x144xf32, #tpu.memory_space<vmem>>) target(%dma_start3A_105 : memref<40x144xf32, #tpu.memory_space<vmem_shared>>) target_semaphore(%run_scoped3A : memref<!tpu.dma_semaphore, #tpu.memory_space<semaphore_mem>>)
      %dma_wait3A_106 = arith.constant 0 : i32
      %dma_wait3A_107 = tpu.memref_slice %arg13[%add3A_70, %dma_wait3A_106] : memref<10240x144xf32, #tpu.memory_space<vmem_shared>> -> memref<40x144xf32, #tpu.memory_space<vmem_shared>>
      %dma_wait3A_108 = arith.constant 0 : i32
      %dma_wait3A_109 = tpu.memref_slice %arg13[%add3A_70, %dma_wait3A_108] : memref<10240x144xf32, #tpu.memory_space<vmem_shared>> -> memref<40x144xf32, #tpu.memory_space<vmem_shared>>
      tpu.wait_dma2 semaphore(%run_scoped3A : memref<!tpu.dma_semaphore, #tpu.memory_space<semaphore_mem>>) src(%arg7 : memref<40x144xf32, #tpu.memory_space<vmem>>) dst(%dma_wait3A_109 : memref<40x144xf32, #tpu.memory_space<vmem_shared>>)
      tpu.yield
    }) : () -> ()
    "tpu.region"() ({
      %run_scoped3A = tpu.sem_alloc : memref<!tpu.dma_semaphore, #tpu.memory_space<semaphore_mem>>
      %dma_start3A_102 = arith.constant 0 : i32
      %dma_start3A_103 = arith.constant 0 : i32
      %dma_start3A_104 = tpu.memref_slice %arg2[%add3A, %dma_start3A_102, %dma_start3A_103] : memref<32x250x40xi32, #tpu.memory_space<hbm>> -> memref<1x250x40xi32, #tpu.memory_space<hbm>>
      %dma_start3A_105 = tpu.memref_squeeze %dma_start3A_104 : memref<1x250x40xi32, #tpu.memory_space<hbm>> -> memref<250x40xi32, #tpu.memory_space<hbm>>
      %dma_start3A_106 = arith.constant 0 : i32
      %dma_start3A_107 = arith.constant 0 : i32
      %dma_start3A_108 = tpu.memref_slice %arg2[%add3A, %dma_start3A_106, %dma_start3A_107] : memref<32x250x40xi32, #tpu.memory_space<hbm>> -> memref<1x250x40xi32, #tpu.memory_space<hbm>>
      %dma_start3A_109 = tpu.memref_squeeze %dma_start3A_108 : memref<1x250x40xi32, #tpu.memory_space<hbm>> -> memref<250x40xi32, #tpu.memory_space<hbm>>
      tpu.enqueue_dma source(%dma_start3A_109 : memref<250x40xi32, #tpu.memory_space<hbm>>) target(%arg11 : memref<250x40xi32, #tpu.memory_space<vmem>>) target_semaphore(%run_scoped3A : memref<!tpu.dma_semaphore, #tpu.memory_space<semaphore_mem>>)
      %dma_wait3A_110 = arith.constant 0 : i32
      %dma_wait3A_111 = arith.constant 0 : i32
      %dma_wait3A_112 = tpu.memref_slice %arg2[%add3A, %dma_wait3A_110, %dma_wait3A_111] : memref<32x250x40xi32, #tpu.memory_space<hbm>> -> memref<1x250x40xi32, #tpu.memory_space<hbm>>
      %dma_wait3A_113 = tpu.memref_squeeze %dma_wait3A_112 : memref<1x250x40xi32, #tpu.memory_space<hbm>> -> memref<250x40xi32, #tpu.memory_space<hbm>>
      %dma_wait3A_114 = arith.constant 0 : i32
      %dma_wait3A_115 = arith.constant 0 : i32
      %dma_wait3A_116 = tpu.memref_slice %arg2[%add3A, %dma_wait3A_114, %dma_wait3A_115] : memref<32x250x40xi32, #tpu.memory_space<hbm>> -> memref<1x250x40xi32, #tpu.memory_space<hbm>>
      %dma_wait3A_117 = tpu.memref_squeeze %dma_wait3A_116 : memref<1x250x40xi32, #tpu.memory_space<hbm>> -> memref<250x40xi32, #tpu.memory_space<hbm>>
      tpu.wait_dma2 semaphore(%run_scoped3A : memref<!tpu.dma_semaphore, #tpu.memory_space<semaphore_mem>>) src(%dma_wait3A_117 : memref<250x40xi32, #tpu.memory_space<hbm>>) dst(%arg11 : memref<250x40xi32, #tpu.memory_space<vmem>>)
      tpu.yield
    }) : () -> ()
    "tpu.region"() ({
      %run_scoped3A = tpu.sem_alloc : memref<!tpu.dma_semaphore, #tpu.memory_space<semaphore_mem>>
      %dma_start3A_102 = arith.constant 0 : i32
      %dma_start3A_103 = arith.constant 0 : i32
      %dma_start3A_104 = tpu.memref_slice %arg3[%add3A, %dma_start3A_102, %dma_start3A_103] : memref<32x250x40xi32, #tpu.memory_space<hbm>> -> memref<1x250x40xi32, #tpu.memory_space<hbm>>
      %dma_start3A_105 = tpu.memref_squeeze %dma_start3A_104 : memref<1x250x40xi32, #tpu.memory_space<hbm>> -> memref<250x40xi32, #tpu.memory_space<hbm>>
      %dma_start3A_106 = arith.constant 0 : i32
      %dma_start3A_107 = arith.constant 0 : i32
      %dma_start3A_108 = tpu.memref_slice %arg3[%add3A, %dma_start3A_106, %dma_start3A_107] : memref<32x250x40xi32, #tpu.memory_space<hbm>> -> memref<1x250x40xi32, #tpu.memory_space<hbm>>
      %dma_start3A_109 = tpu.memref_squeeze %dma_start3A_108 : memref<1x250x40xi32, #tpu.memory_space<hbm>> -> memref<250x40xi32, #tpu.memory_space<hbm>>
      tpu.enqueue_dma source(%dma_start3A_109 : memref<250x40xi32, #tpu.memory_space<hbm>>) target(%arg12 : memref<250x40xi32, #tpu.memory_space<vmem>>) target_semaphore(%run_scoped3A : memref<!tpu.dma_semaphore, #tpu.memory_space<semaphore_mem>>)
      %dma_wait3A_110 = arith.constant 0 : i32
      %dma_wait3A_111 = arith.constant 0 : i32
      %dma_wait3A_112 = tpu.memref_slice %arg3[%add3A, %dma_wait3A_110, %dma_wait3A_111] : memref<32x250x40xi32, #tpu.memory_space<hbm>> -> memref<1x250x40xi32, #tpu.memory_space<hbm>>
      %dma_wait3A_113 = tpu.memref_squeeze %dma_wait3A_112 : memref<1x250x40xi32, #tpu.memory_space<hbm>> -> memref<250x40xi32, #tpu.memory_space<hbm>>
      %dma_wait3A_114 = arith.constant 0 : i32
      %dma_wait3A_115 = arith.constant 0 : i32
      %dma_wait3A_116 = tpu.memref_slice %arg3[%add3A, %dma_wait3A_114, %dma_wait3A_115] : memref<32x250x40xi32, #tpu.memory_space<hbm>> -> memref<1x250x40xi32, #tpu.memory_space<hbm>>
      %dma_wait3A_117 = tpu.memref_squeeze %dma_wait3A_116 : memref<1x250x40xi32, #tpu.memory_space<hbm>> -> memref<250x40xi32, #tpu.memory_space<hbm>>
      tpu.wait_dma2 semaphore(%run_scoped3A : memref<!tpu.dma_semaphore, #tpu.memory_space<semaphore_mem>>) src(%dma_wait3A_117 : memref<250x40xi32, #tpu.memory_space<hbm>>) dst(%arg12 : memref<250x40xi32, #tpu.memory_space<vmem>>)
      tpu.yield
    }) : () -> ()
    %barrier3A = arith.constant 0 : index
    tpu.barrier barrier_id(%barrier3A)
    %iota3A = tpu.iota {dimensions = array<i32: 0>} : vector<16xi32>
    %dma_start3A = arith.constant 0 : i32
    %dma_start3A_71 = arith.constant 0 : i32
    %dma_start3A_72 = tpu.memref_slice %arg11[%dma_start3A, %dma_start3A_71] : memref<250x40xi32, #tpu.memory_space<vmem>> -> memref<1x40xi32, #tpu.memory_space<vmem>>
    %dma_start3A_73 = tpu.memref_squeeze %dma_start3A_72 : memref<1x40xi32, #tpu.memory_space<vmem>> -> memref<40xi32, #tpu.memory_space<vmem>>
    %dma_start3A_74 = arith.constant 0 : i32
    %dma_start3A_75 = arith.constant 0 : i32
    %dma_start3A_76 = tpu.memref_slice %arg4[%dma_start3A_74, %dma_start3A_75] : memref<10000x144xf32, #tpu.memory_space<hbm>> -> memref<10000x144xf32, #tpu.memory_space<hbm>>
    tpu.enqueue_indirect_dma source(%dma_start3A_76 : memref<10000x144xf32, #tpu.memory_space<hbm>>) target(%arg7 : memref<40x144xf32, #tpu.memory_space<vmem>>) offsets(%dma_start3A_73 : memref<40xi32, #tpu.memory_space<vmem>>) semaphore(%arg14 : memref<!tpu.dma_semaphore, #tpu.memory_space<semaphore_mem>>)
    %dma_start3A_77 = arith.constant 0 : i32
    %dma_start3A_78 = arith.constant 0 : i32
    %dma_start3A_79 = tpu.memref_slice %arg12[%dma_start3A_77, %dma_start3A_78] : memref<250x40xi32, #tpu.memory_space<vmem>> -> memref<1x40xi32, #tpu.memory_space<vmem>>
    %dma_start3A_80 = tpu.memref_squeeze %dma_start3A_79 : memref<1x40xi32, #tpu.memory_space<vmem>> -> memref<40xi32, #tpu.memory_space<vmem>>
    %dma_start3A_81 = arith.constant 0 : i32
    %dma_start3A_82 = arith.constant 0 : i32
    %dma_start3A_83 = tpu.memref_slice %arg5[%dma_start3A_81, %dma_start3A_82] : memref<10000x16xf32, #tpu.memory_space<hbm>> -> memref<10000x16xf32, #tpu.memory_space<hbm>>
    tpu.enqueue_indirect_dma source(%dma_start3A_83 : memref<10000x16xf32, #tpu.memory_space<hbm>>) target(%arg9 : memref<40x16xf32, #tpu.memory_space<vmem>>) offsets(%dma_start3A_80 : memref<40xi32, #tpu.memory_space<vmem>>) semaphore(%arg15 : memref<!tpu.dma_semaphore, #tpu.memory_space<semaphore_mem>>)
    %scan3A_84 = arith.constant 0 : i32
    %scan3A_85 = arith.constant 0 : i32
    %scan3A_86 = arith.constant 125 : i32
    %scan3A_87 = arith.addi %scan3A_85, %scan3A_86 : i32
    %scan3A_88 = arith.constant 1 : i32
    %scan3A_89 = scf.for %scan3A_102 = %scan3A_85 to %scan3A_87 step %scan3A_88 iter_args(%scan3A_103 = %scan3A_84) -> (i32)  : i32 {
      %mul3A_104 = arith.constant 2 : i32
      %mul3A_105 = arith.muli %scan3A_102, %mul3A_104 : i32
      %add3A_106 = arith.constant 0 : i32
      %add3A_107 = arith.addi %mul3A_105, %add3A_106 : i32
      %ge3A = arith.constant 1 : i32
      %ge3A_108 = arith.cmpi sge, %add3A_107, %ge3A : i32
      %convert_element_type3A = arith.extui %ge3A_108 : i1 to i32
      %cond3A = arith.constant 0 : i32
      %cond3A_109 = arith.cmpi ne, %convert_element_type3A, %cond3A : i32
      scf.if %cond3A_109 {
        %dma_wait3A_187 = arith.constant 0 : i32
        %dma_wait3A_188 = arith.constant 0 : i32
        %dma_wait3A_189 = tpu.memref_slice %arg12[%dma_wait3A_187, %dma_wait3A_188] : memref<250x40xi32, #tpu.memory_space<vmem>> -> memref<1x40xi32, #tpu.memory_space<vmem>>
        %dma_wait3A_190 = tpu.memref_squeeze %dma_wait3A_189 : memref<1x40xi32, #tpu.memory_space<vmem>> -> memref<40xi32, #tpu.memory_space<vmem>>
        %dma_wait3A_191 = arith.constant 0 : i32
        %dma_wait3A_192 = arith.constant 0 : i32
        %dma_wait3A_193 = tpu.memref_slice %arg13[%dma_wait3A_191, %dma_wait3A_192] : memref<10240x144xf32, #tpu.memory_space<vmem_shared>> -> memref<10240x144xf32, #tpu.memory_space<vmem_shared>>
        tpu.wait_indirect_dma semaphore(%arg16 : memref<!tpu.dma_semaphore, #tpu.memory_space<semaphore_mem>>) src(%arg8 : memref<40x144xf32, #tpu.memory_space<vmem>>) dst(%dma_wait3A_193 : memref<10240x144xf32, #tpu.memory_space<vmem_shared>>)
      } else {
      }
      %add3A_110 = arith.constant 1 : i32
      %add3A_111 = arith.addi %add3A_107, %add3A_110 : i32
      %lt3A = arith.constant 250 : i32
      %lt3A_112 = arith.cmpi slt, %add3A_111, %lt3A : i32
      %convert_element_type3A_113 = arith.extui %lt3A_112 : i1 to i32
      %cond3A_114 = arith.constant 0 : i32
      %cond3A_115 = arith.cmpi ne, %convert_element_type3A_113, %cond3A_114 : i32
      scf.if %cond3A_115 {
        %add3A_187 = arith.constant 1 : i32
        %add3A_188 = arith.addi %add3A_107, %add3A_187 : i32
        %dma_start3A_189 = arith.constant 0 : i32
        %dma_start3A_190 = tpu.memref_slice %arg11[%add3A_188, %dma_start3A_189] : memref<250x40xi32, #tpu.memory_space<vmem>> -> memref<1x40xi32, #tpu.memory_space<vmem>>
        %dma_start3A_191 = tpu.memref_squeeze %dma_start3A_190 : memref<1x40xi32, #tpu.memory_space<vmem>> -> memref<40xi32, #tpu.memory_space<vmem>>
        %dma_start3A_192 = arith.constant 0 : i32
        %dma_start3A_193 = arith.constant 0 : i32
        %dma_start3A_194 = tpu.memref_slice %arg4[%dma_start3A_192, %dma_start3A_193] : memref<10000x144xf32, #tpu.memory_space<hbm>> -> memref<10000x144xf32, #tpu.memory_space<hbm>>
        tpu.enqueue_indirect_dma source(%dma_start3A_194 : memref<10000x144xf32, #tpu.memory_space<hbm>>) target(%arg8 : memref<40x144xf32, #tpu.memory_space<vmem>>) offsets(%dma_start3A_191 : memref<40xi32, #tpu.memory_space<vmem>>) semaphore(%arg14 : memref<!tpu.dma_semaphore, #tpu.memory_space<semaphore_mem>>)
        %dma_start3A_195 = arith.constant 0 : i32
        %dma_start3A_196 = tpu.memref_slice %arg12[%add3A_188, %dma_start3A_195] : memref<250x40xi32, #tpu.memory_space<vmem>> -> memref<1x40xi32, #tpu.memory_space<vmem>>
        %dma_start3A_197 = tpu.memref_squeeze %dma_start3A_196 : memref<1x40xi32, #tpu.memory_space<vmem>> -> memref<40xi32, #tpu.memory_space<vmem>>
        %dma_start3A_198 = arith.constant 0 : i32
        %dma_start3A_199 = arith.constant 0 : i32
        %dma_start3A_200 = tpu.memref_slice %arg5[%dma_start3A_198, %dma_start3A_199] : memref<10000x16xf32, #tpu.memory_space<hbm>> -> memref<10000x16xf32, #tpu.memory_space<hbm>>
        tpu.enqueue_indirect_dma source(%dma_start3A_200 : memref<10000x16xf32, #tpu.memory_space<hbm>>) target(%arg10 : memref<40x16xf32, #tpu.memory_space<vmem>>) offsets(%dma_start3A_197 : memref<40xi32, #tpu.memory_space<vmem>>) semaphore(%arg15 : memref<!tpu.dma_semaphore, #tpu.memory_space<semaphore_mem>>)
      } else {
      }
      %dma_wait3A_116 = arith.constant 0 : i32
      %dma_wait3A_117 = arith.constant 0 : i32
      %dma_wait3A_118 = tpu.memref_slice %arg11[%dma_wait3A_116, %dma_wait3A_117] : memref<250x40xi32, #tpu.memory_space<vmem>> -> memref<1x40xi32, #tpu.memory_space<vmem>>
      %dma_wait3A_119 = tpu.memref_squeeze %dma_wait3A_118 : memref<1x40xi32, #tpu.memory_space<vmem>> -> memref<40xi32, #tpu.memory_space<vmem>>
      %dma_wait3A_120 = arith.constant 0 : i32
      %dma_wait3A_121 = arith.constant 0 : i32
      %dma_wait3A_122 = tpu.memref_slice %arg4[%dma_wait3A_120, %dma_wait3A_121] : memref<10000x144xf32, #tpu.memory_space<hbm>> -> memref<10000x144xf32, #tpu.memory_space<hbm>>
      tpu.wait_indirect_dma semaphore(%arg14 : memref<!tpu.dma_semaphore, #tpu.memory_space<semaphore_mem>>) src(%dma_wait3A_122 : memref<10000x144xf32, #tpu.memory_space<hbm>>) dst(%arg7 : memref<40x144xf32, #tpu.memory_space<vmem>>)
      %dma_wait3A_123 = arith.constant 0 : i32
      %dma_wait3A_124 = arith.constant 0 : i32
      %dma_wait3A_125 = tpu.memref_slice %arg12[%dma_wait3A_123, %dma_wait3A_124] : memref<250x40xi32, #tpu.memory_space<vmem>> -> memref<1x40xi32, #tpu.memory_space<vmem>>
      %dma_wait3A_126 = tpu.memref_squeeze %dma_wait3A_125 : memref<1x40xi32, #tpu.memory_space<vmem>> -> memref<40xi32, #tpu.memory_space<vmem>>
      %dma_wait3A_127 = arith.constant 0 : i32
      %dma_wait3A_128 = arith.constant 0 : i32
      %dma_wait3A_129 = tpu.memref_slice %arg5[%dma_wait3A_127, %dma_wait3A_128] : memref<10000x16xf32, #tpu.memory_space<hbm>> -> memref<10000x16xf32, #tpu.memory_space<hbm>>
      tpu.wait_indirect_dma semaphore(%arg15 : memref<!tpu.dma_semaphore, #tpu.memory_space<semaphore_mem>>) src(%dma_wait3A_129 : memref<10000x16xf32, #tpu.memory_space<hbm>>) dst(%arg9 : memref<40x16xf32, #tpu.memory_space<vmem>>)
      %scan3A_130 = arith.constant 0 : i32
      %scan3A_131 = arith.constant 0 : i32
      %scan3A_132 = arith.constant 10 : i32
      %scan3A_133 = arith.addi %scan3A_131, %scan3A_132 : i32
      %scan3A_134 = arith.constant 1 : i32
      %scan3A_135 = scf.for %scan3A_187 = %scan3A_131 to %scan3A_133 step %scan3A_134 iter_args(%scan3A_188 = %scan3A_130) -> (i32)  : i32 {
        %mul3A_189 = arith.constant 4 : i32
        %mul3A_190 = arith.muli %scan3A_187, %mul3A_189 : i32
        %add3A_191 = arith.constant 0 : i32
        %add3A_192 = arith.addi %mul3A_190, %add3A_191 : i32
        %get3A = arith.index_cast %add3A_192 : i32 to index
        %get3A_193 = arith.constant 128 : index
        %get3A_194 = tpu.vector_load %arg7[%get3A, %get3A_193] {strides = array<i32>} : memref<40x144xf32, #tpu.memory_space<vmem>>, vector<16xf32>,
        %get3A_195 = arith.index_cast %add3A_192 : i32 to index
        %get3A_196 = arith.constant 0 : index
        %get3A_197 = tpu.vector_load %arg9[%get3A_195, %get3A_196] {strides = array<i32>} : memref<40x16xf32, #tpu.memory_space<vmem>>, vector<16xf32>,
        %lt3A_198 = arith.constant 8 : i32
        %lt3A_199 = vector.broadcast %lt3A_198 : i32 to vector<16xi32>
        %lt3A_200 = arith.cmpi slt, %iota3A, %lt3A_199 : vector<16xi32>
        %add3A_201 = arith.addf %get3A_194, %get3A_197 : vector<16xf32>
        %ge3A_202 = arith.constant 0.000000e+00 : f32
        %ge3A_203 = vector.broadcast %ge3A_202 : f32 to vector<16xf32>
        %ge3A_204 = arith.cmpf oge, %add3A_201, %ge3A_203 : vector<16xf32>
        %mul3A_205 = arith.constant 2.000000e-01 : f32
        %mul3A_206 = vector.broadcast %mul3A_205 : f32 to vector<16xf32>
        %mul3A_207 = arith.mulf %add3A_201, %mul3A_206 : vector<16xf32>
        %select_n3A = arith.select %ge3A_204, %add3A_201, %mul3A_207 : vector<16xi1>, vector<16xf32>
        %exp3A = math.exp %select_n3A : vector<16xf32>
        %jit3A = arith.constant 0.000000e+00 : f32
        %broadcast_in_dim3A = vector.broadcast %jit3A : f32 to vector<16xf32>
        %select_n3A_208 = arith.select %lt3A_200, %exp3A, %broadcast_in_dim3A : vector<16xi1>, vector<16xf32>
        %swap3A = arith.index_cast %add3A_192 : i32 to index
        %swap3A_209 = arith.constant 128 : index
        %swap3A_210 = tpu.vector_load %arg7[%swap3A, %swap3A_209] {strides = array<i32>} : memref<40x144xf32, #tpu.memory_space<vmem>>, vector<16xf32>,
        tpu.vector_store %arg7[%swap3A, %swap3A_209], %select_n3A_208 {strides = array<i32>} : memref<40x144xf32, #tpu.memory_space<vmem>>, vector<16xf32>,
        %broadcast_in_dim3A_211 = arith.constant 0 : i32
        %broadcast_in_dim3A_212 = vector.broadcast %broadcast_in_dim3A_211 : i32 to vector<16x1xi32>
        %gather3A = vector.shape_cast %broadcast_in_dim3A_212 : vector<16x1xi32> to vector<16xi32>
        %gather3A_213 = tpu.dynamic_gather %select_n3A_208[%gather3A] in [0] : vector<16xf32>, vector<16xi32> -> vector<16xf32>
        %get3A_214 = arith.index_cast %add3A_192 : i32 to index
        %get3A_215 = arith.constant 0 : index
        %get3A_216 = tpu.vector_load %arg7[%get3A_214, %get3A_215] {strides = array<i32>} : memref<40x144xf32, #tpu.memory_space<vmem>>, vector<16xf32>,
        %mul3A_217 = arith.mulf %get3A_216, %gather3A_213 : vector<16xf32>
        %swap3A_218 = arith.index_cast %add3A_192 : i32 to index
        %swap3A_219 = arith.constant 0 : index
        %swap3A_220 = tpu.vector_load %arg7[%swap3A_218, %swap3A_219] {strides = array<i32>} : memref<40x144xf32, #tpu.memory_space<vmem>>, vector<16xf32>,
        tpu.vector_store %arg7[%swap3A_218, %swap3A_219], %mul3A_217 {strides = array<i32>} : memref<40x144xf32, #tpu.memory_space<vmem>>, vector<16xf32>,
        %broadcast_in_dim3A_221 = arith.constant 1 : i32
        %broadcast_in_dim3A_222 = vector.broadcast %broadcast_in_dim3A_221 : i32 to vector<16x1xi32>
        %gather3A_223 = vector.shape_cast %broadcast_in_dim3A_222 : vector<16x1xi32> to vector<16xi32>
        %gather3A_224 = tpu.dynamic_gather %select_n3A_208[%gather3A_223] in [0] : vector<16xf32>, vector<16xi32> -> vector<16xf32>
        %get3A_225 = arith.index_cast %add3A_192 : i32 to index
        %get3A_226 = arith.constant 16 : index
        %get3A_227 = tpu.vector_load %arg7[%get3A_225, %get3A_226] {strides = array<i32>} : memref<40x144xf32, #tpu.memory_space<vmem>>, vector<16xf32>,
        %mul3A_228 = arith.mulf %get3A_227, %gather3A_224 : vector<16xf32>
        %swap3A_229 = arith.index_cast %add3A_192 : i32 to index
        %swap3A_230 = arith.constant 16 : index
        %swap3A_231 = tpu.vector_load %arg7[%swap3A_229, %swap3A_230] {strides = array<i32>} : memref<40x144xf32, #tpu.memory_space<vmem>>, vector<16xf32>,
        tpu.vector_store %arg7[%swap3A_229, %swap3A_230], %mul3A_228 {strides = array<i32>} : memref<40x144xf32, #tpu.memory_space<vmem>>, vector<16xf32>,
        %broadcast_in_dim3A_232 = arith.constant 2 : i32
        %broadcast_in_dim3A_233 = vector.broadcast %broadcast_in_dim3A_232 : i32 to vector<16x1xi32>
        %gather3A_234 = vector.shape_cast %broadcast_in_dim3A_233 : vector<16x1xi32> to vector<16xi32>
        %gather3A_235 = tpu.dynamic_gather %select_n3A_208[%gather3A_234] in [0] : vector<16xf32>, vector<16xi32> -> vector<16xf32>
        %get3A_236 = arith.index_cast %add3A_192 : i32 to index
        %get3A_237 = arith.constant 32 : index
        %get3A_238 = tpu.vector_load %arg7[%get3A_236, %get3A_237] {strides = array<i32>} : memref<40x144xf32, #tpu.memory_space<vmem>>, vector<16xf32>,
        %mul3A_239 = arith.mulf %get3A_238, %gather3A_235 : vector<16xf32>
        %swap3A_240 = arith.index_cast %add3A_192 : i32 to index
        %swap3A_241 = arith.constant 32 : index
        %swap3A_242 = tpu.vector_load %arg7[%swap3A_240, %swap3A_241] {strides = array<i32>} : memref<40x144xf32, #tpu.memory_space<vmem>>, vector<16xf32>,
        tpu.vector_store %arg7[%swap3A_240, %swap3A_241], %mul3A_239 {strides = array<i32>} : memref<40x144xf32, #tpu.memory_space<vmem>>, vector<16xf32>,
        %broadcast_in_dim3A_243 = arith.constant 3 : i32
        %broadcast_in_dim3A_244 = vector.broadcast %broadcast_in_dim3A_243 : i32 to vector<16x1xi32>
        %gather3A_245 = vector.shape_cast %broadcast_in_dim3A_244 : vector<16x1xi32> to vector<16xi32>
        %gather3A_246 = tpu.dynamic_gather %select_n3A_208[%gather3A_245] in [0] : vector<16xf32>, vector<16xi32> -> vector<16xf32>
        %get3A_247 = arith.index_cast %add3A_192 : i32 to index
        %get3A_248 = arith.constant 48 : index
        %get3A_249 = tpu.vector_load %arg7[%get3A_247, %get3A_248] {strides = array<i32>} : memref<40x144xf32, #tpu.memory_space<vmem>>, vector<16xf32>,
        %mul3A_250 = arith.mulf %get3A_249, %gather3A_246 : vector<16xf32>
        %swap3A_251 = arith.index_cast %add3A_192 : i32 to index
        %swap3A_252 = arith.constant 48 : index
        %swap3A_253 = tpu.vector_load %arg7[%swap3A_251, %swap3A_252] {strides = array<i32>} : memref<40x144xf32, #tpu.memory_space<vmem>>, vector<16xf32>,
        tpu.vector_store %arg7[%swap3A_251, %swap3A_252], %mul3A_250 {strides = array<i32>} : memref<40x144xf32, #tpu.memory_space<vmem>>, vector<16xf32>,
        %broadcast_in_dim3A_254 = arith.constant 4 : i32
        %broadcast_in_dim3A_255 = vector.broadcast %broadcast_in_dim3A_254 : i32 to vector<16x1xi32>
        %gather3A_256 = vector.shape_cast %broadcast_in_dim3A_255 : vector<16x1xi32> to vector<16xi32>
        %gather3A_257 = tpu.dynamic_gather %select_n3A_208[%gather3A_256] in [0] : vector<16xf32>, vector<16xi32> -> vector<16xf32>
        %get3A_258 = arith.index_cast %add3A_192 : i32 to index
        %get3A_259 = arith.constant 64 : index
        %get3A_260 = tpu.vector_load %arg7[%get3A_258, %get3A_259] {strides = array<i32>} : memref<40x144xf32, #tpu.memory_space<vmem>>, vector<16xf32>,
        %mul3A_261 = arith.mulf %get3A_260, %gather3A_257 : vector<16xf32>
        %swap3A_262 = arith.index_cast %add3A_192 : i32 to index
        %swap3A_263 = arith.constant 64 : index
        %swap3A_264 = tpu.vector_load %arg7[%swap3A_262, %swap3A_263] {strides = array<i32>} : memref<40x144xf32, #tpu.memory_space<vmem>>, vector<16xf32>,
        tpu.vector_store %arg7[%swap3A_262, %swap3A_263], %mul3A_261 {strides = array<i32>} : memref<40x144xf32, #tpu.memory_space<vmem>>, vector<16xf32>,
        %broadcast_in_dim3A_265 = arith.constant 5 : i32
        %broadcast_in_dim3A_266 = vector.broadcast %broadcast_in_dim3A_265 : i32 to vector<16x1xi32>
        %gather3A_267 = vector.shape_cast %broadcast_in_dim3A_266 : vector<16x1xi32> to vector<16xi32>
        %gather3A_268 = tpu.dynamic_gather %select_n3A_208[%gather3A_267] in [0] : vector<16xf32>, vector<16xi32> -> vector<16xf32>
        %get3A_269 = arith.index_cast %add3A_192 : i32 to index
        %get3A_270 = arith.constant 80 : index
        %get3A_271 = tpu.vector_load %arg7[%get3A_269, %get3A_270] {strides = array<i32>} : memref<40x144xf32, #tpu.memory_space<vmem>>, vector<16xf32>,
        %mul3A_272 = arith.mulf %get3A_271, %gather3A_268 : vector<16xf32>
        %swap3A_273 = arith.index_cast %add3A_192 : i32 to index
        %swap3A_274 = arith.constant 80 : index
        %swap3A_275 = tpu.vector_load %arg7[%swap3A_273, %swap3A_274] {strides = array<i32>} : memref<40x144xf32, #tpu.memory_space<vmem>>, vector<16xf32>,
        tpu.vector_store %arg7[%swap3A_273, %swap3A_274], %mul3A_272 {strides = array<i32>} : memref<40x144xf32, #tpu.memory_space<vmem>>, vector<16xf32>,
        %broadcast_in_dim3A_276 = arith.constant 6 : i32
        %broadcast_in_dim3A_277 = vector.broadcast %broadcast_in_dim3A_276 : i32 to vector<16x1xi32>
        %gather3A_278 = vector.shape_cast %broadcast_in_dim3A_277 : vector<16x1xi32> to vector<16xi32>
        %gather3A_279 = tpu.dynamic_gather %select_n3A_208[%gather3A_278] in [0] : vector<16xf32>, vector<16xi32> -> vector<16xf32>
        %get3A_280 = arith.index_cast %add3A_192 : i32 to index
        %get3A_281 = arith.constant 96 : index
        %get3A_282 = tpu.vector_load %arg7[%get3A_280, %get3A_281] {strides = array<i32>} : memref<40x144xf32, #tpu.memory_space<vmem>>, vector<16xf32>,
        %mul3A_283 = arith.mulf %get3A_282, %gather3A_279 : vector<16xf32>
        %swap3A_284 = arith.index_cast %add3A_192 : i32 to index
        %swap3A_285 = arith.constant 96 : index
        %swap3A_286 = tpu.vector_load %arg7[%swap3A_284, %swap3A_285] {strides = array<i32>} : memref<40x144xf32, #tpu.memory_space<vmem>>, vector<16xf32>,
        tpu.vector_store %arg7[%swap3A_284, %swap3A_285], %mul3A_283 {strides = array<i32>} : memref<40x144xf32, #tpu.memory_space<vmem>>, vector<16xf32>,
        %broadcast_in_dim3A_287 = arith.constant 7 : i32
        %broadcast_in_dim3A_288 = vector.broadcast %broadcast_in_dim3A_287 : i32 to vector<16x1xi32>
        %gather3A_289 = vector.shape_cast %broadcast_in_dim3A_288 : vector<16x1xi32> to vector<16xi32>
        %gather3A_290 = tpu.dynamic_gather %select_n3A_208[%gather3A_289] in [0] : vector<16xf32>, vector<16xi32> -> vector<16xf32>
        %get3A_291 = arith.index_cast %add3A_192 : i32 to index
        %get3A_292 = arith.constant 112 : index
        %get3A_293 = tpu.vector_load %arg7[%get3A_291, %get3A_292] {strides = array<i32>} : memref<40x144xf32, #tpu.memory_space<vmem>>, vector<16xf32>,
        %mul3A_294 = arith.mulf %get3A_293, %gather3A_290 : vector<16xf32>
        %swap3A_295 = arith.index_cast %add3A_192 : i32 to index
        %swap3A_296 = arith.constant 112 : index
        %swap3A_297 = tpu.vector_load %arg7[%swap3A_295, %swap3A_296] {strides = array<i32>} : memref<40x144xf32, #tpu.memory_space<vmem>>, vector<16xf32>,
        tpu.vector_store %arg7[%swap3A_295, %swap3A_296], %mul3A_294 {strides = array<i32>} : memref<40x144xf32, #tpu.memory_space<vmem>>, vector<16xf32>,
        %mul3A_298 = arith.constant 4 : i32
        %mul3A_299 = arith.muli %scan3A_187, %mul3A_298 : i32
        %add3A_300 = arith.constant 1 : i32
        %add3A_301 = arith.addi %mul3A_299, %add3A_300 : i32
        %get3A_302 = arith.index_cast %add3A_301 : i32 to index
        %get3A_303 = arith.constant 128 : index
        %get3A_304 = tpu.vector_load %arg7[%get3A_302, %get3A_303] {strides = array<i32>} : memref<40x144xf32, #tpu.memory_space<vmem>>, vector<16xf32>,
        %get3A_305 = arith.index_cast %add3A_301 : i32 to index
        %get3A_306 = arith.constant 0 : index
        %get3A_307 = tpu.vector_load %arg9[%get3A_305, %get3A_306] {strides = array<i32>} : memref<40x16xf32, #tpu.memory_space<vmem>>, vector<16xf32>,
        %lt3A_308 = arith.constant 8 : i32
        %lt3A_309 = vector.broadcast %lt3A_308 : i32 to vector<16xi32>
        %lt3A_310 = arith.cmpi slt, %iota3A, %lt3A_309 : vector<16xi32>
        %add3A_311 = arith.addf %get3A_304, %get3A_307 : vector<16xf32>
        %ge3A_312 = arith.constant 0.000000e+00 : f32
        %ge3A_313 = vector.broadcast %ge3A_312 : f32 to vector<16xf32>
        %ge3A_314 = arith.cmpf oge, %add3A_311, %ge3A_313 : vector<16xf32>
        %mul3A_315 = arith.constant 2.000000e-01 : f32
        %mul3A_316 = vector.broadcast %mul3A_315 : f32 to vector<16xf32>
        %mul3A_317 = arith.mulf %add3A_311, %mul3A_316 : vector<16xf32>
        %select_n3A_318 = arith.select %ge3A_314, %add3A_311, %mul3A_317 : vector<16xi1>, vector<16xf32>
        %exp3A_319 = math.exp %select_n3A_318 : vector<16xf32>
        %jit3A_320 = arith.constant 0.000000e+00 : f32
        %broadcast_in_dim3A_321 = vector.broadcast %jit3A_320 : f32 to vector<16xf32>
        %select_n3A_322 = arith.select %lt3A_310, %exp3A_319, %broadcast_in_dim3A_321 : vector<16xi1>, vector<16xf32>
        %swap3A_323 = arith.index_cast %add3A_301 : i32 to index
        %swap3A_324 = arith.constant 128 : index
        %swap3A_325 = tpu.vector_load %arg7[%swap3A_323, %swap3A_324] {strides = array<i32>} : memref<40x144xf32, #tpu.memory_space<vmem>>, vector<16xf32>,
        tpu.vector_store %arg7[%swap3A_323, %swap3A_324], %select_n3A_322 {strides = array<i32>} : memref<40x144xf32, #tpu.memory_space<vmem>>, vector<16xf32>,
        %broadcast_in_dim3A_326 = arith.constant 0 : i32
        %broadcast_in_dim3A_327 = vector.broadcast %broadcast_in_dim3A_326 : i32 to vector<16x1xi32>
        %gather3A_328 = vector.shape_cast %broadcast_in_dim3A_327 : vector<16x1xi32> to vector<16xi32>
        %gather3A_329 = tpu.dynamic_gather %select_n3A_322[%gather3A_328] in [0] : vector<16xf32>, vector<16xi32> -> vector<16xf32>
        %get3A_330 = arith.index_cast %add3A_301 : i32 to index
        %get3A_331 = arith.constant 0 : index
        %get3A_332 = tpu.vector_load %arg7[%get3A_330, %get3A_331] {strides = array<i32>} : memref<40x144xf32, #tpu.memory_space<vmem>>, vector<16xf32>,
        %mul3A_333 = arith.mulf %get3A_332, %gather3A_329 : vector<16xf32>
        %swap3A_334 = arith.index_cast %add3A_301 : i32 to index
        %swap3A_335 = arith.constant 0 : index
        %swap3A_336 = tpu.vector_load %arg7[%swap3A_334, %swap3A_335] {strides = array<i32>} : memref<40x144xf32, #tpu.memory_space<vmem>>, vector<16xf32>,
        tpu.vector_store %arg7[%swap3A_334, %swap3A_335], %mul3A_333 {strides = array<i32>} : memref<40x144xf32, #tpu.memory_space<vmem>>, vector<16xf32>,
        %broadcast_in_dim3A_337 = arith.constant 1 : i32
        %broadcast_in_dim3A_338 = vector.broadcast %broadcast_in_dim3A_337 : i32 to vector<16x1xi32>
        %gather3A_339 = vector.shape_cast %broadcast_in_dim3A_338 : vector<16x1xi32> to vector<16xi32>
        %gather3A_340 = tpu.dynamic_gather %select_n3A_322[%gather3A_339] in [0] : vector<16xf32>, vector<16xi32> -> vector<16xf32>
        %get3A_341 = arith.index_cast %add3A_301 : i32 to index
        %get3A_342 = arith.constant 16 : index
        %get3A_343 = tpu.vector_load %arg7[%get3A_341, %get3A_342] {strides = array<i32>} : memref<40x144xf32, #tpu.memory_space<vmem>>, vector<16xf32>,
        %mul3A_344 = arith.mulf %get3A_343, %gather3A_340 : vector<16xf32>
        %swap3A_345 = arith.index_cast %add3A_301 : i32 to index
        %swap3A_346 = arith.constant 16 : index
        %swap3A_347 = tpu.vector_load %arg7[%swap3A_345, %swap3A_346] {strides = array<i32>} : memref<40x144xf32, #tpu.memory_space<vmem>>, vector<16xf32>,
        tpu.vector_store %arg7[%swap3A_345, %swap3A_346], %mul3A_344 {strides = array<i32>} : memref<40x144xf32, #tpu.memory_space<vmem>>, vector<16xf32>,
        %broadcast_in_dim3A_348 = arith.constant 2 : i32
        %broadcast_in_dim3A_349 = vector.broadcast %broadcast_in_dim3A_348 : i32 to vector<16x1xi32>
        %gather3A_350 = vector.shape_cast %broadcast_in_dim3A_349 : vector<16x1xi32> to vector<16xi32>
        %gather3A_351 = tpu.dynamic_gather %select_n3A_322[%gather3A_350] in [0] : vector<16xf32>, vector<16xi32> -> vector<16xf32>
        %get3A_352 = arith.index_cast %add3A_301 : i32 to index
        %get3A_353 = arith.constant 32 : index
        %get3A_354 = tpu.vector_load %arg7[%get3A_352, %get3A_353] {strides = array<i32>} : memref<40x144xf32, #tpu.memory_space<vmem>>, vector<16xf32>,
        %mul3A_355 = arith.mulf %get3A_354, %gather3A_351 : vector<16xf32>
        %swap3A_356 = arith.index_cast %add3A_301 : i32 to index
        %swap3A_357 = arith.constant 32 : index
        %swap3A_358 = tpu.vector_load %arg7[%swap3A_356, %swap3A_357] {strides = array<i32>} : memref<40x144xf32, #tpu.memory_space<vmem>>, vector<16xf32>,
        tpu.vector_store %arg7[%swap3A_356, %swap3A_357], %mul3A_355 {strides = array<i32>} : memref<40x144xf32, #tpu.memory_space<vmem>>, vector<16xf32>,
        %broadcast_in_dim3A_359 = arith.constant 3 : i32
        %broadcast_in_dim3A_360 = vector.broadcast %broadcast_in_dim3A_359 : i32 to vector<16x1xi32>
        %gather3A_361 = vector.shape_cast %broadcast_in_dim3A_360 : vector<16x1xi32> to vector<16xi32>
        %gather3A_362 = tpu.dynamic_gather %select_n3A_322[%gather3A_361] in [0] : vector<16xf32>, vector<16xi32> -> vector<16xf32>
        %get3A_363 = arith.index_cast %add3A_301 : i32 to index
        %get3A_364 = arith.constant 48 : index
        %get3A_365 = tpu.vector_load %arg7[%get3A_363, %get3A_364] {strides = array<i32>} : memref<40x144xf32, #tpu.memory_space<vmem>>, vector<16xf32>,
        %mul3A_366 = arith.mulf %get3A_365, %gather3A_362 : vector<16xf32>
        %swap3A_367 = arith.index_cast %add3A_301 : i32 to index
        %swap3A_368 = arith.constant 48 : index
        %swap3A_369 = tpu.vector_load %arg7[%swap3A_367, %swap3A_368] {strides = array<i32>} : memref<40x144xf32, #tpu.memory_space<vmem>>, vector<16xf32>,
        tpu.vector_store %arg7[%swap3A_367, %swap3A_368], %mul3A_366 {strides = array<i32>} : memref<40x144xf32, #tpu.memory_space<vmem>>, vector<16xf32>,
        %broadcast_in_dim3A_370 = arith.constant 4 : i32
        %broadcast_in_dim3A_371 = vector.broadcast %broadcast_in_dim3A_370 : i32 to vector<16x1xi32>
        %gather3A_372 = vector.shape_cast %broadcast_in_dim3A_371 : vector<16x1xi32> to vector<16xi32>
        %gather3A_373 = tpu.dynamic_gather %select_n3A_322[%gather3A_372] in [0] : vector<16xf32>, vector<16xi32> -> vector<16xf32>
        %get3A_374 = arith.index_cast %add3A_301 : i32 to index
        %get3A_375 = arith.constant 64 : index
        %get3A_376 = tpu.vector_load %arg7[%get3A_374, %get3A_375] {strides = array<i32>} : memref<40x144xf32, #tpu.memory_space<vmem>>, vector<16xf32>,
        %mul3A_377 = arith.mulf %get3A_376, %gather3A_373 : vector<16xf32>
        %swap3A_378 = arith.index_cast %add3A_301 : i32 to index
        %swap3A_379 = arith.constant 64 : index
        %swap3A_380 = tpu.vector_load %arg7[%swap3A_378, %swap3A_379] {strides = array<i32>} : memref<40x144xf32, #tpu.memory_space<vmem>>, vector<16xf32>,
        tpu.vector_store %arg7[%swap3A_378, %swap3A_379], %mul3A_377 {strides = array<i32>} : memref<40x144xf32, #tpu.memory_space<vmem>>, vector<16xf32>,
        %broadcast_in_dim3A_381 = arith.constant 5 : i32
        %broadcast_in_dim3A_382 = vector.broadcast %broadcast_in_dim3A_381 : i32 to vector<16x1xi32>
        %gather3A_383 = vector.shape_cast %broadcast_in_dim3A_382 : vector<16x1xi32> to vector<16xi32>
        %gather3A_384 = tpu.dynamic_gather %select_n3A_322[%gather3A_383] in [0] : vector<16xf32>, vector<16xi32> -> vector<16xf32>
        %get3A_385 = arith.index_cast %add3A_301 : i32 to index
        %get3A_386 = arith.constant 80 : index
        %get3A_387 = tpu.vector_load %arg7[%get3A_385, %get3A_386] {strides = array<i32>} : memref<40x144xf32, #tpu.memory_space<vmem>>, vector<16xf32>,
        %mul3A_388 = arith.mulf %get3A_387, %gather3A_384 : vector<16xf32>
        %swap3A_389 = arith.index_cast %add3A_301 : i32 to index
        %swap3A_390 = arith.constant 80 : index
        %swap3A_391 = tpu.vector_load %arg7[%swap3A_389, %swap3A_390] {strides = array<i32>} : memref<40x144xf32, #tpu.memory_space<vmem>>, vector<16xf32>,
        tpu.vector_store %arg7[%swap3A_389, %swap3A_390], %mul3A_388 {strides = array<i32>} : memref<40x144xf32, #tpu.memory_space<vmem>>, vector<16xf32>,
        %broadcast_in_dim3A_392 = arith.constant 6 : i32
        %broadcast_in_dim3A_393 = vector.broadcast %broadcast_in_dim3A_392 : i32 to vector<16x1xi32>
        %gather3A_394 = vector.shape_cast %broadcast_in_dim3A_393 : vector<16x1xi32> to vector<16xi32>
        %gather3A_395 = tpu.dynamic_gather %select_n3A_322[%gather3A_394] in [0] : vector<16xf32>, vector<16xi32> -> vector<16xf32>
        %get3A_396 = arith.index_cast %add3A_301 : i32 to index
        %get3A_397 = arith.constant 96 : index
        %get3A_398 = tpu.vector_load %arg7[%get3A_396, %get3A_397] {strides = array<i32>} : memref<40x144xf32, #tpu.memory_space<vmem>>, vector<16xf32>,
        %mul3A_399 = arith.mulf %get3A_398, %gather3A_395 : vector<16xf32>
        %swap3A_400 = arith.index_cast %add3A_301 : i32 to index
        %swap3A_401 = arith.constant 96 : index
        %swap3A_402 = tpu.vector_load %arg7[%swap3A_400, %swap3A_401] {strides = array<i32>} : memref<40x144xf32, #tpu.memory_space<vmem>>, vector<16xf32>,
        tpu.vector_store %arg7[%swap3A_400, %swap3A_401], %mul3A_399 {strides = array<i32>} : memref<40x144xf32, #tpu.memory_space<vmem>>, vector<16xf32>,
        %broadcast_in_dim3A_403 = arith.constant 7 : i32
        %broadcast_in_dim3A_404 = vector.broadcast %broadcast_in_dim3A_403 : i32 to vector<16x1xi32>
        %gather3A_405 = vector.shape_cast %broadcast_in_dim3A_404 : vector<16x1xi32> to vector<16xi32>
        %gather3A_406 = tpu.dynamic_gather %select_n3A_322[%gather3A_405] in [0] : vector<16xf32>, vector<16xi32> -> vector<16xf32>
        %get3A_407 = arith.index_cast %add3A_301 : i32 to index
        %get3A_408 = arith.constant 112 : index
        %get3A_409 = tpu.vector_load %arg7[%get3A_407, %get3A_408] {strides = array<i32>} : memref<40x144xf32, #tpu.memory_space<vmem>>, vector<16xf32>,
        %mul3A_410 = arith.mulf %get3A_409, %gather3A_406 : vector<16xf32>
        %swap3A_411 = arith.index_cast %add3A_301 : i32 to index
        %swap3A_412 = arith.constant 112 : index
        %swap3A_413 = tpu.vector_load %arg7[%swap3A_411, %swap3A_412] {strides = array<i32>} : memref<40x144xf32, #tpu.memory_space<vmem>>, vector<16xf32>,
        tpu.vector_store %arg7[%swap3A_411, %swap3A_412], %mul3A_410 {strides = array<i32>} : memref<40x144xf32, #tpu.memory_space<vmem>>, vector<16xf32>,
        %mul3A_414 = arith.constant 4 : i32
        %mul3A_415 = arith.muli %scan3A_187, %mul3A_414 : i32
        %add3A_416 = arith.constant 2 : i32
        %add3A_417 = arith.addi %mul3A_415, %add3A_416 : i32
        %get3A_418 = arith.index_cast %add3A_417 : i32 to index
        %get3A_419 = arith.constant 128 : index
        %get3A_420 = tpu.vector_load %arg7[%get3A_418, %get3A_419] {strides = array<i32>} : memref<40x144xf32, #tpu.memory_space<vmem>>, vector<16xf32>,
        %get3A_421 = arith.index_cast %add3A_417 : i32 to index
        %get3A_422 = arith.constant 0 : index
        %get3A_423 = tpu.vector_load %arg9[%get3A_421, %get3A_422] {strides = array<i32>} : memref<40x16xf32, #tpu.memory_space<vmem>>, vector<16xf32>,
        %lt3A_424 = arith.constant 8 : i32
        %lt3A_425 = vector.broadcast %lt3A_424 : i32 to vector<16xi32>
        %lt3A_426 = arith.cmpi slt, %iota3A, %lt3A_425 : vector<16xi32>
        %add3A_427 = arith.addf %get3A_420, %get3A_423 : vector<16xf32>
        %ge3A_428 = arith.constant 0.000000e+00 : f32
        %ge3A_429 = vector.broadcast %ge3A_428 : f32 to vector<16xf32>
        %ge3A_430 = arith.cmpf oge, %add3A_427, %ge3A_429 : vector<16xf32>
        %mul3A_431 = arith.constant 2.000000e-01 : f32
        %mul3A_432 = vector.broadcast %mul3A_431 : f32 to vector<16xf32>
        %mul3A_433 = arith.mulf %add3A_427, %mul3A_432 : vector<16xf32>
        %select_n3A_434 = arith.select %ge3A_430, %add3A_427, %mul3A_433 : vector<16xi1>, vector<16xf32>
        %exp3A_435 = math.exp %select_n3A_434 : vector<16xf32>
        %jit3A_436 = arith.constant 0.000000e+00 : f32
        %broadcast_in_dim3A_437 = vector.broadcast %jit3A_436 : f32 to vector<16xf32>
        %select_n3A_438 = arith.select %lt3A_426, %exp3A_435, %broadcast_in_dim3A_437 : vector<16xi1>, vector<16xf32>
        %swap3A_439 = arith.index_cast %add3A_417 : i32 to index
        %swap3A_440 = arith.constant 128 : index
        %swap3A_441 = tpu.vector_load %arg7[%swap3A_439, %swap3A_440] {strides = array<i32>} : memref<40x144xf32, #tpu.memory_space<vmem>>, vector<16xf32>,
        tpu.vector_store %arg7[%swap3A_439, %swap3A_440], %select_n3A_438 {strides = array<i32>} : memref<40x144xf32, #tpu.memory_space<vmem>>, vector<16xf32>,
        %broadcast_in_dim3A_442 = arith.constant 0 : i32
        %broadcast_in_dim3A_443 = vector.broadcast %broadcast_in_dim3A_442 : i32 to vector<16x1xi32>
        %gather3A_444 = vector.shape_cast %broadcast_in_dim3A_443 : vector<16x1xi32> to vector<16xi32>
        %gather3A_445 = tpu.dynamic_gather %select_n3A_438[%gather3A_444] in [0] : vector<16xf32>, vector<16xi32> -> vector<16xf32>
        %get3A_446 = arith.index_cast %add3A_417 : i32 to index
        %get3A_447 = arith.constant 0 : index
        %get3A_448 = tpu.vector_load %arg7[%get3A_446, %get3A_447] {strides = array<i32>} : memref<40x144xf32, #tpu.memory_space<vmem>>, vector<16xf32>,
        %mul3A_449 = arith.mulf %get3A_448, %gather3A_445 : vector<16xf32>
        %swap3A_450 = arith.index_cast %add3A_417 : i32 to index
        %swap3A_451 = arith.constant 0 : index
        %swap3A_452 = tpu.vector_load %arg7[%swap3A_450, %swap3A_451] {strides = array<i32>} : memref<40x144xf32, #tpu.memory_space<vmem>>, vector<16xf32>,
        tpu.vector_store %arg7[%swap3A_450, %swap3A_451], %mul3A_449 {strides = array<i32>} : memref<40x144xf32, #tpu.memory_space<vmem>>, vector<16xf32>,
        %broadcast_in_dim3A_453 = arith.constant 1 : i32
        %broadcast_in_dim3A_454 = vector.broadcast %broadcast_in_dim3A_453 : i32 to vector<16x1xi32>
        %gather3A_455 = vector.shape_cast %broadcast_in_dim3A_454 : vector<16x1xi32> to vector<16xi32>
        %gather3A_456 = tpu.dynamic_gather %select_n3A_438[%gather3A_455] in [0] : vector<16xf32>, vector<16xi32> -> vector<16xf32>
        %get3A_457 = arith.index_cast %add3A_417 : i32 to index
        %get3A_458 = arith.constant 16 : index
        %get3A_459 = tpu.vector_load %arg7[%get3A_457, %get3A_458] {strides = array<i32>} : memref<40x144xf32, #tpu.memory_space<vmem>>, vector<16xf32>,
        %mul3A_460 = arith.mulf %get3A_459, %gather3A_456 : vector<16xf32>
        %swap3A_461 = arith.index_cast %add3A_417 : i32 to index
        %swap3A_462 = arith.constant 16 : index
        %swap3A_463 = tpu.vector_load %arg7[%swap3A_461, %swap3A_462] {strides = array<i32>} : memref<40x144xf32, #tpu.memory_space<vmem>>, vector<16xf32>,
        tpu.vector_store %arg7[%swap3A_461, %swap3A_462], %mul3A_460 {strides = array<i32>} : memref<40x144xf32, #tpu.memory_space<vmem>>, vector<16xf32>,
        %broadcast_in_dim3A_464 = arith.constant 2 : i32
        %broadcast_in_dim3A_465 = vector.broadcast %broadcast_in_dim3A_464 : i32 to vector<16x1xi32>
        %gather3A_466 = vector.shape_cast %broadcast_in_dim3A_465 : vector<16x1xi32> to vector<16xi32>
        %gather3A_467 = tpu.dynamic_gather %select_n3A_438[%gather3A_466] in [0] : vector<16xf32>, vector<16xi32> -> vector<16xf32>
        %get3A_468 = arith.index_cast %add3A_417 : i32 to index
        %get3A_469 = arith.constant 32 : index
        %get3A_470 = tpu.vector_load %arg7[%get3A_468, %get3A_469] {strides = array<i32>} : memref<40x144xf32, #tpu.memory_space<vmem>>, vector<16xf32>,
        %mul3A_471 = arith.mulf %get3A_470, %gather3A_467 : vector<16xf32>
        %swap3A_472 = arith.index_cast %add3A_417 : i32 to index
        %swap3A_473 = arith.constant 32 : index
        %swap3A_474 = tpu.vector_load %arg7[%swap3A_472, %swap3A_473] {strides = array<i32>} : memref<40x144xf32, #tpu.memory_space<vmem>>, vector<16xf32>,
        tpu.vector_store %arg7[%swap3A_472, %swap3A_473], %mul3A_471 {strides = array<i32>} : memref<40x144xf32, #tpu.memory_space<vmem>>, vector<16xf32>,
        %broadcast_in_dim3A_475 = arith.constant 3 : i32
        %broadcast_in_dim3A_476 = vector.broadcast %broadcast_in_dim3A_475 : i32 to vector<16x1xi32>
        %gather3A_477 = vector.shape_cast %broadcast_in_dim3A_476 : vector<16x1xi32> to vector<16xi32>
        %gather3A_478 = tpu.dynamic_gather %select_n3A_438[%gather3A_477] in [0] : vector<16xf32>, vector<16xi32> -> vector<16xf32>
        %get3A_479 = arith.index_cast %add3A_417 : i32 to index
        %get3A_480 = arith.constant 48 : index
        %get3A_481 = tpu.vector_load %arg7[%get3A_479, %get3A_480] {strides = array<i32>} : memref<40x144xf32, #tpu.memory_space<vmem>>, vector<16xf32>,
        %mul3A_482 = arith.mulf %get3A_481, %gather3A_478 : vector<16xf32>
        %swap3A_483 = arith.index_cast %add3A_417 : i32 to index
        %swap3A_484 = arith.constant 48 : index
        %swap3A_485 = tpu.vector_load %arg7[%swap3A_483, %swap3A_484] {strides = array<i32>} : memref<40x144xf32, #tpu.memory_space<vmem>>, vector<16xf32>,
        tpu.vector_store %arg7[%swap3A_483, %swap3A_484], %mul3A_482 {strides = array<i32>} : memref<40x144xf32, #tpu.memory_space<vmem>>, vector<16xf32>,
        %broadcast_in_dim3A_486 = arith.constant 4 : i32
        %broadcast_in_dim3A_487 = vector.broadcast %broadcast_in_dim3A_486 : i32 to vector<16x1xi32>
        %gather3A_488 = vector.shape_cast %broadcast_in_dim3A_487 : vector<16x1xi32> to vector<16xi32>
        %gather3A_489 = tpu.dynamic_gather %select_n3A_438[%gather3A_488] in [0] : vector<16xf32>, vector<16xi32> -> vector<16xf32>
        %get3A_490 = arith.index_cast %add3A_417 : i32 to index
        %get3A_491 = arith.constant 64 : index
        %get3A_492 = tpu.vector_load %arg7[%get3A_490, %get3A_491] {strides = array<i32>} : memref<40x144xf32, #tpu.memory_space<vmem>>, vector<16xf32>,
        %mul3A_493 = arith.mulf %get3A_492, %gather3A_489 : vector<16xf32>
        %swap3A_494 = arith.index_cast %add3A_417 : i32 to index
        %swap3A_495 = arith.constant 64 : index
        %swap3A_496 = tpu.vector_load %arg7[%swap3A_494, %swap3A_495] {strides = array<i32>} : memref<40x144xf32, #tpu.memory_space<vmem>>, vector<16xf32>,
        tpu.vector_store %arg7[%swap3A_494, %swap3A_495], %mul3A_493 {strides = array<i32>} : memref<40x144xf32, #tpu.memory_space<vmem>>, vector<16xf32>,
        %broadcast_in_dim3A_497 = arith.constant 5 : i32
        %broadcast_in_dim3A_498 = vector.broadcast %broadcast_in_dim3A_497 : i32 to vector<16x1xi32>
        %gather3A_499 = vector.shape_cast %broadcast_in_dim3A_498 : vector<16x1xi32> to vector<16xi32>
        %gather3A_500 = tpu.dynamic_gather %select_n3A_438[%gather3A_499] in [0] : vector<16xf32>, vector<16xi32> -> vector<16xf32>
        %get3A_501 = arith.index_cast %add3A_417 : i32 to index
        %get3A_502 = arith.constant 80 : index
        %get3A_503 = tpu.vector_load %arg7[%get3A_501, %get3A_502] {strides = array<i32>} : memref<40x144xf32, #tpu.memory_space<vmem>>, vector<16xf32>,
        %mul3A_504 = arith.mulf %get3A_503, %gather3A_500 : vector<16xf32>
        %swap3A_505 = arith.index_cast %add3A_417 : i32 to index
        %swap3A_506 = arith.constant 80 : index
        %swap3A_507 = tpu.vector_load %arg7[%swap3A_505, %swap3A_506] {strides = array<i32>} : memref<40x144xf32, #tpu.memory_space<vmem>>, vector<16xf32>,
        tpu.vector_store %arg7[%swap3A_505, %swap3A_506], %mul3A_504 {strides = array<i32>} : memref<40x144xf32, #tpu.memory_space<vmem>>, vector<16xf32>,
        %broadcast_in_dim3A_508 = arith.constant 6 : i32
        %broadcast_in_dim3A_509 = vector.broadcast %broadcast_in_dim3A_508 : i32 to vector<16x1xi32>
        %gather3A_510 = vector.shape_cast %broadcast_in_dim3A_509 : vector<16x1xi32> to vector<16xi32>
        %gather3A_511 = tpu.dynamic_gather %select_n3A_438[%gather3A_510] in [0] : vector<16xf32>, vector<16xi32> -> vector<16xf32>
        %get3A_512 = arith.index_cast %add3A_417 : i32 to index
        %get3A_513 = arith.constant 96 : index
        %get3A_514 = tpu.vector_load %arg7[%get3A_512, %get3A_513] {strides = array<i32>} : memref<40x144xf32, #tpu.memory_space<vmem>>, vector<16xf32>,
        %mul3A_515 = arith.mulf %get3A_514, %gather3A_511 : vector<16xf32>
        %swap3A_516 = arith.index_cast %add3A_417 : i32 to index
        %swap3A_517 = arith.constant 96 : index
        %swap3A_518 = tpu.vector_load %arg7[%swap3A_516, %swap3A_517] {strides = array<i32>} : memref<40x144xf32, #tpu.memory_space<vmem>>, vector<16xf32>,
        tpu.vector_store %arg7[%swap3A_516, %swap3A_517], %mul3A_515 {strides = array<i32>} : memref<40x144xf32, #tpu.memory_space<vmem>>, vector<16xf32>,
        %broadcast_in_dim3A_519 = arith.constant 7 : i32
        %broadcast_in_dim3A_520 = vector.broadcast %broadcast_in_dim3A_519 : i32 to vector<16x1xi32>
        %gather3A_521 = vector.shape_cast %broadcast_in_dim3A_520 : vector<16x1xi32> to vector<16xi32>
        %gather3A_522 = tpu.dynamic_gather %select_n3A_438[%gather3A_521] in [0] : vector<16xf32>, vector<16xi32> -> vector<16xf32>
        %get3A_523 = arith.index_cast %add3A_417 : i32 to index
        %get3A_524 = arith.constant 112 : index
        %get3A_525 = tpu.vector_load %arg7[%get3A_523, %get3A_524] {strides = array<i32>} : memref<40x144xf32, #tpu.memory_space<vmem>>, vector<16xf32>,
        %mul3A_526 = arith.mulf %get3A_525, %gather3A_522 : vector<16xf32>
        %swap3A_527 = arith.index_cast %add3A_417 : i32 to index
        %swap3A_528 = arith.constant 112 : index
        %swap3A_529 = tpu.vector_load %arg7[%swap3A_527, %swap3A_528] {strides = array<i32>} : memref<40x144xf32, #tpu.memory_space<vmem>>, vector<16xf32>,
        tpu.vector_store %arg7[%swap3A_527, %swap3A_528], %mul3A_526 {strides = array<i32>} : memref<40x144xf32, #tpu.memory_space<vmem>>, vector<16xf32>,
        %mul3A_530 = arith.constant 4 : i32
        %mul3A_531 = arith.muli %scan3A_187, %mul3A_530 : i32
        %add3A_532 = arith.constant 3 : i32
        %add3A_533 = arith.addi %mul3A_531, %add3A_532 : i32
        %get3A_534 = arith.index_cast %add3A_533 : i32 to index
        %get3A_535 = arith.constant 128 : index
        %get3A_536 = tpu.vector_load %arg7[%get3A_534, %get3A_535] {strides = array<i32>} : memref<40x144xf32, #tpu.memory_space<vmem>>, vector<16xf32>,
        %get3A_537 = arith.index_cast %add3A_533 : i32 to index
        %get3A_538 = arith.constant 0 : index
        %get3A_539 = tpu.vector_load %arg9[%get3A_537, %get3A_538] {strides = array<i32>} : memref<40x16xf32, #tpu.memory_space<vmem>>, vector<16xf32>,
        %lt3A_540 = arith.constant 8 : i32
        %lt3A_541 = vector.broadcast %lt3A_540 : i32 to vector<16xi32>
        %lt3A_542 = arith.cmpi slt, %iota3A, %lt3A_541 : vector<16xi32>
        %add3A_543 = arith.addf %get3A_536, %get3A_539 : vector<16xf32>
        %ge3A_544 = arith.constant 0.000000e+00 : f32
        %ge3A_545 = vector.broadcast %ge3A_544 : f32 to vector<16xf32>
        %ge3A_546 = arith.cmpf oge, %add3A_543, %ge3A_545 : vector<16xf32>
        %mul3A_547 = arith.constant 2.000000e-01 : f32
        %mul3A_548 = vector.broadcast %mul3A_547 : f32 to vector<16xf32>
        %mul3A_549 = arith.mulf %add3A_543, %mul3A_548 : vector<16xf32>
        %select_n3A_550 = arith.select %ge3A_546, %add3A_543, %mul3A_549 : vector<16xi1>, vector<16xf32>
        %exp3A_551 = math.exp %select_n3A_550 : vector<16xf32>
        %jit3A_552 = arith.constant 0.000000e+00 : f32
        %broadcast_in_dim3A_553 = vector.broadcast %jit3A_552 : f32 to vector<16xf32>
        %select_n3A_554 = arith.select %lt3A_542, %exp3A_551, %broadcast_in_dim3A_553 : vector<16xi1>, vector<16xf32>
        %swap3A_555 = arith.index_cast %add3A_533 : i32 to index
        %swap3A_556 = arith.constant 128 : index
        %swap3A_557 = tpu.vector_load %arg7[%swap3A_555, %swap3A_556] {strides = array<i32>} : memref<40x144xf32, #tpu.memory_space<vmem>>, vector<16xf32>,
        tpu.vector_store %arg7[%swap3A_555, %swap3A_556], %select_n3A_554 {strides = array<i32>} : memref<40x144xf32, #tpu.memory_space<vmem>>, vector<16xf32>,
        %broadcast_in_dim3A_558 = arith.constant 0 : i32
        %broadcast_in_dim3A_559 = vector.broadcast %broadcast_in_dim3A_558 : i32 to vector<16x1xi32>
        %gather3A_560 = vector.shape_cast %broadcast_in_dim3A_559 : vector<16x1xi32> to vector<16xi32>
        %gather3A_561 = tpu.dynamic_gather %select_n3A_554[%gather3A_560] in [0] : vector<16xf32>, vector<16xi32> -> vector<16xf32>
        %get3A_562 = arith.index_cast %add3A_533 : i32 to index
        %get3A_563 = arith.constant 0 : index
        %get3A_564 = tpu.vector_load %arg7[%get3A_562, %get3A_563] {strides = array<i32>} : memref<40x144xf32, #tpu.memory_space<vmem>>, vector<16xf32>,
        %mul3A_565 = arith.mulf %get3A_564, %gather3A_561 : vector<16xf32>
        %swap3A_566 = arith.index_cast %add3A_533 : i32 to index
        %swap3A_567 = arith.constant 0 : index
        %swap3A_568 = tpu.vector_load %arg7[%swap3A_566, %swap3A_567] {strides = array<i32>} : memref<40x144xf32, #tpu.memory_space<vmem>>, vector<16xf32>,
        tpu.vector_store %arg7[%swap3A_566, %swap3A_567], %mul3A_565 {strides = array<i32>} : memref<40x144xf32, #tpu.memory_space<vmem>>, vector<16xf32>,
        %broadcast_in_dim3A_569 = arith.constant 1 : i32
        %broadcast_in_dim3A_570 = vector.broadcast %broadcast_in_dim3A_569 : i32 to vector<16x1xi32>
        %gather3A_571 = vector.shape_cast %broadcast_in_dim3A_570 : vector<16x1xi32> to vector<16xi32>
        %gather3A_572 = tpu.dynamic_gather %select_n3A_554[%gather3A_571] in [0] : vector<16xf32>, vector<16xi32> -> vector<16xf32>
        %get3A_573 = arith.index_cast %add3A_533 : i32 to index
        %get3A_574 = arith.constant 16 : index
        %get3A_575 = tpu.vector_load %arg7[%get3A_573, %get3A_574] {strides = array<i32>} : memref<40x144xf32, #tpu.memory_space<vmem>>, vector<16xf32>,
        %mul3A_576 = arith.mulf %get3A_575, %gather3A_572 : vector<16xf32>
        %swap3A_577 = arith.index_cast %add3A_533 : i32 to index
        %swap3A_578 = arith.constant 16 : index
        %swap3A_579 = tpu.vector_load %arg7[%swap3A_577, %swap3A_578] {strides = array<i32>} : memref<40x144xf32, #tpu.memory_space<vmem>>, vector<16xf32>,
        tpu.vector_store %arg7[%swap3A_577, %swap3A_578], %mul3A_576 {strides = array<i32>} : memref<40x144xf32, #tpu.memory_space<vmem>>, vector<16xf32>,
        %broadcast_in_dim3A_580 = arith.constant 2 : i32
        %broadcast_in_dim3A_581 = vector.broadcast %broadcast_in_dim3A_580 : i32 to vector<16x1xi32>
        %gather3A_582 = vector.shape_cast %broadcast_in_dim3A_581 : vector<16x1xi32> to vector<16xi32>
        %gather3A_583 = tpu.dynamic_gather %select_n3A_554[%gather3A_582] in [0] : vector<16xf32>, vector<16xi32> -> vector<16xf32>
        %get3A_584 = arith.index_cast %add3A_533 : i32 to index
        %get3A_585 = arith.constant 32 : index
        %get3A_586 = tpu.vector_load %arg7[%get3A_584, %get3A_585] {strides = array<i32>} : memref<40x144xf32, #tpu.memory_space<vmem>>, vector<16xf32>,
        %mul3A_587 = arith.mulf %get3A_586, %gather3A_583 : vector<16xf32>
        %swap3A_588 = arith.index_cast %add3A_533 : i32 to index
        %swap3A_589 = arith.constant 32 : index
        %swap3A_590 = tpu.vector_load %arg7[%swap3A_588, %swap3A_589] {strides = array<i32>} : memref<40x144xf32, #tpu.memory_space<vmem>>, vector<16xf32>,
        tpu.vector_store %arg7[%swap3A_588, %swap3A_589], %mul3A_587 {strides = array<i32>} : memref<40x144xf32, #tpu.memory_space<vmem>>, vector<16xf32>,
        %broadcast_in_dim3A_591 = arith.constant 3 : i32
        %broadcast_in_dim3A_592 = vector.broadcast %broadcast_in_dim3A_591 : i32 to vector<16x1xi32>
        %gather3A_593 = vector.shape_cast %broadcast_in_dim3A_592 : vector<16x1xi32> to vector<16xi32>
        %gather3A_594 = tpu.dynamic_gather %select_n3A_554[%gather3A_593] in [0] : vector<16xf32>, vector<16xi32> -> vector<16xf32>
        %get3A_595 = arith.index_cast %add3A_533 : i32 to index
        %get3A_596 = arith.constant 48 : index
        %get3A_597 = tpu.vector_load %arg7[%get3A_595, %get3A_596] {strides = array<i32>} : memref<40x144xf32, #tpu.memory_space<vmem>>, vector<16xf32>,
        %mul3A_598 = arith.mulf %get3A_597, %gather3A_594 : vector<16xf32>
        %swap3A_599 = arith.index_cast %add3A_533 : i32 to index
        %swap3A_600 = arith.constant 48 : index
        %swap3A_601 = tpu.vector_load %arg7[%swap3A_599, %swap3A_600] {strides = array<i32>} : memref<40x144xf32, #tpu.memory_space<vmem>>, vector<16xf32>,
        tpu.vector_store %arg7[%swap3A_599, %swap3A_600], %mul3A_598 {strides = array<i32>} : memref<40x144xf32, #tpu.memory_space<vmem>>, vector<16xf32>,
        %broadcast_in_dim3A_602 = arith.constant 4 : i32
        %broadcast_in_dim3A_603 = vector.broadcast %broadcast_in_dim3A_602 : i32 to vector<16x1xi32>
        %gather3A_604 = vector.shape_cast %broadcast_in_dim3A_603 : vector<16x1xi32> to vector<16xi32>
        %gather3A_605 = tpu.dynamic_gather %select_n3A_554[%gather3A_604] in [0] : vector<16xf32>, vector<16xi32> -> vector<16xf32>
        %get3A_606 = arith.index_cast %add3A_533 : i32 to index
        %get3A_607 = arith.constant 64 : index
        %get3A_608 = tpu.vector_load %arg7[%get3A_606, %get3A_607] {strides = array<i32>} : memref<40x144xf32, #tpu.memory_space<vmem>>, vector<16xf32>,
        %mul3A_609 = arith.mulf %get3A_608, %gather3A_605 : vector<16xf32>
        %swap3A_610 = arith.index_cast %add3A_533 : i32 to index
        %swap3A_611 = arith.constant 64 : index
        %swap3A_612 = tpu.vector_load %arg7[%swap3A_610, %swap3A_611] {strides = array<i32>} : memref<40x144xf32, #tpu.memory_space<vmem>>, vector<16xf32>,
        tpu.vector_store %arg7[%swap3A_610, %swap3A_611], %mul3A_609 {strides = array<i32>} : memref<40x144xf32, #tpu.memory_space<vmem>>, vector<16xf32>,
        %broadcast_in_dim3A_613 = arith.constant 5 : i32
        %broadcast_in_dim3A_614 = vector.broadcast %broadcast_in_dim3A_613 : i32 to vector<16x1xi32>
        %gather3A_615 = vector.shape_cast %broadcast_in_dim3A_614 : vector<16x1xi32> to vector<16xi32>
        %gather3A_616 = tpu.dynamic_gather %select_n3A_554[%gather3A_615] in [0] : vector<16xf32>, vector<16xi32> -> vector<16xf32>
        %get3A_617 = arith.index_cast %add3A_533 : i32 to index
        %get3A_618 = arith.constant 80 : index
        %get3A_619 = tpu.vector_load %arg7[%get3A_617, %get3A_618] {strides = array<i32>} : memref<40x144xf32, #tpu.memory_space<vmem>>, vector<16xf32>,
        %mul3A_620 = arith.mulf %get3A_619, %gather3A_616 : vector<16xf32>
        %swap3A_621 = arith.index_cast %add3A_533 : i32 to index
        %swap3A_622 = arith.constant 80 : index
        %swap3A_623 = tpu.vector_load %arg7[%swap3A_621, %swap3A_622] {strides = array<i32>} : memref<40x144xf32, #tpu.memory_space<vmem>>, vector<16xf32>,
        tpu.vector_store %arg7[%swap3A_621, %swap3A_622], %mul3A_620 {strides = array<i32>} : memref<40x144xf32, #tpu.memory_space<vmem>>, vector<16xf32>,
        %broadcast_in_dim3A_624 = arith.constant 6 : i32
        %broadcast_in_dim3A_625 = vector.broadcast %broadcast_in_dim3A_624 : i32 to vector<16x1xi32>
        %gather3A_626 = vector.shape_cast %broadcast_in_dim3A_625 : vector<16x1xi32> to vector<16xi32>
        %gather3A_627 = tpu.dynamic_gather %select_n3A_554[%gather3A_626] in [0] : vector<16xf32>, vector<16xi32> -> vector<16xf32>
        %get3A_628 = arith.index_cast %add3A_533 : i32 to index
        %get3A_629 = arith.constant 96 : index
        %get3A_630 = tpu.vector_load %arg7[%get3A_628, %get3A_629] {strides = array<i32>} : memref<40x144xf32, #tpu.memory_space<vmem>>, vector<16xf32>,
        %mul3A_631 = arith.mulf %get3A_630, %gather3A_627 : vector<16xf32>
        %swap3A_632 = arith.index_cast %add3A_533 : i32 to index
        %swap3A_633 = arith.constant 96 : index
        %swap3A_634 = tpu.vector_load %arg7[%swap3A_632, %swap3A_633] {strides = array<i32>} : memref<40x144xf32, #tpu.memory_space<vmem>>, vector<16xf32>,
        tpu.vector_store %arg7[%swap3A_632, %swap3A_633], %mul3A_631 {strides = array<i32>} : memref<40x144xf32, #tpu.memory_space<vmem>>, vector<16xf32>,
        %broadcast_in_dim3A_635 = arith.constant 7 : i32
        %broadcast_in_dim3A_636 = vector.broadcast %broadcast_in_dim3A_635 : i32 to vector<16x1xi32>
        %gather3A_637 = vector.shape_cast %broadcast_in_dim3A_636 : vector<16x1xi32> to vector<16xi32>
        %gather3A_638 = tpu.dynamic_gather %select_n3A_554[%gather3A_637] in [0] : vector<16xf32>, vector<16xi32> -> vector<16xf32>
        %get3A_639 = arith.index_cast %add3A_533 : i32 to index
        %get3A_640 = arith.constant 112 : index
        %get3A_641 = tpu.vector_load %arg7[%get3A_639, %get3A_640] {strides = array<i32>} : memref<40x144xf32, #tpu.memory_space<vmem>>, vector<16xf32>,
        %mul3A_642 = arith.mulf %get3A_641, %gather3A_638 : vector<16xf32>
        %swap3A_643 = arith.index_cast %add3A_533 : i32 to index
        %swap3A_644 = arith.constant 112 : index
        %swap3A_645 = tpu.vector_load %arg7[%swap3A_643, %swap3A_644] {strides = array<i32>} : memref<40x144xf32, #tpu.memory_space<vmem>>, vector<16xf32>,
        tpu.vector_store %arg7[%swap3A_643, %swap3A_644], %mul3A_642 {strides = array<i32>} : memref<40x144xf32, #tpu.memory_space<vmem>>, vector<16xf32>,
        %scan3A_646 = arith.constant 0 : i32
        scf.yield %scan3A_646 : i32
      }
      %scan3A_136 = arith.constant 10 : i32
      %dma_start3A_137 = arith.constant 0 : i32
      %dma_start3A_138 = tpu.memref_slice %arg12[%add3A_107, %dma_start3A_137] : memref<250x40xi32, #tpu.memory_space<vmem>> -> memref<1x40xi32, #tpu.memory_space<vmem>>
      %dma_start3A_139 = tpu.memref_squeeze %dma_start3A_138 : memref<1x40xi32, #tpu.memory_space<vmem>> -> memref<40xi32, #tpu.memory_space<vmem>>
      %dma_start3A_140 = arith.constant 0 : i32
      %dma_start3A_141 = arith.constant 0 : i32
      %dma_start3A_142 = tpu.memref_slice %arg13[%dma_start3A_140, %dma_start3A_141] : memref<10240x144xf32, #tpu.memory_space<vmem_shared>> -> memref<10240x144xf32, #tpu.memory_space<vmem_shared>>
      tpu.enqueue_indirect_dma source(%arg7 : memref<40x144xf32, #tpu.memory_space<vmem>>) target(%dma_start3A_142 : memref<10240x144xf32, #tpu.memory_space<vmem_shared>>) offsets(%dma_start3A_139 : memref<40xi32, #tpu.memory_space<vmem>>) semaphore(%arg16 : memref<!tpu.dma_semaphore, #tpu.memory_space<semaphore_mem>>) {add = true}
      %mul3A_143 = arith.constant 2 : i32
      %mul3A_144 = arith.muli %scan3A_102, %mul3A_143 : i32
      %add3A_145 = arith.constant 1 : i32
      %add3A_146 = arith.addi %mul3A_144, %add3A_145 : i32
      %ge3A_147 = arith.constant 1 : i32
      %ge3A_148 = arith.cmpi sge, %add3A_146, %ge3A_147 : i32
      %convert_element_type3A_149 = arith.extui %ge3A_148 : i1 to i32
      %cond3A_150 = arith.constant 0 : i32
      %cond3A_151 = arith.cmpi ne, %convert_element_type3A_149, %cond3A_150 : i32
      scf.if %cond3A_151 {
        %dma_wait3A_187 = arith.constant 0 : i32
        %dma_wait3A_188 = arith.constant 0 : i32
        %dma_wait3A_189 = tpu.memref_slice %arg12[%dma_wait3A_187, %dma_wait3A_188] : memref<250x40xi32, #tpu.memory_space<vmem>> -> memref<1x40xi32, #tpu.memory_space<vmem>>
        %dma_wait3A_190 = tpu.memref_squeeze %dma_wait3A_189 : memref<1x40xi32, #tpu.memory_space<vmem>> -> memref<40xi32, #tpu.memory_space<vmem>>
        %dma_wait3A_191 = arith.constant 0 : i32
        %dma_wait3A_192 = arith.constant 0 : i32
        %dma_wait3A_193 = tpu.memref_slice %arg13[%dma_wait3A_191, %dma_wait3A_192] : memref<10240x144xf32, #tpu.memory_space<vmem_shared>> -> memref<10240x144xf32, #tpu.memory_space<vmem_shared>>
        tpu.wait_indirect_dma semaphore(%arg16 : memref<!tpu.dma_semaphore, #tpu.memory_space<semaphore_mem>>) src(%arg7 : memref<40x144xf32, #tpu.memory_space<vmem>>) dst(%dma_wait3A_193 : memref<10240x144xf32, #tpu.memory_space<vmem_shared>>)
      } else {
      }
      %add3A_152 = arith.constant 1 : i32
      %add3A_153 = arith.addi %add3A_146, %add3A_152 : i32
      %lt3A_154 = arith.constant 250 : i32
      %lt3A_155 = arith.cmpi slt, %add3A_153, %lt3A_154 : i32
      %convert_element_type3A_156 = arith.extui %lt3A_155 : i1 to i32
      %cond3A_157 = arith.constant 0 : i32
      %cond3A_158 = arith.cmpi ne, %convert_element_type3A_156, %cond3A_157 : i32
      scf.if %cond3A_158 {
        %add3A_187 = arith.constant 1 : i32
        %add3A_188 = arith.addi %add3A_146, %add3A_187 : i32
        %dma_start3A_189 = arith.constant 0 : i32
        %dma_start3A_190 = tpu.memref_slice %arg11[%add3A_188, %dma_start3A_189] : memref<250x40xi32, #tpu.memory_space<vmem>> -> memref<1x40xi32, #tpu.memory_space<vmem>>
        %dma_start3A_191 = tpu.memref_squeeze %dma_start3A_190 : memref<1x40xi32, #tpu.memory_space<vmem>> -> memref<40xi32, #tpu.memory_space<vmem>>
        %dma_start3A_192 = arith.constant 0 : i32
        %dma_start3A_193 = arith.constant 0 : i32
        %dma_start3A_194 = tpu.memref_slice %arg4[%dma_start3A_192, %dma_start3A_193] : memref<10000x144xf32, #tpu.memory_space<hbm>> -> memref<10000x144xf32, #tpu.memory_space<hbm>>
        tpu.enqueue_indirect_dma source(%dma_start3A_194 : memref<10000x144xf32, #tpu.memory_space<hbm>>) target(%arg7 : memref<40x144xf32, #tpu.memory_space<vmem>>) offsets(%dma_start3A_191 : memref<40xi32, #tpu.memory_space<vmem>>) semaphore(%arg14 : memref<!tpu.dma_semaphore, #tpu.memory_space<semaphore_mem>>)
        %dma_start3A_195 = arith.constant 0 : i32
        %dma_start3A_196 = tpu.memref_slice %arg12[%add3A_188, %dma_start3A_195] : memref<250x40xi32, #tpu.memory_space<vmem>> -> memref<1x40xi32, #tpu.memory_space<vmem>>
        %dma_start3A_197 = tpu.memref_squeeze %dma_start3A_196 : memref<1x40xi32, #tpu.memory_space<vmem>> -> memref<40xi32, #tpu.memory_space<vmem>>
        %dma_start3A_198 = arith.constant 0 : i32
        %dma_start3A_199 = arith.constant 0 : i32
        %dma_start3A_200 = tpu.memref_slice %arg5[%dma_start3A_198, %dma_start3A_199] : memref<10000x16xf32, #tpu.memory_space<hbm>> -> memref<10000x16xf32, #tpu.memory_space<hbm>>
        tpu.enqueue_indirect_dma source(%dma_start3A_200 : memref<10000x16xf32, #tpu.memory_space<hbm>>) target(%arg9 : memref<40x16xf32, #tpu.memory_space<vmem>>) offsets(%dma_start3A_197 : memref<40xi32, #tpu.memory_space<vmem>>) semaphore(%arg15 : memref<!tpu.dma_semaphore, #tpu.memory_space<semaphore_mem>>)
      } else {
      }
      %dma_wait3A_159 = arith.constant 0 : i32
      %dma_wait3A_160 = arith.constant 0 : i32
      %dma_wait3A_161 = tpu.memref_slice %arg11[%dma_wait3A_159, %dma_wait3A_160] : memref<250x40xi32, #tpu.memory_space<vmem>> -> memref<1x40xi32, #tpu.memory_space<vmem>>
      %dma_wait3A_162 = tpu.memref_squeeze %dma_wait3A_161 : memref<1x40xi32, #tpu.memory_space<vmem>> -> memref<40xi32, #tpu.memory_space<vmem>>
      %dma_wait3A_163 = arith.constant 0 : i32
      %dma_wait3A_164 = arith.constant 0 : i32
      %dma_wait3A_165 = tpu.memref_slice %arg4[%dma_wait3A_163, %dma_wait3A_164] : memref<10000x144xf32, #tpu.memory_space<hbm>> -> memref<10000x144xf32, #tpu.memory_space<hbm>>
      tpu.wait_indirect_dma semaphore(%arg14 : memref<!tpu.dma_semaphore, #tpu.memory_space<semaphore_mem>>) src(%dma_wait3A_165 : memref<10000x144xf32, #tpu.memory_space<hbm>>) dst(%arg8 : memref<40x144xf32, #tpu.memory_space<vmem>>)
      %dma_wait3A_166 = arith.constant 0 : i32
      %dma_wait3A_167 = arith.constant 0 : i32
      %dma_wait3A_168 = tpu.memref_slice %arg12[%dma_wait3A_166, %dma_wait3A_167] : memref<250x40xi32, #tpu.memory_space<vmem>> -> memref<1x40xi32, #tpu.memory_space<vmem>>
      %dma_wait3A_169 = tpu.memref_squeeze %dma_wait3A_168 : memref<1x40xi32, #tpu.memory_space<vmem>> -> memref<40xi32, #tpu.memory_space<vmem>>
      %dma_wait3A_170 = arith.constant 0 : i32
      %dma_wait3A_171 = arith.constant 0 : i32
      %dma_wait3A_172 = tpu.memref_slice %arg5[%dma_wait3A_170, %dma_wait3A_171] : memref<10000x16xf32, #tpu.memory_space<hbm>> -> memref<10000x16xf32, #tpu.memory_space<hbm>>
      tpu.wait_indirect_dma semaphore(%arg15 : memref<!tpu.dma_semaphore, #tpu.memory_space<semaphore_mem>>) src(%dma_wait3A_172 : memref<10000x16xf32, #tpu.memory_space<hbm>>) dst(%arg10 : memref<40x16xf32, #tpu.memory_space<vmem>>)
      %scan3A_173 = arith.constant 0 : i32
      %scan3A_174 = arith.constant 0 : i32
      %scan3A_175 = arith.constant 10 : i32
      %scan3A_176 = arith.addi %scan3A_174, %scan3A_175 : i32
      %scan3A_177 = arith.constant 1 : i32
      %scan3A_178 = scf.for %scan3A_187 = %scan3A_174 to %scan3A_176 step %scan3A_177 iter_args(%scan3A_188 = %scan3A_173) -> (i32)  : i32 {
        %mul3A_189 = arith.constant 4 : i32
        %mul3A_190 = arith.muli %scan3A_187, %mul3A_189 : i32
        %add3A_191 = arith.constant 0 : i32
        %add3A_192 = arith.addi %mul3A_190, %add3A_191 : i32
        %get3A = arith.index_cast %add3A_192 : i32 to index
        %get3A_193 = arith.constant 128 : index
        %get3A_194 = tpu.vector_load %arg8[%get3A, %get3A_193] {strides = array<i32>} : memref<40x144xf32, #tpu.memory_space<vmem>>, vector<16xf32>,
        %get3A_195 = arith.index_cast %add3A_192 : i32 to index
        %get3A_196 = arith.constant 0 : index
        %get3A_197 = tpu.vector_load %arg10[%get3A_195, %get3A_196] {strides = array<i32>} : memref<40x16xf32, #tpu.memory_space<vmem>>, vector<16xf32>,
        %lt3A_198 = arith.constant 8 : i32
        %lt3A_199 = vector.broadcast %lt3A_198 : i32 to vector<16xi32>
        %lt3A_200 = arith.cmpi slt, %iota3A, %lt3A_199 : vector<16xi32>
        %add3A_201 = arith.addf %get3A_194, %get3A_197 : vector<16xf32>
        %ge3A_202 = arith.constant 0.000000e+00 : f32
        %ge3A_203 = vector.broadcast %ge3A_202 : f32 to vector<16xf32>
        %ge3A_204 = arith.cmpf oge, %add3A_201, %ge3A_203 : vector<16xf32>
        %mul3A_205 = arith.constant 2.000000e-01 : f32
        %mul3A_206 = vector.broadcast %mul3A_205 : f32 to vector<16xf32>
        %mul3A_207 = arith.mulf %add3A_201, %mul3A_206 : vector<16xf32>
        %select_n3A = arith.select %ge3A_204, %add3A_201, %mul3A_207 : vector<16xi1>, vector<16xf32>
        %exp3A = math.exp %select_n3A : vector<16xf32>
        %jit3A = arith.constant 0.000000e+00 : f32
        %broadcast_in_dim3A = vector.broadcast %jit3A : f32 to vector<16xf32>
        %select_n3A_208 = arith.select %lt3A_200, %exp3A, %broadcast_in_dim3A : vector<16xi1>, vector<16xf32>
        %swap3A = arith.index_cast %add3A_192 : i32 to index
        %swap3A_209 = arith.constant 128 : index
        %swap3A_210 = tpu.vector_load %arg8[%swap3A, %swap3A_209] {strides = array<i32>} : memref<40x144xf32, #tpu.memory_space<vmem>>, vector<16xf32>,
        tpu.vector_store %arg8[%swap3A, %swap3A_209], %select_n3A_208 {strides = array<i32>} : memref<40x144xf32, #tpu.memory_space<vmem>>, vector<16xf32>,
        %broadcast_in_dim3A_211 = arith.constant 0 : i32
        %broadcast_in_dim3A_212 = vector.broadcast %broadcast_in_dim3A_211 : i32 to vector<16x1xi32>
        %gather3A = vector.shape_cast %broadcast_in_dim3A_212 : vector<16x1xi32> to vector<16xi32>
        %gather3A_213 = tpu.dynamic_gather %select_n3A_208[%gather3A] in [0] : vector<16xf32>, vector<16xi32> -> vector<16xf32>
        %get3A_214 = arith.index_cast %add3A_192 : i32 to index
        %get3A_215 = arith.constant 0 : index
        %get3A_216 = tpu.vector_load %arg8[%get3A_214, %get3A_215] {strides = array<i32>} : memref<40x144xf32, #tpu.memory_space<vmem>>, vector<16xf32>,
        %mul3A_217 = arith.mulf %get3A_216, %gather3A_213 : vector<16xf32>
        %swap3A_218 = arith.index_cast %add3A_192 : i32 to index
        %swap3A_219 = arith.constant 0 : index
        %swap3A_220 = tpu.vector_load %arg8[%swap3A_218, %swap3A_219] {strides = array<i32>} : memref<40x144xf32, #tpu.memory_space<vmem>>, vector<16xf32>,
        tpu.vector_store %arg8[%swap3A_218, %swap3A_219], %mul3A_217 {strides = array<i32>} : memref<40x144xf32, #tpu.memory_space<vmem>>, vector<16xf32>,
        %broadcast_in_dim3A_221 = arith.constant 1 : i32
        %broadcast_in_dim3A_222 = vector.broadcast %broadcast_in_dim3A_221 : i32 to vector<16x1xi32>
        %gather3A_223 = vector.shape_cast %broadcast_in_dim3A_222 : vector<16x1xi32> to vector<16xi32>
        %gather3A_224 = tpu.dynamic_gather %select_n3A_208[%gather3A_223] in [0] : vector<16xf32>, vector<16xi32> -> vector<16xf32>
        %get3A_225 = arith.index_cast %add3A_192 : i32 to index
        %get3A_226 = arith.constant 16 : index
        %get3A_227 = tpu.vector_load %arg8[%get3A_225, %get3A_226] {strides = array<i32>} : memref<40x144xf32, #tpu.memory_space<vmem>>, vector<16xf32>,
        %mul3A_228 = arith.mulf %get3A_227, %gather3A_224 : vector<16xf32>
        %swap3A_229 = arith.index_cast %add3A_192 : i32 to index
        %swap3A_230 = arith.constant 16 : index
        %swap3A_231 = tpu.vector_load %arg8[%swap3A_229, %swap3A_230] {strides = array<i32>} : memref<40x144xf32, #tpu.memory_space<vmem>>, vector<16xf32>,
        tpu.vector_store %arg8[%swap3A_229, %swap3A_230], %mul3A_228 {strides = array<i32>} : memref<40x144xf32, #tpu.memory_space<vmem>>, vector<16xf32>,
        %broadcast_in_dim3A_232 = arith.constant 2 : i32
        %broadcast_in_dim3A_233 = vector.broadcast %broadcast_in_dim3A_232 : i32 to vector<16x1xi32>
        %gather3A_234 = vector.shape_cast %broadcast_in_dim3A_233 : vector<16x1xi32> to vector<16xi32>
        %gather3A_235 = tpu.dynamic_gather %select_n3A_208[%gather3A_234] in [0] : vector<16xf32>, vector<16xi32> -> vector<16xf32>
        %get3A_236 = arith.index_cast %add3A_192 : i32 to index
        %get3A_237 = arith.constant 32 : index
        %get3A_238 = tpu.vector_load %arg8[%get3A_236, %get3A_237] {strides = array<i32>} : memref<40x144xf32, #tpu.memory_space<vmem>>, vector<16xf32>,
        %mul3A_239 = arith.mulf %get3A_238, %gather3A_235 : vector<16xf32>
        %swap3A_240 = arith.index_cast %add3A_192 : i32 to index
        %swap3A_241 = arith.constant 32 : index
        %swap3A_242 = tpu.vector_load %arg8[%swap3A_240, %swap3A_241] {strides = array<i32>} : memref<40x144xf32, #tpu.memory_space<vmem>>, vector<16xf32>,
        tpu.vector_store %arg8[%swap3A_240, %swap3A_241], %mul3A_239 {strides = array<i32>} : memref<40x144xf32, #tpu.memory_space<vmem>>, vector<16xf32>,
        %broadcast_in_dim3A_243 = arith.constant 3 : i32
        %broadcast_in_dim3A_244 = vector.broadcast %broadcast_in_dim3A_243 : i32 to vector<16x1xi32>
        %gather3A_245 = vector.shape_cast %broadcast_in_dim3A_244 : vector<16x1xi32> to vector<16xi32>
        %gather3A_246 = tpu.dynamic_gather %select_n3A_208[%gather3A_245] in [0] : vector<16xf32>, vector<16xi32> -> vector<16xf32>
        %get3A_247 = arith.index_cast %add3A_192 : i32 to index
        %get3A_248 = arith.constant 48 : index
        %get3A_249 = tpu.vector_load %arg8[%get3A_247, %get3A_248] {strides = array<i32>} : memref<40x144xf32, #tpu.memory_space<vmem>>, vector<16xf32>,
        %mul3A_250 = arith.mulf %get3A_249, %gather3A_246 : vector<16xf32>
        %swap3A_251 = arith.index_cast %add3A_192 : i32 to index
        %swap3A_252 = arith.constant 48 : index
        %swap3A_253 = tpu.vector_load %arg8[%swap3A_251, %swap3A_252] {strides = array<i32>} : memref<40x144xf32, #tpu.memory_space<vmem>>, vector<16xf32>,
        tpu.vector_store %arg8[%swap3A_251, %swap3A_252], %mul3A_250 {strides = array<i32>} : memref<40x144xf32, #tpu.memory_space<vmem>>, vector<16xf32>,
        %broadcast_in_dim3A_254 = arith.constant 4 : i32
        %broadcast_in_dim3A_255 = vector.broadcast %broadcast_in_dim3A_254 : i32 to vector<16x1xi32>
        %gather3A_256 = vector.shape_cast %broadcast_in_dim3A_255 : vector<16x1xi32> to vector<16xi32>
        %gather3A_257 = tpu.dynamic_gather %select_n3A_208[%gather3A_256] in [0] : vector<16xf32>, vector<16xi32> -> vector<16xf32>
        %get3A_258 = arith.index_cast %add3A_192 : i32 to index
        %get3A_259 = arith.constant 64 : index
        %get3A_260 = tpu.vector_load %arg8[%get3A_258, %get3A_259] {strides = array<i32>} : memref<40x144xf32, #tpu.memory_space<vmem>>, vector<16xf32>,
        %mul3A_261 = arith.mulf %get3A_260, %gather3A_257 : vector<16xf32>
        %swap3A_262 = arith.index_cast %add3A_192 : i32 to index
        %swap3A_263 = arith.constant 64 : index
        %swap3A_264 = tpu.vector_load %arg8[%swap3A_262, %swap3A_263] {strides = array<i32>} : memref<40x144xf32, #tpu.memory_space<vmem>>, vector<16xf32>,
        tpu.vector_store %arg8[%swap3A_262, %swap3A_263], %mul3A_261 {strides = array<i32>} : memref<40x144xf32, #tpu.memory_space<vmem>>, vector<16xf32>,
        %broadcast_in_dim3A_265 = arith.constant 5 : i32
        %broadcast_in_dim3A_266 = vector.broadcast %broadcast_in_dim3A_265 : i32 to vector<16x1xi32>
        %gather3A_267 = vector.shape_cast %broadcast_in_dim3A_266 : vector<16x1xi32> to vector<16xi32>
        %gather3A_268 = tpu.dynamic_gather %select_n3A_208[%gather3A_267] in [0] : vector<16xf32>, vector<16xi32> -> vector<16xf32>
        %get3A_269 = arith.index_cast %add3A_192 : i32 to index
        %get3A_270 = arith.constant 80 : index
        %get3A_271 = tpu.vector_load %arg8[%get3A_269, %get3A_270] {strides = array<i32>} : memref<40x144xf32, #tpu.memory_space<vmem>>, vector<16xf32>,
        %mul3A_272 = arith.mulf %get3A_271, %gather3A_268 : vector<16xf32>
        %swap3A_273 = arith.index_cast %add3A_192 : i32 to index
        %swap3A_274 = arith.constant 80 : index
        %swap3A_275 = tpu.vector_load %arg8[%swap3A_273, %swap3A_274] {strides = array<i32>} : memref<40x144xf32, #tpu.memory_space<vmem>>, vector<16xf32>,
        tpu.vector_store %arg8[%swap3A_273, %swap3A_274], %mul3A_272 {strides = array<i32>} : memref<40x144xf32, #tpu.memory_space<vmem>>, vector<16xf32>,
        %broadcast_in_dim3A_276 = arith.constant 6 : i32
        %broadcast_in_dim3A_277 = vector.broadcast %broadcast_in_dim3A_276 : i32 to vector<16x1xi32>
        %gather3A_278 = vector.shape_cast %broadcast_in_dim3A_277 : vector<16x1xi32> to vector<16xi32>
        %gather3A_279 = tpu.dynamic_gather %select_n3A_208[%gather3A_278] in [0] : vector<16xf32>, vector<16xi32> -> vector<16xf32>
        %get3A_280 = arith.index_cast %add3A_192 : i32 to index
        %get3A_281 = arith.constant 96 : index
        %get3A_282 = tpu.vector_load %arg8[%get3A_280, %get3A_281] {strides = array<i32>} : memref<40x144xf32, #tpu.memory_space<vmem>>, vector<16xf32>,
        %mul3A_283 = arith.mulf %get3A_282, %gather3A_279 : vector<16xf32>
        %swap3A_284 = arith.index_cast %add3A_192 : i32 to index
        %swap3A_285 = arith.constant 96 : index
        %swap3A_286 = tpu.vector_load %arg8[%swap3A_284, %swap3A_285] {strides = array<i32>} : memref<40x144xf32, #tpu.memory_space<vmem>>, vector<16xf32>,
        tpu.vector_store %arg8[%swap3A_284, %swap3A_285], %mul3A_283 {strides = array<i32>} : memref<40x144xf32, #tpu.memory_space<vmem>>, vector<16xf32>,
        %broadcast_in_dim3A_287 = arith.constant 7 : i32
        %broadcast_in_dim3A_288 = vector.broadcast %broadcast_in_dim3A_287 : i32 to vector<16x1xi32>
        %gather3A_289 = vector.shape_cast %broadcast_in_dim3A_288 : vector<16x1xi32> to vector<16xi32>
        %gather3A_290 = tpu.dynamic_gather %select_n3A_208[%gather3A_289] in [0] : vector<16xf32>, vector<16xi32> -> vector<16xf32>
        %get3A_291 = arith.index_cast %add3A_192 : i32 to index
        %get3A_292 = arith.constant 112 : index
        %get3A_293 = tpu.vector_load %arg8[%get3A_291, %get3A_292] {strides = array<i32>} : memref<40x144xf32, #tpu.memory_space<vmem>>, vector<16xf32>,
        %mul3A_294 = arith.mulf %get3A_293, %gather3A_290 : vector<16xf32>
        %swap3A_295 = arith.index_cast %add3A_192 : i32 to index
        %swap3A_296 = arith.constant 112 : index
        %swap3A_297 = tpu.vector_load %arg8[%swap3A_295, %swap3A_296] {strides = array<i32>} : memref<40x144xf32, #tpu.memory_space<vmem>>, vector<16xf32>,
        tpu.vector_store %arg8[%swap3A_295, %swap3A_296], %mul3A_294 {strides = array<i32>} : memref<40x144xf32, #tpu.memory_space<vmem>>, vector<16xf32>,
        %mul3A_298 = arith.constant 4 : i32
        %mul3A_299 = arith.muli %scan3A_187, %mul3A_298 : i32
        %add3A_300 = arith.constant 1 : i32
        %add3A_301 = arith.addi %mul3A_299, %add3A_300 : i32
        %get3A_302 = arith.index_cast %add3A_301 : i32 to index
        %get3A_303 = arith.constant 128 : index
        %get3A_304 = tpu.vector_load %arg8[%get3A_302, %get3A_303] {strides = array<i32>} : memref<40x144xf32, #tpu.memory_space<vmem>>, vector<16xf32>,
        %get3A_305 = arith.index_cast %add3A_301 : i32 to index
        %get3A_306 = arith.constant 0 : index
        %get3A_307 = tpu.vector_load %arg10[%get3A_305, %get3A_306] {strides = array<i32>} : memref<40x16xf32, #tpu.memory_space<vmem>>, vector<16xf32>,
        %lt3A_308 = arith.constant 8 : i32
        %lt3A_309 = vector.broadcast %lt3A_308 : i32 to vector<16xi32>
        %lt3A_310 = arith.cmpi slt, %iota3A, %lt3A_309 : vector<16xi32>
        %add3A_311 = arith.addf %get3A_304, %get3A_307 : vector<16xf32>
        %ge3A_312 = arith.constant 0.000000e+00 : f32
        %ge3A_313 = vector.broadcast %ge3A_312 : f32 to vector<16xf32>
        %ge3A_314 = arith.cmpf oge, %add3A_311, %ge3A_313 : vector<16xf32>
        %mul3A_315 = arith.constant 2.000000e-01 : f32
        %mul3A_316 = vector.broadcast %mul3A_315 : f32 to vector<16xf32>
        %mul3A_317 = arith.mulf %add3A_311, %mul3A_316 : vector<16xf32>
        %select_n3A_318 = arith.select %ge3A_314, %add3A_311, %mul3A_317 : vector<16xi1>, vector<16xf32>
        %exp3A_319 = math.exp %select_n3A_318 : vector<16xf32>
        %jit3A_320 = arith.constant 0.000000e+00 : f32
        %broadcast_in_dim3A_321 = vector.broadcast %jit3A_320 : f32 to vector<16xf32>
        %select_n3A_322 = arith.select %lt3A_310, %exp3A_319, %broadcast_in_dim3A_321 : vector<16xi1>, vector<16xf32>
        %swap3A_323 = arith.index_cast %add3A_301 : i32 to index
        %swap3A_324 = arith.constant 128 : index
        %swap3A_325 = tpu.vector_load %arg8[%swap3A_323, %swap3A_324] {strides = array<i32>} : memref<40x144xf32, #tpu.memory_space<vmem>>, vector<16xf32>,
        tpu.vector_store %arg8[%swap3A_323, %swap3A_324], %select_n3A_322 {strides = array<i32>} : memref<40x144xf32, #tpu.memory_space<vmem>>, vector<16xf32>,
        %broadcast_in_dim3A_326 = arith.constant 0 : i32
        %broadcast_in_dim3A_327 = vector.broadcast %broadcast_in_dim3A_326 : i32 to vector<16x1xi32>
        %gather3A_328 = vector.shape_cast %broadcast_in_dim3A_327 : vector<16x1xi32> to vector<16xi32>
        %gather3A_329 = tpu.dynamic_gather %select_n3A_322[%gather3A_328] in [0] : vector<16xf32>, vector<16xi32> -> vector<16xf32>
        %get3A_330 = arith.index_cast %add3A_301 : i32 to index
        %get3A_331 = arith.constant 0 : index
        %get3A_332 = tpu.vector_load %arg8[%get3A_330, %get3A_331] {strides = array<i32>} : memref<40x144xf32, #tpu.memory_space<vmem>>, vector<16xf32>,
        %mul3A_333 = arith.mulf %get3A_332, %gather3A_329 : vector<16xf32>
        %swap3A_334 = arith.index_cast %add3A_301 : i32 to index
        %swap3A_335 = arith.constant 0 : index
        %swap3A_336 = tpu.vector_load %arg8[%swap3A_334, %swap3A_335] {strides = array<i32>} : memref<40x144xf32, #tpu.memory_space<vmem>>, vector<16xf32>,
        tpu.vector_store %arg8[%swap3A_334, %swap3A_335], %mul3A_333 {strides = array<i32>} : memref<40x144xf32, #tpu.memory_space<vmem>>, vector<16xf32>,
        %broadcast_in_dim3A_337 = arith.constant 1 : i32
        %broadcast_in_dim3A_338 = vector.broadcast %broadcast_in_dim3A_337 : i32 to vector<16x1xi32>
        %gather3A_339 = vector.shape_cast %broadcast_in_dim3A_338 : vector<16x1xi32> to vector<16xi32>
        %gather3A_340 = tpu.dynamic_gather %select_n3A_322[%gather3A_339] in [0] : vector<16xf32>, vector<16xi32> -> vector<16xf32>
        %get3A_341 = arith.index_cast %add3A_301 : i32 to index
        %get3A_342 = arith.constant 16 : index
        %get3A_343 = tpu.vector_load %arg8[%get3A_341, %get3A_342] {strides = array<i32>} : memref<40x144xf32, #tpu.memory_space<vmem>>, vector<16xf32>,
        %mul3A_344 = arith.mulf %get3A_343, %gather3A_340 : vector<16xf32>
        %swap3A_345 = arith.index_cast %add3A_301 : i32 to index
        %swap3A_346 = arith.constant 16 : index
        %swap3A_347 = tpu.vector_load %arg8[%swap3A_345, %swap3A_346] {strides = array<i32>} : memref<40x144xf32, #tpu.memory_space<vmem>>, vector<16xf32>,
        tpu.vector_store %arg8[%swap3A_345, %swap3A_346], %mul3A_344 {strides = array<i32>} : memref<40x144xf32, #tpu.memory_space<vmem>>, vector<16xf32>,
        %broadcast_in_dim3A_348 = arith.constant 2 : i32
        %broadcast_in_dim3A_349 = vector.broadcast %broadcast_in_dim3A_348 : i32 to vector<16x1xi32>
        %gather3A_350 = vector.shape_cast %broadcast_in_dim3A_349 : vector<16x1xi32> to vector<16xi32>
        %gather3A_351 = tpu.dynamic_gather %select_n3A_322[%gather3A_350] in [0] : vector<16xf32>, vector<16xi32> -> vector<16xf32>
        %get3A_352 = arith.index_cast %add3A_301 : i32 to index
        %get3A_353 = arith.constant 32 : index
        %get3A_354 = tpu.vector_load %arg8[%get3A_352, %get3A_353] {strides = array<i32>} : memref<40x144xf32, #tpu.memory_space<vmem>>, vector<16xf32>,
        %mul3A_355 = arith.mulf %get3A_354, %gather3A_351 : vector<16xf32>
        %swap3A_356 = arith.index_cast %add3A_301 : i32 to index
        %swap3A_357 = arith.constant 32 : index
        %swap3A_358 = tpu.vector_load %arg8[%swap3A_356, %swap3A_357] {strides = array<i32>} : memref<40x144xf32, #tpu.memory_space<vmem>>, vector<16xf32>,
        tpu.vector_store %arg8[%swap3A_356, %swap3A_357], %mul3A_355 {strides = array<i32>} : memref<40x144xf32, #tpu.memory_space<vmem>>, vector<16xf32>,
        %broadcast_in_dim3A_359 = arith.constant 3 : i32
        %broadcast_in_dim3A_360 = vector.broadcast %broadcast_in_dim3A_359 : i32 to vector<16x1xi32>
        %gather3A_361 = vector.shape_cast %broadcast_in_dim3A_360 : vector<16x1xi32> to vector<16xi32>
        %gather3A_362 = tpu.dynamic_gather %select_n3A_322[%gather3A_361] in [0] : vector<16xf32>, vector<16xi32> -> vector<16xf32>
        %get3A_363 = arith.index_cast %add3A_301 : i32 to index
        %get3A_364 = arith.constant 48 : index
        %get3A_365 = tpu.vector_load %arg8[%get3A_363, %get3A_364] {strides = array<i32>} : memref<40x144xf32, #tpu.memory_space<vmem>>, vector<16xf32>,
        %mul3A_366 = arith.mulf %get3A_365, %gather3A_362 : vector<16xf32>
        %swap3A_367 = arith.index_cast %add3A_301 : i32 to index
        %swap3A_368 = arith.constant 48 : index
        %swap3A_369 = tpu.vector_load %arg8[%swap3A_367, %swap3A_368] {strides = array<i32>} : memref<40x144xf32, #tpu.memory_space<vmem>>, vector<16xf32>,
        tpu.vector_store %arg8[%swap3A_367, %swap3A_368], %mul3A_366 {strides = array<i32>} : memref<40x144xf32, #tpu.memory_space<vmem>>, vector<16xf32>,
        %broadcast_in_dim3A_370 = arith.constant 4 : i32
        %broadcast_in_dim3A_371 = vector.broadcast %broadcast_in_dim3A_370 : i32 to vector<16x1xi32>
        %gather3A_372 = vector.shape_cast %broadcast_in_dim3A_371 : vector<16x1xi32> to vector<16xi32>
        %gather3A_373 = tpu.dynamic_gather %select_n3A_322[%gather3A_372] in [0] : vector<16xf32>, vector<16xi32> -> vector<16xf32>
        %get3A_374 = arith.index_cast %add3A_301 : i32 to index
        %get3A_375 = arith.constant 64 : index
        %get3A_376 = tpu.vector_load %arg8[%get3A_374, %get3A_375] {strides = array<i32>} : memref<40x144xf32, #tpu.memory_space<vmem>>, vector<16xf32>,
        %mul3A_377 = arith.mulf %get3A_376, %gather3A_373 : vector<16xf32>
        %swap3A_378 = arith.index_cast %add3A_301 : i32 to index
        %swap3A_379 = arith.constant 64 : index
        %swap3A_380 = tpu.vector_load %arg8[%swap3A_378, %swap3A_379] {strides = array<i32>} : memref<40x144xf32, #tpu.memory_space<vmem>>, vector<16xf32>,
        tpu.vector_store %arg8[%swap3A_378, %swap3A_379], %mul3A_377 {strides = array<i32>} : memref<40x144xf32, #tpu.memory_space<vmem>>, vector<16xf32>,
        %broadcast_in_dim3A_381 = arith.constant 5 : i32
        %broadcast_in_dim3A_382 = vector.broadcast %broadcast_in_dim3A_381 : i32 to vector<16x1xi32>
        %gather3A_383 = vector.shape_cast %broadcast_in_dim3A_382 : vector<16x1xi32> to vector<16xi32>
        %gather3A_384 = tpu.dynamic_gather %select_n3A_322[%gather3A_383] in [0] : vector<16xf32>, vector<16xi32> -> vector<16xf32>
        %get3A_385 = arith.index_cast %add3A_301 : i32 to index
        %get3A_386 = arith.constant 80 : index
        %get3A_387 = tpu.vector_load %arg8[%get3A_385, %get3A_386] {strides = array<i32>} : memref<40x144xf32, #tpu.memory_space<vmem>>, vector<16xf32>,
        %mul3A_388 = arith.mulf %get3A_387, %gather3A_384 : vector<16xf32>
        %swap3A_389 = arith.index_cast %add3A_301 : i32 to index
        %swap3A_390 = arith.constant 80 : index
        %swap3A_391 = tpu.vector_load %arg8[%swap3A_389, %swap3A_390] {strides = array<i32>} : memref<40x144xf32, #tpu.memory_space<vmem>>, vector<16xf32>,
        tpu.vector_store %arg8[%swap3A_389, %swap3A_390], %mul3A_388 {strides = array<i32>} : memref<40x144xf32, #tpu.memory_space<vmem>>, vector<16xf32>,
        %broadcast_in_dim3A_392 = arith.constant 6 : i32
        %broadcast_in_dim3A_393 = vector.broadcast %broadcast_in_dim3A_392 : i32 to vector<16x1xi32>
        %gather3A_394 = vector.shape_cast %broadcast_in_dim3A_393 : vector<16x1xi32> to vector<16xi32>
        %gather3A_395 = tpu.dynamic_gather %select_n3A_322[%gather3A_394] in [0] : vector<16xf32>, vector<16xi32> -> vector<16xf32>
        %get3A_396 = arith.index_cast %add3A_301 : i32 to index
        %get3A_397 = arith.constant 96 : index
        %get3A_398 = tpu.vector_load %arg8[%get3A_396, %get3A_397] {strides = array<i32>} : memref<40x144xf32, #tpu.memory_space<vmem>>, vector<16xf32>,
        %mul3A_399 = arith.mulf %get3A_398, %gather3A_395 : vector<16xf32>
        %swap3A_400 = arith.index_cast %add3A_301 : i32 to index
        %swap3A_401 = arith.constant 96 : index
        %swap3A_402 = tpu.vector_load %arg8[%swap3A_400, %swap3A_401] {strides = array<i32>} : memref<40x144xf32, #tpu.memory_space<vmem>>, vector<16xf32>,
        tpu.vector_store %arg8[%swap3A_400, %swap3A_401], %mul3A_399 {strides = array<i32>} : memref<40x144xf32, #tpu.memory_space<vmem>>, vector<16xf32>,
        %broadcast_in_dim3A_403 = arith.constant 7 : i32
        %broadcast_in_dim3A_404 = vector.broadcast %broadcast_in_dim3A_403 : i32 to vector<16x1xi32>
        %gather3A_405 = vector.shape_cast %broadcast_in_dim3A_404 : vector<16x1xi32> to vector<16xi32>
        %gather3A_406 = tpu.dynamic_gather %select_n3A_322[%gather3A_405] in [0] : vector<16xf32>, vector<16xi32> -> vector<16xf32>
        %get3A_407 = arith.index_cast %add3A_301 : i32 to index
        %get3A_408 = arith.constant 112 : index
        %get3A_409 = tpu.vector_load %arg8[%get3A_407, %get3A_408] {strides = array<i32>} : memref<40x144xf32, #tpu.memory_space<vmem>>, vector<16xf32>,
        %mul3A_410 = arith.mulf %get3A_409, %gather3A_406 : vector<16xf32>
        %swap3A_411 = arith.index_cast %add3A_301 : i32 to index
        %swap3A_412 = arith.constant 112 : index
        %swap3A_413 = tpu.vector_load %arg8[%swap3A_411, %swap3A_412] {strides = array<i32>} : memref<40x144xf32, #tpu.memory_space<vmem>>, vector<16xf32>,
        tpu.vector_store %arg8[%swap3A_411, %swap3A_412], %mul3A_410 {strides = array<i32>} : memref<40x144xf32, #tpu.memory_space<vmem>>, vector<16xf32>,
        %mul3A_414 = arith.constant 4 : i32
        %mul3A_415 = arith.muli %scan3A_187, %mul3A_414 : i32
        %add3A_416 = arith.constant 2 : i32
        %add3A_417 = arith.addi %mul3A_415, %add3A_416 : i32
        %get3A_418 = arith.index_cast %add3A_417 : i32 to index
        %get3A_419 = arith.constant 128 : index
        %get3A_420 = tpu.vector_load %arg8[%get3A_418, %get3A_419] {strides = array<i32>} : memref<40x144xf32, #tpu.memory_space<vmem>>, vector<16xf32>,
        %get3A_421 = arith.index_cast %add3A_417 : i32 to index
        %get3A_422 = arith.constant 0 : index
        %get3A_423 = tpu.vector_load %arg10[%get3A_421, %get3A_422] {strides = array<i32>} : memref<40x16xf32, #tpu.memory_space<vmem>>, vector<16xf32>,
        %lt3A_424 = arith.constant 8 : i32
        %lt3A_425 = vector.broadcast %lt3A_424 : i32 to vector<16xi32>
        %lt3A_426 = arith.cmpi slt, %iota3A, %lt3A_425 : vector<16xi32>
        %add3A_427 = arith.addf %get3A_420, %get3A_423 : vector<16xf32>
        %ge3A_428 = arith.constant 0.000000e+00 : f32
        %ge3A_429 = vector.broadcast %ge3A_428 : f32 to vector<16xf32>
        %ge3A_430 = arith.cmpf oge, %add3A_427, %ge3A_429 : vector<16xf32>
        %mul3A_431 = arith.constant 2.000000e-01 : f32
        %mul3A_432 = vector.broadcast %mul3A_431 : f32 to vector<16xf32>
        %mul3A_433 = arith.mulf %add3A_427, %mul3A_432 : vector<16xf32>
        %select_n3A_434 = arith.select %ge3A_430, %add3A_427, %mul3A_433 : vector<16xi1>, vector<16xf32>
        %exp3A_435 = math.exp %select_n3A_434 : vector<16xf32>
        %jit3A_436 = arith.constant 0.000000e+00 : f32
        %broadcast_in_dim3A_437 = vector.broadcast %jit3A_436 : f32 to vector<16xf32>
        %select_n3A_438 = arith.select %lt3A_426, %exp3A_435, %broadcast_in_dim3A_437 : vector<16xi1>, vector<16xf32>
        %swap3A_439 = arith.index_cast %add3A_417 : i32 to index
        %swap3A_440 = arith.constant 128 : index
        %swap3A_441 = tpu.vector_load %arg8[%swap3A_439, %swap3A_440] {strides = array<i32>} : memref<40x144xf32, #tpu.memory_space<vmem>>, vector<16xf32>,
        tpu.vector_store %arg8[%swap3A_439, %swap3A_440], %select_n3A_438 {strides = array<i32>} : memref<40x144xf32, #tpu.memory_space<vmem>>, vector<16xf32>,
        %broadcast_in_dim3A_442 = arith.constant 0 : i32
        %broadcast_in_dim3A_443 = vector.broadcast %broadcast_in_dim3A_442 : i32 to vector<16x1xi32>
        %gather3A_444 = vector.shape_cast %broadcast_in_dim3A_443 : vector<16x1xi32> to vector<16xi32>
        %gather3A_445 = tpu.dynamic_gather %select_n3A_438[%gather3A_444] in [0] : vector<16xf32>, vector<16xi32> -> vector<16xf32>
        %get3A_446 = arith.index_cast %add3A_417 : i32 to index
        %get3A_447 = arith.constant 0 : index
        %get3A_448 = tpu.vector_load %arg8[%get3A_446, %get3A_447] {strides = array<i32>} : memref<40x144xf32, #tpu.memory_space<vmem>>, vector<16xf32>,
        %mul3A_449 = arith.mulf %get3A_448, %gather3A_445 : vector<16xf32>
        %swap3A_450 = arith.index_cast %add3A_417 : i32 to index
        %swap3A_451 = arith.constant 0 : index
        %swap3A_452 = tpu.vector_load %arg8[%swap3A_450, %swap3A_451] {strides = array<i32>} : memref<40x144xf32, #tpu.memory_space<vmem>>, vector<16xf32>,
        tpu.vector_store %arg8[%swap3A_450, %swap3A_451], %mul3A_449 {strides = array<i32>} : memref<40x144xf32, #tpu.memory_space<vmem>>, vector<16xf32>,
        %broadcast_in_dim3A_453 = arith.constant 1 : i32
        %broadcast_in_dim3A_454 = vector.broadcast %broadcast_in_dim3A_453 : i32 to vector<16x1xi32>
        %gather3A_455 = vector.shape_cast %broadcast_in_dim3A_454 : vector<16x1xi32> to vector<16xi32>
        %gather3A_456 = tpu.dynamic_gather %select_n3A_438[%gather3A_455] in [0] : vector<16xf32>, vector<16xi32> -> vector<16xf32>
        %get3A_457 = arith.index_cast %add3A_417 : i32 to index
        %get3A_458 = arith.constant 16 : index
        %get3A_459 = tpu.vector_load %arg8[%get3A_457, %get3A_458] {strides = array<i32>} : memref<40x144xf32, #tpu.memory_space<vmem>>, vector<16xf32>,
        %mul3A_460 = arith.mulf %get3A_459, %gather3A_456 : vector<16xf32>
        %swap3A_461 = arith.index_cast %add3A_417 : i32 to index
        %swap3A_462 = arith.constant 16 : index
        %swap3A_463 = tpu.vector_load %arg8[%swap3A_461, %swap3A_462] {strides = array<i32>} : memref<40x144xf32, #tpu.memory_space<vmem>>, vector<16xf32>,
        tpu.vector_store %arg8[%swap3A_461, %swap3A_462], %mul3A_460 {strides = array<i32>} : memref<40x144xf32, #tpu.memory_space<vmem>>, vector<16xf32>,
        %broadcast_in_dim3A_464 = arith.constant 2 : i32
        %broadcast_in_dim3A_465 = vector.broadcast %broadcast_in_dim3A_464 : i32 to vector<16x1xi32>
        %gather3A_466 = vector.shape_cast %broadcast_in_dim3A_465 : vector<16x1xi32> to vector<16xi32>
        %gather3A_467 = tpu.dynamic_gather %select_n3A_438[%gather3A_466] in [0] : vector<16xf32>, vector<16xi32> -> vector<16xf32>
        %get3A_468 = arith.index_cast %add3A_417 : i32 to index
        %get3A_469 = arith.constant 32 : index
        %get3A_470 = tpu.vector_load %arg8[%get3A_468, %get3A_469] {strides = array<i32>} : memref<40x144xf32, #tpu.memory_space<vmem>>, vector<16xf32>,
        %mul3A_471 = arith.mulf %get3A_470, %gather3A_467 : vector<16xf32>
        %swap3A_472 = arith.index_cast %add3A_417 : i32 to index
        %swap3A_473 = arith.constant 32 : index
        %swap3A_474 = tpu.vector_load %arg8[%swap3A_472, %swap3A_473] {strides = array<i32>} : memref<40x144xf32, #tpu.memory_space<vmem>>, vector<16xf32>,
        tpu.vector_store %arg8[%swap3A_472, %swap3A_473], %mul3A_471 {strides = array<i32>} : memref<40x144xf32, #tpu.memory_space<vmem>>, vector<16xf32>,
        %broadcast_in_dim3A_475 = arith.constant 3 : i32
        %broadcast_in_dim3A_476 = vector.broadcast %broadcast_in_dim3A_475 : i32 to vector<16x1xi32>
        %gather3A_477 = vector.shape_cast %broadcast_in_dim3A_476 : vector<16x1xi32> to vector<16xi32>
        %gather3A_478 = tpu.dynamic_gather %select_n3A_438[%gather3A_477] in [0] : vector<16xf32>, vector<16xi32> -> vector<16xf32>
        %get3A_479 = arith.index_cast %add3A_417 : i32 to index
        %get3A_480 = arith.constant 48 : index
        %get3A_481 = tpu.vector_load %arg8[%get3A_479, %get3A_480] {strides = array<i32>} : memref<40x144xf32, #tpu.memory_space<vmem>>, vector<16xf32>,
        %mul3A_482 = arith.mulf %get3A_481, %gather3A_478 : vector<16xf32>
        %swap3A_483 = arith.index_cast %add3A_417 : i32 to index
        %swap3A_484 = arith.constant 48 : index
        %swap3A_485 = tpu.vector_load %arg8[%swap3A_483, %swap3A_484] {strides = array<i32>} : memref<40x144xf32, #tpu.memory_space<vmem>>, vector<16xf32>,
        tpu.vector_store %arg8[%swap3A_483, %swap3A_484], %mul3A_482 {strides = array<i32>} : memref<40x144xf32, #tpu.memory_space<vmem>>, vector<16xf32>,
        %broadcast_in_dim3A_486 = arith.constant 4 : i32
        %broadcast_in_dim3A_487 = vector.broadcast %broadcast_in_dim3A_486 : i32 to vector<16x1xi32>
        %gather3A_488 = vector.shape_cast %broadcast_in_dim3A_487 : vector<16x1xi32> to vector<16xi32>
        %gather3A_489 = tpu.dynamic_gather %select_n3A_438[%gather3A_488] in [0] : vector<16xf32>, vector<16xi32> -> vector<16xf32>
        %get3A_490 = arith.index_cast %add3A_417 : i32 to index
        %get3A_491 = arith.constant 64 : index
        %get3A_492 = tpu.vector_load %arg8[%get3A_490, %get3A_491] {strides = array<i32>} : memref<40x144xf32, #tpu.memory_space<vmem>>, vector<16xf32>,
        %mul3A_493 = arith.mulf %get3A_492, %gather3A_489 : vector<16xf32>
        %swap3A_494 = arith.index_cast %add3A_417 : i32 to index
        %swap3A_495 = arith.constant 64 : index
        %swap3A_496 = tpu.vector_load %arg8[%swap3A_494, %swap3A_495] {strides = array<i32>} : memref<40x144xf32, #tpu.memory_space<vmem>>, vector<16xf32>,
        tpu.vector_store %arg8[%swap3A_494, %swap3A_495], %mul3A_493 {strides = array<i32>} : memref<40x144xf32, #tpu.memory_space<vmem>>, vector<16xf32>,
        %broadcast_in_dim3A_497 = arith.constant 5 : i32
        %broadcast_in_dim3A_498 = vector.broadcast %broadcast_in_dim3A_497 : i32 to vector<16x1xi32>
        %gather3A_499 = vector.shape_cast %broadcast_in_dim3A_498 : vector<16x1xi32> to vector<16xi32>
        %gather3A_500 = tpu.dynamic_gather %select_n3A_438[%gather3A_499] in [0] : vector<16xf32>, vector<16xi32> -> vector<16xf32>
        %get3A_501 = arith.index_cast %add3A_417 : i32 to index
        %get3A_502 = arith.constant 80 : index
        %get3A_503 = tpu.vector_load %arg8[%get3A_501, %get3A_502] {strides = array<i32>} : memref<40x144xf32, #tpu.memory_space<vmem>>, vector<16xf32>,
        %mul3A_504 = arith.mulf %get3A_503, %gather3A_500 : vector<16xf32>
        %swap3A_505 = arith.index_cast %add3A_417 : i32 to index
        %swap3A_506 = arith.constant 80 : index
        %swap3A_507 = tpu.vector_load %arg8[%swap3A_505, %swap3A_506] {strides = array<i32>} : memref<40x144xf32, #tpu.memory_space<vmem>>, vector<16xf32>,
        tpu.vector_store %arg8[%swap3A_505, %swap3A_506], %mul3A_504 {strides = array<i32>} : memref<40x144xf32, #tpu.memory_space<vmem>>, vector<16xf32>,
        %broadcast_in_dim3A_508 = arith.constant 6 : i32
        %broadcast_in_dim3A_509 = vector.broadcast %broadcast_in_dim3A_508 : i32 to vector<16x1xi32>
        %gather3A_510 = vector.shape_cast %broadcast_in_dim3A_509 : vector<16x1xi32> to vector<16xi32>
        %gather3A_511 = tpu.dynamic_gather %select_n3A_438[%gather3A_510] in [0] : vector<16xf32>, vector<16xi32> -> vector<16xf32>
        %get3A_512 = arith.index_cast %add3A_417 : i32 to index
        %get3A_513 = arith.constant 96 : index
        %get3A_514 = tpu.vector_load %arg8[%get3A_512, %get3A_513] {strides = array<i32>} : memref<40x144xf32, #tpu.memory_space<vmem>>, vector<16xf32>,
        %mul3A_515 = arith.mulf %get3A_514, %gather3A_511 : vector<16xf32>
        %swap3A_516 = arith.index_cast %add3A_417 : i32 to index
        %swap3A_517 = arith.constant 96 : index
        %swap3A_518 = tpu.vector_load %arg8[%swap3A_516, %swap3A_517] {strides = array<i32>} : memref<40x144xf32, #tpu.memory_space<vmem>>, vector<16xf32>,
        tpu.vector_store %arg8[%swap3A_516, %swap3A_517], %mul3A_515 {strides = array<i32>} : memref<40x144xf32, #tpu.memory_space<vmem>>, vector<16xf32>,
        %broadcast_in_dim3A_519 = arith.constant 7 : i32
        %broadcast_in_dim3A_520 = vector.broadcast %broadcast_in_dim3A_519 : i32 to vector<16x1xi32>
        %gather3A_521 = vector.shape_cast %broadcast_in_dim3A_520 : vector<16x1xi32> to vector<16xi32>
        %gather3A_522 = tpu.dynamic_gather %select_n3A_438[%gather3A_521] in [0] : vector<16xf32>, vector<16xi32> -> vector<16xf32>
        %get3A_523 = arith.index_cast %add3A_417 : i32 to index
        %get3A_524 = arith.constant 112 : index
        %get3A_525 = tpu.vector_load %arg8[%get3A_523, %get3A_524] {strides = array<i32>} : memref<40x144xf32, #tpu.memory_space<vmem>>, vector<16xf32>,
        %mul3A_526 = arith.mulf %get3A_525, %gather3A_522 : vector<16xf32>
        %swap3A_527 = arith.index_cast %add3A_417 : i32 to index
        %swap3A_528 = arith.constant 112 : index
        %swap3A_529 = tpu.vector_load %arg8[%swap3A_527, %swap3A_528] {strides = array<i32>} : memref<40x144xf32, #tpu.memory_space<vmem>>, vector<16xf32>,
        tpu.vector_store %arg8[%swap3A_527, %swap3A_528], %mul3A_526 {strides = array<i32>} : memref<40x144xf32, #tpu.memory_space<vmem>>, vector<16xf32>,
        %mul3A_530 = arith.constant 4 : i32
        %mul3A_531 = arith.muli %scan3A_187, %mul3A_530 : i32
        %add3A_532 = arith.constant 3 : i32
        %add3A_533 = arith.addi %mul3A_531, %add3A_532 : i32
        %get3A_534 = arith.index_cast %add3A_533 : i32 to index
        %get3A_535 = arith.constant 128 : index
        %get3A_536 = tpu.vector_load %arg8[%get3A_534, %get3A_535] {strides = array<i32>} : memref<40x144xf32, #tpu.memory_space<vmem>>, vector<16xf32>,
        %get3A_537 = arith.index_cast %add3A_533 : i32 to index
        %get3A_538 = arith.constant 0 : index
        %get3A_539 = tpu.vector_load %arg10[%get3A_537, %get3A_538] {strides = array<i32>} : memref<40x16xf32, #tpu.memory_space<vmem>>, vector<16xf32>,
        %lt3A_540 = arith.constant 8 : i32
        %lt3A_541 = vector.broadcast %lt3A_540 : i32 to vector<16xi32>
        %lt3A_542 = arith.cmpi slt, %iota3A, %lt3A_541 : vector<16xi32>
        %add3A_543 = arith.addf %get3A_536, %get3A_539 : vector<16xf32>
        %ge3A_544 = arith.constant 0.000000e+00 : f32
        %ge3A_545 = vector.broadcast %ge3A_544 : f32 to vector<16xf32>
        %ge3A_546 = arith.cmpf oge, %add3A_543, %ge3A_545 : vector<16xf32>
        %mul3A_547 = arith.constant 2.000000e-01 : f32
        %mul3A_548 = vector.broadcast %mul3A_547 : f32 to vector<16xf32>
        %mul3A_549 = arith.mulf %add3A_543, %mul3A_548 : vector<16xf32>
        %select_n3A_550 = arith.select %ge3A_546, %add3A_543, %mul3A_549 : vector<16xi1>, vector<16xf32>
        %exp3A_551 = math.exp %select_n3A_550 : vector<16xf32>
        %jit3A_552 = arith.constant 0.000000e+00 : f32
        %broadcast_in_dim3A_553 = vector.broadcast %jit3A_552 : f32 to vector<16xf32>
        %select_n3A_554 = arith.select %lt3A_542, %exp3A_551, %broadcast_in_dim3A_553 : vector<16xi1>, vector<16xf32>
        %swap3A_555 = arith.index_cast %add3A_533 : i32 to index
        %swap3A_556 = arith.constant 128 : index
        %swap3A_557 = tpu.vector_load %arg8[%swap3A_555, %swap3A_556] {strides = array<i32>} : memref<40x144xf32, #tpu.memory_space<vmem>>, vector<16xf32>,
        tpu.vector_store %arg8[%swap3A_555, %swap3A_556], %select_n3A_554 {strides = array<i32>} : memref<40x144xf32, #tpu.memory_space<vmem>>, vector<16xf32>,
        %broadcast_in_dim3A_558 = arith.constant 0 : i32
        %broadcast_in_dim3A_559 = vector.broadcast %broadcast_in_dim3A_558 : i32 to vector<16x1xi32>
        %gather3A_560 = vector.shape_cast %broadcast_in_dim3A_559 : vector<16x1xi32> to vector<16xi32>
        %gather3A_561 = tpu.dynamic_gather %select_n3A_554[%gather3A_560] in [0] : vector<16xf32>, vector<16xi32> -> vector<16xf32>
        %get3A_562 = arith.index_cast %add3A_533 : i32 to index
        %get3A_563 = arith.constant 0 : index
        %get3A_564 = tpu.vector_load %arg8[%get3A_562, %get3A_563] {strides = array<i32>} : memref<40x144xf32, #tpu.memory_space<vmem>>, vector<16xf32>,
        %mul3A_565 = arith.mulf %get3A_564, %gather3A_561 : vector<16xf32>
        %swap3A_566 = arith.index_cast %add3A_533 : i32 to index
        %swap3A_567 = arith.constant 0 : index
        %swap3A_568 = tpu.vector_load %arg8[%swap3A_566, %swap3A_567] {strides = array<i32>} : memref<40x144xf32, #tpu.memory_space<vmem>>, vector<16xf32>,
        tpu.vector_store %arg8[%swap3A_566, %swap3A_567], %mul3A_565 {strides = array<i32>} : memref<40x144xf32, #tpu.memory_space<vmem>>, vector<16xf32>,
        %broadcast_in_dim3A_569 = arith.constant 1 : i32
        %broadcast_in_dim3A_570 = vector.broadcast %broadcast_in_dim3A_569 : i32 to vector<16x1xi32>
        %gather3A_571 = vector.shape_cast %broadcast_in_dim3A_570 : vector<16x1xi32> to vector<16xi32>
        %gather3A_572 = tpu.dynamic_gather %select_n3A_554[%gather3A_571] in [0] : vector<16xf32>, vector<16xi32> -> vector<16xf32>
        %get3A_573 = arith.index_cast %add3A_533 : i32 to index
        %get3A_574 = arith.constant 16 : index
        %get3A_575 = tpu.vector_load %arg8[%get3A_573, %get3A_574] {strides = array<i32>} : memref<40x144xf32, #tpu.memory_space<vmem>>, vector<16xf32>,
        %mul3A_576 = arith.mulf %get3A_575, %gather3A_572 : vector<16xf32>
        %swap3A_577 = arith.index_cast %add3A_533 : i32 to index
        %swap3A_578 = arith.constant 16 : index
        %swap3A_579 = tpu.vector_load %arg8[%swap3A_577, %swap3A_578] {strides = array<i32>} : memref<40x144xf32, #tpu.memory_space<vmem>>, vector<16xf32>,
        tpu.vector_store %arg8[%swap3A_577, %swap3A_578], %mul3A_576 {strides = array<i32>} : memref<40x144xf32, #tpu.memory_space<vmem>>, vector<16xf32>,
        %broadcast_in_dim3A_580 = arith.constant 2 : i32
        %broadcast_in_dim3A_581 = vector.broadcast %broadcast_in_dim3A_580 : i32 to vector<16x1xi32>
        %gather3A_582 = vector.shape_cast %broadcast_in_dim3A_581 : vector<16x1xi32> to vector<16xi32>
        %gather3A_583 = tpu.dynamic_gather %select_n3A_554[%gather3A_582] in [0] : vector<16xf32>, vector<16xi32> -> vector<16xf32>
        %get3A_584 = arith.index_cast %add3A_533 : i32 to index
        %get3A_585 = arith.constant 32 : index
        %get3A_586 = tpu.vector_load %arg8[%get3A_584, %get3A_585] {strides = array<i32>} : memref<40x144xf32, #tpu.memory_space<vmem>>, vector<16xf32>,
        %mul3A_587 = arith.mulf %get3A_586, %gather3A_583 : vector<16xf32>
        %swap3A_588 = arith.index_cast %add3A_533 : i32 to index
        %swap3A_589 = arith.constant 32 : index
        %swap3A_590 = tpu.vector_load %arg8[%swap3A_588, %swap3A_589] {strides = array<i32>} : memref<40x144xf32, #tpu.memory_space<vmem>>, vector<16xf32>,
        tpu.vector_store %arg8[%swap3A_588, %swap3A_589], %mul3A_587 {strides = array<i32>} : memref<40x144xf32, #tpu.memory_space<vmem>>, vector<16xf32>,
        %broadcast_in_dim3A_591 = arith.constant 3 : i32
        %broadcast_in_dim3A_592 = vector.broadcast %broadcast_in_dim3A_591 : i32 to vector<16x1xi32>
        %gather3A_593 = vector.shape_cast %broadcast_in_dim3A_592 : vector<16x1xi32> to vector<16xi32>
        %gather3A_594 = tpu.dynamic_gather %select_n3A_554[%gather3A_593] in [0] : vector<16xf32>, vector<16xi32> -> vector<16xf32>
        %get3A_595 = arith.index_cast %add3A_533 : i32 to index
        %get3A_596 = arith.constant 48 : index
        %get3A_597 = tpu.vector_load %arg8[%get3A_595, %get3A_596] {strides = array<i32>} : memref<40x144xf32, #tpu.memory_space<vmem>>, vector<16xf32>,
        %mul3A_598 = arith.mulf %get3A_597, %gather3A_594 : vector<16xf32>
        %swap3A_599 = arith.index_cast %add3A_533 : i32 to index
        %swap3A_600 = arith.constant 48 : index
        %swap3A_601 = tpu.vector_load %arg8[%swap3A_599, %swap3A_600] {strides = array<i32>} : memref<40x144xf32, #tpu.memory_space<vmem>>, vector<16xf32>,
        tpu.vector_store %arg8[%swap3A_599, %swap3A_600], %mul3A_598 {strides = array<i32>} : memref<40x144xf32, #tpu.memory_space<vmem>>, vector<16xf32>,
        %broadcast_in_dim3A_602 = arith.constant 4 : i32
        %broadcast_in_dim3A_603 = vector.broadcast %broadcast_in_dim3A_602 : i32 to vector<16x1xi32>
        %gather3A_604 = vector.shape_cast %broadcast_in_dim3A_603 : vector<16x1xi32> to vector<16xi32>
        %gather3A_605 = tpu.dynamic_gather %select_n3A_554[%gather3A_604] in [0] : vector<16xf32>, vector<16xi32> -> vector<16xf32>
        %get3A_606 = arith.index_cast %add3A_533 : i32 to index
        %get3A_607 = arith.constant 64 : index
        %get3A_608 = tpu.vector_load %arg8[%get3A_606, %get3A_607] {strides = array<i32>} : memref<40x144xf32, #tpu.memory_space<vmem>>, vector<16xf32>,
        %mul3A_609 = arith.mulf %get3A_608, %gather3A_605 : vector<16xf32>
        %swap3A_610 = arith.index_cast %add3A_533 : i32 to index
        %swap3A_611 = arith.constant 64 : index
        %swap3A_612 = tpu.vector_load %arg8[%swap3A_610, %swap3A_611] {strides = array<i32>} : memref<40x144xf32, #tpu.memory_space<vmem>>, vector<16xf32>,
        tpu.vector_store %arg8[%swap3A_610, %swap3A_611], %mul3A_609 {strides = array<i32>} : memref<40x144xf32, #tpu.memory_space<vmem>>, vector<16xf32>,
        %broadcast_in_dim3A_613 = arith.constant 5 : i32
        %broadcast_in_dim3A_614 = vector.broadcast %broadcast_in_dim3A_613 : i32 to vector<16x1xi32>
        %gather3A_615 = vector.shape_cast %broadcast_in_dim3A_614 : vector<16x1xi32> to vector<16xi32>
        %gather3A_616 = tpu.dynamic_gather %select_n3A_554[%gather3A_615] in [0] : vector<16xf32>, vector<16xi32> -> vector<16xf32>
        %get3A_617 = arith.index_cast %add3A_533 : i32 to index
        %get3A_618 = arith.constant 80 : index
        %get3A_619 = tpu.vector_load %arg8[%get3A_617, %get3A_618] {strides = array<i32>} : memref<40x144xf32, #tpu.memory_space<vmem>>, vector<16xf32>,
        %mul3A_620 = arith.mulf %get3A_619, %gather3A_616 : vector<16xf32>
        %swap3A_621 = arith.index_cast %add3A_533 : i32 to index
        %swap3A_622 = arith.constant 80 : index
        %swap3A_623 = tpu.vector_load %arg8[%swap3A_621, %swap3A_622] {strides = array<i32>} : memref<40x144xf32, #tpu.memory_space<vmem>>, vector<16xf32>,
        tpu.vector_store %arg8[%swap3A_621, %swap3A_622], %mul3A_620 {strides = array<i32>} : memref<40x144xf32, #tpu.memory_space<vmem>>, vector<16xf32>,
        %broadcast_in_dim3A_624 = arith.constant 6 : i32
        %broadcast_in_dim3A_625 = vector.broadcast %broadcast_in_dim3A_624 : i32 to vector<16x1xi32>
        %gather3A_626 = vector.shape_cast %broadcast_in_dim3A_625 : vector<16x1xi32> to vector<16xi32>
        %gather3A_627 = tpu.dynamic_gather %select_n3A_554[%gather3A_626] in [0] : vector<16xf32>, vector<16xi32> -> vector<16xf32>
        %get3A_628 = arith.index_cast %add3A_533 : i32 to index
        %get3A_629 = arith.constant 96 : index
        %get3A_630 = tpu.vector_load %arg8[%get3A_628, %get3A_629] {strides = array<i32>} : memref<40x144xf32, #tpu.memory_space<vmem>>, vector<16xf32>,
        %mul3A_631 = arith.mulf %get3A_630, %gather3A_627 : vector<16xf32>
        %swap3A_632 = arith.index_cast %add3A_533 : i32 to index
        %swap3A_633 = arith.constant 96 : index
        %swap3A_634 = tpu.vector_load %arg8[%swap3A_632, %swap3A_633] {strides = array<i32>} : memref<40x144xf32, #tpu.memory_space<vmem>>, vector<16xf32>,
        tpu.vector_store %arg8[%swap3A_632, %swap3A_633], %mul3A_631 {strides = array<i32>} : memref<40x144xf32, #tpu.memory_space<vmem>>, vector<16xf32>,
        %broadcast_in_dim3A_635 = arith.constant 7 : i32
        %broadcast_in_dim3A_636 = vector.broadcast %broadcast_in_dim3A_635 : i32 to vector<16x1xi32>
        %gather3A_637 = vector.shape_cast %broadcast_in_dim3A_636 : vector<16x1xi32> to vector<16xi32>
        %gather3A_638 = tpu.dynamic_gather %select_n3A_554[%gather3A_637] in [0] : vector<16xf32>, vector<16xi32> -> vector<16xf32>
        %get3A_639 = arith.index_cast %add3A_533 : i32 to index
        %get3A_640 = arith.constant 112 : index
        %get3A_641 = tpu.vector_load %arg8[%get3A_639, %get3A_640] {strides = array<i32>} : memref<40x144xf32, #tpu.memory_space<vmem>>, vector<16xf32>,
        %mul3A_642 = arith.mulf %get3A_641, %gather3A_638 : vector<16xf32>
        %swap3A_643 = arith.index_cast %add3A_533 : i32 to index
        %swap3A_644 = arith.constant 112 : index
        %swap3A_645 = tpu.vector_load %arg8[%swap3A_643, %swap3A_644] {strides = array<i32>} : memref<40x144xf32, #tpu.memory_space<vmem>>, vector<16xf32>,
        tpu.vector_store %arg8[%swap3A_643, %swap3A_644], %mul3A_642 {strides = array<i32>} : memref<40x144xf32, #tpu.memory_space<vmem>>, vector<16xf32>,
        %scan3A_646 = arith.constant 0 : i32
        scf.yield %scan3A_646 : i32
      }
      %scan3A_179 = arith.constant 10 : i32
      %dma_start3A_180 = arith.constant 0 : i32
      %dma_start3A_181 = tpu.memref_slice %arg12[%add3A_146, %dma_start3A_180] : memref<250x40xi32, #tpu.memory_space<vmem>> -> memref<1x40xi32, #tpu.memory_space<vmem>>
      %dma_start3A_182 = tpu.memref_squeeze %dma_start3A_181 : memref<1x40xi32, #tpu.memory_space<vmem>> -> memref<40xi32, #tpu.memory_space<vmem>>
      %dma_start3A_183 = arith.constant 0 : i32
      %dma_start3A_184 = arith.constant 0 : i32
      %dma_start3A_185 = tpu.memref_slice %arg13[%dma_start3A_183, %dma_start3A_184] : memref<10240x144xf32, #tpu.memory_space<vmem_shared>> -> memref<10240x144xf32, #tpu.memory_space<vmem_shared>>
      tpu.enqueue_indirect_dma source(%arg8 : memref<40x144xf32, #tpu.memory_space<vmem>>) target(%dma_start3A_185 : memref<10240x144xf32, #tpu.memory_space<vmem_shared>>) offsets(%dma_start3A_182 : memref<40xi32, #tpu.memory_space<vmem>>) semaphore(%arg16 : memref<!tpu.dma_semaphore, #tpu.memory_space<semaphore_mem>>) {add = true}
      %scan3A_186 = arith.constant 0 : i32
      scf.yield %scan3A_186 : i32
    }
    %scan3A_90 = arith.constant 125 : i32
    %dma_wait3A = arith.constant 0 : i32
    %dma_wait3A_91 = arith.constant 0 : i32
    %dma_wait3A_92 = tpu.memref_slice %arg12[%dma_wait3A, %dma_wait3A_91] : memref<250x40xi32, #tpu.memory_space<vmem>> -> memref<1x40xi32, #tpu.memory_space<vmem>>
    %dma_wait3A_93 = tpu.memref_squeeze %dma_wait3A_92 : memref<1x40xi32, #tpu.memory_space<vmem>> -> memref<40xi32, #tpu.memory_space<vmem>>
    %dma_wait3A_94 = arith.constant 0 : i32
    %dma_wait3A_95 = arith.constant 0 : i32
    %dma_wait3A_96 = tpu.memref_slice %arg13[%dma_wait3A_94, %dma_wait3A_95] : memref<10240x144xf32, #tpu.memory_space<vmem_shared>> -> memref<10240x144xf32, #tpu.memory_space<vmem_shared>>
    tpu.wait_indirect_dma semaphore(%arg16 : memref<!tpu.dma_semaphore, #tpu.memory_space<semaphore_mem>>) src(%arg8 : memref<40x144xf32, #tpu.memory_space<vmem>>) dst(%dma_wait3A_96 : memref<10240x144xf32, #tpu.memory_space<vmem_shared>>)
    %barrier3A_97 = arith.constant 0 : index
    tpu.barrier barrier_id(%barrier3A_97)
    %mul3A_98 = arith.constant 640 : i32
    %mul3A_99 = arith.muli %arg1, %mul3A_98 : i32
    %mul3A_100 = arith.constant 640 : i32
    %mul3A_101 = arith.muli %arg1, %mul3A_100 : i32
    "tpu.region"() ({
      %run_scoped3A = tpu.sem_alloc : memref<!tpu.dma_semaphore, #tpu.memory_space<semaphore_mem>>
      %dma_start3A_102 = arith.constant 0 : i32
      %dma_start3A_103 = tpu.memref_slice %arg6[%arg0, %mul3A_101, %dma_start3A_102] : memref<2x10240x144xf32, #tpu.memory_space<hbm>> -> memref<1x640x144xf32, #tpu.memory_space<hbm>>
      %dma_start3A_104 = tpu.memref_squeeze %dma_start3A_103 : memref<1x640x144xf32, #tpu.memory_space<hbm>> -> memref<640x144xf32, #tpu.memory_space<hbm>>
      %dma_start3A_105 = arith.constant 0 : i32
      %dma_start3A_106 = tpu.memref_slice %arg13[%mul3A_99, %dma_start3A_105] : memref<10240x144xf32, #tpu.memory_space<vmem_shared>> -> memref<640x144xf32, #tpu.memory_space<vmem_shared>>
      tpu.enqueue_dma source(%dma_start3A_106 : memref<640x144xf32, #tpu.memory_space<vmem_shared>>) target(%dma_start3A_104 : memref<640x144xf32, #tpu.memory_space<hbm>>) target_semaphore(%run_scoped3A : memref<!tpu.dma_semaphore, #tpu.memory_space<semaphore_mem>>)
      %dma_wait3A_107 = arith.constant 0 : i32
      %dma_wait3A_108 = tpu.memref_slice %arg6[%arg0, %mul3A_101, %dma_wait3A_107] : memref<2x10240x144xf32, #tpu.memory_space<hbm>> -> memref<1x640x144xf32, #tpu.memory_space<hbm>>
      %dma_wait3A_109 = tpu.memref_squeeze %dma_wait3A_108 : memref<1x640x144xf32, #tpu.memory_space<hbm>> -> memref<640x144xf32, #tpu.memory_space<hbm>>
      %dma_wait3A_110 = arith.constant 0 : i32
      %dma_wait3A_111 = tpu.memref_slice %arg13[%mul3A_99, %dma_wait3A_110] : memref<10240x144xf32, #tpu.memory_space<vmem_shared>> -> memref<640x144xf32, #tpu.memory_space<vmem_shared>>
      tpu.wait_dma2 semaphore(%run_scoped3A : memref<!tpu.dma_semaphore, #tpu.memory_space<semaphore_mem>>) src(%dma_wait3A_111 : memref<640x144xf32, #tpu.memory_space<vmem_shared>>) dst(%dma_wait3A_109 : memref<640x144xf32, #tpu.memory_space<hbm>>)
      tpu.yield
    }) : () -> ()
    return
  }
}

#map = affine_map<(d0, d1) -> (0, 0, 0)>
#map1 = affine_map<(d0, d1) -> (0, 0)>
module attributes {stable_mosaic.version = 14 : i64} {
  func.func @_sc2_body(%arg0: i32, %arg1: i32, %arg2: memref<32x125x80xi32, #tpu.memory_space<hbm>>, %arg3: memref<32x125x80xi32, #tpu.memory_space<hbm>>, %arg4: memref<10000x48xf32, #tpu.memory_space<hbm>>, %arg5: memref<10000x16xf32, #tpu.memory_space<hbm>>, %arg6: memref<2x10240x48xf32, #tpu.memory_space<hbm>>, %arg7: memref<80x48xf32, #tpu.memory_space<vmem>>, %arg8: memref<80x48xf32, #tpu.memory_space<vmem>>, %arg9: memref<80x16xf32, #tpu.memory_space<vmem>>, %arg10: memref<80x16xf32, #tpu.memory_space<vmem>>, %arg11: memref<125x80xi32, #tpu.memory_space<vmem>>, %arg12: memref<125x80xi32, #tpu.memory_space<vmem>>, %arg13: memref<10240x48xf32, #tpu.memory_space<vmem_shared>>, %arg14: memref<!tpu.dma_semaphore, #tpu.memory_space<semaphore_mem>>, %arg15: memref<!tpu.dma_semaphore, #tpu.memory_space<semaphore_mem>>, %arg16: memref<!tpu.dma_semaphore, #tpu.memory_space<semaphore_mem>>) attributes {dimension_semantics = [#tpu.dimension_semantics<core_parallel>, #tpu.dimension_semantics<subcore_parallel>], iteration_bounds = array<i64: 2, 16>, scalar_prefetch = 0 : i64, scratch_operands = 10 : i64, tpu.core_type = #tpu.core_type<sc_vector_subcore>, window_params = [{transform_indices = #map}, {transform_indices = #map}, {transform_indices = #map1}, {transform_indices = #map1}, {transform_indices = #map}]} {
    %mul3A = arith.constant 2 : i32
    %mul3A_0 = arith.muli %arg1, %mul3A : i32
    %add3A = arith.addi %mul3A_0, %arg0 : i32
    %scan3A = arith.constant 0 : i32
    %scan3A_1 = arith.constant 0 : i32
    %scan3A_2 = arith.constant 80 : i32
    %scan3A_3 = arith.addi %scan3A_1, %scan3A_2 : i32
    %scan3A_4 = arith.constant 1 : i32
    %scan3A_5 = scf.for %scan3A_105 = %scan3A_1 to %scan3A_3 step %scan3A_4 iter_args(%scan3A_106 = %scan3A) -> (i32)  : i32 {
      %broadcast_in_dim3A = arith.constant 0.000000e+00 : f32
      %broadcast_in_dim3A_107 = vector.broadcast %broadcast_in_dim3A : f32 to vector<16xf32>
      %swap3A = arith.index_cast %scan3A_105 : i32 to index
      %swap3A_108 = arith.constant 0 : index
      %swap3A_109 = tpu.vector_load %arg7[%swap3A, %swap3A_108] {strides = array<i32>} : memref<80x48xf32, #tpu.memory_space<vmem>>, vector<16xf32>,
      tpu.vector_store %arg7[%swap3A, %swap3A_108], %broadcast_in_dim3A_107 {strides = array<i32>} : memref<80x48xf32, #tpu.memory_space<vmem>>, vector<16xf32>,
      %broadcast_in_dim3A_110 = arith.constant 0.000000e+00 : f32
      %broadcast_in_dim3A_111 = vector.broadcast %broadcast_in_dim3A_110 : f32 to vector<16xf32>
      %swap3A_112 = arith.index_cast %scan3A_105 : i32 to index
      %swap3A_113 = arith.constant 16 : index
      %swap3A_114 = tpu.vector_load %arg7[%swap3A_112, %swap3A_113] {strides = array<i32>} : memref<80x48xf32, #tpu.memory_space<vmem>>, vector<16xf32>,
      tpu.vector_store %arg7[%swap3A_112, %swap3A_113], %broadcast_in_dim3A_111 {strides = array<i32>} : memref<80x48xf32, #tpu.memory_space<vmem>>, vector<16xf32>,
      %broadcast_in_dim3A_115 = arith.constant 0.000000e+00 : f32
      %broadcast_in_dim3A_116 = vector.broadcast %broadcast_in_dim3A_115 : f32 to vector<16xf32>
      %swap3A_117 = arith.index_cast %scan3A_105 : i32 to index
      %swap3A_118 = arith.constant 32 : index
      %swap3A_119 = tpu.vector_load %arg7[%swap3A_117, %swap3A_118] {strides = array<i32>} : memref<80x48xf32, #tpu.memory_space<vmem>>, vector<16xf32>,
      tpu.vector_store %arg7[%swap3A_117, %swap3A_118], %broadcast_in_dim3A_116 {strides = array<i32>} : memref<80x48xf32, #tpu.memory_space<vmem>>, vector<16xf32>,
      %scan3A_120 = arith.constant 0 : i32
      scf.yield %scan3A_120 : i32
    }
    %scan3A_6 = arith.constant 80 : i32
    %mul3A_7 = arith.constant 640 : i32
    %mul3A_8 = arith.muli %arg1, %mul3A_7 : i32
    %add3A_9 = arith.constant 0 : i32
    %add3A_10 = arith.addi %mul3A_8, %add3A_9 : i32
    "tpu.region"() ({
      %run_scoped3A = tpu.sem_alloc : memref<!tpu.dma_semaphore, #tpu.memory_space<semaphore_mem>>
      %dma_start3A_105 = arith.constant 0 : i32
      %dma_start3A_106 = tpu.memref_slice %arg13[%add3A_10, %dma_start3A_105] : memref<10240x48xf32, #tpu.memory_space<vmem_shared>> -> memref<80x48xf32, #tpu.memory_space<vmem_shared>>
      %dma_start3A_107 = arith.constant 0 : i32
      %dma_start3A_108 = tpu.memref_slice %arg13[%add3A_10, %dma_start3A_107] : memref<10240x48xf32, #tpu.memory_space<vmem_shared>> -> memref<80x48xf32, #tpu.memory_space<vmem_shared>>
      tpu.enqueue_dma source(%arg7 : memref<80x48xf32, #tpu.memory_space<vmem>>) target(%dma_start3A_108 : memref<80x48xf32, #tpu.memory_space<vmem_shared>>) target_semaphore(%run_scoped3A : memref<!tpu.dma_semaphore, #tpu.memory_space<semaphore_mem>>)
      %dma_wait3A_109 = arith.constant 0 : i32
      %dma_wait3A_110 = tpu.memref_slice %arg13[%add3A_10, %dma_wait3A_109] : memref<10240x48xf32, #tpu.memory_space<vmem_shared>> -> memref<80x48xf32, #tpu.memory_space<vmem_shared>>
      %dma_wait3A_111 = arith.constant 0 : i32
      %dma_wait3A_112 = tpu.memref_slice %arg13[%add3A_10, %dma_wait3A_111] : memref<10240x48xf32, #tpu.memory_space<vmem_shared>> -> memref<80x48xf32, #tpu.memory_space<vmem_shared>>
      tpu.wait_dma2 semaphore(%run_scoped3A : memref<!tpu.dma_semaphore, #tpu.memory_space<semaphore_mem>>) src(%arg7 : memref<80x48xf32, #tpu.memory_space<vmem>>) dst(%dma_wait3A_112 : memref<80x48xf32, #tpu.memory_space<vmem_shared>>)
      tpu.yield
    }) : () -> ()
    %mul3A_11 = arith.constant 640 : i32
    %mul3A_12 = arith.muli %arg1, %mul3A_11 : i32
    %add3A_13 = arith.constant 80 : i32
    %add3A_14 = arith.addi %mul3A_12, %add3A_13 : i32
    "tpu.region"() ({
      %run_scoped3A = tpu.sem_alloc : memref<!tpu.dma_semaphore, #tpu.memory_space<semaphore_mem>>
      %dma_start3A_105 = arith.constant 0 : i32
      %dma_start3A_106 = tpu.memref_slice %arg13[%add3A_14, %dma_start3A_105] : memref<10240x48xf32, #tpu.memory_space<vmem_shared>> -> memref<80x48xf32, #tpu.memory_space<vmem_shared>>
      %dma_start3A_107 = arith.constant 0 : i32
      %dma_start3A_108 = tpu.memref_slice %arg13[%add3A_14, %dma_start3A_107] : memref<10240x48xf32, #tpu.memory_space<vmem_shared>> -> memref<80x48xf32, #tpu.memory_space<vmem_shared>>
      tpu.enqueue_dma source(%arg7 : memref<80x48xf32, #tpu.memory_space<vmem>>) target(%dma_start3A_108 : memref<80x48xf32, #tpu.memory_space<vmem_shared>>) target_semaphore(%run_scoped3A : memref<!tpu.dma_semaphore, #tpu.memory_space<semaphore_mem>>)
      %dma_wait3A_109 = arith.constant 0 : i32
      %dma_wait3A_110 = tpu.memref_slice %arg13[%add3A_14, %dma_wait3A_109] : memref<10240x48xf32, #tpu.memory_space<vmem_shared>> -> memref<80x48xf32, #tpu.memory_space<vmem_shared>>
      %dma_wait3A_111 = arith.constant 0 : i32
      %dma_wait3A_112 = tpu.memref_slice %arg13[%add3A_14, %dma_wait3A_111] : memref<10240x48xf32, #tpu.memory_space<vmem_shared>> -> memref<80x48xf32, #tpu.memory_space<vmem_shared>>
      tpu.wait_dma2 semaphore(%run_scoped3A : memref<!tpu.dma_semaphore, #tpu.memory_space<semaphore_mem>>) src(%arg7 : memref<80x48xf32, #tpu.memory_space<vmem>>) dst(%dma_wait3A_112 : memref<80x48xf32, #tpu.memory_space<vmem_shared>>)
      tpu.yield
    }) : () -> ()
    %mul3A_15 = arith.constant 640 : i32
    %mul3A_16 = arith.muli %arg1, %mul3A_15 : i32
    %add3A_17 = arith.constant 160 : i32
    %add3A_18 = arith.addi %mul3A_16, %add3A_17 : i32
    "tpu.region"() ({
      %run_scoped3A = tpu.sem_alloc : memref<!tpu.dma_semaphore, #tpu.memory_space<semaphore_mem>>
      %dma_start3A_105 = arith.constant 0 : i32
      %dma_start3A_106 = tpu.memref_slice %arg13[%add3A_18, %dma_start3A_105] : memref<10240x48xf32, #tpu.memory_space<vmem_shared>> -> memref<80x48xf32, #tpu.memory_space<vmem_shared>>
      %dma_start3A_107 = arith.constant 0 : i32
      %dma_start3A_108 = tpu.memref_slice %arg13[%add3A_18, %dma_start3A_107] : memref<10240x48xf32, #tpu.memory_space<vmem_shared>> -> memref<80x48xf32, #tpu.memory_space<vmem_shared>>
      tpu.enqueue_dma source(%arg7 : memref<80x48xf32, #tpu.memory_space<vmem>>) target(%dma_start3A_108 : memref<80x48xf32, #tpu.memory_space<vmem_shared>>) target_semaphore(%run_scoped3A : memref<!tpu.dma_semaphore, #tpu.memory_space<semaphore_mem>>)
      %dma_wait3A_109 = arith.constant 0 : i32
      %dma_wait3A_110 = tpu.memref_slice %arg13[%add3A_18, %dma_wait3A_109] : memref<10240x48xf32, #tpu.memory_space<vmem_shared>> -> memref<80x48xf32, #tpu.memory_space<vmem_shared>>
      %dma_wait3A_111 = arith.constant 0 : i32
      %dma_wait3A_112 = tpu.memref_slice %arg13[%add3A_18, %dma_wait3A_111] : memref<10240x48xf32, #tpu.memory_space<vmem_shared>> -> memref<80x48xf32, #tpu.memory_space<vmem_shared>>
      tpu.wait_dma2 semaphore(%run_scoped3A : memref<!tpu.dma_semaphore, #tpu.memory_space<semaphore_mem>>) src(%arg7 : memref<80x48xf32, #tpu.memory_space<vmem>>) dst(%dma_wait3A_112 : memref<80x48xf32, #tpu.memory_space<vmem_shared>>)
      tpu.yield
    }) : () -> ()
    %mul3A_19 = arith.constant 640 : i32
    %mul3A_20 = arith.muli %arg1, %mul3A_19 : i32
    %add3A_21 = arith.constant 240 : i32
    %add3A_22 = arith.addi %mul3A_20, %add3A_21 : i32
    "tpu.region"() ({
      %run_scoped3A = tpu.sem_alloc : memref<!tpu.dma_semaphore, #tpu.memory_space<semaphore_mem>>
      %dma_start3A_105 = arith.constant 0 : i32
      %dma_start3A_106 = tpu.memref_slice %arg13[%add3A_22, %dma_start3A_105] : memref<10240x48xf32, #tpu.memory_space<vmem_shared>> -> memref<80x48xf32, #tpu.memory_space<vmem_shared>>
      %dma_start3A_107 = arith.constant 0 : i32
      %dma_start3A_108 = tpu.memref_slice %arg13[%add3A_22, %dma_start3A_107] : memref<10240x48xf32, #tpu.memory_space<vmem_shared>> -> memref<80x48xf32, #tpu.memory_space<vmem_shared>>
      tpu.enqueue_dma source(%arg7 : memref<80x48xf32, #tpu.memory_space<vmem>>) target(%dma_start3A_108 : memref<80x48xf32, #tpu.memory_space<vmem_shared>>) target_semaphore(%run_scoped3A : memref<!tpu.dma_semaphore, #tpu.memory_space<semaphore_mem>>)
      %dma_wait3A_109 = arith.constant 0 : i32
      %dma_wait3A_110 = tpu.memref_slice %arg13[%add3A_22, %dma_wait3A_109] : memref<10240x48xf32, #tpu.memory_space<vmem_shared>> -> memref<80x48xf32, #tpu.memory_space<vmem_shared>>
      %dma_wait3A_111 = arith.constant 0 : i32
      %dma_wait3A_112 = tpu.memref_slice %arg13[%add3A_22, %dma_wait3A_111] : memref<10240x48xf32, #tpu.memory_space<vmem_shared>> -> memref<80x48xf32, #tpu.memory_space<vmem_shared>>
      tpu.wait_dma2 semaphore(%run_scoped3A : memref<!tpu.dma_semaphore, #tpu.memory_space<semaphore_mem>>) src(%arg7 : memref<80x48xf32, #tpu.memory_space<vmem>>) dst(%dma_wait3A_112 : memref<80x48xf32, #tpu.memory_space<vmem_shared>>)
      tpu.yield
    }) : () -> ()
    %mul3A_23 = arith.constant 640 : i32
    %mul3A_24 = arith.muli %arg1, %mul3A_23 : i32
    %add3A_25 = arith.constant 320 : i32
    %add3A_26 = arith.addi %mul3A_24, %add3A_25 : i32
    "tpu.region"() ({
      %run_scoped3A = tpu.sem_alloc : memref<!tpu.dma_semaphore, #tpu.memory_space<semaphore_mem>>
      %dma_start3A_105 = arith.constant 0 : i32
      %dma_start3A_106 = tpu.memref_slice %arg13[%add3A_26, %dma_start3A_105] : memref<10240x48xf32, #tpu.memory_space<vmem_shared>> -> memref<80x48xf32, #tpu.memory_space<vmem_shared>>
      %dma_start3A_107 = arith.constant 0 : i32
      %dma_start3A_108 = tpu.memref_slice %arg13[%add3A_26, %dma_start3A_107] : memref<10240x48xf32, #tpu.memory_space<vmem_shared>> -> memref<80x48xf32, #tpu.memory_space<vmem_shared>>
      tpu.enqueue_dma source(%arg7 : memref<80x48xf32, #tpu.memory_space<vmem>>) target(%dma_start3A_108 : memref<80x48xf32, #tpu.memory_space<vmem_shared>>) target_semaphore(%run_scoped3A : memref<!tpu.dma_semaphore, #tpu.memory_space<semaphore_mem>>)
      %dma_wait3A_109 = arith.constant 0 : i32
      %dma_wait3A_110 = tpu.memref_slice %arg13[%add3A_26, %dma_wait3A_109] : memref<10240x48xf32, #tpu.memory_space<vmem_shared>> -> memref<80x48xf32, #tpu.memory_space<vmem_shared>>
      %dma_wait3A_111 = arith.constant 0 : i32
      %dma_wait3A_112 = tpu.memref_slice %arg13[%add3A_26, %dma_wait3A_111] : memref<10240x48xf32, #tpu.memory_space<vmem_shared>> -> memref<80x48xf32, #tpu.memory_space<vmem_shared>>
      tpu.wait_dma2 semaphore(%run_scoped3A : memref<!tpu.dma_semaphore, #tpu.memory_space<semaphore_mem>>) src(%arg7 : memref<80x48xf32, #tpu.memory_space<vmem>>) dst(%dma_wait3A_112 : memref<80x48xf32, #tpu.memory_space<vmem_shared>>)
      tpu.yield
    }) : () -> ()
    %mul3A_27 = arith.constant 640 : i32
    %mul3A_28 = arith.muli %arg1, %mul3A_27 : i32
    %add3A_29 = arith.constant 400 : i32
    %add3A_30 = arith.addi %mul3A_28, %add3A_29 : i32
    "tpu.region"() ({
      %run_scoped3A = tpu.sem_alloc : memref<!tpu.dma_semaphore, #tpu.memory_space<semaphore_mem>>
      %dma_start3A_105 = arith.constant 0 : i32
      %dma_start3A_106 = tpu.memref_slice %arg13[%add3A_30, %dma_start3A_105] : memref<10240x48xf32, #tpu.memory_space<vmem_shared>> -> memref<80x48xf32, #tpu.memory_space<vmem_shared>>
      %dma_start3A_107 = arith.constant 0 : i32
      %dma_start3A_108 = tpu.memref_slice %arg13[%add3A_30, %dma_start3A_107] : memref<10240x48xf32, #tpu.memory_space<vmem_shared>> -> memref<80x48xf32, #tpu.memory_space<vmem_shared>>
      tpu.enqueue_dma source(%arg7 : memref<80x48xf32, #tpu.memory_space<vmem>>) target(%dma_start3A_108 : memref<80x48xf32, #tpu.memory_space<vmem_shared>>) target_semaphore(%run_scoped3A : memref<!tpu.dma_semaphore, #tpu.memory_space<semaphore_mem>>)
      %dma_wait3A_109 = arith.constant 0 : i32
      %dma_wait3A_110 = tpu.memref_slice %arg13[%add3A_30, %dma_wait3A_109] : memref<10240x48xf32, #tpu.memory_space<vmem_shared>> -> memref<80x48xf32, #tpu.memory_space<vmem_shared>>
      %dma_wait3A_111 = arith.constant 0 : i32
      %dma_wait3A_112 = tpu.memref_slice %arg13[%add3A_30, %dma_wait3A_111] : memref<10240x48xf32, #tpu.memory_space<vmem_shared>> -> memref<80x48xf32, #tpu.memory_space<vmem_shared>>
      tpu.wait_dma2 semaphore(%run_scoped3A : memref<!tpu.dma_semaphore, #tpu.memory_space<semaphore_mem>>) src(%arg7 : memref<80x48xf32, #tpu.memory_space<vmem>>) dst(%dma_wait3A_112 : memref<80x48xf32, #tpu.memory_space<vmem_shared>>)
      tpu.yield
    }) : () -> ()
    %mul3A_31 = arith.constant 640 : i32
    %mul3A_32 = arith.muli %arg1, %mul3A_31 : i32
    %add3A_33 = arith.constant 480 : i32
    %add3A_34 = arith.addi %mul3A_32, %add3A_33 : i32
    "tpu.region"() ({
      %run_scoped3A = tpu.sem_alloc : memref<!tpu.dma_semaphore, #tpu.memory_space<semaphore_mem>>
      %dma_start3A_105 = arith.constant 0 : i32
      %dma_start3A_106 = tpu.memref_slice %arg13[%add3A_34, %dma_start3A_105] : memref<10240x48xf32, #tpu.memory_space<vmem_shared>> -> memref<80x48xf32, #tpu.memory_space<vmem_shared>>
      %dma_start3A_107 = arith.constant 0 : i32
      %dma_start3A_108 = tpu.memref_slice %arg13[%add3A_34, %dma_start3A_107] : memref<10240x48xf32, #tpu.memory_space<vmem_shared>> -> memref<80x48xf32, #tpu.memory_space<vmem_shared>>
      tpu.enqueue_dma source(%arg7 : memref<80x48xf32, #tpu.memory_space<vmem>>) target(%dma_start3A_108 : memref<80x48xf32, #tpu.memory_space<vmem_shared>>) target_semaphore(%run_scoped3A : memref<!tpu.dma_semaphore, #tpu.memory_space<semaphore_mem>>)
      %dma_wait3A_109 = arith.constant 0 : i32
      %dma_wait3A_110 = tpu.memref_slice %arg13[%add3A_34, %dma_wait3A_109] : memref<10240x48xf32, #tpu.memory_space<vmem_shared>> -> memref<80x48xf32, #tpu.memory_space<vmem_shared>>
      %dma_wait3A_111 = arith.constant 0 : i32
      %dma_wait3A_112 = tpu.memref_slice %arg13[%add3A_34, %dma_wait3A_111] : memref<10240x48xf32, #tpu.memory_space<vmem_shared>> -> memref<80x48xf32, #tpu.memory_space<vmem_shared>>
      tpu.wait_dma2 semaphore(%run_scoped3A : memref<!tpu.dma_semaphore, #tpu.memory_space<semaphore_mem>>) src(%arg7 : memref<80x48xf32, #tpu.memory_space<vmem>>) dst(%dma_wait3A_112 : memref<80x48xf32, #tpu.memory_space<vmem_shared>>)
      tpu.yield
    }) : () -> ()
    %mul3A_35 = arith.constant 640 : i32
    %mul3A_36 = arith.muli %arg1, %mul3A_35 : i32
    %add3A_37 = arith.constant 560 : i32
    %add3A_38 = arith.addi %mul3A_36, %add3A_37 : i32
    "tpu.region"() ({
      %run_scoped3A = tpu.sem_alloc : memref<!tpu.dma_semaphore, #tpu.memory_space<semaphore_mem>>
      %dma_start3A_105 = arith.constant 0 : i32
      %dma_start3A_106 = tpu.memref_slice %arg13[%add3A_38, %dma_start3A_105] : memref<10240x48xf32, #tpu.memory_space<vmem_shared>> -> memref<80x48xf32, #tpu.memory_space<vmem_shared>>
      %dma_start3A_107 = arith.constant 0 : i32
      %dma_start3A_108 = tpu.memref_slice %arg13[%add3A_38, %dma_start3A_107] : memref<10240x48xf32, #tpu.memory_space<vmem_shared>> -> memref<80x48xf32, #tpu.memory_space<vmem_shared>>
      tpu.enqueue_dma source(%arg7 : memref<80x48xf32, #tpu.memory_space<vmem>>) target(%dma_start3A_108 : memref<80x48xf32, #tpu.memory_space<vmem_shared>>) target_semaphore(%run_scoped3A : memref<!tpu.dma_semaphore, #tpu.memory_space<semaphore_mem>>)
      %dma_wait3A_109 = arith.constant 0 : i32
      %dma_wait3A_110 = tpu.memref_slice %arg13[%add3A_38, %dma_wait3A_109] : memref<10240x48xf32, #tpu.memory_space<vmem_shared>> -> memref<80x48xf32, #tpu.memory_space<vmem_shared>>
      %dma_wait3A_111 = arith.constant 0 : i32
      %dma_wait3A_112 = tpu.memref_slice %arg13[%add3A_38, %dma_wait3A_111] : memref<10240x48xf32, #tpu.memory_space<vmem_shared>> -> memref<80x48xf32, #tpu.memory_space<vmem_shared>>
      tpu.wait_dma2 semaphore(%run_scoped3A : memref<!tpu.dma_semaphore, #tpu.memory_space<semaphore_mem>>) src(%arg7 : memref<80x48xf32, #tpu.memory_space<vmem>>) dst(%dma_wait3A_112 : memref<80x48xf32, #tpu.memory_space<vmem_shared>>)
      tpu.yield
    }) : () -> ()
    "tpu.region"() ({
      %run_scoped3A = tpu.sem_alloc : memref<!tpu.dma_semaphore, #tpu.memory_space<semaphore_mem>>
      %dma_start3A_105 = arith.constant 0 : i32
      %dma_start3A_106 = arith.constant 0 : i32
      %dma_start3A_107 = tpu.memref_slice %arg2[%add3A, %dma_start3A_105, %dma_start3A_106] : memref<32x125x80xi32, #tpu.memory_space<hbm>> -> memref<1x125x80xi32, #tpu.memory_space<hbm>>
      %dma_start3A_108 = tpu.memref_squeeze %dma_start3A_107 : memref<1x125x80xi32, #tpu.memory_space<hbm>> -> memref<125x80xi32, #tpu.memory_space<hbm>>
      %dma_start3A_109 = arith.constant 0 : i32
      %dma_start3A_110 = arith.constant 0 : i32
      %dma_start3A_111 = tpu.memref_slice %arg2[%add3A, %dma_start3A_109, %dma_start3A_110] : memref<32x125x80xi32, #tpu.memory_space<hbm>> -> memref<1x125x80xi32, #tpu.memory_space<hbm>>
      %dma_start3A_112 = tpu.memref_squeeze %dma_start3A_111 : memref<1x125x80xi32, #tpu.memory_space<hbm>> -> memref<125x80xi32, #tpu.memory_space<hbm>>
      tpu.enqueue_dma source(%dma_start3A_112 : memref<125x80xi32, #tpu.memory_space<hbm>>) target(%arg11 : memref<125x80xi32, #tpu.memory_space<vmem>>) target_semaphore(%run_scoped3A : memref<!tpu.dma_semaphore, #tpu.memory_space<semaphore_mem>>)
      %dma_wait3A_113 = arith.constant 0 : i32
      %dma_wait3A_114 = arith.constant 0 : i32
      %dma_wait3A_115 = tpu.memref_slice %arg2[%add3A, %dma_wait3A_113, %dma_wait3A_114] : memref<32x125x80xi32, #tpu.memory_space<hbm>> -> memref<1x125x80xi32, #tpu.memory_space<hbm>>
      %dma_wait3A_116 = tpu.memref_squeeze %dma_wait3A_115 : memref<1x125x80xi32, #tpu.memory_space<hbm>> -> memref<125x80xi32, #tpu.memory_space<hbm>>
      %dma_wait3A_117 = arith.constant 0 : i32
      %dma_wait3A_118 = arith.constant 0 : i32
      %dma_wait3A_119 = tpu.memref_slice %arg2[%add3A, %dma_wait3A_117, %dma_wait3A_118] : memref<32x125x80xi32, #tpu.memory_space<hbm>> -> memref<1x125x80xi32, #tpu.memory_space<hbm>>
      %dma_wait3A_120 = tpu.memref_squeeze %dma_wait3A_119 : memref<1x125x80xi32, #tpu.memory_space<hbm>> -> memref<125x80xi32, #tpu.memory_space<hbm>>
      tpu.wait_dma2 semaphore(%run_scoped3A : memref<!tpu.dma_semaphore, #tpu.memory_space<semaphore_mem>>) src(%dma_wait3A_120 : memref<125x80xi32, #tpu.memory_space<hbm>>) dst(%arg11 : memref<125x80xi32, #tpu.memory_space<vmem>>)
      tpu.yield
    }) : () -> ()
    "tpu.region"() ({
      %run_scoped3A = tpu.sem_alloc : memref<!tpu.dma_semaphore, #tpu.memory_space<semaphore_mem>>
      %dma_start3A_105 = arith.constant 0 : i32
      %dma_start3A_106 = arith.constant 0 : i32
      %dma_start3A_107 = tpu.memref_slice %arg3[%add3A, %dma_start3A_105, %dma_start3A_106] : memref<32x125x80xi32, #tpu.memory_space<hbm>> -> memref<1x125x80xi32, #tpu.memory_space<hbm>>
      %dma_start3A_108 = tpu.memref_squeeze %dma_start3A_107 : memref<1x125x80xi32, #tpu.memory_space<hbm>> -> memref<125x80xi32, #tpu.memory_space<hbm>>
      %dma_start3A_109 = arith.constant 0 : i32
      %dma_start3A_110 = arith.constant 0 : i32
      %dma_start3A_111 = tpu.memref_slice %arg3[%add3A, %dma_start3A_109, %dma_start3A_110] : memref<32x125x80xi32, #tpu.memory_space<hbm>> -> memref<1x125x80xi32, #tpu.memory_space<hbm>>
      %dma_start3A_112 = tpu.memref_squeeze %dma_start3A_111 : memref<1x125x80xi32, #tpu.memory_space<hbm>> -> memref<125x80xi32, #tpu.memory_space<hbm>>
      tpu.enqueue_dma source(%dma_start3A_112 : memref<125x80xi32, #tpu.memory_space<hbm>>) target(%arg12 : memref<125x80xi32, #tpu.memory_space<vmem>>) target_semaphore(%run_scoped3A : memref<!tpu.dma_semaphore, #tpu.memory_space<semaphore_mem>>)
      %dma_wait3A_113 = arith.constant 0 : i32
      %dma_wait3A_114 = arith.constant 0 : i32
      %dma_wait3A_115 = tpu.memref_slice %arg3[%add3A, %dma_wait3A_113, %dma_wait3A_114] : memref<32x125x80xi32, #tpu.memory_space<hbm>> -> memref<1x125x80xi32, #tpu.memory_space<hbm>>
      %dma_wait3A_116 = tpu.memref_squeeze %dma_wait3A_115 : memref<1x125x80xi32, #tpu.memory_space<hbm>> -> memref<125x80xi32, #tpu.memory_space<hbm>>
      %dma_wait3A_117 = arith.constant 0 : i32
      %dma_wait3A_118 = arith.constant 0 : i32
      %dma_wait3A_119 = tpu.memref_slice %arg3[%add3A, %dma_wait3A_117, %dma_wait3A_118] : memref<32x125x80xi32, #tpu.memory_space<hbm>> -> memref<1x125x80xi32, #tpu.memory_space<hbm>>
      %dma_wait3A_120 = tpu.memref_squeeze %dma_wait3A_119 : memref<1x125x80xi32, #tpu.memory_space<hbm>> -> memref<125x80xi32, #tpu.memory_space<hbm>>
      tpu.wait_dma2 semaphore(%run_scoped3A : memref<!tpu.dma_semaphore, #tpu.memory_space<semaphore_mem>>) src(%dma_wait3A_120 : memref<125x80xi32, #tpu.memory_space<hbm>>) dst(%arg12 : memref<125x80xi32, #tpu.memory_space<vmem>>)
      tpu.yield
    }) : () -> ()
    %barrier3A = arith.constant 0 : index
    tpu.barrier barrier_id(%barrier3A)
    %iota3A = tpu.iota {dimensions = array<i32: 0>} : vector<16xi32>
    %dma_start3A = arith.constant 0 : i32
    %dma_start3A_39 = arith.constant 0 : i32
    %dma_start3A_40 = tpu.memref_slice %arg11[%dma_start3A, %dma_start3A_39] : memref<125x80xi32, #tpu.memory_space<vmem>> -> memref<1x80xi32, #tpu.memory_space<vmem>>
    %dma_start3A_41 = tpu.memref_squeeze %dma_start3A_40 : memref<1x80xi32, #tpu.memory_space<vmem>> -> memref<80xi32, #tpu.memory_space<vmem>>
    %dma_start3A_42 = arith.constant 0 : i32
    %dma_start3A_43 = arith.constant 0 : i32
    %dma_start3A_44 = tpu.memref_slice %arg4[%dma_start3A_42, %dma_start3A_43] : memref<10000x48xf32, #tpu.memory_space<hbm>> -> memref<10000x48xf32, #tpu.memory_space<hbm>>
    tpu.enqueue_indirect_dma source(%dma_start3A_44 : memref<10000x48xf32, #tpu.memory_space<hbm>>) target(%arg7 : memref<80x48xf32, #tpu.memory_space<vmem>>) offsets(%dma_start3A_41 : memref<80xi32, #tpu.memory_space<vmem>>) semaphore(%arg14 : memref<!tpu.dma_semaphore, #tpu.memory_space<semaphore_mem>>)
    %dma_start3A_45 = arith.constant 0 : i32
    %dma_start3A_46 = arith.constant 0 : i32
    %dma_start3A_47 = tpu.memref_slice %arg12[%dma_start3A_45, %dma_start3A_46] : memref<125x80xi32, #tpu.memory_space<vmem>> -> memref<1x80xi32, #tpu.memory_space<vmem>>
    %dma_start3A_48 = tpu.memref_squeeze %dma_start3A_47 : memref<1x80xi32, #tpu.memory_space<vmem>> -> memref<80xi32, #tpu.memory_space<vmem>>
    %dma_start3A_49 = arith.constant 0 : i32
    %dma_start3A_50 = arith.constant 0 : i32
    %dma_start3A_51 = tpu.memref_slice %arg5[%dma_start3A_49, %dma_start3A_50] : memref<10000x16xf32, #tpu.memory_space<hbm>> -> memref<10000x16xf32, #tpu.memory_space<hbm>>
    tpu.enqueue_indirect_dma source(%dma_start3A_51 : memref<10000x16xf32, #tpu.memory_space<hbm>>) target(%arg9 : memref<80x16xf32, #tpu.memory_space<vmem>>) offsets(%dma_start3A_48 : memref<80xi32, #tpu.memory_space<vmem>>) semaphore(%arg15 : memref<!tpu.dma_semaphore, #tpu.memory_space<semaphore_mem>>)
    %scan3A_52 = arith.constant 0 : i32
    %scan3A_53 = arith.constant 0 : i32
    %scan3A_54 = arith.constant 62 : i32
    %scan3A_55 = arith.addi %scan3A_53, %scan3A_54 : i32
    %scan3A_56 = arith.constant 1 : i32
    %scan3A_57 = scf.for %scan3A_105 = %scan3A_53 to %scan3A_55 step %scan3A_56 iter_args(%scan3A_106 = %scan3A_52) -> (i32)  : i32 {
      %mul3A_107 = arith.constant 2 : i32
      %mul3A_108 = arith.muli %scan3A_105, %mul3A_107 : i32
      %add3A_109 = arith.constant 0 : i32
      %add3A_110 = arith.addi %mul3A_108, %add3A_109 : i32
      %ge3A = arith.constant 1 : i32
      %ge3A_111 = arith.cmpi sge, %add3A_110, %ge3A : i32
      %convert_element_type3A = arith.extui %ge3A_111 : i1 to i32
      %cond3A = arith.constant 0 : i32
      %cond3A_112 = arith.cmpi ne, %convert_element_type3A, %cond3A : i32
      scf.if %cond3A_112 {
        %dma_wait3A_190 = arith.constant 0 : i32
        %dma_wait3A_191 = arith.constant 0 : i32
        %dma_wait3A_192 = tpu.memref_slice %arg12[%dma_wait3A_190, %dma_wait3A_191] : memref<125x80xi32, #tpu.memory_space<vmem>> -> memref<1x80xi32, #tpu.memory_space<vmem>>
        %dma_wait3A_193 = tpu.memref_squeeze %dma_wait3A_192 : memref<1x80xi32, #tpu.memory_space<vmem>> -> memref<80xi32, #tpu.memory_space<vmem>>
        %dma_wait3A_194 = arith.constant 0 : i32
        %dma_wait3A_195 = arith.constant 0 : i32
        %dma_wait3A_196 = tpu.memref_slice %arg13[%dma_wait3A_194, %dma_wait3A_195] : memref<10240x48xf32, #tpu.memory_space<vmem_shared>> -> memref<10240x48xf32, #tpu.memory_space<vmem_shared>>
        tpu.wait_indirect_dma semaphore(%arg16 : memref<!tpu.dma_semaphore, #tpu.memory_space<semaphore_mem>>) src(%arg8 : memref<80x48xf32, #tpu.memory_space<vmem>>) dst(%dma_wait3A_196 : memref<10240x48xf32, #tpu.memory_space<vmem_shared>>)
      } else {
      }
      %add3A_113 = arith.constant 1 : i32
      %add3A_114 = arith.addi %add3A_110, %add3A_113 : i32
      %lt3A = arith.constant 125 : i32
      %lt3A_115 = arith.cmpi slt, %add3A_114, %lt3A : i32
      %convert_element_type3A_116 = arith.extui %lt3A_115 : i1 to i32
      %cond3A_117 = arith.constant 0 : i32
      %cond3A_118 = arith.cmpi ne, %convert_element_type3A_116, %cond3A_117 : i32
      scf.if %cond3A_118 {
        %add3A_190 = arith.constant 1 : i32
        %add3A_191 = arith.addi %add3A_110, %add3A_190 : i32
        %dma_start3A_192 = arith.constant 0 : i32
        %dma_start3A_193 = tpu.memref_slice %arg11[%add3A_191, %dma_start3A_192] : memref<125x80xi32, #tpu.memory_space<vmem>> -> memref<1x80xi32, #tpu.memory_space<vmem>>
        %dma_start3A_194 = tpu.memref_squeeze %dma_start3A_193 : memref<1x80xi32, #tpu.memory_space<vmem>> -> memref<80xi32, #tpu.memory_space<vmem>>
        %dma_start3A_195 = arith.constant 0 : i32
        %dma_start3A_196 = arith.constant 0 : i32
        %dma_start3A_197 = tpu.memref_slice %arg4[%dma_start3A_195, %dma_start3A_196] : memref<10000x48xf32, #tpu.memory_space<hbm>> -> memref<10000x48xf32, #tpu.memory_space<hbm>>
        tpu.enqueue_indirect_dma source(%dma_start3A_197 : memref<10000x48xf32, #tpu.memory_space<hbm>>) target(%arg8 : memref<80x48xf32, #tpu.memory_space<vmem>>) offsets(%dma_start3A_194 : memref<80xi32, #tpu.memory_space<vmem>>) semaphore(%arg14 : memref<!tpu.dma_semaphore, #tpu.memory_space<semaphore_mem>>)
        %dma_start3A_198 = arith.constant 0 : i32
        %dma_start3A_199 = tpu.memref_slice %arg12[%add3A_191, %dma_start3A_198] : memref<125x80xi32, #tpu.memory_space<vmem>> -> memref<1x80xi32, #tpu.memory_space<vmem>>
        %dma_start3A_200 = tpu.memref_squeeze %dma_start3A_199 : memref<1x80xi32, #tpu.memory_space<vmem>> -> memref<80xi32, #tpu.memory_space<vmem>>
        %dma_start3A_201 = arith.constant 0 : i32
        %dma_start3A_202 = arith.constant 0 : i32
        %dma_start3A_203 = tpu.memref_slice %arg5[%dma_start3A_201, %dma_start3A_202] : memref<10000x16xf32, #tpu.memory_space<hbm>> -> memref<10000x16xf32, #tpu.memory_space<hbm>>
        tpu.enqueue_indirect_dma source(%dma_start3A_203 : memref<10000x16xf32, #tpu.memory_space<hbm>>) target(%arg10 : memref<80x16xf32, #tpu.memory_space<vmem>>) offsets(%dma_start3A_200 : memref<80xi32, #tpu.memory_space<vmem>>) semaphore(%arg15 : memref<!tpu.dma_semaphore, #tpu.memory_space<semaphore_mem>>)
      } else {
      }
      %dma_wait3A_119 = arith.constant 0 : i32
      %dma_wait3A_120 = arith.constant 0 : i32
      %dma_wait3A_121 = tpu.memref_slice %arg11[%dma_wait3A_119, %dma_wait3A_120] : memref<125x80xi32, #tpu.memory_space<vmem>> -> memref<1x80xi32, #tpu.memory_space<vmem>>
      %dma_wait3A_122 = tpu.memref_squeeze %dma_wait3A_121 : memref<1x80xi32, #tpu.memory_space<vmem>> -> memref<80xi32, #tpu.memory_space<vmem>>
      %dma_wait3A_123 = arith.constant 0 : i32
      %dma_wait3A_124 = arith.constant 0 : i32
      %dma_wait3A_125 = tpu.memref_slice %arg4[%dma_wait3A_123, %dma_wait3A_124] : memref<10000x48xf32, #tpu.memory_space<hbm>> -> memref<10000x48xf32, #tpu.memory_space<hbm>>
      tpu.wait_indirect_dma semaphore(%arg14 : memref<!tpu.dma_semaphore, #tpu.memory_space<semaphore_mem>>) src(%dma_wait3A_125 : memref<10000x48xf32, #tpu.memory_space<hbm>>) dst(%arg7 : memref<80x48xf32, #tpu.memory_space<vmem>>)
      %dma_wait3A_126 = arith.constant 0 : i32
      %dma_wait3A_127 = arith.constant 0 : i32
      %dma_wait3A_128 = tpu.memref_slice %arg12[%dma_wait3A_126, %dma_wait3A_127] : memref<125x80xi32, #tpu.memory_space<vmem>> -> memref<1x80xi32, #tpu.memory_space<vmem>>
      %dma_wait3A_129 = tpu.memref_squeeze %dma_wait3A_128 : memref<1x80xi32, #tpu.memory_space<vmem>> -> memref<80xi32, #tpu.memory_space<vmem>>
      %dma_wait3A_130 = arith.constant 0 : i32
      %dma_wait3A_131 = arith.constant 0 : i32
      %dma_wait3A_132 = tpu.memref_slice %arg5[%dma_wait3A_130, %dma_wait3A_131] : memref<10000x16xf32, #tpu.memory_space<hbm>> -> memref<10000x16xf32, #tpu.memory_space<hbm>>
      tpu.wait_indirect_dma semaphore(%arg15 : memref<!tpu.dma_semaphore, #tpu.memory_space<semaphore_mem>>) src(%dma_wait3A_132 : memref<10000x16xf32, #tpu.memory_space<hbm>>) dst(%arg9 : memref<80x16xf32, #tpu.memory_space<vmem>>)
      %scan3A_133 = arith.constant 0 : i32
      %scan3A_134 = arith.constant 0 : i32
      %scan3A_135 = arith.constant 20 : i32
      %scan3A_136 = arith.addi %scan3A_134, %scan3A_135 : i32
      %scan3A_137 = arith.constant 1 : i32
      %scan3A_138 = scf.for %scan3A_190 = %scan3A_134 to %scan3A_136 step %scan3A_137 iter_args(%scan3A_191 = %scan3A_133) -> (i32)  : i32 {
        %mul3A_192 = arith.constant 4 : i32
        %mul3A_193 = arith.muli %scan3A_190, %mul3A_192 : i32
        %add3A_194 = arith.constant 0 : i32
        %add3A_195 = arith.addi %mul3A_193, %add3A_194 : i32
        %get3A = arith.index_cast %add3A_195 : i32 to index
        %get3A_196 = arith.constant 32 : index
        %get3A_197 = tpu.vector_load %arg7[%get3A, %get3A_196] {strides = array<i32>} : memref<80x48xf32, #tpu.memory_space<vmem>>, vector<16xf32>,
        %broadcast_in_dim3A = arith.constant 8 : i32
        %broadcast_in_dim3A_198 = vector.broadcast %broadcast_in_dim3A : i32 to vector<16x1xi32>
        %gather3A = vector.shape_cast %broadcast_in_dim3A_198 : vector<16x1xi32> to vector<16xi32>
        %gather3A_199 = tpu.dynamic_gather %get3A_197[%gather3A] in [0] : vector<16xf32>, vector<16xi32> -> vector<16xf32>
        %get3A_200 = arith.index_cast %add3A_195 : i32 to index
        %get3A_201 = arith.constant 0 : index
        %get3A_202 = tpu.vector_load %arg9[%get3A_200, %get3A_201] {strides = array<i32>} : memref<80x16xf32, #tpu.memory_space<vmem>>, vector<16xf32>,
        %broadcast_in_dim3A_203 = arith.constant 1 : i32
        %broadcast_in_dim3A_204 = vector.broadcast %broadcast_in_dim3A_203 : i32 to vector<16x1xi32>
        %gather3A_205 = vector.shape_cast %broadcast_in_dim3A_204 : vector<16x1xi32> to vector<16xi32>
        %gather3A_206 = tpu.dynamic_gather %get3A_202[%gather3A_205] in [0] : vector<16xf32>, vector<16xi32> -> vector<16xf32>
        %add3A_207 = arith.addf %gather3A_199, %gather3A_206 : vector<16xf32>
        %ge3A_208 = arith.constant 0.000000e+00 : f32
        %ge3A_209 = vector.broadcast %ge3A_208 : f32 to vector<16xf32>
        %ge3A_210 = arith.cmpf oge, %add3A_207, %ge3A_209 : vector<16xf32>
        %mul3A_211 = arith.constant 2.000000e-01 : f32
        %mul3A_212 = vector.broadcast %mul3A_211 : f32 to vector<16xf32>
        %mul3A_213 = arith.mulf %add3A_207, %mul3A_212 : vector<16xf32>
        %select_n3A = arith.select %ge3A_210, %add3A_207, %mul3A_213 : vector<16xi1>, vector<16xf32>
        %exp3A = math.exp %select_n3A : vector<16xf32>
        %get3A_214 = arith.index_cast %add3A_195 : i32 to index
        %get3A_215 = arith.constant 0 : index
        %get3A_216 = tpu.vector_load %arg7[%get3A_214, %get3A_215] {strides = array<i32>} : memref<80x48xf32, #tpu.memory_space<vmem>>, vector<16xf32>,
        %mul3A_217 = arith.mulf %get3A_216, %exp3A : vector<16xf32>
        %swap3A = arith.index_cast %add3A_195 : i32 to index
        %swap3A_218 = arith.constant 0 : index
        %swap3A_219 = tpu.vector_load %arg7[%swap3A, %swap3A_218] {strides = array<i32>} : memref<80x48xf32, #tpu.memory_space<vmem>>, vector<16xf32>,
        tpu.vector_store %arg7[%swap3A, %swap3A_218], %mul3A_217 {strides = array<i32>} : memref<80x48xf32, #tpu.memory_space<vmem>>, vector<16xf32>,
        %get3A_220 = arith.index_cast %add3A_195 : i32 to index
        %get3A_221 = arith.constant 16 : index
        %get3A_222 = tpu.vector_load %arg7[%get3A_220, %get3A_221] {strides = array<i32>} : memref<80x48xf32, #tpu.memory_space<vmem>>, vector<16xf32>,
        %mul3A_223 = arith.mulf %get3A_222, %exp3A : vector<16xf32>
        %swap3A_224 = arith.index_cast %add3A_195 : i32 to index
        %swap3A_225 = arith.constant 16 : index
        %swap3A_226 = tpu.vector_load %arg7[%swap3A_224, %swap3A_225] {strides = array<i32>} : memref<80x48xf32, #tpu.memory_space<vmem>>, vector<16xf32>,
        tpu.vector_store %arg7[%swap3A_224, %swap3A_225], %mul3A_223 {strides = array<i32>} : memref<80x48xf32, #tpu.memory_space<vmem>>, vector<16xf32>,
        %eq3A = arith.constant 8 : i32
        %eq3A_227 = vector.broadcast %eq3A : i32 to vector<16xi32>
        %eq3A_228 = arith.cmpi eq, %iota3A, %eq3A_227 : vector<16xi32>
        %mul3A_229 = arith.mulf %get3A_197, %exp3A : vector<16xf32>
        %select_n3A_230 = arith.select %eq3A_228, %exp3A, %mul3A_229 : vector<16xi1>, vector<16xf32>
        %swap3A_231 = arith.index_cast %add3A_195 : i32 to index
        %swap3A_232 = arith.constant 32 : index
        %swap3A_233 = tpu.vector_load %arg7[%swap3A_231, %swap3A_232] {strides = array<i32>} : memref<80x48xf32, #tpu.memory_space<vmem>>, vector<16xf32>,
        tpu.vector_store %arg7[%swap3A_231, %swap3A_232], %select_n3A_230 {strides = array<i32>} : memref<80x48xf32, #tpu.memory_space<vmem>>, vector<16xf32>,
        %mul3A_234 = arith.constant 4 : i32
        %mul3A_235 = arith.muli %scan3A_190, %mul3A_234 : i32
        %add3A_236 = arith.constant 1 : i32
        %add3A_237 = arith.addi %mul3A_235, %add3A_236 : i32
        %get3A_238 = arith.index_cast %add3A_237 : i32 to index
        %get3A_239 = arith.constant 32 : index
        %get3A_240 = tpu.vector_load %arg7[%get3A_238, %get3A_239] {strides = array<i32>} : memref<80x48xf32, #tpu.memory_space<vmem>>, vector<16xf32>,
        %broadcast_in_dim3A_241 = arith.constant 8 : i32
        %broadcast_in_dim3A_242 = vector.broadcast %broadcast_in_dim3A_241 : i32 to vector<16x1xi32>
        %gather3A_243 = vector.shape_cast %broadcast_in_dim3A_242 : vector<16x1xi32> to vector<16xi32>
        %gather3A_244 = tpu.dynamic_gather %get3A_240[%gather3A_243] in [0] : vector<16xf32>, vector<16xi32> -> vector<16xf32>
        %get3A_245 = arith.index_cast %add3A_237 : i32 to index
        %get3A_246 = arith.constant 0 : index
        %get3A_247 = tpu.vector_load %arg9[%get3A_245, %get3A_246] {strides = array<i32>} : memref<80x16xf32, #tpu.memory_space<vmem>>, vector<16xf32>,
        %broadcast_in_dim3A_248 = arith.constant 1 : i32
        %broadcast_in_dim3A_249 = vector.broadcast %broadcast_in_dim3A_248 : i32 to vector<16x1xi32>
        %gather3A_250 = vector.shape_cast %broadcast_in_dim3A_249 : vector<16x1xi32> to vector<16xi32>
        %gather3A_251 = tpu.dynamic_gather %get3A_247[%gather3A_250] in [0] : vector<16xf32>, vector<16xi32> -> vector<16xf32>
        %add3A_252 = arith.addf %gather3A_244, %gather3A_251 : vector<16xf32>
        %ge3A_253 = arith.constant 0.000000e+00 : f32
        %ge3A_254 = vector.broadcast %ge3A_253 : f32 to vector<16xf32>
        %ge3A_255 = arith.cmpf oge, %add3A_252, %ge3A_254 : vector<16xf32>
        %mul3A_256 = arith.constant 2.000000e-01 : f32
        %mul3A_257 = vector.broadcast %mul3A_256 : f32 to vector<16xf32>
        %mul3A_258 = arith.mulf %add3A_252, %mul3A_257 : vector<16xf32>
        %select_n3A_259 = arith.select %ge3A_255, %add3A_252, %mul3A_258 : vector<16xi1>, vector<16xf32>
        %exp3A_260 = math.exp %select_n3A_259 : vector<16xf32>
        %get3A_261 = arith.index_cast %add3A_237 : i32 to index
        %get3A_262 = arith.constant 0 : index
        %get3A_263 = tpu.vector_load %arg7[%get3A_261, %get3A_262] {strides = array<i32>} : memref<80x48xf32, #tpu.memory_space<vmem>>, vector<16xf32>,
        %mul3A_264 = arith.mulf %get3A_263, %exp3A_260 : vector<16xf32>
        %swap3A_265 = arith.index_cast %add3A_237 : i32 to index
        %swap3A_266 = arith.constant 0 : index
        %swap3A_267 = tpu.vector_load %arg7[%swap3A_265, %swap3A_266] {strides = array<i32>} : memref<80x48xf32, #tpu.memory_space<vmem>>, vector<16xf32>,
        tpu.vector_store %arg7[%swap3A_265, %swap3A_266], %mul3A_264 {strides = array<i32>} : memref<80x48xf32, #tpu.memory_space<vmem>>, vector<16xf32>,
        %get3A_268 = arith.index_cast %add3A_237 : i32 to index
        %get3A_269 = arith.constant 16 : index
        %get3A_270 = tpu.vector_load %arg7[%get3A_268, %get3A_269] {strides = array<i32>} : memref<80x48xf32, #tpu.memory_space<vmem>>, vector<16xf32>,
        %mul3A_271 = arith.mulf %get3A_270, %exp3A_260 : vector<16xf32>
        %swap3A_272 = arith.index_cast %add3A_237 : i32 to index
        %swap3A_273 = arith.constant 16 : index
        %swap3A_274 = tpu.vector_load %arg7[%swap3A_272, %swap3A_273] {strides = array<i32>} : memref<80x48xf32, #tpu.memory_space<vmem>>, vector<16xf32>,
        tpu.vector_store %arg7[%swap3A_272, %swap3A_273], %mul3A_271 {strides = array<i32>} : memref<80x48xf32, #tpu.memory_space<vmem>>, vector<16xf32>,
        %eq3A_275 = arith.constant 8 : i32
        %eq3A_276 = vector.broadcast %eq3A_275 : i32 to vector<16xi32>
        %eq3A_277 = arith.cmpi eq, %iota3A, %eq3A_276 : vector<16xi32>
        %mul3A_278 = arith.mulf %get3A_240, %exp3A_260 : vector<16xf32>
        %select_n3A_279 = arith.select %eq3A_277, %exp3A_260, %mul3A_278 : vector<16xi1>, vector<16xf32>
        %swap3A_280 = arith.index_cast %add3A_237 : i32 to index
        %swap3A_281 = arith.constant 32 : index
        %swap3A_282 = tpu.vector_load %arg7[%swap3A_280, %swap3A_281] {strides = array<i32>} : memref<80x48xf32, #tpu.memory_space<vmem>>, vector<16xf32>,
        tpu.vector_store %arg7[%swap3A_280, %swap3A_281], %select_n3A_279 {strides = array<i32>} : memref<80x48xf32, #tpu.memory_space<vmem>>, vector<16xf32>,
        %mul3A_283 = arith.constant 4 : i32
        %mul3A_284 = arith.muli %scan3A_190, %mul3A_283 : i32
        %add3A_285 = arith.constant 2 : i32
        %add3A_286 = arith.addi %mul3A_284, %add3A_285 : i32
        %get3A_287 = arith.index_cast %add3A_286 : i32 to index
        %get3A_288 = arith.constant 32 : index
        %get3A_289 = tpu.vector_load %arg7[%get3A_287, %get3A_288] {strides = array<i32>} : memref<80x48xf32, #tpu.memory_space<vmem>>, vector<16xf32>,
        %broadcast_in_dim3A_290 = arith.constant 8 : i32
        %broadcast_in_dim3A_291 = vector.broadcast %broadcast_in_dim3A_290 : i32 to vector<16x1xi32>
        %gather3A_292 = vector.shape_cast %broadcast_in_dim3A_291 : vector<16x1xi32> to vector<16xi32>
        %gather3A_293 = tpu.dynamic_gather %get3A_289[%gather3A_292] in [0] : vector<16xf32>, vector<16xi32> -> vector<16xf32>
        %get3A_294 = arith.index_cast %add3A_286 : i32 to index
        %get3A_295 = arith.constant 0 : index
        %get3A_296 = tpu.vector_load %arg9[%get3A_294, %get3A_295] {strides = array<i32>} : memref<80x16xf32, #tpu.memory_space<vmem>>, vector<16xf32>,
        %broadcast_in_dim3A_297 = arith.constant 1 : i32
        %broadcast_in_dim3A_298 = vector.broadcast %broadcast_in_dim3A_297 : i32 to vector<16x1xi32>
        %gather3A_299 = vector.shape_cast %broadcast_in_dim3A_298 : vector<16x1xi32> to vector<16xi32>
        %gather3A_300 = tpu.dynamic_gather %get3A_296[%gather3A_299] in [0] : vector<16xf32>, vector<16xi32> -> vector<16xf32>
        %add3A_301 = arith.addf %gather3A_293, %gather3A_300 : vector<16xf32>
        %ge3A_302 = arith.constant 0.000000e+00 : f32
        %ge3A_303 = vector.broadcast %ge3A_302 : f32 to vector<16xf32>
        %ge3A_304 = arith.cmpf oge, %add3A_301, %ge3A_303 : vector<16xf32>
        %mul3A_305 = arith.constant 2.000000e-01 : f32
        %mul3A_306 = vector.broadcast %mul3A_305 : f32 to vector<16xf32>
        %mul3A_307 = arith.mulf %add3A_301, %mul3A_306 : vector<16xf32>
        %select_n3A_308 = arith.select %ge3A_304, %add3A_301, %mul3A_307 : vector<16xi1>, vector<16xf32>
        %exp3A_309 = math.exp %select_n3A_308 : vector<16xf32>
        %get3A_310 = arith.index_cast %add3A_286 : i32 to index
        %get3A_311 = arith.constant 0 : index
        %get3A_312 = tpu.vector_load %arg7[%get3A_310, %get3A_311] {strides = array<i32>} : memref<80x48xf32, #tpu.memory_space<vmem>>, vector<16xf32>,
        %mul3A_313 = arith.mulf %get3A_312, %exp3A_309 : vector<16xf32>
        %swap3A_314 = arith.index_cast %add3A_286 : i32 to index
        %swap3A_315 = arith.constant 0 : index
        %swap3A_316 = tpu.vector_load %arg7[%swap3A_314, %swap3A_315] {strides = array<i32>} : memref<80x48xf32, #tpu.memory_space<vmem>>, vector<16xf32>,
        tpu.vector_store %arg7[%swap3A_314, %swap3A_315], %mul3A_313 {strides = array<i32>} : memref<80x48xf32, #tpu.memory_space<vmem>>, vector<16xf32>,
        %get3A_317 = arith.index_cast %add3A_286 : i32 to index
        %get3A_318 = arith.constant 16 : index
        %get3A_319 = tpu.vector_load %arg7[%get3A_317, %get3A_318] {strides = array<i32>} : memref<80x48xf32, #tpu.memory_space<vmem>>, vector<16xf32>,
        %mul3A_320 = arith.mulf %get3A_319, %exp3A_309 : vector<16xf32>
        %swap3A_321 = arith.index_cast %add3A_286 : i32 to index
        %swap3A_322 = arith.constant 16 : index
        %swap3A_323 = tpu.vector_load %arg7[%swap3A_321, %swap3A_322] {strides = array<i32>} : memref<80x48xf32, #tpu.memory_space<vmem>>, vector<16xf32>,
        tpu.vector_store %arg7[%swap3A_321, %swap3A_322], %mul3A_320 {strides = array<i32>} : memref<80x48xf32, #tpu.memory_space<vmem>>, vector<16xf32>,
        %eq3A_324 = arith.constant 8 : i32
        %eq3A_325 = vector.broadcast %eq3A_324 : i32 to vector<16xi32>
        %eq3A_326 = arith.cmpi eq, %iota3A, %eq3A_325 : vector<16xi32>
        %mul3A_327 = arith.mulf %get3A_289, %exp3A_309 : vector<16xf32>
        %select_n3A_328 = arith.select %eq3A_326, %exp3A_309, %mul3A_327 : vector<16xi1>, vector<16xf32>
        %swap3A_329 = arith.index_cast %add3A_286 : i32 to index
        %swap3A_330 = arith.constant 32 : index
        %swap3A_331 = tpu.vector_load %arg7[%swap3A_329, %swap3A_330] {strides = array<i32>} : memref<80x48xf32, #tpu.memory_space<vmem>>, vector<16xf32>,
        tpu.vector_store %arg7[%swap3A_329, %swap3A_330], %select_n3A_328 {strides = array<i32>} : memref<80x48xf32, #tpu.memory_space<vmem>>, vector<16xf32>,
        %mul3A_332 = arith.constant 4 : i32
        %mul3A_333 = arith.muli %scan3A_190, %mul3A_332 : i32
        %add3A_334 = arith.constant 3 : i32
        %add3A_335 = arith.addi %mul3A_333, %add3A_334 : i32
        %get3A_336 = arith.index_cast %add3A_335 : i32 to index
        %get3A_337 = arith.constant 32 : index
        %get3A_338 = tpu.vector_load %arg7[%get3A_336, %get3A_337] {strides = array<i32>} : memref<80x48xf32, #tpu.memory_space<vmem>>, vector<16xf32>,
        %broadcast_in_dim3A_339 = arith.constant 8 : i32
        %broadcast_in_dim3A_340 = vector.broadcast %broadcast_in_dim3A_339 : i32 to vector<16x1xi32>
        %gather3A_341 = vector.shape_cast %broadcast_in_dim3A_340 : vector<16x1xi32> to vector<16xi32>
        %gather3A_342 = tpu.dynamic_gather %get3A_338[%gather3A_341] in [0] : vector<16xf32>, vector<16xi32> -> vector<16xf32>
        %get3A_343 = arith.index_cast %add3A_335 : i32 to index
        %get3A_344 = arith.constant 0 : index
        %get3A_345 = tpu.vector_load %arg9[%get3A_343, %get3A_344] {strides = array<i32>} : memref<80x16xf32, #tpu.memory_space<vmem>>, vector<16xf32>,
        %broadcast_in_dim3A_346 = arith.constant 1 : i32
        %broadcast_in_dim3A_347 = vector.broadcast %broadcast_in_dim3A_346 : i32 to vector<16x1xi32>
        %gather3A_348 = vector.shape_cast %broadcast_in_dim3A_347 : vector<16x1xi32> to vector<16xi32>
        %gather3A_349 = tpu.dynamic_gather %get3A_345[%gather3A_348] in [0] : vector<16xf32>, vector<16xi32> -> vector<16xf32>
        %add3A_350 = arith.addf %gather3A_342, %gather3A_349 : vector<16xf32>
        %ge3A_351 = arith.constant 0.000000e+00 : f32
        %ge3A_352 = vector.broadcast %ge3A_351 : f32 to vector<16xf32>
        %ge3A_353 = arith.cmpf oge, %add3A_350, %ge3A_352 : vector<16xf32>
        %mul3A_354 = arith.constant 2.000000e-01 : f32
        %mul3A_355 = vector.broadcast %mul3A_354 : f32 to vector<16xf32>
        %mul3A_356 = arith.mulf %add3A_350, %mul3A_355 : vector<16xf32>
        %select_n3A_357 = arith.select %ge3A_353, %add3A_350, %mul3A_356 : vector<16xi1>, vector<16xf32>
        %exp3A_358 = math.exp %select_n3A_357 : vector<16xf32>
        %get3A_359 = arith.index_cast %add3A_335 : i32 to index
        %get3A_360 = arith.constant 0 : index
        %get3A_361 = tpu.vector_load %arg7[%get3A_359, %get3A_360] {strides = array<i32>} : memref<80x48xf32, #tpu.memory_space<vmem>>, vector<16xf32>,
        %mul3A_362 = arith.mulf %get3A_361, %exp3A_358 : vector<16xf32>
        %swap3A_363 = arith.index_cast %add3A_335 : i32 to index
        %swap3A_364 = arith.constant 0 : index
        %swap3A_365 = tpu.vector_load %arg7[%swap3A_363, %swap3A_364] {strides = array<i32>} : memref<80x48xf32, #tpu.memory_space<vmem>>, vector<16xf32>,
        tpu.vector_store %arg7[%swap3A_363, %swap3A_364], %mul3A_362 {strides = array<i32>} : memref<80x48xf32, #tpu.memory_space<vmem>>, vector<16xf32>,
        %get3A_366 = arith.index_cast %add3A_335 : i32 to index
        %get3A_367 = arith.constant 16 : index
        %get3A_368 = tpu.vector_load %arg7[%get3A_366, %get3A_367] {strides = array<i32>} : memref<80x48xf32, #tpu.memory_space<vmem>>, vector<16xf32>,
        %mul3A_369 = arith.mulf %get3A_368, %exp3A_358 : vector<16xf32>
        %swap3A_370 = arith.index_cast %add3A_335 : i32 to index
        %swap3A_371 = arith.constant 16 : index
        %swap3A_372 = tpu.vector_load %arg7[%swap3A_370, %swap3A_371] {strides = array<i32>} : memref<80x48xf32, #tpu.memory_space<vmem>>, vector<16xf32>,
        tpu.vector_store %arg7[%swap3A_370, %swap3A_371], %mul3A_369 {strides = array<i32>} : memref<80x48xf32, #tpu.memory_space<vmem>>, vector<16xf32>,
        %eq3A_373 = arith.constant 8 : i32
        %eq3A_374 = vector.broadcast %eq3A_373 : i32 to vector<16xi32>
        %eq3A_375 = arith.cmpi eq, %iota3A, %eq3A_374 : vector<16xi32>
        %mul3A_376 = arith.mulf %get3A_338, %exp3A_358 : vector<16xf32>
        %select_n3A_377 = arith.select %eq3A_375, %exp3A_358, %mul3A_376 : vector<16xi1>, vector<16xf32>
        %swap3A_378 = arith.index_cast %add3A_335 : i32 to index
        %swap3A_379 = arith.constant 32 : index
        %swap3A_380 = tpu.vector_load %arg7[%swap3A_378, %swap3A_379] {strides = array<i32>} : memref<80x48xf32, #tpu.memory_space<vmem>>, vector<16xf32>,
        tpu.vector_store %arg7[%swap3A_378, %swap3A_379], %select_n3A_377 {strides = array<i32>} : memref<80x48xf32, #tpu.memory_space<vmem>>, vector<16xf32>,
        %scan3A_381 = arith.constant 0 : i32
        scf.yield %scan3A_381 : i32
      }
      %scan3A_139 = arith.constant 20 : i32
      %dma_start3A_140 = arith.constant 0 : i32
      %dma_start3A_141 = tpu.memref_slice %arg12[%add3A_110, %dma_start3A_140] : memref<125x80xi32, #tpu.memory_space<vmem>> -> memref<1x80xi32, #tpu.memory_space<vmem>>
      %dma_start3A_142 = tpu.memref_squeeze %dma_start3A_141 : memref<1x80xi32, #tpu.memory_space<vmem>> -> memref<80xi32, #tpu.memory_space<vmem>>
      %dma_start3A_143 = arith.constant 0 : i32
      %dma_start3A_144 = arith.constant 0 : i32
      %dma_start3A_145 = tpu.memref_slice %arg13[%dma_start3A_143, %dma_start3A_144] : memref<10240x48xf32, #tpu.memory_space<vmem_shared>> -> memref<10240x48xf32, #tpu.memory_space<vmem_shared>>
      tpu.enqueue_indirect_dma source(%arg7 : memref<80x48xf32, #tpu.memory_space<vmem>>) target(%dma_start3A_145 : memref<10240x48xf32, #tpu.memory_space<vmem_shared>>) offsets(%dma_start3A_142 : memref<80xi32, #tpu.memory_space<vmem>>) semaphore(%arg16 : memref<!tpu.dma_semaphore, #tpu.memory_space<semaphore_mem>>) {add = true}
      %mul3A_146 = arith.constant 2 : i32
      %mul3A_147 = arith.muli %scan3A_105, %mul3A_146 : i32
      %add3A_148 = arith.constant 1 : i32
      %add3A_149 = arith.addi %mul3A_147, %add3A_148 : i32
      %ge3A_150 = arith.constant 1 : i32
      %ge3A_151 = arith.cmpi sge, %add3A_149, %ge3A_150 : i32
      %convert_element_type3A_152 = arith.extui %ge3A_151 : i1 to i32
      %cond3A_153 = arith.constant 0 : i32
      %cond3A_154 = arith.cmpi ne, %convert_element_type3A_152, %cond3A_153 : i32
      scf.if %cond3A_154 {
        %dma_wait3A_190 = arith.constant 0 : i32
        %dma_wait3A_191 = arith.constant 0 : i32
        %dma_wait3A_192 = tpu.memref_slice %arg12[%dma_wait3A_190, %dma_wait3A_191] : memref<125x80xi32, #tpu.memory_space<vmem>> -> memref<1x80xi32, #tpu.memory_space<vmem>>
        %dma_wait3A_193 = tpu.memref_squeeze %dma_wait3A_192 : memref<1x80xi32, #tpu.memory_space<vmem>> -> memref<80xi32, #tpu.memory_space<vmem>>
        %dma_wait3A_194 = arith.constant 0 : i32
        %dma_wait3A_195 = arith.constant 0 : i32
        %dma_wait3A_196 = tpu.memref_slice %arg13[%dma_wait3A_194, %dma_wait3A_195] : memref<10240x48xf32, #tpu.memory_space<vmem_shared>> -> memref<10240x48xf32, #tpu.memory_space<vmem_shared>>
        tpu.wait_indirect_dma semaphore(%arg16 : memref<!tpu.dma_semaphore, #tpu.memory_space<semaphore_mem>>) src(%arg7 : memref<80x48xf32, #tpu.memory_space<vmem>>) dst(%dma_wait3A_196 : memref<10240x48xf32, #tpu.memory_space<vmem_shared>>)
      } else {
      }
      %add3A_155 = arith.constant 1 : i32
      %add3A_156 = arith.addi %add3A_149, %add3A_155 : i32
      %lt3A_157 = arith.constant 125 : i32
      %lt3A_158 = arith.cmpi slt, %add3A_156, %lt3A_157 : i32
      %convert_element_type3A_159 = arith.extui %lt3A_158 : i1 to i32
      %cond3A_160 = arith.constant 0 : i32
      %cond3A_161 = arith.cmpi ne, %convert_element_type3A_159, %cond3A_160 : i32
      scf.if %cond3A_161 {
        %add3A_190 = arith.constant 1 : i32
        %add3A_191 = arith.addi %add3A_149, %add3A_190 : i32
        %dma_start3A_192 = arith.constant 0 : i32
        %dma_start3A_193 = tpu.memref_slice %arg11[%add3A_191, %dma_start3A_192] : memref<125x80xi32, #tpu.memory_space<vmem>> -> memref<1x80xi32, #tpu.memory_space<vmem>>
        %dma_start3A_194 = tpu.memref_squeeze %dma_start3A_193 : memref<1x80xi32, #tpu.memory_space<vmem>> -> memref<80xi32, #tpu.memory_space<vmem>>
        %dma_start3A_195 = arith.constant 0 : i32
        %dma_start3A_196 = arith.constant 0 : i32
        %dma_start3A_197 = tpu.memref_slice %arg4[%dma_start3A_195, %dma_start3A_196] : memref<10000x48xf32, #tpu.memory_space<hbm>> -> memref<10000x48xf32, #tpu.memory_space<hbm>>
        tpu.enqueue_indirect_dma source(%dma_start3A_197 : memref<10000x48xf32, #tpu.memory_space<hbm>>) target(%arg7 : memref<80x48xf32, #tpu.memory_space<vmem>>) offsets(%dma_start3A_194 : memref<80xi32, #tpu.memory_space<vmem>>) semaphore(%arg14 : memref<!tpu.dma_semaphore, #tpu.memory_space<semaphore_mem>>)
        %dma_start3A_198 = arith.constant 0 : i32
        %dma_start3A_199 = tpu.memref_slice %arg12[%add3A_191, %dma_start3A_198] : memref<125x80xi32, #tpu.memory_space<vmem>> -> memref<1x80xi32, #tpu.memory_space<vmem>>
        %dma_start3A_200 = tpu.memref_squeeze %dma_start3A_199 : memref<1x80xi32, #tpu.memory_space<vmem>> -> memref<80xi32, #tpu.memory_space<vmem>>
        %dma_start3A_201 = arith.constant 0 : i32
        %dma_start3A_202 = arith.constant 0 : i32
        %dma_start3A_203 = tpu.memref_slice %arg5[%dma_start3A_201, %dma_start3A_202] : memref<10000x16xf32, #tpu.memory_space<hbm>> -> memref<10000x16xf32, #tpu.memory_space<hbm>>
        tpu.enqueue_indirect_dma source(%dma_start3A_203 : memref<10000x16xf32, #tpu.memory_space<hbm>>) target(%arg9 : memref<80x16xf32, #tpu.memory_space<vmem>>) offsets(%dma_start3A_200 : memref<80xi32, #tpu.memory_space<vmem>>) semaphore(%arg15 : memref<!tpu.dma_semaphore, #tpu.memory_space<semaphore_mem>>)
      } else {
      }
      %dma_wait3A_162 = arith.constant 0 : i32
      %dma_wait3A_163 = arith.constant 0 : i32
      %dma_wait3A_164 = tpu.memref_slice %arg11[%dma_wait3A_162, %dma_wait3A_163] : memref<125x80xi32, #tpu.memory_space<vmem>> -> memref<1x80xi32, #tpu.memory_space<vmem>>
      %dma_wait3A_165 = tpu.memref_squeeze %dma_wait3A_164 : memref<1x80xi32, #tpu.memory_space<vmem>> -> memref<80xi32, #tpu.memory_space<vmem>>
      %dma_wait3A_166 = arith.constant 0 : i32
      %dma_wait3A_167 = arith.constant 0 : i32
      %dma_wait3A_168 = tpu.memref_slice %arg4[%dma_wait3A_166, %dma_wait3A_167] : memref<10000x48xf32, #tpu.memory_space<hbm>> -> memref<10000x48xf32, #tpu.memory_space<hbm>>
      tpu.wait_indirect_dma semaphore(%arg14 : memref<!tpu.dma_semaphore, #tpu.memory_space<semaphore_mem>>) src(%dma_wait3A_168 : memref<10000x48xf32, #tpu.memory_space<hbm>>) dst(%arg8 : memref<80x48xf32, #tpu.memory_space<vmem>>)
      %dma_wait3A_169 = arith.constant 0 : i32
      %dma_wait3A_170 = arith.constant 0 : i32
      %dma_wait3A_171 = tpu.memref_slice %arg12[%dma_wait3A_169, %dma_wait3A_170] : memref<125x80xi32, #tpu.memory_space<vmem>> -> memref<1x80xi32, #tpu.memory_space<vmem>>
      %dma_wait3A_172 = tpu.memref_squeeze %dma_wait3A_171 : memref<1x80xi32, #tpu.memory_space<vmem>> -> memref<80xi32, #tpu.memory_space<vmem>>
      %dma_wait3A_173 = arith.constant 0 : i32
      %dma_wait3A_174 = arith.constant 0 : i32
      %dma_wait3A_175 = tpu.memref_slice %arg5[%dma_wait3A_173, %dma_wait3A_174] : memref<10000x16xf32, #tpu.memory_space<hbm>> -> memref<10000x16xf32, #tpu.memory_space<hbm>>
      tpu.wait_indirect_dma semaphore(%arg15 : memref<!tpu.dma_semaphore, #tpu.memory_space<semaphore_mem>>) src(%dma_wait3A_175 : memref<10000x16xf32, #tpu.memory_space<hbm>>) dst(%arg10 : memref<80x16xf32, #tpu.memory_space<vmem>>)
      %scan3A_176 = arith.constant 0 : i32
      %scan3A_177 = arith.constant 0 : i32
      %scan3A_178 = arith.constant 20 : i32
      %scan3A_179 = arith.addi %scan3A_177, %scan3A_178 : i32
      %scan3A_180 = arith.constant 1 : i32
      %scan3A_181 = scf.for %scan3A_190 = %scan3A_177 to %scan3A_179 step %scan3A_180 iter_args(%scan3A_191 = %scan3A_176) -> (i32)  : i32 {
        %mul3A_192 = arith.constant 4 : i32
        %mul3A_193 = arith.muli %scan3A_190, %mul3A_192 : i32
        %add3A_194 = arith.constant 0 : i32
        %add3A_195 = arith.addi %mul3A_193, %add3A_194 : i32
        %get3A = arith.index_cast %add3A_195 : i32 to index
        %get3A_196 = arith.constant 32 : index
        %get3A_197 = tpu.vector_load %arg8[%get3A, %get3A_196] {strides = array<i32>} : memref<80x48xf32, #tpu.memory_space<vmem>>, vector<16xf32>,
        %broadcast_in_dim3A = arith.constant 8 : i32
        %broadcast_in_dim3A_198 = vector.broadcast %broadcast_in_dim3A : i32 to vector<16x1xi32>
        %gather3A = vector.shape_cast %broadcast_in_dim3A_198 : vector<16x1xi32> to vector<16xi32>
        %gather3A_199 = tpu.dynamic_gather %get3A_197[%gather3A] in [0] : vector<16xf32>, vector<16xi32> -> vector<16xf32>
        %get3A_200 = arith.index_cast %add3A_195 : i32 to index
        %get3A_201 = arith.constant 0 : index
        %get3A_202 = tpu.vector_load %arg10[%get3A_200, %get3A_201] {strides = array<i32>} : memref<80x16xf32, #tpu.memory_space<vmem>>, vector<16xf32>,
        %broadcast_in_dim3A_203 = arith.constant 1 : i32
        %broadcast_in_dim3A_204 = vector.broadcast %broadcast_in_dim3A_203 : i32 to vector<16x1xi32>
        %gather3A_205 = vector.shape_cast %broadcast_in_dim3A_204 : vector<16x1xi32> to vector<16xi32>
        %gather3A_206 = tpu.dynamic_gather %get3A_202[%gather3A_205] in [0] : vector<16xf32>, vector<16xi32> -> vector<16xf32>
        %add3A_207 = arith.addf %gather3A_199, %gather3A_206 : vector<16xf32>
        %ge3A_208 = arith.constant 0.000000e+00 : f32
        %ge3A_209 = vector.broadcast %ge3A_208 : f32 to vector<16xf32>
        %ge3A_210 = arith.cmpf oge, %add3A_207, %ge3A_209 : vector<16xf32>
        %mul3A_211 = arith.constant 2.000000e-01 : f32
        %mul3A_212 = vector.broadcast %mul3A_211 : f32 to vector<16xf32>
        %mul3A_213 = arith.mulf %add3A_207, %mul3A_212 : vector<16xf32>
        %select_n3A = arith.select %ge3A_210, %add3A_207, %mul3A_213 : vector<16xi1>, vector<16xf32>
        %exp3A = math.exp %select_n3A : vector<16xf32>
        %get3A_214 = arith.index_cast %add3A_195 : i32 to index
        %get3A_215 = arith.constant 0 : index
        %get3A_216 = tpu.vector_load %arg8[%get3A_214, %get3A_215] {strides = array<i32>} : memref<80x48xf32, #tpu.memory_space<vmem>>, vector<16xf32>,
        %mul3A_217 = arith.mulf %get3A_216, %exp3A : vector<16xf32>
        %swap3A = arith.index_cast %add3A_195 : i32 to index
        %swap3A_218 = arith.constant 0 : index
        %swap3A_219 = tpu.vector_load %arg8[%swap3A, %swap3A_218] {strides = array<i32>} : memref<80x48xf32, #tpu.memory_space<vmem>>, vector<16xf32>,
        tpu.vector_store %arg8[%swap3A, %swap3A_218], %mul3A_217 {strides = array<i32>} : memref<80x48xf32, #tpu.memory_space<vmem>>, vector<16xf32>,
        %get3A_220 = arith.index_cast %add3A_195 : i32 to index
        %get3A_221 = arith.constant 16 : index
        %get3A_222 = tpu.vector_load %arg8[%get3A_220, %get3A_221] {strides = array<i32>} : memref<80x48xf32, #tpu.memory_space<vmem>>, vector<16xf32>,
        %mul3A_223 = arith.mulf %get3A_222, %exp3A : vector<16xf32>
        %swap3A_224 = arith.index_cast %add3A_195 : i32 to index
        %swap3A_225 = arith.constant 16 : index
        %swap3A_226 = tpu.vector_load %arg8[%swap3A_224, %swap3A_225] {strides = array<i32>} : memref<80x48xf32, #tpu.memory_space<vmem>>, vector<16xf32>,
        tpu.vector_store %arg8[%swap3A_224, %swap3A_225], %mul3A_223 {strides = array<i32>} : memref<80x48xf32, #tpu.memory_space<vmem>>, vector<16xf32>,
        %eq3A = arith.constant 8 : i32
        %eq3A_227 = vector.broadcast %eq3A : i32 to vector<16xi32>
        %eq3A_228 = arith.cmpi eq, %iota3A, %eq3A_227 : vector<16xi32>
        %mul3A_229 = arith.mulf %get3A_197, %exp3A : vector<16xf32>
        %select_n3A_230 = arith.select %eq3A_228, %exp3A, %mul3A_229 : vector<16xi1>, vector<16xf32>
        %swap3A_231 = arith.index_cast %add3A_195 : i32 to index
        %swap3A_232 = arith.constant 32 : index
        %swap3A_233 = tpu.vector_load %arg8[%swap3A_231, %swap3A_232] {strides = array<i32>} : memref<80x48xf32, #tpu.memory_space<vmem>>, vector<16xf32>,
        tpu.vector_store %arg8[%swap3A_231, %swap3A_232], %select_n3A_230 {strides = array<i32>} : memref<80x48xf32, #tpu.memory_space<vmem>>, vector<16xf32>,
        %mul3A_234 = arith.constant 4 : i32
        %mul3A_235 = arith.muli %scan3A_190, %mul3A_234 : i32
        %add3A_236 = arith.constant 1 : i32
        %add3A_237 = arith.addi %mul3A_235, %add3A_236 : i32
        %get3A_238 = arith.index_cast %add3A_237 : i32 to index
        %get3A_239 = arith.constant 32 : index
        %get3A_240 = tpu.vector_load %arg8[%get3A_238, %get3A_239] {strides = array<i32>} : memref<80x48xf32, #tpu.memory_space<vmem>>, vector<16xf32>,
        %broadcast_in_dim3A_241 = arith.constant 8 : i32
        %broadcast_in_dim3A_242 = vector.broadcast %broadcast_in_dim3A_241 : i32 to vector<16x1xi32>
        %gather3A_243 = vector.shape_cast %broadcast_in_dim3A_242 : vector<16x1xi32> to vector<16xi32>
        %gather3A_244 = tpu.dynamic_gather %get3A_240[%gather3A_243] in [0] : vector<16xf32>, vector<16xi32> -> vector<16xf32>
        %get3A_245 = arith.index_cast %add3A_237 : i32 to index
        %get3A_246 = arith.constant 0 : index
        %get3A_247 = tpu.vector_load %arg10[%get3A_245, %get3A_246] {strides = array<i32>} : memref<80x16xf32, #tpu.memory_space<vmem>>, vector<16xf32>,
        %broadcast_in_dim3A_248 = arith.constant 1 : i32
        %broadcast_in_dim3A_249 = vector.broadcast %broadcast_in_dim3A_248 : i32 to vector<16x1xi32>
        %gather3A_250 = vector.shape_cast %broadcast_in_dim3A_249 : vector<16x1xi32> to vector<16xi32>
        %gather3A_251 = tpu.dynamic_gather %get3A_247[%gather3A_250] in [0] : vector<16xf32>, vector<16xi32> -> vector<16xf32>
        %add3A_252 = arith.addf %gather3A_244, %gather3A_251 : vector<16xf32>
        %ge3A_253 = arith.constant 0.000000e+00 : f32
        %ge3A_254 = vector.broadcast %ge3A_253 : f32 to vector<16xf32>
        %ge3A_255 = arith.cmpf oge, %add3A_252, %ge3A_254 : vector<16xf32>
        %mul3A_256 = arith.constant 2.000000e-01 : f32
        %mul3A_257 = vector.broadcast %mul3A_256 : f32 to vector<16xf32>
        %mul3A_258 = arith.mulf %add3A_252, %mul3A_257 : vector<16xf32>
        %select_n3A_259 = arith.select %ge3A_255, %add3A_252, %mul3A_258 : vector<16xi1>, vector<16xf32>
        %exp3A_260 = math.exp %select_n3A_259 : vector<16xf32>
        %get3A_261 = arith.index_cast %add3A_237 : i32 to index
        %get3A_262 = arith.constant 0 : index
        %get3A_263 = tpu.vector_load %arg8[%get3A_261, %get3A_262] {strides = array<i32>} : memref<80x48xf32, #tpu.memory_space<vmem>>, vector<16xf32>,
        %mul3A_264 = arith.mulf %get3A_263, %exp3A_260 : vector<16xf32>
        %swap3A_265 = arith.index_cast %add3A_237 : i32 to index
        %swap3A_266 = arith.constant 0 : index
        %swap3A_267 = tpu.vector_load %arg8[%swap3A_265, %swap3A_266] {strides = array<i32>} : memref<80x48xf32, #tpu.memory_space<vmem>>, vector<16xf32>,
        tpu.vector_store %arg8[%swap3A_265, %swap3A_266], %mul3A_264 {strides = array<i32>} : memref<80x48xf32, #tpu.memory_space<vmem>>, vector<16xf32>,
        %get3A_268 = arith.index_cast %add3A_237 : i32 to index
        %get3A_269 = arith.constant 16 : index
        %get3A_270 = tpu.vector_load %arg8[%get3A_268, %get3A_269] {strides = array<i32>} : memref<80x48xf32, #tpu.memory_space<vmem>>, vector<16xf32>,
        %mul3A_271 = arith.mulf %get3A_270, %exp3A_260 : vector<16xf32>
        %swap3A_272 = arith.index_cast %add3A_237 : i32 to index
        %swap3A_273 = arith.constant 16 : index
        %swap3A_274 = tpu.vector_load %arg8[%swap3A_272, %swap3A_273] {strides = array<i32>} : memref<80x48xf32, #tpu.memory_space<vmem>>, vector<16xf32>,
        tpu.vector_store %arg8[%swap3A_272, %swap3A_273], %mul3A_271 {strides = array<i32>} : memref<80x48xf32, #tpu.memory_space<vmem>>, vector<16xf32>,
        %eq3A_275 = arith.constant 8 : i32
        %eq3A_276 = vector.broadcast %eq3A_275 : i32 to vector<16xi32>
        %eq3A_277 = arith.cmpi eq, %iota3A, %eq3A_276 : vector<16xi32>
        %mul3A_278 = arith.mulf %get3A_240, %exp3A_260 : vector<16xf32>
        %select_n3A_279 = arith.select %eq3A_277, %exp3A_260, %mul3A_278 : vector<16xi1>, vector<16xf32>
        %swap3A_280 = arith.index_cast %add3A_237 : i32 to index
        %swap3A_281 = arith.constant 32 : index
        %swap3A_282 = tpu.vector_load %arg8[%swap3A_280, %swap3A_281] {strides = array<i32>} : memref<80x48xf32, #tpu.memory_space<vmem>>, vector<16xf32>,
        tpu.vector_store %arg8[%swap3A_280, %swap3A_281], %select_n3A_279 {strides = array<i32>} : memref<80x48xf32, #tpu.memory_space<vmem>>, vector<16xf32>,
        %mul3A_283 = arith.constant 4 : i32
        %mul3A_284 = arith.muli %scan3A_190, %mul3A_283 : i32
        %add3A_285 = arith.constant 2 : i32
        %add3A_286 = arith.addi %mul3A_284, %add3A_285 : i32
        %get3A_287 = arith.index_cast %add3A_286 : i32 to index
        %get3A_288 = arith.constant 32 : index
        %get3A_289 = tpu.vector_load %arg8[%get3A_287, %get3A_288] {strides = array<i32>} : memref<80x48xf32, #tpu.memory_space<vmem>>, vector<16xf32>,
        %broadcast_in_dim3A_290 = arith.constant 8 : i32
        %broadcast_in_dim3A_291 = vector.broadcast %broadcast_in_dim3A_290 : i32 to vector<16x1xi32>
        %gather3A_292 = vector.shape_cast %broadcast_in_dim3A_291 : vector<16x1xi32> to vector<16xi32>
        %gather3A_293 = tpu.dynamic_gather %get3A_289[%gather3A_292] in [0] : vector<16xf32>, vector<16xi32> -> vector<16xf32>
        %get3A_294 = arith.index_cast %add3A_286 : i32 to index
        %get3A_295 = arith.constant 0 : index
        %get3A_296 = tpu.vector_load %arg10[%get3A_294, %get3A_295] {strides = array<i32>} : memref<80x16xf32, #tpu.memory_space<vmem>>, vector<16xf32>,
        %broadcast_in_dim3A_297 = arith.constant 1 : i32
        %broadcast_in_dim3A_298 = vector.broadcast %broadcast_in_dim3A_297 : i32 to vector<16x1xi32>
        %gather3A_299 = vector.shape_cast %broadcast_in_dim3A_298 : vector<16x1xi32> to vector<16xi32>
        %gather3A_300 = tpu.dynamic_gather %get3A_296[%gather3A_299] in [0] : vector<16xf32>, vector<16xi32> -> vector<16xf32>
        %add3A_301 = arith.addf %gather3A_293, %gather3A_300 : vector<16xf32>
        %ge3A_302 = arith.constant 0.000000e+00 : f32
        %ge3A_303 = vector.broadcast %ge3A_302 : f32 to vector<16xf32>
        %ge3A_304 = arith.cmpf oge, %add3A_301, %ge3A_303 : vector<16xf32>
        %mul3A_305 = arith.constant 2.000000e-01 : f32
        %mul3A_306 = vector.broadcast %mul3A_305 : f32 to vector<16xf32>
        %mul3A_307 = arith.mulf %add3A_301, %mul3A_306 : vector<16xf32>
        %select_n3A_308 = arith.select %ge3A_304, %add3A_301, %mul3A_307 : vector<16xi1>, vector<16xf32>
        %exp3A_309 = math.exp %select_n3A_308 : vector<16xf32>
        %get3A_310 = arith.index_cast %add3A_286 : i32 to index
        %get3A_311 = arith.constant 0 : index
        %get3A_312 = tpu.vector_load %arg8[%get3A_310, %get3A_311] {strides = array<i32>} : memref<80x48xf32, #tpu.memory_space<vmem>>, vector<16xf32>,
        %mul3A_313 = arith.mulf %get3A_312, %exp3A_309 : vector<16xf32>
        %swap3A_314 = arith.index_cast %add3A_286 : i32 to index
        %swap3A_315 = arith.constant 0 : index
        %swap3A_316 = tpu.vector_load %arg8[%swap3A_314, %swap3A_315] {strides = array<i32>} : memref<80x48xf32, #tpu.memory_space<vmem>>, vector<16xf32>,
        tpu.vector_store %arg8[%swap3A_314, %swap3A_315], %mul3A_313 {strides = array<i32>} : memref<80x48xf32, #tpu.memory_space<vmem>>, vector<16xf32>,
        %get3A_317 = arith.index_cast %add3A_286 : i32 to index
        %get3A_318 = arith.constant 16 : index
        %get3A_319 = tpu.vector_load %arg8[%get3A_317, %get3A_318] {strides = array<i32>} : memref<80x48xf32, #tpu.memory_space<vmem>>, vector<16xf32>,
        %mul3A_320 = arith.mulf %get3A_319, %exp3A_309 : vector<16xf32>
        %swap3A_321 = arith.index_cast %add3A_286 : i32 to index
        %swap3A_322 = arith.constant 16 : index
        %swap3A_323 = tpu.vector_load %arg8[%swap3A_321, %swap3A_322] {strides = array<i32>} : memref<80x48xf32, #tpu.memory_space<vmem>>, vector<16xf32>,
        tpu.vector_store %arg8[%swap3A_321, %swap3A_322], %mul3A_320 {strides = array<i32>} : memref<80x48xf32, #tpu.memory_space<vmem>>, vector<16xf32>,
        %eq3A_324 = arith.constant 8 : i32
        %eq3A_325 = vector.broadcast %eq3A_324 : i32 to vector<16xi32>
        %eq3A_326 = arith.cmpi eq, %iota3A, %eq3A_325 : vector<16xi32>
        %mul3A_327 = arith.mulf %get3A_289, %exp3A_309 : vector<16xf32>
        %select_n3A_328 = arith.select %eq3A_326, %exp3A_309, %mul3A_327 : vector<16xi1>, vector<16xf32>
        %swap3A_329 = arith.index_cast %add3A_286 : i32 to index
        %swap3A_330 = arith.constant 32 : index
        %swap3A_331 = tpu.vector_load %arg8[%swap3A_329, %swap3A_330] {strides = array<i32>} : memref<80x48xf32, #tpu.memory_space<vmem>>, vector<16xf32>,
        tpu.vector_store %arg8[%swap3A_329, %swap3A_330], %select_n3A_328 {strides = array<i32>} : memref<80x48xf32, #tpu.memory_space<vmem>>, vector<16xf32>,
        %mul3A_332 = arith.constant 4 : i32
        %mul3A_333 = arith.muli %scan3A_190, %mul3A_332 : i32
        %add3A_334 = arith.constant 3 : i32
        %add3A_335 = arith.addi %mul3A_333, %add3A_334 : i32
        %get3A_336 = arith.index_cast %add3A_335 : i32 to index
        %get3A_337 = arith.constant 32 : index
        %get3A_338 = tpu.vector_load %arg8[%get3A_336, %get3A_337] {strides = array<i32>} : memref<80x48xf32, #tpu.memory_space<vmem>>, vector<16xf32>,
        %broadcast_in_dim3A_339 = arith.constant 8 : i32
        %broadcast_in_dim3A_340 = vector.broadcast %broadcast_in_dim3A_339 : i32 to vector<16x1xi32>
        %gather3A_341 = vector.shape_cast %broadcast_in_dim3A_340 : vector<16x1xi32> to vector<16xi32>
        %gather3A_342 = tpu.dynamic_gather %get3A_338[%gather3A_341] in [0] : vector<16xf32>, vector<16xi32> -> vector<16xf32>
        %get3A_343 = arith.index_cast %add3A_335 : i32 to index
        %get3A_344 = arith.constant 0 : index
        %get3A_345 = tpu.vector_load %arg10[%get3A_343, %get3A_344] {strides = array<i32>} : memref<80x16xf32, #tpu.memory_space<vmem>>, vector<16xf32>,
        %broadcast_in_dim3A_346 = arith.constant 1 : i32
        %broadcast_in_dim3A_347 = vector.broadcast %broadcast_in_dim3A_346 : i32 to vector<16x1xi32>
        %gather3A_348 = vector.shape_cast %broadcast_in_dim3A_347 : vector<16x1xi32> to vector<16xi32>
        %gather3A_349 = tpu.dynamic_gather %get3A_345[%gather3A_348] in [0] : vector<16xf32>, vector<16xi32> -> vector<16xf32>
        %add3A_350 = arith.addf %gather3A_342, %gather3A_349 : vector<16xf32>
        %ge3A_351 = arith.constant 0.000000e+00 : f32
        %ge3A_352 = vector.broadcast %ge3A_351 : f32 to vector<16xf32>
        %ge3A_353 = arith.cmpf oge, %add3A_350, %ge3A_352 : vector<16xf32>
        %mul3A_354 = arith.constant 2.000000e-01 : f32
        %mul3A_355 = vector.broadcast %mul3A_354 : f32 to vector<16xf32>
        %mul3A_356 = arith.mulf %add3A_350, %mul3A_355 : vector<16xf32>
        %select_n3A_357 = arith.select %ge3A_353, %add3A_350, %mul3A_356 : vector<16xi1>, vector<16xf32>
        %exp3A_358 = math.exp %select_n3A_357 : vector<16xf32>
        %get3A_359 = arith.index_cast %add3A_335 : i32 to index
        %get3A_360 = arith.constant 0 : index
        %get3A_361 = tpu.vector_load %arg8[%get3A_359, %get3A_360] {strides = array<i32>} : memref<80x48xf32, #tpu.memory_space<vmem>>, vector<16xf32>,
        %mul3A_362 = arith.mulf %get3A_361, %exp3A_358 : vector<16xf32>
        %swap3A_363 = arith.index_cast %add3A_335 : i32 to index
        %swap3A_364 = arith.constant 0 : index
        %swap3A_365 = tpu.vector_load %arg8[%swap3A_363, %swap3A_364] {strides = array<i32>} : memref<80x48xf32, #tpu.memory_space<vmem>>, vector<16xf32>,
        tpu.vector_store %arg8[%swap3A_363, %swap3A_364], %mul3A_362 {strides = array<i32>} : memref<80x48xf32, #tpu.memory_space<vmem>>, vector<16xf32>,
        %get3A_366 = arith.index_cast %add3A_335 : i32 to index
        %get3A_367 = arith.constant 16 : index
        %get3A_368 = tpu.vector_load %arg8[%get3A_366, %get3A_367] {strides = array<i32>} : memref<80x48xf32, #tpu.memory_space<vmem>>, vector<16xf32>,
        %mul3A_369 = arith.mulf %get3A_368, %exp3A_358 : vector<16xf32>
        %swap3A_370 = arith.index_cast %add3A_335 : i32 to index
        %swap3A_371 = arith.constant 16 : index
        %swap3A_372 = tpu.vector_load %arg8[%swap3A_370, %swap3A_371] {strides = array<i32>} : memref<80x48xf32, #tpu.memory_space<vmem>>, vector<16xf32>,
        tpu.vector_store %arg8[%swap3A_370, %swap3A_371], %mul3A_369 {strides = array<i32>} : memref<80x48xf32, #tpu.memory_space<vmem>>, vector<16xf32>,
        %eq3A_373 = arith.constant 8 : i32
        %eq3A_374 = vector.broadcast %eq3A_373 : i32 to vector<16xi32>
        %eq3A_375 = arith.cmpi eq, %iota3A, %eq3A_374 : vector<16xi32>
        %mul3A_376 = arith.mulf %get3A_338, %exp3A_358 : vector<16xf32>
        %select_n3A_377 = arith.select %eq3A_375, %exp3A_358, %mul3A_376 : vector<16xi1>, vector<16xf32>
        %swap3A_378 = arith.index_cast %add3A_335 : i32 to index
        %swap3A_379 = arith.constant 32 : index
        %swap3A_380 = tpu.vector_load %arg8[%swap3A_378, %swap3A_379] {strides = array<i32>} : memref<80x48xf32, #tpu.memory_space<vmem>>, vector<16xf32>,
        tpu.vector_store %arg8[%swap3A_378, %swap3A_379], %select_n3A_377 {strides = array<i32>} : memref<80x48xf32, #tpu.memory_space<vmem>>, vector<16xf32>,
        %scan3A_381 = arith.constant 0 : i32
        scf.yield %scan3A_381 : i32
      }
      %scan3A_182 = arith.constant 20 : i32
      %dma_start3A_183 = arith.constant 0 : i32
      %dma_start3A_184 = tpu.memref_slice %arg12[%add3A_149, %dma_start3A_183] : memref<125x80xi32, #tpu.memory_space<vmem>> -> memref<1x80xi32, #tpu.memory_space<vmem>>
      %dma_start3A_185 = tpu.memref_squeeze %dma_start3A_184 : memref<1x80xi32, #tpu.memory_space<vmem>> -> memref<80xi32, #tpu.memory_space<vmem>>
      %dma_start3A_186 = arith.constant 0 : i32
      %dma_start3A_187 = arith.constant 0 : i32
      %dma_start3A_188 = tpu.memref_slice %arg13[%dma_start3A_186, %dma_start3A_187] : memref<10240x48xf32, #tpu.memory_space<vmem_shared>> -> memref<10240x48xf32, #tpu.memory_space<vmem_shared>>
      tpu.enqueue_indirect_dma source(%arg8 : memref<80x48xf32, #tpu.memory_space<vmem>>) target(%dma_start3A_188 : memref<10240x48xf32, #tpu.memory_space<vmem_shared>>) offsets(%dma_start3A_185 : memref<80xi32, #tpu.memory_space<vmem>>) semaphore(%arg16 : memref<!tpu.dma_semaphore, #tpu.memory_space<semaphore_mem>>) {add = true}
      %scan3A_189 = arith.constant 0 : i32
      scf.yield %scan3A_189 : i32
    }
    %scan3A_58 = arith.constant 62 : i32
    %dma_wait3A = arith.constant 0 : i32
    %dma_wait3A_59 = arith.constant 0 : i32
    %dma_wait3A_60 = tpu.memref_slice %arg12[%dma_wait3A, %dma_wait3A_59] : memref<125x80xi32, #tpu.memory_space<vmem>> -> memref<1x80xi32, #tpu.memory_space<vmem>>
    %dma_wait3A_61 = tpu.memref_squeeze %dma_wait3A_60 : memref<1x80xi32, #tpu.memory_space<vmem>> -> memref<80xi32, #tpu.memory_space<vmem>>
    %dma_wait3A_62 = arith.constant 0 : i32
    %dma_wait3A_63 = arith.constant 0 : i32
    %dma_wait3A_64 = tpu.memref_slice %arg13[%dma_wait3A_62, %dma_wait3A_63] : memref<10240x48xf32, #tpu.memory_space<vmem_shared>> -> memref<10240x48xf32, #tpu.memory_space<vmem_shared>>
    tpu.wait_indirect_dma semaphore(%arg16 : memref<!tpu.dma_semaphore, #tpu.memory_space<semaphore_mem>>) src(%arg8 : memref<80x48xf32, #tpu.memory_space<vmem>>) dst(%dma_wait3A_64 : memref<10240x48xf32, #tpu.memory_space<vmem_shared>>)
    %dma_wait3A_65 = arith.constant 0 : i32
    %dma_wait3A_66 = arith.constant 0 : i32
    %dma_wait3A_67 = tpu.memref_slice %arg11[%dma_wait3A_65, %dma_wait3A_66] : memref<125x80xi32, #tpu.memory_space<vmem>> -> memref<1x80xi32, #tpu.memory_space<vmem>>
    %dma_wait3A_68 = tpu.memref_squeeze %dma_wait3A_67 : memref<1x80xi32, #tpu.memory_space<vmem>> -> memref<80xi32, #tpu.memory_space<vmem>>
    %dma_wait3A_69 = arith.constant 0 : i32
    %dma_wait3A_70 = arith.constant 0 : i32
    %dma_wait3A_71 = tpu.memref_slice %arg4[%dma_wait3A_69, %dma_wait3A_70] : memref<10000x48xf32, #tpu.memory_space<hbm>> -> memref<10000x48xf32, #tpu.memory_space<hbm>>
    tpu.wait_indirect_dma semaphore(%arg14 : memref<!tpu.dma_semaphore, #tpu.memory_space<semaphore_mem>>) src(%dma_wait3A_71 : memref<10000x48xf32, #tpu.memory_space<hbm>>) dst(%arg7 : memref<80x48xf32, #tpu.memory_space<vmem>>)
    %dma_wait3A_72 = arith.constant 0 : i32
    %dma_wait3A_73 = arith.constant 0 : i32
    %dma_wait3A_74 = tpu.memref_slice %arg12[%dma_wait3A_72, %dma_wait3A_73] : memref<125x80xi32, #tpu.memory_space<vmem>> -> memref<1x80xi32, #tpu.memory_space<vmem>>
    %dma_wait3A_75 = tpu.memref_squeeze %dma_wait3A_74 : memref<1x80xi32, #tpu.memory_space<vmem>> -> memref<80xi32, #tpu.memory_space<vmem>>
    %dma_wait3A_76 = arith.constant 0 : i32
    %dma_wait3A_77 = arith.constant 0 : i32
    %dma_wait3A_78 = tpu.memref_slice %arg5[%dma_wait3A_76, %dma_wait3A_77] : memref<10000x16xf32, #tpu.memory_space<hbm>> -> memref<10000x16xf32, #tpu.memory_space<hbm>>
    tpu.wait_indirect_dma semaphore(%arg15 : memref<!tpu.dma_semaphore, #tpu.memory_space<semaphore_mem>>) src(%dma_wait3A_78 : memref<10000x16xf32, #tpu.memory_space<hbm>>) dst(%arg9 : memref<80x16xf32, #tpu.memory_space<vmem>>)
    %scan3A_79 = arith.constant 0 : i32
    %scan3A_80 = arith.constant 0 : i32
    %scan3A_81 = arith.constant 20 : i32
    %scan3A_82 = arith.addi %scan3A_80, %scan3A_81 : i32
    %scan3A_83 = arith.constant 1 : i32
    %scan3A_84 = scf.for %scan3A_105 = %scan3A_80 to %scan3A_82 step %scan3A_83 iter_args(%scan3A_106 = %scan3A_79) -> (i32)  : i32 {
      %mul3A_107 = arith.constant 4 : i32
      %mul3A_108 = arith.muli %scan3A_105, %mul3A_107 : i32
      %add3A_109 = arith.constant 0 : i32
      %add3A_110 = arith.addi %mul3A_108, %add3A_109 : i32
      %get3A = arith.index_cast %add3A_110 : i32 to index
      %get3A_111 = arith.constant 32 : index
      %get3A_112 = tpu.vector_load %arg7[%get3A, %get3A_111] {strides = array<i32>} : memref<80x48xf32, #tpu.memory_space<vmem>>, vector<16xf32>,
      %broadcast_in_dim3A = arith.constant 8 : i32
      %broadcast_in_dim3A_113 = vector.broadcast %broadcast_in_dim3A : i32 to vector<16x1xi32>
      %gather3A = vector.shape_cast %broadcast_in_dim3A_113 : vector<16x1xi32> to vector<16xi32>
      %gather3A_114 = tpu.dynamic_gather %get3A_112[%gather3A] in [0] : vector<16xf32>, vector<16xi32> -> vector<16xf32>
      %get3A_115 = arith.index_cast %add3A_110 : i32 to index
      %get3A_116 = arith.constant 0 : index
      %get3A_117 = tpu.vector_load %arg9[%get3A_115, %get3A_116] {strides = array<i32>} : memref<80x16xf32, #tpu.memory_space<vmem>>, vector<16xf32>,
      %broadcast_in_dim3A_118 = arith.constant 1 : i32
      %broadcast_in_dim3A_119 = vector.broadcast %broadcast_in_dim3A_118 : i32 to vector<16x1xi32>
      %gather3A_120 = vector.shape_cast %broadcast_in_dim3A_119 : vector<16x1xi32> to vector<16xi32>
      %gather3A_121 = tpu.dynamic_gather %get3A_117[%gather3A_120] in [0] : vector<16xf32>, vector<16xi32> -> vector<16xf32>
      %add3A_122 = arith.addf %gather3A_114, %gather3A_121 : vector<16xf32>
      %ge3A = arith.constant 0.000000e+00 : f32
      %ge3A_123 = vector.broadcast %ge3A : f32 to vector<16xf32>
      %ge3A_124 = arith.cmpf oge, %add3A_122, %ge3A_123 : vector<16xf32>
      %mul3A_125 = arith.constant 2.000000e-01 : f32
      %mul3A_126 = vector.broadcast %mul3A_125 : f32 to vector<16xf32>
      %mul3A_127 = arith.mulf %add3A_122, %mul3A_126 : vector<16xf32>
      %select_n3A = arith.select %ge3A_124, %add3A_122, %mul3A_127 : vector<16xi1>, vector<16xf32>
      %exp3A = math.exp %select_n3A : vector<16xf32>
      %get3A_128 = arith.index_cast %add3A_110 : i32 to index
      %get3A_129 = arith.constant 0 : index
      %get3A_130 = tpu.vector_load %arg7[%get3A_128, %get3A_129] {strides = array<i32>} : memref<80x48xf32, #tpu.memory_space<vmem>>, vector<16xf32>,
      %mul3A_131 = arith.mulf %get3A_130, %exp3A : vector<16xf32>
      %swap3A = arith.index_cast %add3A_110 : i32 to index
      %swap3A_132 = arith.constant 0 : index
      %swap3A_133 = tpu.vector_load %arg7[%swap3A, %swap3A_132] {strides = array<i32>} : memref<80x48xf32, #tpu.memory_space<vmem>>, vector<16xf32>,
      tpu.vector_store %arg7[%swap3A, %swap3A_132], %mul3A_131 {strides = array<i32>} : memref<80x48xf32, #tpu.memory_space<vmem>>, vector<16xf32>,
      %get3A_134 = arith.index_cast %add3A_110 : i32 to index
      %get3A_135 = arith.constant 16 : index
      %get3A_136 = tpu.vector_load %arg7[%get3A_134, %get3A_135] {strides = array<i32>} : memref<80x48xf32, #tpu.memory_space<vmem>>, vector<16xf32>,
      %mul3A_137 = arith.mulf %get3A_136, %exp3A : vector<16xf32>
      %swap3A_138 = arith.index_cast %add3A_110 : i32 to index
      %swap3A_139 = arith.constant 16 : index
      %swap3A_140 = tpu.vector_load %arg7[%swap3A_138, %swap3A_139] {strides = array<i32>} : memref<80x48xf32, #tpu.memory_space<vmem>>, vector<16xf32>,
      tpu.vector_store %arg7[%swap3A_138, %swap3A_139], %mul3A_137 {strides = array<i32>} : memref<80x48xf32, #tpu.memory_space<vmem>>, vector<16xf32>,
      %eq3A = arith.constant 8 : i32
      %eq3A_141 = vector.broadcast %eq3A : i32 to vector<16xi32>
      %eq3A_142 = arith.cmpi eq, %iota3A, %eq3A_141 : vector<16xi32>
      %mul3A_143 = arith.mulf %get3A_112, %exp3A : vector<16xf32>
      %select_n3A_144 = arith.select %eq3A_142, %exp3A, %mul3A_143 : vector<16xi1>, vector<16xf32>
      %swap3A_145 = arith.index_cast %add3A_110 : i32 to index
      %swap3A_146 = arith.constant 32 : index
      %swap3A_147 = tpu.vector_load %arg7[%swap3A_145, %swap3A_146] {strides = array<i32>} : memref<80x48xf32, #tpu.memory_space<vmem>>, vector<16xf32>,
      tpu.vector_store %arg7[%swap3A_145, %swap3A_146], %select_n3A_144 {strides = array<i32>} : memref<80x48xf32, #tpu.memory_space<vmem>>, vector<16xf32>,
      %mul3A_148 = arith.constant 4 : i32
      %mul3A_149 = arith.muli %scan3A_105, %mul3A_148 : i32
      %add3A_150 = arith.constant 1 : i32
      %add3A_151 = arith.addi %mul3A_149, %add3A_150 : i32
      %get3A_152 = arith.index_cast %add3A_151 : i32 to index
      %get3A_153 = arith.constant 32 : index
      %get3A_154 = tpu.vector_load %arg7[%get3A_152, %get3A_153] {strides = array<i32>} : memref<80x48xf32, #tpu.memory_space<vmem>>, vector<16xf32>,
      %broadcast_in_dim3A_155 = arith.constant 8 : i32
      %broadcast_in_dim3A_156 = vector.broadcast %broadcast_in_dim3A_155 : i32 to vector<16x1xi32>
      %gather3A_157 = vector.shape_cast %broadcast_in_dim3A_156 : vector<16x1xi32> to vector<16xi32>
      %gather3A_158 = tpu.dynamic_gather %get3A_154[%gather3A_157] in [0] : vector<16xf32>, vector<16xi32> -> vector<16xf32>
      %get3A_159 = arith.index_cast %add3A_151 : i32 to index
      %get3A_160 = arith.constant 0 : index
      %get3A_161 = tpu.vector_load %arg9[%get3A_159, %get3A_160] {strides = array<i32>} : memref<80x16xf32, #tpu.memory_space<vmem>>, vector<16xf32>,
      %broadcast_in_dim3A_162 = arith.constant 1 : i32
      %broadcast_in_dim3A_163 = vector.broadcast %broadcast_in_dim3A_162 : i32 to vector<16x1xi32>
      %gather3A_164 = vector.shape_cast %broadcast_in_dim3A_163 : vector<16x1xi32> to vector<16xi32>
      %gather3A_165 = tpu.dynamic_gather %get3A_161[%gather3A_164] in [0] : vector<16xf32>, vector<16xi32> -> vector<16xf32>
      %add3A_166 = arith.addf %gather3A_158, %gather3A_165 : vector<16xf32>
      %ge3A_167 = arith.constant 0.000000e+00 : f32
      %ge3A_168 = vector.broadcast %ge3A_167 : f32 to vector<16xf32>
      %ge3A_169 = arith.cmpf oge, %add3A_166, %ge3A_168 : vector<16xf32>
      %mul3A_170 = arith.constant 2.000000e-01 : f32
      %mul3A_171 = vector.broadcast %mul3A_170 : f32 to vector<16xf32>
      %mul3A_172 = arith.mulf %add3A_166, %mul3A_171 : vector<16xf32>
      %select_n3A_173 = arith.select %ge3A_169, %add3A_166, %mul3A_172 : vector<16xi1>, vector<16xf32>
      %exp3A_174 = math.exp %select_n3A_173 : vector<16xf32>
      %get3A_175 = arith.index_cast %add3A_151 : i32 to index
      %get3A_176 = arith.constant 0 : index
      %get3A_177 = tpu.vector_load %arg7[%get3A_175, %get3A_176] {strides = array<i32>} : memref<80x48xf32, #tpu.memory_space<vmem>>, vector<16xf32>,
      %mul3A_178 = arith.mulf %get3A_177, %exp3A_174 : vector<16xf32>
      %swap3A_179 = arith.index_cast %add3A_151 : i32 to index
      %swap3A_180 = arith.constant 0 : index
      %swap3A_181 = tpu.vector_load %arg7[%swap3A_179, %swap3A_180] {strides = array<i32>} : memref<80x48xf32, #tpu.memory_space<vmem>>, vector<16xf32>,
      tpu.vector_store %arg7[%swap3A_179, %swap3A_180], %mul3A_178 {strides = array<i32>} : memref<80x48xf32, #tpu.memory_space<vmem>>, vector<16xf32>,
      %get3A_182 = arith.index_cast %add3A_151 : i32 to index
      %get3A_183 = arith.constant 16 : index
      %get3A_184 = tpu.vector_load %arg7[%get3A_182, %get3A_183] {strides = array<i32>} : memref<80x48xf32, #tpu.memory_space<vmem>>, vector<16xf32>,
      %mul3A_185 = arith.mulf %get3A_184, %exp3A_174 : vector<16xf32>
      %swap3A_186 = arith.index_cast %add3A_151 : i32 to index
      %swap3A_187 = arith.constant 16 : index
      %swap3A_188 = tpu.vector_load %arg7[%swap3A_186, %swap3A_187] {strides = array<i32>} : memref<80x48xf32, #tpu.memory_space<vmem>>, vector<16xf32>,
      tpu.vector_store %arg7[%swap3A_186, %swap3A_187], %mul3A_185 {strides = array<i32>} : memref<80x48xf32, #tpu.memory_space<vmem>>, vector<16xf32>,
      %eq3A_189 = arith.constant 8 : i32
      %eq3A_190 = vector.broadcast %eq3A_189 : i32 to vector<16xi32>
      %eq3A_191 = arith.cmpi eq, %iota3A, %eq3A_190 : vector<16xi32>
      %mul3A_192 = arith.mulf %get3A_154, %exp3A_174 : vector<16xf32>
      %select_n3A_193 = arith.select %eq3A_191, %exp3A_174, %mul3A_192 : vector<16xi1>, vector<16xf32>
      %swap3A_194 = arith.index_cast %add3A_151 : i32 to index
      %swap3A_195 = arith.constant 32 : index
      %swap3A_196 = tpu.vector_load %arg7[%swap3A_194, %swap3A_195] {strides = array<i32>} : memref<80x48xf32, #tpu.memory_space<vmem>>, vector<16xf32>,
      tpu.vector_store %arg7[%swap3A_194, %swap3A_195], %select_n3A_193 {strides = array<i32>} : memref<80x48xf32, #tpu.memory_space<vmem>>, vector<16xf32>,
      %mul3A_197 = arith.constant 4 : i32
      %mul3A_198 = arith.muli %scan3A_105, %mul3A_197 : i32
      %add3A_199 = arith.constant 2 : i32
      %add3A_200 = arith.addi %mul3A_198, %add3A_199 : i32
      %get3A_201 = arith.index_cast %add3A_200 : i32 to index
      %get3A_202 = arith.constant 32 : index
      %get3A_203 = tpu.vector_load %arg7[%get3A_201, %get3A_202] {strides = array<i32>} : memref<80x48xf32, #tpu.memory_space<vmem>>, vector<16xf32>,
      %broadcast_in_dim3A_204 = arith.constant 8 : i32
      %broadcast_in_dim3A_205 = vector.broadcast %broadcast_in_dim3A_204 : i32 to vector<16x1xi32>
      %gather3A_206 = vector.shape_cast %broadcast_in_dim3A_205 : vector<16x1xi32> to vector<16xi32>
      %gather3A_207 = tpu.dynamic_gather %get3A_203[%gather3A_206] in [0] : vector<16xf32>, vector<16xi32> -> vector<16xf32>
      %get3A_208 = arith.index_cast %add3A_200 : i32 to index
      %get3A_209 = arith.constant 0 : index
      %get3A_210 = tpu.vector_load %arg9[%get3A_208, %get3A_209] {strides = array<i32>} : memref<80x16xf32, #tpu.memory_space<vmem>>, vector<16xf32>,
      %broadcast_in_dim3A_211 = arith.constant 1 : i32
      %broadcast_in_dim3A_212 = vector.broadcast %broadcast_in_dim3A_211 : i32 to vector<16x1xi32>
      %gather3A_213 = vector.shape_cast %broadcast_in_dim3A_212 : vector<16x1xi32> to vector<16xi32>
      %gather3A_214 = tpu.dynamic_gather %get3A_210[%gather3A_213] in [0] : vector<16xf32>, vector<16xi32> -> vector<16xf32>
      %add3A_215 = arith.addf %gather3A_207, %gather3A_214 : vector<16xf32>
      %ge3A_216 = arith.constant 0.000000e+00 : f32
      %ge3A_217 = vector.broadcast %ge3A_216 : f32 to vector<16xf32>
      %ge3A_218 = arith.cmpf oge, %add3A_215, %ge3A_217 : vector<16xf32>
      %mul3A_219 = arith.constant 2.000000e-01 : f32
      %mul3A_220 = vector.broadcast %mul3A_219 : f32 to vector<16xf32>
      %mul3A_221 = arith.mulf %add3A_215, %mul3A_220 : vector<16xf32>
      %select_n3A_222 = arith.select %ge3A_218, %add3A_215, %mul3A_221 : vector<16xi1>, vector<16xf32>
      %exp3A_223 = math.exp %select_n3A_222 : vector<16xf32>
      %get3A_224 = arith.index_cast %add3A_200 : i32 to index
      %get3A_225 = arith.constant 0 : index
      %get3A_226 = tpu.vector_load %arg7[%get3A_224, %get3A_225] {strides = array<i32>} : memref<80x48xf32, #tpu.memory_space<vmem>>, vector<16xf32>,
      %mul3A_227 = arith.mulf %get3A_226, %exp3A_223 : vector<16xf32>
      %swap3A_228 = arith.index_cast %add3A_200 : i32 to index
      %swap3A_229 = arith.constant 0 : index
      %swap3A_230 = tpu.vector_load %arg7[%swap3A_228, %swap3A_229] {strides = array<i32>} : memref<80x48xf32, #tpu.memory_space<vmem>>, vector<16xf32>,
      tpu.vector_store %arg7[%swap3A_228, %swap3A_229], %mul3A_227 {strides = array<i32>} : memref<80x48xf32, #tpu.memory_space<vmem>>, vector<16xf32>,
      %get3A_231 = arith.index_cast %add3A_200 : i32 to index
      %get3A_232 = arith.constant 16 : index
      %get3A_233 = tpu.vector_load %arg7[%get3A_231, %get3A_232] {strides = array<i32>} : memref<80x48xf32, #tpu.memory_space<vmem>>, vector<16xf32>,
      %mul3A_234 = arith.mulf %get3A_233, %exp3A_223 : vector<16xf32>
      %swap3A_235 = arith.index_cast %add3A_200 : i32 to index
      %swap3A_236 = arith.constant 16 : index
      %swap3A_237 = tpu.vector_load %arg7[%swap3A_235, %swap3A_236] {strides = array<i32>} : memref<80x48xf32, #tpu.memory_space<vmem>>, vector<16xf32>,
      tpu.vector_store %arg7[%swap3A_235, %swap3A_236], %mul3A_234 {strides = array<i32>} : memref<80x48xf32, #tpu.memory_space<vmem>>, vector<16xf32>,
      %eq3A_238 = arith.constant 8 : i32
      %eq3A_239 = vector.broadcast %eq3A_238 : i32 to vector<16xi32>
      %eq3A_240 = arith.cmpi eq, %iota3A, %eq3A_239 : vector<16xi32>
      %mul3A_241 = arith.mulf %get3A_203, %exp3A_223 : vector<16xf32>
      %select_n3A_242 = arith.select %eq3A_240, %exp3A_223, %mul3A_241 : vector<16xi1>, vector<16xf32>
      %swap3A_243 = arith.index_cast %add3A_200 : i32 to index
      %swap3A_244 = arith.constant 32 : index
      %swap3A_245 = tpu.vector_load %arg7[%swap3A_243, %swap3A_244] {strides = array<i32>} : memref<80x48xf32, #tpu.memory_space<vmem>>, vector<16xf32>,
      tpu.vector_store %arg7[%swap3A_243, %swap3A_244], %select_n3A_242 {strides = array<i32>} : memref<80x48xf32, #tpu.memory_space<vmem>>, vector<16xf32>,
      %mul3A_246 = arith.constant 4 : i32
      %mul3A_247 = arith.muli %scan3A_105, %mul3A_246 : i32
      %add3A_248 = arith.constant 3 : i32
      %add3A_249 = arith.addi %mul3A_247, %add3A_248 : i32
      %get3A_250 = arith.index_cast %add3A_249 : i32 to index
      %get3A_251 = arith.constant 32 : index
      %get3A_252 = tpu.vector_load %arg7[%get3A_250, %get3A_251] {strides = array<i32>} : memref<80x48xf32, #tpu.memory_space<vmem>>, vector<16xf32>,
      %broadcast_in_dim3A_253 = arith.constant 8 : i32
      %broadcast_in_dim3A_254 = vector.broadcast %broadcast_in_dim3A_253 : i32 to vector<16x1xi32>
      %gather3A_255 = vector.shape_cast %broadcast_in_dim3A_254 : vector<16x1xi32> to vector<16xi32>
      %gather3A_256 = tpu.dynamic_gather %get3A_252[%gather3A_255] in [0] : vector<16xf32>, vector<16xi32> -> vector<16xf32>
      %get3A_257 = arith.index_cast %add3A_249 : i32 to index
      %get3A_258 = arith.constant 0 : index
      %get3A_259 = tpu.vector_load %arg9[%get3A_257, %get3A_258] {strides = array<i32>} : memref<80x16xf32, #tpu.memory_space<vmem>>, vector<16xf32>,
      %broadcast_in_dim3A_260 = arith.constant 1 : i32
      %broadcast_in_dim3A_261 = vector.broadcast %broadcast_in_dim3A_260 : i32 to vector<16x1xi32>
      %gather3A_262 = vector.shape_cast %broadcast_in_dim3A_261 : vector<16x1xi32> to vector<16xi32>
      %gather3A_263 = tpu.dynamic_gather %get3A_259[%gather3A_262] in [0] : vector<16xf32>, vector<16xi32> -> vector<16xf32>
      %add3A_264 = arith.addf %gather3A_256, %gather3A_263 : vector<16xf32>
      %ge3A_265 = arith.constant 0.000000e+00 : f32
      %ge3A_266 = vector.broadcast %ge3A_265 : f32 to vector<16xf32>
      %ge3A_267 = arith.cmpf oge, %add3A_264, %ge3A_266 : vector<16xf32>
      %mul3A_268 = arith.constant 2.000000e-01 : f32
      %mul3A_269 = vector.broadcast %mul3A_268 : f32 to vector<16xf32>
      %mul3A_270 = arith.mulf %add3A_264, %mul3A_269 : vector<16xf32>
      %select_n3A_271 = arith.select %ge3A_267, %add3A_264, %mul3A_270 : vector<16xi1>, vector<16xf32>
      %exp3A_272 = math.exp %select_n3A_271 : vector<16xf32>
      %get3A_273 = arith.index_cast %add3A_249 : i32 to index
      %get3A_274 = arith.constant 0 : index
      %get3A_275 = tpu.vector_load %arg7[%get3A_273, %get3A_274] {strides = array<i32>} : memref<80x48xf32, #tpu.memory_space<vmem>>, vector<16xf32>,
      %mul3A_276 = arith.mulf %get3A_275, %exp3A_272 : vector<16xf32>
      %swap3A_277 = arith.index_cast %add3A_249 : i32 to index
      %swap3A_278 = arith.constant 0 : index
      %swap3A_279 = tpu.vector_load %arg7[%swap3A_277, %swap3A_278] {strides = array<i32>} : memref<80x48xf32, #tpu.memory_space<vmem>>, vector<16xf32>,
      tpu.vector_store %arg7[%swap3A_277, %swap3A_278], %mul3A_276 {strides = array<i32>} : memref<80x48xf32, #tpu.memory_space<vmem>>, vector<16xf32>,
      %get3A_280 = arith.index_cast %add3A_249 : i32 to index
      %get3A_281 = arith.constant 16 : index
      %get3A_282 = tpu.vector_load %arg7[%get3A_280, %get3A_281] {strides = array<i32>} : memref<80x48xf32, #tpu.memory_space<vmem>>, vector<16xf32>,
      %mul3A_283 = arith.mulf %get3A_282, %exp3A_272 : vector<16xf32>
      %swap3A_284 = arith.index_cast %add3A_249 : i32 to index
      %swap3A_285 = arith.constant 16 : index
      %swap3A_286 = tpu.vector_load %arg7[%swap3A_284, %swap3A_285] {strides = array<i32>} : memref<80x48xf32, #tpu.memory_space<vmem>>, vector<16xf32>,
      tpu.vector_store %arg7[%swap3A_284, %swap3A_285], %mul3A_283 {strides = array<i32>} : memref<80x48xf32, #tpu.memory_space<vmem>>, vector<16xf32>,
      %eq3A_287 = arith.constant 8 : i32
      %eq3A_288 = vector.broadcast %eq3A_287 : i32 to vector<16xi32>
      %eq3A_289 = arith.cmpi eq, %iota3A, %eq3A_288 : vector<16xi32>
      %mul3A_290 = arith.mulf %get3A_252, %exp3A_272 : vector<16xf32>
      %select_n3A_291 = arith.select %eq3A_289, %exp3A_272, %mul3A_290 : vector<16xi1>, vector<16xf32>
      %swap3A_292 = arith.index_cast %add3A_249 : i32 to index
      %swap3A_293 = arith.constant 32 : index
      %swap3A_294 = tpu.vector_load %arg7[%swap3A_292, %swap3A_293] {strides = array<i32>} : memref<80x48xf32, #tpu.memory_space<vmem>>, vector<16xf32>,
      tpu.vector_store %arg7[%swap3A_292, %swap3A_293], %select_n3A_291 {strides = array<i32>} : memref<80x48xf32, #tpu.memory_space<vmem>>, vector<16xf32>,
      %scan3A_295 = arith.constant 0 : i32
      scf.yield %scan3A_295 : i32
    }
    %scan3A_85 = arith.constant 20 : i32
    %dma_start3A_86 = arith.constant 124 : i32
    %dma_start3A_87 = arith.constant 0 : i32
    %dma_start3A_88 = tpu.memref_slice %arg12[%dma_start3A_86, %dma_start3A_87] : memref<125x80xi32, #tpu.memory_space<vmem>> -> memref<1x80xi32, #tpu.memory_space<vmem>>
    %dma_start3A_89 = tpu.memref_squeeze %dma_start3A_88 : memref<1x80xi32, #tpu.memory_space<vmem>> -> memref<80xi32, #tpu.memory_space<vmem>>
    %dma_start3A_90 = arith.constant 0 : i32
    %dma_start3A_91 = arith.constant 0 : i32
    %dma_start3A_92 = tpu.memref_slice %arg13[%dma_start3A_90, %dma_start3A_91] : memref<10240x48xf32, #tpu.memory_space<vmem_shared>> -> memref<10240x48xf32, #tpu.memory_space<vmem_shared>>
    tpu.enqueue_indirect_dma source(%arg7 : memref<80x48xf32, #tpu.memory_space<vmem>>) target(%dma_start3A_92 : memref<10240x48xf32, #tpu.memory_space<vmem_shared>>) offsets(%dma_start3A_89 : memref<80xi32, #tpu.memory_space<vmem>>) semaphore(%arg16 : memref<!tpu.dma_semaphore, #tpu.memory_space<semaphore_mem>>) {add = true}
    %dma_wait3A_93 = arith.constant 0 : i32
    %dma_wait3A_94 = arith.constant 0 : i32
    %dma_wait3A_95 = tpu.memref_slice %arg12[%dma_wait3A_93, %dma_wait3A_94] : memref<125x80xi32, #tpu.memory_space<vmem>> -> memref<1x80xi32, #tpu.memory_space<vmem>>
    %dma_wait3A_96 = tpu.memref_squeeze %dma_wait3A_95 : memref<1x80xi32, #tpu.memory_space<vmem>> -> memref<80xi32, #tpu.memory_space<vmem>>
    %dma_wait3A_97 = arith.constant 0 : i32
    %dma_wait3A_98 = arith.constant 0 : i32
    %dma_wait3A_99 = tpu.memref_slice %arg13[%dma_wait3A_97, %dma_wait3A_98] : memref<10240x48xf32, #tpu.memory_space<vmem_shared>> -> memref<10240x48xf32, #tpu.memory_space<vmem_shared>>
    tpu.wait_indirect_dma semaphore(%arg16 : memref<!tpu.dma_semaphore, #tpu.memory_space<semaphore_mem>>) src(%arg7 : memref<80x48xf32, #tpu.memory_space<vmem>>) dst(%dma_wait3A_99 : memref<10240x48xf32, #tpu.memory_space<vmem_shared>>)
    %barrier3A_100 = arith.constant 0 : index
    tpu.barrier barrier_id(%barrier3A_100)
    %mul3A_101 = arith.constant 640 : i32
    %mul3A_102 = arith.muli %arg1, %mul3A_101 : i32
    %mul3A_103 = arith.constant 640 : i32
    %mul3A_104 = arith.muli %arg1, %mul3A_103 : i32
    "tpu.region"() ({
      %run_scoped3A = tpu.sem_alloc : memref<!tpu.dma_semaphore, #tpu.memory_space<semaphore_mem>>
      %dma_start3A_105 = arith.constant 0 : i32
      %dma_start3A_106 = tpu.memref_slice %arg6[%arg0, %mul3A_104, %dma_start3A_105] : memref<2x10240x48xf32, #tpu.memory_space<hbm>> -> memref<1x640x48xf32, #tpu.memory_space<hbm>>
      %dma_start3A_107 = tpu.memref_squeeze %dma_start3A_106 : memref<1x640x48xf32, #tpu.memory_space<hbm>> -> memref<640x48xf32, #tpu.memory_space<hbm>>
      %dma_start3A_108 = arith.constant 0 : i32
      %dma_start3A_109 = tpu.memref_slice %arg13[%mul3A_102, %dma_start3A_108] : memref<10240x48xf32, #tpu.memory_space<vmem_shared>> -> memref<640x48xf32, #tpu.memory_space<vmem_shared>>
      tpu.enqueue_dma source(%dma_start3A_109 : memref<640x48xf32, #tpu.memory_space<vmem_shared>>) target(%dma_start3A_107 : memref<640x48xf32, #tpu.memory_space<hbm>>) target_semaphore(%run_scoped3A : memref<!tpu.dma_semaphore, #tpu.memory_space<semaphore_mem>>)
      %dma_wait3A_110 = arith.constant 0 : i32
      %dma_wait3A_111 = tpu.memref_slice %arg6[%arg0, %mul3A_104, %dma_wait3A_110] : memref<2x10240x48xf32, #tpu.memory_space<hbm>> -> memref<1x640x48xf32, #tpu.memory_space<hbm>>
      %dma_wait3A_112 = tpu.memref_squeeze %dma_wait3A_111 : memref<1x640x48xf32, #tpu.memory_space<hbm>> -> memref<640x48xf32, #tpu.memory_space<hbm>>
      %dma_wait3A_113 = arith.constant 0 : i32
      %dma_wait3A_114 = tpu.memref_slice %arg13[%mul3A_102, %dma_wait3A_113] : memref<10240x48xf32, #tpu.memory_space<vmem_shared>> -> memref<640x48xf32, #tpu.memory_space<vmem_shared>>
      tpu.wait_dma2 semaphore(%run_scoped3A : memref<!tpu.dma_semaphore, #tpu.memory_space<semaphore_mem>>) src(%dma_wait3A_114 : memref<640x48xf32, #tpu.memory_space<vmem_shared>>) dst(%dma_wait3A_112 : memref<640x48xf32, #tpu.memory_space<hbm>>)
      tpu.yield
    }) : () -> ()
    return
  }
}

module attributes {stable_mosaic.version = 14 : i64} {
  func.func @_phase_a_body(%arg0: i32, %arg1: memref<2000x128xf32, #tpu.memory_space<vmem>>, %arg2: memref<128x128xf32, #tpu.memory_space<vmem>>, %arg3: memref<128x1xf32, #tpu.memory_space<vmem>>, %arg4: memref<128x1xf32, #tpu.memory_space<vmem>>, %arg5: memref<2000x144xf32, #tpu.memory_space<vmem>>, %arg6: memref<2000x16xf32, #tpu.memory_space<vmem>>) attributes {dimension_semantics = [#tpu.dimension_semantics<arbitrary>], iteration_bounds = array<i64: 5>, scalar_prefetch = 0 : i64, scratch_operands = 0 : i64, tpu.core_type = #tpu.core_type<tc>, window_params = [{transform_indices = @transform_0, window_bounds = array<i64: 2000, 128>}, {pipeline_mode = #tpu.pipeline_mode<synchronous>, transform_indices = @transform_1, window_bounds = array<i64: 128, 128>}, {pipeline_mode = #tpu.pipeline_mode<synchronous>, transform_indices = @transform_2, window_bounds = array<i64: 128, 1>}, {pipeline_mode = #tpu.pipeline_mode<synchronous>, transform_indices = @transform_3, window_bounds = array<i64: 128, 1>}, {transform_indices = @transform_4, window_bounds = array<i64: 2000, 144>}, {transform_indices = @transform_5, window_bounds = array<i64: 2000, 16>}]} {
    %get3A = arith.constant 0 : index
    %get3A_0 = arith.constant 0 : index
    %get3A_1 = vector.load %arg1[%get3A, %get3A_0] : memref<2000x128xf32, #tpu.memory_space<vmem>>, vector<2000x128xf32>
    %get3A_2 = arith.constant 0 : index
    %get3A_3 = arith.constant 0 : index
    %get3A_4 = vector.load %arg2[%get3A_2, %get3A_3] : memref<128x128xf32, #tpu.memory_space<vmem>>, vector<128x128xf32>
    %dot_general3A = arith.constant dense<0.000000e+00> : vector<2000x128xf32>
    %dot_general3A_5 = tpu.matmul %get3A_1, %get3A_4, %dot_general3A {dimension_numbers = #tpu.dot_dimension_numbers<[1], [0], [0], [1], [0, 0, 1, 1], [], []>, transpose_lhs_hint = false} : vector<2000x128xf32>, vector<128x128xf32>, vector<2000x128xf32> -> vector<2000x128xf32>
    %iota3A = tpu.iota {dimensions = array<i32: 0>} : vector<128x8xi32>
    %iota3A_6 = tpu.iota {dimensions = array<i32: 1>} : vector<128x8xi32>
    %jit3A = arith.constant 16 : i32
    %div3A = vector.broadcast %jit3A : i32 to vector<128x8xi32>
    %div3A_7 = arith.divsi %iota3A, %div3A : vector<128x8xi32>
    %sign3A = arith.constant 0 : i32
    %sign3A_8 = vector.broadcast %sign3A : i32 to vector<128x8xi32>
    %sign3A_9 = arith.cmpi sgt, %iota3A, %sign3A_8 : vector<128x8xi32>
    %sign3A_10 = arith.extui %sign3A_9 : vector<128x8xi1> to vector<128x8xi32>
    %sign3A_11 = arith.constant 0 : i32
    %sign3A_12 = vector.broadcast %sign3A_11 : i32 to vector<128x8xi32>
    %sign3A_13 = arith.cmpi slt, %iota3A, %sign3A_12 : vector<128x8xi32>
    %sign3A_14 = arith.extui %sign3A_13 : vector<128x8xi1> to vector<128x8xi32>
    %sign3A_15 = arith.subi %sign3A_10, %sign3A_14 : vector<128x8xi32>
    %sign3A_16 = arith.constant 0 : i32
    %sign3A_17 = arith.cmpi sgt, %jit3A, %sign3A_16 : i32
    %sign3A_18 = arith.extui %sign3A_17 : i1 to i32
    %sign3A_19 = arith.constant 0 : i32
    %sign3A_20 = arith.cmpi slt, %jit3A, %sign3A_19 : i32
    %sign3A_21 = arith.extui %sign3A_20 : i1 to i32
    %sign3A_22 = arith.subi %sign3A_18, %sign3A_21 : i32
    %ne3A = vector.broadcast %sign3A_22 : i32 to vector<128x8xi32>
    %ne3A_23 = arith.cmpi ne, %sign3A_15, %ne3A : vector<128x8xi32>
    %rem3A = vector.broadcast %jit3A : i32 to vector<128x8xi32>
    %rem3A_24 = arith.remsi %iota3A, %rem3A : vector<128x8xi32>
    %ne3A_25 = arith.constant 0 : i32
    %ne3A_26 = vector.broadcast %ne3A_25 : i32 to vector<128x8xi32>
    %ne3A_27 = arith.cmpi ne, %rem3A_24, %ne3A_26 : vector<128x8xi32>
    %and3A = arith.andi %ne3A_23, %ne3A_27 : vector<128x8xi1>
    %sub3A = arith.constant 1 : i32
    %sub3A_28 = vector.broadcast %sub3A : i32 to vector<128x8xi32>
    %sub3A_29 = arith.subi %div3A_7, %sub3A_28 : vector<128x8xi32>
    %select_n3A = arith.select %and3A, %sub3A_29, %div3A_7 : vector<128x8xi1>, vector<128x8xi32>
    %eq3A = arith.cmpi eq, %select_n3A, %iota3A_6 : vector<128x8xi32>
    %convert_element_type3A = arith.extui %eq3A : vector<128x8xi1> to vector<128x8xi32>
    %convert_element_type3A_30 = arith.sitofp %convert_element_type3A : vector<128x8xi32> to vector<128x8xf32>
    %get3A_31 = arith.constant 0 : index
    %get3A_32 = arith.constant 0 : index
    %get3A_33 = vector.load %arg3[%get3A_31, %get3A_32] : memref<128x1xf32, #tpu.memory_space<vmem>>, vector<128x1xf32>
    %mul3A = vector.broadcast %get3A_33 : vector<128x1xf32> to vector<128x8xf32>
    %mul3A_34 = arith.mulf %mul3A, %convert_element_type3A_30 : vector<128x8xf32>
    %dot_general3A_35 = arith.constant dense<0.000000e+00> : vector<2000x8xf32>
    %dot_general3A_36 = tpu.matmul %dot_general3A_5, %mul3A_34, %dot_general3A_35 {dimension_numbers = #tpu.dot_dimension_numbers<[1], [0], [0], [1], [0, 0, 1, 1], [], []>, transpose_lhs_hint = false} : vector<2000x128xf32>, vector<128x8xf32>, vector<2000x8xf32> -> vector<2000x8xf32>
    %get3A_37 = arith.constant 0 : index
    %get3A_38 = arith.constant 0 : index
    %get3A_39 = vector.load %arg4[%get3A_37, %get3A_38] : memref<128x1xf32, #tpu.memory_space<vmem>>, vector<128x1xf32>
    %mul3A_40 = vector.broadcast %get3A_39 : vector<128x1xf32> to vector<128x8xf32>
    %mul3A_41 = arith.mulf %mul3A_40, %convert_element_type3A_30 : vector<128x8xf32>
    %dot_general3A_42 = arith.constant dense<0.000000e+00> : vector<2000x8xf32>
    %dot_general3A_43 = tpu.matmul %dot_general3A_5, %mul3A_41, %dot_general3A_42 {dimension_numbers = #tpu.dot_dimension_numbers<[1], [0], [0], [1], [0, 0, 1, 1], [], []>, transpose_lhs_hint = false} : vector<2000x128xf32>, vector<128x8xf32>, vector<2000x8xf32> -> vector<2000x8xf32>
    %swap3A = arith.constant 0 : index
    %swap3A_44 = arith.constant 0 : index
    %swap3A_45 = vector.load %arg5[%swap3A, %swap3A_44] : memref<2000x144xf32, #tpu.memory_space<vmem>>, vector<2000x128xf32>
    tpu.vector_store %arg5[%swap3A, %swap3A_44], %dot_general3A_5 {strides = array<i32>} : memref<2000x144xf32, #tpu.memory_space<vmem>>, vector<2000x128xf32>,
    %swap3A_46 = arith.constant 0 : index
    %swap3A_47 = arith.constant 128 : index
    %swap3A_48 = vector.load %arg5[%swap3A_46, %swap3A_47] : memref<2000x144xf32, #tpu.memory_space<vmem>>, vector<2000x8xf32>
    tpu.vector_store %arg5[%swap3A_46, %swap3A_47], %dot_general3A_36 {strides = array<i32>} : memref<2000x144xf32, #tpu.memory_space<vmem>>, vector<2000x8xf32>,
    %broadcast_in_dim3A = arith.constant 0.000000e+00 : f32
    %broadcast_in_dim3A_49 = vector.broadcast %broadcast_in_dim3A : f32 to vector<2000x8xf32>
    %swap3A_50 = arith.constant 0 : index
    %swap3A_51 = arith.constant 136 : index
    %swap3A_52 = vector.load %arg5[%swap3A_50, %swap3A_51] : memref<2000x144xf32, #tpu.memory_space<vmem>>, vector<2000x8xf32>
    tpu.vector_store %arg5[%swap3A_50, %swap3A_51], %broadcast_in_dim3A_49 {strides = array<i32>} : memref<2000x144xf32, #tpu.memory_space<vmem>>, vector<2000x8xf32>,
    %swap3A_53 = arith.constant 0 : index
    %swap3A_54 = arith.constant 0 : index
    %swap3A_55 = vector.load %arg6[%swap3A_53, %swap3A_54] : memref<2000x16xf32, #tpu.memory_space<vmem>>, vector<2000x8xf32>
    tpu.vector_store %arg6[%swap3A_53, %swap3A_54], %dot_general3A_43 {strides = array<i32>} : memref<2000x16xf32, #tpu.memory_space<vmem>>, vector<2000x8xf32>,
    %broadcast_in_dim3A_56 = arith.constant 0.000000e+00 : f32
    %broadcast_in_dim3A_57 = vector.broadcast %broadcast_in_dim3A_56 : f32 to vector<2000x8xf32>
    %swap3A_58 = arith.constant 0 : index
    %swap3A_59 = arith.constant 8 : index
    %swap3A_60 = vector.load %arg6[%swap3A_58, %swap3A_59] : memref<2000x16xf32, #tpu.memory_space<vmem>>, vector<2000x8xf32>
    tpu.vector_store %arg6[%swap3A_58, %swap3A_59], %broadcast_in_dim3A_57 {strides = array<i32>} : memref<2000x16xf32, #tpu.memory_space<vmem>>, vector<2000x8xf32>,
    return
  }
  func.func @transform_0(%arg0: i32) -> (i32, i32) {
    %c0_i32 = arith.constant 0 : i32
    %c0_i32_0 = arith.constant 0 : i32
    return %arg0, %c0_i32 : i32, i32
  }
  func.func @transform_1(%arg0: i32) -> (i32, i32) {
    %c0_i32 = arith.constant 0 : i32
    %c0_i32_0 = arith.constant 0 : i32
    %c0_i32_1 = arith.constant 0 : i32
    return %c0_i32, %c0_i32_0 : i32, i32
  }
  func.func @transform_2(%arg0: i32) -> (i32, i32) {
    %c0_i32 = arith.constant 0 : i32
    %c0_i32_0 = arith.constant 0 : i32
    %c0_i32_1 = arith.constant 0 : i32
    return %c0_i32, %c0_i32_0 : i32, i32
  }
  func.func @transform_3(%arg0: i32) -> (i32, i32) {
    %c0_i32 = arith.constant 0 : i32
    %c0_i32_0 = arith.constant 0 : i32
    %c0_i32_1 = arith.constant 0 : i32
    return %c0_i32, %c0_i32_0 : i32, i32
  }
  func.func @transform_4(%arg0: i32) -> (i32, i32) {
    %c0_i32 = arith.constant 0 : i32
    %c0_i32_0 = arith.constant 0 : i32
    return %arg0, %c0_i32 : i32, i32
  }
  func.func @transform_5(%arg0: i32) -> (i32, i32) {
    %c0_i32 = arith.constant 0 : i32
    %c0_i32_0 = arith.constant 0 : i32
    return %arg0, %c0_i32 : i32, i32
  }
}

module attributes {stable_mosaic.version = 14 : i64} {
  func.func @_phase_c_body(%arg0: i32, %arg1: memref<2x2000x144xf32, #tpu.memory_space<vmem>>, %arg2: memref<2000x144xf32, #tpu.memory_space<vmem>>, %arg3: memref<2000x16xf32, #tpu.memory_space<vmem>>, %arg4: memref<128x40xf32, #tpu.memory_space<vmem>>, %arg5: memref<40x1xf32, #tpu.memory_space<vmem>>, %arg6: memref<40x1xf32, #tpu.memory_space<vmem>>, %arg7: memref<1x128xf32, #tpu.memory_space<vmem>>, %arg8: memref<2000x128xf32, #tpu.memory_space<vmem>>, %arg9: memref<2000x48xf32, #tpu.memory_space<vmem>>, %arg10: memref<2000x16xf32, #tpu.memory_space<vmem>>) attributes {dimension_semantics = [#tpu.dimension_semantics<arbitrary>], iteration_bounds = array<i64: 5>, scalar_prefetch = 0 : i64, scratch_operands = 0 : i64, tpu.core_type = #tpu.core_type<tc>, window_params = [{transform_indices = @transform_0, window_bounds = array<i64: 2, 2000, 144>}, {transform_indices = @transform_1, window_bounds = array<i64: 2000, 144>}, {transform_indices = @transform_2, window_bounds = array<i64: 2000, 16>}, {pipeline_mode = #tpu.pipeline_mode<synchronous>, transform_indices = @transform_3, window_bounds = array<i64: 128, 40>}, {pipeline_mode = #tpu.pipeline_mode<synchronous>, transform_indices = @transform_4, window_bounds = array<i64: 40, 1>}, {pipeline_mode = #tpu.pipeline_mode<synchronous>, transform_indices = @transform_5, window_bounds = array<i64: 40, 1>}, {pipeline_mode = #tpu.pipeline_mode<synchronous>, transform_indices = @transform_6, window_bounds = array<i64: 1, 128>}, {transform_indices = @transform_7, window_bounds = array<i64: 2000, 128>}, {transform_indices = @transform_8, window_bounds = array<i64: 2000, 48>}, {transform_indices = @transform_9, window_bounds = array<i64: 2000, 16>}]} {
    %get3A = arith.constant 0 : index
    %get3A_0 = arith.constant 0 : index
    %get3A_1 = arith.constant 0 : index
    %get3A_2 = vector.load %arg1[%get3A, %get3A_0, %get3A_1] : memref<2x2000x144xf32, #tpu.memory_space<vmem>>, vector<1x2000x144xf32>
    %get3A_3 = vector.shape_cast %get3A_2 : vector<1x2000x144xf32> to vector<2000x144xf32>
    %get3A_4 = arith.constant 1 : index
    %get3A_5 = arith.constant 0 : index
    %get3A_6 = arith.constant 0 : index
    %get3A_7 = vector.load %arg1[%get3A_4, %get3A_5, %get3A_6] : memref<2x2000x144xf32, #tpu.memory_space<vmem>>, vector<1x2000x144xf32>
    %get3A_8 = vector.shape_cast %get3A_7 : vector<1x2000x144xf32> to vector<2000x144xf32>
    %add3A = arith.addf %get3A_3, %get3A_8 : vector<2000x144xf32>
    %get3A_9 = arith.constant 0 : index
    %get3A_10 = arith.constant 0 : index
    %get3A_11 = vector.load %arg2[%get3A_9, %get3A_10] : memref<2000x144xf32, #tpu.memory_space<vmem>>, vector<2000x128xf32>
    %get3A_12 = arith.constant 0 : index
    %get3A_13 = arith.constant 128 : index
    %get3A_14 = vector.load %arg2[%get3A_12, %get3A_13] : memref<2000x144xf32, #tpu.memory_space<vmem>>, vector<2000x8xf32>
    %get3A_15 = arith.constant 0 : index
    %get3A_16 = arith.constant 0 : index
    %get3A_17 = vector.load %arg3[%get3A_15, %get3A_16] : memref<2000x16xf32, #tpu.memory_space<vmem>>, vector<2000x8xf32>
    %add3A_18 = arith.addf %get3A_14, %get3A_17 : vector<2000x8xf32>
    %ge3A = arith.constant 0.000000e+00 : f32
    %ge3A_19 = vector.broadcast %ge3A : f32 to vector<2000x8xf32>
    %ge3A_20 = arith.cmpf oge, %add3A_18, %ge3A_19 : vector<2000x8xf32>
    %mul3A = arith.constant 2.000000e-01 : f32
    %mul3A_21 = vector.broadcast %mul3A : f32 to vector<2000x8xf32>
    %mul3A_22 = arith.mulf %add3A_18, %mul3A_21 : vector<2000x8xf32>
    %select_n3A = arith.select %ge3A_20, %add3A_18, %mul3A_22 : vector<2000x8xi1>, vector<2000x8xf32>
    %exp3A = math.exp %select_n3A : vector<2000x8xf32>
    %iota3A = tpu.iota {dimensions = array<i32: 0>} : vector<8x128xi32>
    %iota3A_23 = tpu.iota {dimensions = array<i32: 1>} : vector<8x128xi32>
    %jit3A = arith.constant 16 : i32
    %div3A = vector.broadcast %jit3A : i32 to vector<8x128xi32>
    %div3A_24 = arith.divsi %iota3A_23, %div3A : vector<8x128xi32>
    %sign3A = arith.constant 0 : i32
    %sign3A_25 = vector.broadcast %sign3A : i32 to vector<8x128xi32>
    %sign3A_26 = arith.cmpi sgt, %iota3A_23, %sign3A_25 : vector<8x128xi32>
    %sign3A_27 = arith.extui %sign3A_26 : vector<8x128xi1> to vector<8x128xi32>
    %sign3A_28 = arith.constant 0 : i32
    %sign3A_29 = vector.broadcast %sign3A_28 : i32 to vector<8x128xi32>
    %sign3A_30 = arith.cmpi slt, %iota3A_23, %sign3A_29 : vector<8x128xi32>
    %sign3A_31 = arith.extui %sign3A_30 : vector<8x128xi1> to vector<8x128xi32>
    %sign3A_32 = arith.subi %sign3A_27, %sign3A_31 : vector<8x128xi32>
    %sign3A_33 = arith.constant 0 : i32
    %sign3A_34 = arith.cmpi sgt, %jit3A, %sign3A_33 : i32
    %sign3A_35 = arith.extui %sign3A_34 : i1 to i32
    %sign3A_36 = arith.constant 0 : i32
    %sign3A_37 = arith.cmpi slt, %jit3A, %sign3A_36 : i32
    %sign3A_38 = arith.extui %sign3A_37 : i1 to i32
    %sign3A_39 = arith.subi %sign3A_35, %sign3A_38 : i32
    %ne3A = vector.broadcast %sign3A_39 : i32 to vector<8x128xi32>
    %ne3A_40 = arith.cmpi ne, %sign3A_32, %ne3A : vector<8x128xi32>
    %rem3A = vector.broadcast %jit3A : i32 to vector<8x128xi32>
    %rem3A_41 = arith.remsi %iota3A_23, %rem3A : vector<8x128xi32>
    %ne3A_42 = arith.constant 0 : i32
    %ne3A_43 = vector.broadcast %ne3A_42 : i32 to vector<8x128xi32>
    %ne3A_44 = arith.cmpi ne, %rem3A_41, %ne3A_43 : vector<8x128xi32>
    %and3A = arith.andi %ne3A_40, %ne3A_44 : vector<8x128xi1>
    %sub3A = arith.constant 1 : i32
    %sub3A_45 = vector.broadcast %sub3A : i32 to vector<8x128xi32>
    %sub3A_46 = arith.subi %div3A_24, %sub3A_45 : vector<8x128xi32>
    %select_n3A_47 = arith.select %and3A, %sub3A_46, %div3A_24 : vector<8x128xi1>, vector<8x128xi32>
    %eq3A = arith.cmpi eq, %iota3A, %select_n3A_47 : vector<8x128xi32>
    %convert_element_type3A = arith.extui %eq3A : vector<8x128xi1> to vector<8x128xi32>
    %convert_element_type3A_48 = arith.sitofp %convert_element_type3A : vector<8x128xi32> to vector<8x128xf32>
    %slice3A = vector.extract_strided_slice %add3A {offsets = [0, 0], sizes = [2000, 128], strides = [1, 1]} : vector<2000x144xf32> to vector<2000x128xf32>
    %dot_general3A = arith.constant dense<0.000000e+00> : vector<2000x128xf32>
    %dot_general3A_49 = tpu.matmul %exp3A, %convert_element_type3A_48, %dot_general3A {dimension_numbers = #tpu.dot_dimension_numbers<[1], [0], [0], [1], [0, 0, 1, 1], [], []>, transpose_lhs_hint = false} : vector<2000x8xf32>, vector<8x128xf32>, vector<2000x128xf32> -> vector<2000x128xf32>
    %mul3A_50 = arith.mulf %get3A_11, %dot_general3A_49 : vector<2000x128xf32>
    %add3A_51 = arith.addf %slice3A, %mul3A_50 : vector<2000x128xf32>
    %slice3A_52 = vector.extract_strided_slice %add3A {offsets = [0, 128], sizes = [2000, 8], strides = [1, 1]} : vector<2000x144xf32> to vector<2000x8xf32>
    %add3A_53 = arith.addf %slice3A_52, %exp3A : vector<2000x8xf32>
    %dot_general3A_54 = arith.constant dense<0.000000e+00> : vector<2000x128xf32>
    %dot_general3A_55 = tpu.matmul %add3A_53, %convert_element_type3A_48, %dot_general3A_54 {dimension_numbers = #tpu.dot_dimension_numbers<[1], [0], [0], [1], [0, 0, 1, 1], [], []>, transpose_lhs_hint = false} : vector<2000x8xf32>, vector<8x128xf32>, vector<2000x128xf32> -> vector<2000x128xf32>
    %add3A_56 = arith.constant 1.000000e-16 : f32
    %add3A_57 = vector.broadcast %add3A_56 : f32 to vector<2000x128xf32>
    %add3A_58 = arith.addf %dot_general3A_55, %add3A_57 : vector<2000x128xf32>
    %div3A_59 = arith.divf %add3A_51, %add3A_58 : vector<2000x128xf32>
    %get3A_60 = arith.constant 0 : index
    %get3A_61 = arith.constant 0 : index
    %get3A_62 = vector.load %arg7[%get3A_60, %get3A_61] : memref<1x128xf32, #tpu.memory_space<vmem>>, vector<1x128xf32>
    %add3A_63 = vector.broadcast %get3A_62 : vector<1x128xf32> to vector<2000x128xf32>
    %add3A_64 = arith.addf %div3A_59, %add3A_63 : vector<2000x128xf32>
    %gt3A = arith.constant 0.000000e+00 : f32
    %gt3A_65 = vector.broadcast %gt3A : f32 to vector<2000x128xf32>
    %gt3A_66 = arith.cmpf ogt, %add3A_64, %gt3A_65 : vector<2000x128xf32>
    %min3A = arith.constant 0.000000e+00 : f32
    %min3A_67 = vector.broadcast %min3A : f32 to vector<2000x128xf32>
    %min3A_68 = arith.minimumf %add3A_64, %min3A_67 : vector<2000x128xf32>
    %exp3A_69 = math.exp %min3A_68 : vector<2000x128xf32>
    %sub3A_70 = arith.constant 1.000000e+00 : f32
    %sub3A_71 = vector.broadcast %sub3A_70 : f32 to vector<2000x128xf32>
    %sub3A_72 = arith.subf %exp3A_69, %sub3A_71 : vector<2000x128xf32>
    %select_n3A_73 = arith.select %gt3A_66, %add3A_64, %sub3A_72 : vector<2000x128xi1>, vector<2000x128xf32>
    %swap3A = arith.constant 0 : index
    %swap3A_74 = arith.constant 0 : index
    %swap3A_75 = vector.load %arg8[%swap3A, %swap3A_74] : memref<2000x128xf32, #tpu.memory_space<vmem>>, vector<2000x128xf32>
    tpu.vector_store %arg8[%swap3A, %swap3A_74], %select_n3A_73 {strides = array<i32>} : memref<2000x128xf32, #tpu.memory_space<vmem>>, vector<2000x128xf32>,
    %get3A_76 = arith.constant 0 : index
    %get3A_77 = arith.constant 0 : index
    %get3A_78 = vector.load %arg4[%get3A_76, %get3A_77] : memref<128x40xf32, #tpu.memory_space<vmem>>, vector<128x40xf32>
    %dot_general3A_79 = arith.constant dense<0.000000e+00> : vector<2000x40xf32>
    %dot_general3A_80 = tpu.matmul %select_n3A_73, %get3A_78, %dot_general3A_79 {dimension_numbers = #tpu.dot_dimension_numbers<[1], [0], [0], [1], [0, 0, 1, 1], [], []>, transpose_lhs_hint = false} : vector<2000x128xf32>, vector<128x40xf32>, vector<2000x40xf32> -> vector<2000x40xf32>
    %get3A_81 = arith.constant 0 : index
    %get3A_82 = arith.constant 0 : index
    %get3A_83 = vector.load %arg5[%get3A_81, %get3A_82] : memref<40x1xf32, #tpu.memory_space<vmem>>, vector<40x1xf32>
    %dot_general3A_84 = arith.constant dense<0.000000e+00> : vector<2000x1xf32>
    %dot_general3A_85 = tpu.matmul %dot_general3A_80, %get3A_83, %dot_general3A_84 {dimension_numbers = #tpu.dot_dimension_numbers<[1], [0], [0], [1], [0, 0, 1, 1], [], []>, transpose_lhs_hint = false} : vector<2000x40xf32>, vector<40x1xf32>, vector<2000x1xf32> -> vector<2000x1xf32>
    %get3A_86 = arith.constant 0 : index
    %get3A_87 = arith.constant 0 : index
    %get3A_88 = vector.load %arg6[%get3A_86, %get3A_87] : memref<40x1xf32, #tpu.memory_space<vmem>>, vector<40x1xf32>
    %dot_general3A_89 = arith.constant dense<0.000000e+00> : vector<2000x1xf32>
    %dot_general3A_90 = tpu.matmul %dot_general3A_80, %get3A_88, %dot_general3A_89 {dimension_numbers = #tpu.dot_dimension_numbers<[1], [0], [0], [1], [0, 0, 1, 1], [], []>, transpose_lhs_hint = false} : vector<2000x40xf32>, vector<40x1xf32>, vector<2000x1xf32> -> vector<2000x1xf32>
    %swap3A_91 = arith.constant 0 : index
    %swap3A_92 = arith.constant 0 : index
    %swap3A_93 = vector.load %arg9[%swap3A_91, %swap3A_92] : memref<2000x48xf32, #tpu.memory_space<vmem>>, vector<2000x40xf32>
    tpu.vector_store %arg9[%swap3A_91, %swap3A_92], %dot_general3A_80 {strides = array<i32>} : memref<2000x48xf32, #tpu.memory_space<vmem>>, vector<2000x40xf32>,
    %swap3A_94 = arith.constant 0 : index
    %swap3A_95 = arith.constant 40 : index
    %swap3A_96 = vector.load %arg9[%swap3A_94, %swap3A_95] : memref<2000x48xf32, #tpu.memory_space<vmem>>, vector<2000x1xf32>
    tpu.vector_store %arg9[%swap3A_94, %swap3A_95], %dot_general3A_85 {strides = array<i32>} : memref<2000x48xf32, #tpu.memory_space<vmem>>, vector<2000x1xf32>,
    %broadcast_in_dim3A = arith.constant 0.000000e+00 : f32
    %broadcast_in_dim3A_97 = vector.broadcast %broadcast_in_dim3A : f32 to vector<2000x7xf32>
    %swap3A_98 = arith.constant 0 : index
    %swap3A_99 = arith.constant 41 : index
    %swap3A_100 = vector.load %arg9[%swap3A_98, %swap3A_99] : memref<2000x48xf32, #tpu.memory_space<vmem>>, vector<2000x7xf32>
    tpu.vector_store %arg9[%swap3A_98, %swap3A_99], %broadcast_in_dim3A_97 {strides = array<i32>} : memref<2000x48xf32, #tpu.memory_space<vmem>>, vector<2000x7xf32>,
    %swap3A_101 = arith.constant 0 : index
    %swap3A_102 = arith.constant 0 : index
    %swap3A_103 = vector.load %arg10[%swap3A_101, %swap3A_102] : memref<2000x16xf32, #tpu.memory_space<vmem>>, vector<2000x1xf32>
    tpu.vector_store %arg10[%swap3A_101, %swap3A_102], %dot_general3A_85 {strides = array<i32>} : memref<2000x16xf32, #tpu.memory_space<vmem>>, vector<2000x1xf32>,
    %swap3A_104 = arith.constant 0 : index
    %swap3A_105 = arith.constant 1 : index
    %swap3A_106 = vector.load %arg10[%swap3A_104, %swap3A_105] : memref<2000x16xf32, #tpu.memory_space<vmem>>, vector<2000x1xf32>
    tpu.vector_store %arg10[%swap3A_104, %swap3A_105], %dot_general3A_90 {strides = array<i32>} : memref<2000x16xf32, #tpu.memory_space<vmem>>, vector<2000x1xf32>,
    %broadcast_in_dim3A_107 = arith.constant 0.000000e+00 : f32
    %broadcast_in_dim3A_108 = vector.broadcast %broadcast_in_dim3A_107 : f32 to vector<2000x14xf32>
    %swap3A_109 = arith.constant 0 : index
    %swap3A_110 = arith.constant 2 : index
    %swap3A_111 = vector.load %arg10[%swap3A_109, %swap3A_110] : memref<2000x16xf32, #tpu.memory_space<vmem>>, vector<2000x14xf32>
    tpu.vector_store %arg10[%swap3A_109, %swap3A_110], %broadcast_in_dim3A_108 {strides = array<i32>} : memref<2000x16xf32, #tpu.memory_space<vmem>>, vector<2000x14xf32>,
    return
  }
  func.func @transform_0(%arg0: i32) -> (i32, i32, i32) {
    %c0_i32 = arith.constant 0 : i32
    %c0_i32_0 = arith.constant 0 : i32
    %c0_i32_1 = arith.constant 0 : i32
    return %c0_i32, %arg0, %c0_i32_0 : i32, i32, i32
  }
  func.func @transform_1(%arg0: i32) -> (i32, i32) {
    %c0_i32 = arith.constant 0 : i32
    %c0_i32_0 = arith.constant 0 : i32
    return %arg0, %c0_i32 : i32, i32
  }
  func.func @transform_2(%arg0: i32) -> (i32, i32) {
    %c0_i32 = arith.constant 0 : i32
    %c0_i32_0 = arith.constant 0 : i32
    return %arg0, %c0_i32 : i32, i32
  }
  func.func @transform_3(%arg0: i32) -> (i32, i32) {
    %c0_i32 = arith.constant 0 : i32
    %c0_i32_0 = arith.constant 0 : i32
    %c0_i32_1 = arith.constant 0 : i32
    return %c0_i32, %c0_i32_0 : i32, i32
  }
  func.func @transform_4(%arg0: i32) -> (i32, i32) {
    %c0_i32 = arith.constant 0 : i32
    %c0_i32_0 = arith.constant 0 : i32
    %c0_i32_1 = arith.constant 0 : i32
    return %c0_i32, %c0_i32_0 : i32, i32
  }
  func.func @transform_5(%arg0: i32) -> (i32, i32) {
    %c0_i32 = arith.constant 0 : i32
    %c0_i32_0 = arith.constant 0 : i32
    %c0_i32_1 = arith.constant 0 : i32
    return %c0_i32, %c0_i32_0 : i32, i32
  }
  func.func @transform_6(%arg0: i32) -> (i32, i32) {
    %c0_i32 = arith.constant 0 : i32
    %c0_i32_0 = arith.constant 0 : i32
    %c0_i32_1 = arith.constant 0 : i32
    return %c0_i32, %c0_i32_0 : i32, i32
  }
  func.func @transform_7(%arg0: i32) -> (i32, i32) {
    %c0_i32 = arith.constant 0 : i32
    %c0_i32_0 = arith.constant 0 : i32
    return %arg0, %c0_i32 : i32, i32
  }
  func.func @transform_8(%arg0: i32) -> (i32, i32) {
    %c0_i32 = arith.constant 0 : i32
    %c0_i32_0 = arith.constant 0 : i32
    return %arg0, %c0_i32 : i32, i32
  }
  func.func @transform_9(%arg0: i32) -> (i32, i32) {
    %c0_i32 = arith.constant 0 : i32
    %c0_i32_0 = arith.constant 0 : i32
    return %arg0, %c0_i32 : i32, i32
  }
}

module attributes {stable_mosaic.version = 14 : i64} {
  func.func @_phase_e_body(%arg0: i32, %arg1: memref<2x2000x48xf32, #tpu.memory_space<vmem>>, %arg2: memref<2000x48xf32, #tpu.memory_space<vmem>>, %arg3: memref<2000x16xf32, #tpu.memory_space<vmem>>, %arg4: memref<1x40xf32, #tpu.memory_space<vmem>>, %arg5: memref<2000x40xf32, #tpu.memory_space<vmem>>) attributes {dimension_semantics = [#tpu.dimension_semantics<arbitrary>], iteration_bounds = array<i64: 5>, scalar_prefetch = 0 : i64, scratch_operands = 0 : i64, tpu.core_type = #tpu.core_type<tc>, window_params = [{transform_indices = @transform_0, window_bounds = array<i64: 2, 2000, 48>}, {transform_indices = @transform_1, window_bounds = array<i64: 2000, 48>}, {transform_indices = @transform_2, window_bounds = array<i64: 2000, 16>}, {pipeline_mode = #tpu.pipeline_mode<synchronous>, transform_indices = @transform_3, window_bounds = array<i64: 1, 40>}, {transform_indices = @transform_4, window_bounds = array<i64: 2000, 40>}]} {
    %get3A = arith.constant 0 : index
    %get3A_0 = arith.constant 0 : index
    %get3A_1 = arith.constant 0 : index
    %get3A_2 = vector.load %arg1[%get3A, %get3A_0, %get3A_1] : memref<2x2000x48xf32, #tpu.memory_space<vmem>>, vector<1x2000x48xf32>
    %get3A_3 = vector.shape_cast %get3A_2 : vector<1x2000x48xf32> to vector<2000x48xf32>
    %get3A_4 = arith.constant 1 : index
    %get3A_5 = arith.constant 0 : index
    %get3A_6 = arith.constant 0 : index
    %get3A_7 = vector.load %arg1[%get3A_4, %get3A_5, %get3A_6] : memref<2x2000x48xf32, #tpu.memory_space<vmem>>, vector<1x2000x48xf32>
    %get3A_8 = vector.shape_cast %get3A_7 : vector<1x2000x48xf32> to vector<2000x48xf32>
    %add3A = arith.addf %get3A_3, %get3A_8 : vector<2000x48xf32>
    %get3A_9 = arith.constant 0 : index
    %get3A_10 = arith.constant 0 : index
    %get3A_11 = vector.load %arg2[%get3A_9, %get3A_10] : memref<2000x48xf32, #tpu.memory_space<vmem>>, vector<2000x40xf32>
    %get3A_12 = arith.constant 0 : index
    %get3A_13 = arith.constant 0 : index
    %get3A_14 = vector.load %arg3[%get3A_12, %get3A_13] : memref<2000x16xf32, #tpu.memory_space<vmem>>, vector<2000x1xf32>
    %get3A_15 = arith.constant 0 : index
    %get3A_16 = arith.constant 1 : index
    %get3A_17 = vector.load %arg3[%get3A_15, %get3A_16] : memref<2000x16xf32, #tpu.memory_space<vmem>>, vector<2000x1xf32>
    %add3A_18 = arith.addf %get3A_14, %get3A_17 : vector<2000x1xf32>
    %ge3A = arith.constant 0.000000e+00 : f32
    %ge3A_19 = vector.broadcast %ge3A : f32 to vector<2000x1xf32>
    %ge3A_20 = arith.cmpf oge, %add3A_18, %ge3A_19 : vector<2000x1xf32>
    %mul3A = arith.constant 2.000000e-01 : f32
    %mul3A_21 = vector.broadcast %mul3A : f32 to vector<2000x1xf32>
    %mul3A_22 = arith.mulf %add3A_18, %mul3A_21 : vector<2000x1xf32>
    %select_n3A = arith.select %ge3A_20, %add3A_18, %mul3A_22 : vector<2000x1xi1>, vector<2000x1xf32>
    %exp3A = math.exp %select_n3A : vector<2000x1xf32>
    %slice3A = vector.extract_strided_slice %add3A {offsets = [0, 0], sizes = [2000, 40], strides = [1, 1]} : vector<2000x48xf32> to vector<2000x40xf32>
    %mul3A_23 = vector.broadcast %exp3A : vector<2000x1xf32> to vector<2000x40xf32>
    %mul3A_24 = arith.mulf %get3A_11, %mul3A_23 : vector<2000x40xf32>
    %add3A_25 = arith.addf %slice3A, %mul3A_24 : vector<2000x40xf32>
    %slice3A_26 = vector.extract_strided_slice %add3A {offsets = [0, 40], sizes = [2000, 1], strides = [1, 1]} : vector<2000x48xf32> to vector<2000x1xf32>
    %add3A_27 = arith.addf %slice3A_26, %exp3A : vector<2000x1xf32>
    %add3A_28 = arith.constant 1.000000e-16 : f32
    %add3A_29 = vector.broadcast %add3A_28 : f32 to vector<2000x1xf32>
    %add3A_30 = arith.addf %add3A_27, %add3A_29 : vector<2000x1xf32>
    %div3A = vector.broadcast %add3A_30 : vector<2000x1xf32> to vector<2000x40xf32>
    %div3A_31 = arith.divf %add3A_25, %div3A : vector<2000x40xf32>
    %get3A_32 = arith.constant 0 : index
    %get3A_33 = arith.constant 0 : index
    %get3A_34 = vector.load %arg4[%get3A_32, %get3A_33] : memref<1x40xf32, #tpu.memory_space<vmem>>, vector<1x40xf32>
    %add3A_35 = vector.broadcast %get3A_34 : vector<1x40xf32> to vector<2000x40xf32>
    %add3A_36 = arith.addf %div3A_31, %add3A_35 : vector<2000x40xf32>
    %reduce_max3A = arith.constant dense<0xFF800000> : vector<2000xf32>
    %reduce_max3A_37 = vector.multi_reduction <maximumf>, %add3A_36, %reduce_max3A [1] : vector<2000x40xf32> to vector<2000xf32>
    %broadcast_in_dim3A = vector.shape_cast %reduce_max3A_37 : vector<2000xf32> to vector<2000x1xf32>
    %sub3A = vector.broadcast %broadcast_in_dim3A : vector<2000x1xf32> to vector<2000x40xf32>
    %sub3A_38 = arith.subf %add3A_36, %sub3A : vector<2000x40xf32>
    %exp3A_39 = math.exp %sub3A_38 : vector<2000x40xf32>
    %reduce_sum3A = arith.constant dense<0.000000e+00> : vector<2000xf32>
    %reduce_sum3A_40 = vector.multi_reduction <add>, %exp3A_39, %reduce_sum3A [1] : vector<2000x40xf32> to vector<2000xf32>
    %broadcast_in_dim3A_41 = vector.shape_cast %reduce_sum3A_40 : vector<2000xf32> to vector<2000x1xf32>
    %log3A = math.log %broadcast_in_dim3A_41 : vector<2000x1xf32>
    %add3A_42 = arith.addf %log3A, %broadcast_in_dim3A : vector<2000x1xf32>
    %sub3A_43 = vector.broadcast %add3A_42 : vector<2000x1xf32> to vector<2000x40xf32>
    %sub3A_44 = arith.subf %add3A_36, %sub3A_43 : vector<2000x40xf32>
    %swap3A = arith.constant 0 : index
    %swap3A_45 = arith.constant 0 : index
    %swap3A_46 = vector.load %arg5[%swap3A, %swap3A_45] : memref<2000x40xf32, #tpu.memory_space<vmem>>, vector<2000x40xf32>
    tpu.vector_store %arg5[%swap3A, %swap3A_45], %sub3A_44 {strides = array<i32>} : memref<2000x40xf32, #tpu.memory_space<vmem>>, vector<2000x40xf32>,
    return
  }
  func.func @transform_0(%arg0: i32) -> (i32, i32, i32) {
    %c0_i32 = arith.constant 0 : i32
    %c0_i32_0 = arith.constant 0 : i32
    %c0_i32_1 = arith.constant 0 : i32
    return %c0_i32, %arg0, %c0_i32_0 : i32, i32, i32
  }
  func.func @transform_1(%arg0: i32) -> (i32, i32) {
    %c0_i32 = arith.constant 0 : i32
    %c0_i32_0 = arith.constant 0 : i32
    return %arg0, %c0_i32 : i32, i32
  }
  func.func @transform_2(%arg0: i32) -> (i32, i32) {
    %c0_i32 = arith.constant 0 : i32
    %c0_i32_0 = arith.constant 0 : i32
    return %arg0, %c0_i32 : i32, i32
  }
  func.func @transform_3(%arg0: i32) -> (i32, i32) {
    %c0_i32 = arith.constant 0 : i32
    %c0_i32_0 = arith.constant 0 : i32
    %c0_i32_1 = arith.constant 0 : i32
    return %c0_i32, %c0_i32_0 : i32, i32
  }
  func.func @transform_4(%arg0: i32) -> (i32, i32) {
    %c0_i32 = arith.constant 0 : i32
    %c0_i32_0 = arith.constant 0 : i32
    return %arg0, %c0_i32 : i32, i32
  }
}

</mosaic_0001>

<sc_bundles>
// kernel: kernel.10.cloned.1.call-start
scs
__scs_entry_jumppad:
0x0: {  	(pc) =	sbr.rel $0x88, $3  }
0x1: {  	(tag) =	ssettag $0x0;
	lr =	simm.s32 $0x1  }
0x2: {  	[smem:$0x3F97] =	sst lr;
	_ =	strace $0xD0000000  }
0x3: {  	_ = 	snop  }
0x4: {  	_ = 	snop  }
0x5: {  	_ = 	snop  }
0x6: {  	_ = 	snop  }
0x7: {  	_ = 	snop  }
__scs_overlays_trampoline_lowered:
0x8: {  	[smem:$0x3FA6] =	sst s0  }
0x9: {  	[smem:$0x3FA7] =	sst s1  }
0xa: {  	[smem:$0x3FA8] =	sst s2  }
0xb: {  	[smem:$0x3FA9] =	sst s3  }
0xc: {  	[smem:$0x3FAA] =	sst s4  }
0xd: {  	[smem:$0x3FAB] =	sst s5  }
0xe: {  	[smem:$0x3FAC] =	sst s6  }
0xf: {  	[smem:$0x3FAD] =	sst s7  }
0x10: {  	[smem:$0x3FAE] =	sst s8  }
0x11: {  	[smem:$0x3FAF] =	sst s9;
	s0 =	simm.s32 @!p0 $0x0  }
0x12: {  	s1 =	sld [smem:$0x3F95];
	s0 =	simm.s32 @p0 $0x1  }
0x13: {  	[smem:$0x3FB0] =	sst s0;
	s0 =	simm.s32 @!p1 $0x0  }
0x14: {  	s2 =	sld [smem:$0x3F94];
	s0 =	simm.s32 @p1 $0x1  }
0x15: {  	[smem:$0x3FB1] =	sst s0;
	s0 =	simm.s32 @!p2 $0x0  }
0x16: {  	s3 =	sld [smem:$0x3FDB];
	s0 =	simm.s32 @p2 $0x1  }
0x17: {  	s4 =	simm.s32 $0x1BF5;
	[smem:$0x3FB3] =	sst s0  }
0x18: {  	s0 =	sld [smem:$0x3F96];
	_ =	swait.ge [sflag:s4], $0x0  }
0x19: {  	s7 =	sld [smem:$0x3F97]  }
0x1a: {  	s8 =	sadd.s32 $0xFFFFE003, lr  }
0x1b: {  	s9 =	sadd.s32 $0xFFFFFEF7, lr;
	s5 =	simm.s32 $0xFFFFFFFF;
	p2 =	slt.u32 s8, $0xFFFFF086  }
0x1c: {  	p1 =	slt.u32 s9, $0xF7A;
	s5 =	simm.s32 @!p2 $0x0  }
0x1d: {  	s5 =	simm.s32 @p1 $0x1;
	p0 =	seq.s32 s7, s2  }
0x1e: {  	s7 =	smul.u32 @!p0 $0xF7A, s2;
	p2 =	seq.s32 @!p0 s5, $0x0  }
0x1f: {  	s9 =	smul.u32 $0xF7A, s1;
	s8 =	simm.s32 @!p0 $0x1BF5;
	p2 =	por !p2, p0  }
0x20: {  	[sflag:s8] =	ssyncset.s32 @!p0 $0xFFFFF086;
	s6 =	sadd.s32 @!p0 s3, s7;
	s7 =	simm.s32 @!p0 $0x108  }
0x21: {  	s3 =	sadd.s32 s3, s9;
	s6 =	sadd.s32 @!p0 $0x88, s6;
	s7 =	simm.s32 @p2 $0x1082  }
0x22: {  	[simem:s7], [sflag:s8] =	dma.local @!p0 [hbm:s6], $0xF7A  }
0x23: {  	s9 =	sor.u32 $0xD0000000, s2;
	s6 =	simm.s32 $0x108;
	_ =	swait.ge @!p0 [sflag:s8], $0x0  }
0x24: {  	s3 =	sadd.s32 $0x88, s3;
	s6 =	simm.s32 @!p1 $0x1082;
	[sflag:s4] =	ssyncset.s32 $0xFFFFF086  }
0x25: {  	[simem:s6], [sflag:s4] =	dma.local [hbm:s3], $0xF7A  }
0x26: {  	[smem:$0x3F97] =	sst s1;
	(tag) =	ssettag s2;
	_ =	strace s9  }
0x27: {  	s1 =	sld [smem:$0x3FA7]  }
0x28: {  	s2 =	sld [smem:$0x3FA8]  }
0x29: {  	s4 =	sld [smem:$0x3FAA]  }
0x2a: {  	p0 =	seq.s32 s5, $0x0;
	s5 =	sld [smem:$0x3FAB]  }
0x2b: {  	s6 =	sld [smem:$0x3FAC]  }
0x2c: {  	s7 =	sld [smem:$0x3FAD]  }
0x2d: {  	s3 =	simm.s32 $0x108;
	s8 =	sld [smem:$0x3FAE]  }
0x2e: {  	s3 =	simm.s32 @!p0 $0x1082;
	s9 =	sld [smem:$0x3FAF]  }
0x2f: {  	lr =	sadd.s32 s0, s3;
	s0 =	sld [smem:$0x3FA6]  }
0x30: {  	s3 =	sld [smem:$0x3FA9]  }
0x31: {  	[smem:$0x3FB2] =	sst s10  }
0x32: {  	s10 =	sld [smem:$0x3FB0];
	_ =	sdelay $0x3  }
0x33: {  	p0 =	seq.s32 s10, $0x1;
	s10 =	sld [smem:$0x3FB2];
	_ =	sdelay $0x3  }
0x34: {  	[smem:$0x3FB2] =	sst s10  }
0x35: {  	s10 =	sld [smem:$0x3FB1];
	_ =	sdelay $0x3  }
0x36: {  	p1 =	seq.s32 s10, $0x1;
	s10 =	sld [smem:$0x3FB2];
	_ =	sdelay $0x3  }
0x37: {  	[smem:$0x3FB2] =	sst s10  }
0x38: {  	s10 =	sld [smem:$0x3FB3]  }
0x39: {  	_ = 	snop;
	(pc) =	sbr.ind lr, $3  }
0x3a: {  	_ = 	snop  }
0x3b: {  	_ = 	snop  }
0x3c: {  	p2 =	seq.s32 s10, $0x1;
	s10 =	sld [smem:$0x3FB2]  }
0x3d: {  	_ =	shalt  }
0x3e: {  	_ =	shalt  }
0x3f: {  	_ =	shalt  }
0x40: {  	_ =	shalt  }
0x41: {  	_ =	shalt  }
0x42: {  	_ =	shalt  }
0x43: {  	_ =	shalt  }
0x44: {  	_ =	shalt  }
0x45: {  	_ =	shalt  }
0x46: {  	_ =	shalt  }
0x47: {  	_ =	shalt  }
0x48: {  	_ =	shalt  }
0x49: {  	_ =	shalt  }
0x4a: {  	_ =	shalt  }
0x4b: {  	_ =	shalt  }
0x4c: {  	_ =	shalt  }
0x4d: {  	_ =	shalt  }
0x4e: {  	_ =	shalt  }
0x4f: {  	_ =	shalt  }
0x50: {  	_ =	shalt  }
0x51: {  	_ =	shalt  }
0x52: {  	_ =	shalt  }
0x53: {  	_ =	shalt  }
0x54: {  	_ =	shalt  }
0x55: {  	_ =	shalt  }
0x56: {  	_ =	shalt  }
0x57: {  	_ =	shalt  }
0x58: {  	_ =	shalt  }
0x59: {  	_ =	shalt  }
0x5a: {  	_ =	shalt  }
0x5b: {  	_ =	shalt  }
0x5c: {  	_ =	shalt  }
0x5d: {  	_ =	shalt  }
0x5e: {  	_ =	shalt  }
0x5f: {  	_ =	shalt  }
0x60: {  	_ =	shalt  }
0x61: {  	_ =	shalt  }
0x62: {  	_ =	shalt  }
0x63: {  	_ =	shalt  }
0x64: {  	_ =	shalt  }
0x65: {  	_ =	shalt  }
0x66: {  	_ =	shalt  }
0x67: {  	_ =	shalt  }
0x68: {  	_ =	shalt  }
0x69: {  	_ =	shalt  }
0x6a: {  	_ =	shalt  }
0x6b: {  	_ =	shalt  }
0x6c: {  	_ =	shalt  }
0x6d: {  	_ =	shalt  }
0x6e: {  	_ =	shalt  }
0x6f: {  	_ =	shalt  }
0x70: {  	_ =	shalt  }
0x71: {  	_ =	shalt  }
0x72: {  	_ =	shalt  }
0x73: {  	_ =	shalt  }
0x74: {  	_ =	shalt  }
0x75: {  	_ =	shalt  }
0x76: {  	_ =	shalt  }
0x77: {  	_ =	shalt  }
0x78: {  	_ =	shalt  }
0x79: {  	_ =	shalt  }
0x7a: {  	_ =	shalt  }
0x7b: {  	_ =	shalt  }
0x7c: {  	_ =	shalt  }
0x7d: {  	_ =	shalt  }
0x7e: {  	_ =	shalt  }
0x7f: {  	_ =	shalt  }
0x80: {  	_ =	shalt  }
0x81: {  	_ =	shalt  }
0x82: {  	_ =	shalt  }
0x83: {  	_ =	shalt  }
0x84: {  	_ =	shalt  }
0x85: {  	_ =	shalt  }
0x86: {  	_ =	shalt  }
0x87: {  	_ =	shalt  }
.Lfunc_end0:
.L_simem_size_0:
called_computation.1_lowered:
.L_overlay_start_0:
0x88: {  	s2 =	sld [smem:$0x3FD9]  }
0x89: {  	s3 =	sld [smem:$0x3FFE];
	_ =	sdelay $0x1  }
0x8a: {  	s1 =	srdreg.scid  }
0x8b: {  	s0 =	sand.u32 $0x1, s1  }
0x8c: {  	s14 =	sshll.u32 s0, $0xA;
	s2 =	sadd.s32 s3, s2  }
0x8d: {  	s2 =	sadd.s32 s2, s14  }
0x8e: {  	[smem:$0x3FBE] =	sst s2  }
0x8f: {  	_ = 	snop  }
0x90: {  	s2 =	sld [smem:$0x3FD0];
	_ =	sdelay $0x2  }
0x91: {  	s15 =	simm.s32 $0xA;
	s4 =	simm.s32 $0x10  }
0x92: {  	[smem:s4], [sflag:s15] =	dma.local [hbm:s2], $0x1  }
0x93: {  	_ =	swait.eq [sflag:s15], $0x1  }
0x94: {  	[sflag:s15] =	ssyncset.done $0x0  }
0x95: {  	[sflag:s15] =	ssyncadd.s32 $0xFFFFFFFF  }
0x96: {  	s16 =	sld [smem:$0x10];
	(tm) =	ssettm $0x1  }
0x97: {  	s17 =	sld [smem:$0x3FFB];
	_ =	sdelay $0x3  }
0x98: {  	_ =	strace s17  }
0x99: {  	s3 =	sld [smem:$0x3FFC];
	_ =	sdelay $0x3  }
0x9a: {  	_ =	strace s3  }
0x9b: {  	s3 =	sld [smem:$0x3FFD];
	_ =	sdelay $0x3  }
0x9c: {  	_ =	strace s3  }
0x9d: {  	_ =	strace $0x8FFFFFFF  }
0x9e: {  	s18 =	sld [smem:$0x3FDB];
	_ =	sdelay $0x1  }
0x9f: {  	s19 =	simm.s32 $_scs_section_size  }
0xa0: {  	s5 =	simm.s32 $_size__tile_overlayer_lowered;
	s6 =	simm.s32 $_tile_overlayer_lowered  }
0xa1: {  	s22 =	simm.s32 $0x1BFF;
	s21 =	sshll.u32 s6, $0x1;
	s3 =	sadd.s32 s19, s18  }
0xa2: {  	s7 =	simm.s32 $0x0;
	s20 =	sshll.u32 s5, $0x1;
	s5 =	sadd.s32 s21, s3  }
0xa3: {  	[timem:s7], [sflag:s22] =	dma.local [hbm:s5], s20  }
0xa4: {  	_ =	swait.ge [sflag:s22], s20  }
0xa5: {  	s4 =	ssub.s32 $0x0, s20;
	[sflag:s22] =	ssyncset.done $0x0  }
0xa6: {  	[sflag:s22] =	ssyncadd.s32 s4;
	_ =	sdelay $0x1  }
0xa7: {  	s23 =	simm.s32 $0x1B8B  }
0xa8: {  	_ =	swait.ge [sflag:s23], $0x1  }
0xa9: {  	[sflag:s23] =	ssyncset.done $0x0  }
0xaa: {  	s25 =	simm.s32 $0x1B8E;
	s24 =	sld [smem:$0x3FFE];
	[sflag:s23] =	ssyncadd.s32 $0xFFFFFFFF  }
0xab: {  	s26 =	simm.s32 $execute0_lowered;
	[smem:$0x3FD2] =	sst s25  }
0xac: {  	s5 =	sshll.u32 s26, $0x1;
	_ =	strace $0x80000049;
	[dreg:$0x1] =	wrdreg $0xFFFFFFFF  }
0xad: {  	s28 =	simm.s32 $_size_execute0_lowered;
	s3 =	sadd.s32 s3, s5;
	[dreg:$0x0] =	wrdreg $0x0  }
0xae: {  	s5 =	sshll.u32 s28, $0x1;
	[dreg:$0x2] =	wrdreg s3  }
0xaf: {  	[dreg:$0x3] =	wrdreg s5  }
0xb0: {  	[dreg:$0x4] =	wrdreg $0xC0  }
0xb1: {  	_ =	task [dreg:s7], $0x5FFFF  }
0xb2: {  	[dreg:$0x1] =	wrdreg $0xFFFFFFFF  }
0xb3: {  	[dreg:$0x0] =	wrdreg $0x60  }
0xb4: {  	[dreg:$0x2] =	wrdreg s24  }
0xb5: {  	[dreg:$0x3] =	wrdreg s16  }
0xb6: {  	[dreg:$0x4] =	wrdreg $0x76200  }
0xb7: {  	[dreg:$0x5] =	wrdreg $0x9  }
0xb8: {  	_ =	task.clear_ibuf [dreg:s7], $0x6FFFF;
	_ =	strace $0x90000049  }
0xb9: {  	s29 =	simm.s32 $0x9;
	_ =	strace $0x8000004B  }
0xba: {  	_ =	swait.ge [sflag:s29], $0x1  }
0xbb: {  	[sflag:s29] =	ssyncadd.s32 $0xFFFFFFFF  }
0xbc: {  	_ =	strace $0x9000004B  }
0xbd: {  	_ =	sfence  }
0xbe: {  	s30 =	sld [smem:$0x0];
	_ =	sdelay $0x2  }
0xbf: {  	s31 =	sshll.u32 s1, $0xD;
	s1 =	sshrl.u32 s1, $0x2  }
0xc0: {  	s3 =	sand.u32 $0x4000, s31;
	s1 =	sadd.s32 s1, s30  }
0xc1: {  	s0 =	sor.u32 s3, s0;
	s1 =	sshll.u32 s1, $0x11  }
0xc2: {  	s0 =	sor.u32 s1, s0  }
0xc3: {  	s0 =	sadd.s32 $0x8F2B, s0  }
0xc4: {  	[sflag:s0] =	ssyncadd.remote.s32 $0x1  }
0xc5: {  	_ =	sfence.sel $0xFFFF  }
0xc6: {  	[dreg:$0x0] =	wrdreg $0xFFFFFFFF;
	(pc) =	sbr.abs _section_cstart, $3  }
0xc7: {  	[dreg:$0x1] =	wrdreg $0xFFFFFFFF  }
0xc8: {  	_ =	task.clear_ibuf [dreg:s7], $0x2FFFF;
	_ =	strace $0x9FFFFFFF  }
0xc9: {  	(tm) =	ssettm $0x7FFFFFFF  }
tec
execute0_lowered:
.L_overlay_start_1:
0x0: {  	(tag) =	ssettag $0x1  }
0x1: {  	s0 =	rddreg [dreg:$0x0]  }
0x2: {  	s1 =	srdreg.scid;
	s15 =	rddreg [dreg:$0x1]  }
0x3: {  	s5 =	stileid.u32;
	s2 =	rddreg [dreg:$0x2]  }
0x4: {  	s18 =	simm.s32 $0x4;
	s21 =	simm.s32 $0x50;
	s22 =	simm.s32 $0x1E00  }
0x5: {  	s23 =	simm.s32 $0x1;
	s24 =	simm.s32 $0xF00;
	s25 =	simm.s32 $0x2300  }
0x6: {  	s26 =	simm.s32 $0x2;
	s28 =	simm.s32 $0x3;
	s30 =	simm.s32 $0x0  }
0x7: {  	s1 =	sand.u32 $0x1, s1;
	s3 =	sshll.u32 s5, $0x1;
	s6 =	smul.u32 $0x7800, s5  }
0x8: {  	s8 =	smul.u32 $0x1E000, s5;
	s5 =	sadd.s32 $0xB200, s0;
	s4 =	sor.u32 s1, s3  }
0x9: {  	s3 =	simm.s32 $0x0;
	s7 =	smul.u32 $0x78000, s1;
	s1 =	ssub.s32 $0x2, s1  }
0xa: {  	s16 =	smul.u32 $0x4E2, s4;
	[smem:$0x7FF] =	sst s3;
	s4 =	sadd.s32 $0x10200, s0  }
0xb: {  	s9 =	sshrl.u32 s1, $0x1;
	s8 =	sshrl.u32 s8, $0x2;
	_ =	strace $0x8000004A  }
0xc: {  	s7 =	sadd.s32 s6, s7;
	s1 =	ssub.s32 s1, s9;
	s13 =	sadd.s32 s8, s2  }
0xd: {  	s6 =	sadd.s32 s6, s2;
	s14 =	sadd.s32 s16, s0;
	s7 =	sshrl.u32 s7, $0x3  }
0xe: {  	s8 =	sadd.s32 $0x1E00, s13;
	s9 =	sadd.s32 $0x2D00, s13;
	s10 =	sadd.s32 $0x3C00, s13  }
0xf: {  	s11 =	sadd.s32 $0x4B00, s13;
	s12 =	sadd.s32 $0x5A00, s13;
	s15 =	sadd.s32 s15, s16  }
0x10: {  	v0 =	vimm.f32 $0.0e+00;
	s17 =	smax.u32 s1, $0x1;
	s0 =	sadd.s32 s7, s0;
	s7 =	sadd.s32 $0xF00, s13  }
0x11: {  	v1 =	vimm.s32 $0x8;
	v2 =	vimm.s32 $0x1;
	vm0 =	vcmask $0x1F24;
	s13 =	sadd.s32 $0x6900, s13;
	s14 =	sadd.s32 $0x1400, s14;
	s16 =	sadd.s32 $0x1EE00, s0  }
.LBB2_1:
0x12: {  	s0 =	simm.s32 $0xC0;
	s1 =	simm.s32 $0x0  }
.LBB2_2:
0x13: {  	p0 =	sne.s32 s0, $0x3B40;
	[tilespmem:s1+$0x20] =	vst v0;
	s19 =	smov.u32 s0;
	s0 =	sadd.s32 $0xC0, s0  }
.Ltmp0:
0x14: {  	[tilespmem:s1+$0x0] =	vst v0;
	(pc) =	sbr.rel @p0 .LBB2_2-.Ltmp0, $2  }
0x15: {  	[tilespmem:s1+$0x10] =	vst v0;
	_ =	sdelay $0x2  }
0x16: {  	s1 =	sshra.s32 s19, $0x2  }
0x17: {  	[tilespmem:s1+$0x20] =	vst v0  }
0x18: {  	[tilespmem:s1+$0x0] =	vst v0  }
0x19: {  	[tilespmem:s1+$0x10] =	vst v0;
	s31 =	simm.s32 $0x0  }
0x1a: {  	[spmem:s6] =	stream.linear.scatter [tilespmem:s31], [sflag:$0x4], $0xF00, $0x38;
	[tilespmem:$0xEE20] =	vst v63  }
0x1b: {  	_ =	swait.ge [sflag:s18], $0xF00  }
0x1c: {  	[sflag:s18] =	ssyncset.done $0x0  }
0x1d: {  	[sflag:s18] =	ssyncadd.s32 $0xFFFFF100  }
0x1e: {  	[spmem:s7] =	stream.linear.scatter [tilespmem:s31], [sflag:$0x4], $0xF00, $0x38;
	[tilespmem:$0xEE20] =	vst v63  }
0x1f: {  	_ =	swait.ge [sflag:s18], $0xF00  }
0x20: {  	[sflag:s18] =	ssyncset.done $0x0  }
0x21: {  	[sflag:s18] =	ssyncadd.s32 $0xFFFFF100  }
0x22: {  	[spmem:s8] =	stream.linear.scatter [tilespmem:s31], [sflag:$0x4], $0xF00, $0x38;
	[tilespmem:$0xEE20] =	vst v63  }
0x23: {  	_ =	swait.ge [sflag:s18], $0xF00  }
0x24: {  	[sflag:s18] =	ssyncset.done $0x0  }
0x25: {  	[sflag:s18] =	ssyncadd.s32 $0xFFFFF100  }
0x26: {  	[spmem:s9] =	stream.linear.scatter [tilespmem:s31], [sflag:$0x4], $0xF00, $0x38;
	[tilespmem:$0xEE20] =	vst v63  }
0x27: {  	_ =	swait.ge [sflag:s18], $0xF00  }
0x28: {  	[sflag:s18] =	ssyncset.done $0x0  }
0x29: {  	[sflag:s18] =	ssyncadd.s32 $0xFFFFF100  }
0x2a: {  	[spmem:s10] =	stream.linear.scatter [tilespmem:s31], [sflag:$0x4], $0xF00, $0x38;
	[tilespmem:$0xEE20] =	vst v63  }
0x2b: {  	_ =	swait.ge [sflag:s18], $0xF00  }
0x2c: {  	[sflag:s18] =	ssyncset.done $0x0  }
0x2d: {  	[sflag:s18] =	ssyncadd.s32 $0xFFFFF100  }
0x2e: {  	[spmem:s11] =	stream.linear.scatter [tilespmem:s31], [sflag:$0x4], $0xF00, $0x38;
	[tilespmem:$0xEE20] =	vst v63  }
0x2f: {  	_ =	swait.ge [sflag:s18], $0xF00  }
0x30: {  	[sflag:s18] =	ssyncset.done $0x0  }
0x31: {  	[sflag:s18] =	ssyncadd.s32 $0xFFFFF100  }
0x32: {  	[spmem:s12] =	stream.linear.scatter [tilespmem:s31], [sflag:$0x4], $0xF00, $0x38;
	[tilespmem:$0xEE20] =	vst v63  }
0x33: {  	_ =	swait.ge [sflag:s18], $0xF00  }
0x34: {  	[sflag:s18] =	ssyncset.done $0x0  }
0x35: {  	[sflag:s18] =	ssyncadd.s32 $0xFFFFF100  }
0x36: {  	[spmem:s13] =	stream.linear.scatter [tilespmem:s31], [sflag:$0x4], $0xF00, $0x38;
	[tilespmem:$0xEE20] =	vst v63  }
0x37: {  	_ =	swait.ge [sflag:s18], $0xF00  }
0x38: {  	[sflag:s18] =	ssyncset.done $0x0  }
0x39: {  	s0 =	simm.s32 $0x2800;
	[sflag:s18] =	ssyncadd.s32 $0xFFFFF100  }
0x3a: {  	[tilespmem:s0], [sflag:$0x4] =	stream.linear.gather [hbm4b:s14+s31], $0x2710, $0x38;
	[tilespmem:$0xEE20] =	vst v63  }
0x3b: {  	_ =	swait.ge [sflag:s18], $0x2710  }
0x3c: {  	[sflag:s18] =	ssyncset.done $0x0  }
0x3d: {  	s29 =	simm.s32 $0x4F10;
	[sflag:s18] =	ssyncadd.s32 $0xFFFFD8F0  }
0x3e: {  	[tilespmem:s29], [sflag:$0x4] =	stream.linear.gather [hbm4b:s15+s31], $0x2710, $0x38;
	[tilespmem:$0xEE20] =	vst v63  }
0x3f: {  	_ =	swait.ge [sflag:s18], $0x2710  }
0x40: {  	[sflag:s18] =	ssyncset.done $0x0  }
0x41: {  	[sflag:s18] =	ssyncadd.s32 $0xFFFFD8F0  }
0x42: {  	[bflag:$0x0] =	sbarrier.arrive $0xFFFF  }
0x43: {  	[tilespmem:s31], [sflag:$0x1] =	stream.indirect.gather [hbm4b:s4+s21], $0x30, s0, s21, $0xb8;
	[tilespmem:$0xEE20] =	vst v63  }
0x44: {  	_ = 	snop  }
0x45: {  	[tilespmem:s22], [sflag:$0x2] =	stream.indirect.gather [hbm4b:s5+s21], $0x10, s29, s21, $0xb8;
	[tilespmem:$0xEE20] =	vst v63  }
.LBB2_4:
0x46: {  	p0 =	seq.s32 s31, $0x0  }
0x47: {  	s1 =	sshllo.u32 @!p0 s31, $0x1  }
0x48: {  	s0 =	simm.s32 @!p0 $0x3;
	s1 =	simm.s32 @p0 $0x1  }
0x49: {  	_ =	swait.ge @!p0 [sflag:s0], $0xF00;
	s19 =	smul.u32 $0x50, s1  }
0x4a: {  	[sflag:s0] =	ssyncset.done @!p0 $0x0  }
0x4b: {  	[sflag:s0] =	ssyncadd.s32 @!p0 $0xFFFFF100;
	s20 =	sadd.s32 $0x2800, s19  }
0x4c: {  	[tilespmem:s24], [sflag:$0x1] =	stream.indirect.gather [hbm4b:s4+s21], $0x30, s20, s21, $0xb8;
	[tilespmem:$0xEE20] =	vst v63  }
0x4d: {  	s19 =	sadd.s32 $0x4F10, s19  }
0x4e: {  	[tilespmem:s25], [sflag:$0x2] =	stream.indirect.gather [hbm4b:s5+s21], $0x10, s19, s21, $0xb8;
	[tilespmem:$0xEE20] =	vst v63  }
0x4f: {  	_ =	swait.ge [sflag:s23], $0xF00  }
0x50: {  	[sflag:s23] =	ssyncset.done $0x0  }
0x51: {  	[sflag:s23] =	ssyncadd.s32 $0xFFFFF100  }
0x52: {  	_ =	swait.ge [sflag:s26], $0x500  }
0x53: {  	[sflag:s26] =	ssyncset.done $0x0  }
0x54: {  	s29 =	simm.s32 $0x60;
	[sflag:s26] =	ssyncadd.s32 $0xFFFFFB00  }
0x55: {  	s20 =	simm.s32 $0x30;
	v3 =	vld [tilespmem:s29+$0xFFFFFFC0]  }
0x56: {  	v4 =	vld [tilespmem:s20+$0x1DD0];
	_ =	sdelay $0x4  }
0x57: {  	v5 =	vperm.xlane v3, v1;
	v4 =	vperm.xlane v4, v2;
	_ =	sdelay $0x1  }
0x58: {  	v4 =	vadd.f32 v4, v5;
	_ =	sdelay $0x1  }
0x59: {  	v5 =	vmul.f32 $2.000000030e-01, v4  }
0x5a: {  	vm1 =	vge.f32 v4, $0.0e+00  }
0x5b: {  	v4 =	vsel vm1, v4, v5  }
0x5c: {  	v4 =	vmul.f32 $1.442695020e+00, v4;
	_ =	sdelay $0x1  }
0x5d: {  	(erf) = vpow2.f32 v4;
	_ =	sdelay $0x4  }
0x5e: {  	v4 =	vld [tilespmem:s29+$0xFFFFFFA0]  }
0x5f: {  	v5 =	vld [tilespmem:s29+$0xFFFFFFB0];
	_ =	sdelay $0x2  }
0x60: {  	v6 =	vpop (erf)  }
0x61: {  	v4 =	vmul.f32 v6, v4  }
0x62: {  	v3 =	vmul.f32 v6, v3;
	v5 =	vmul.f32 v6, v5  }
0x63: {  	[tilespmem:s29+$0xFFFFFFA0] =	vst v4  }
0x64: {  	v3 =	vsel vm0, v3, v6;
	[tilespmem:s29+$0xFFFFFFB0] =	vst v5  }
0x65: {  	[tilespmem:s29+$0xFFFFFFC0] =	vst v3;
	v3 =	vld [tilespmem:s29+$0xFFFFFFF0]  }
0x66: {  	v4 =	vld [tilespmem:s20+$0x1DE0];
	_ =	sdelay $0x4  }
0x67: {  	v5 =	vperm.xlane v3, v1;
	v4 =	vperm.xlane v4, v2;
	_ =	sdelay $0x1  }
0x68: {  	v4 =	vadd.f32 v4, v5;
	_ =	sdelay $0x1  }
0x69: {  	v5 =	vmul.f32 $2.000000030e-01, v4  }
0x6a: {  	vm1 =	vge.f32 v4, $0.0e+00  }
0x6b: {  	v4 =	vsel vm1, v4, v5  }
0x6c: {  	v4 =	vmul.f32 $1.442695020e+00, v4;
	_ =	sdelay $0x1  }
0x6d: {  	(erf) = vpow2.f32 v4;
	_ =	sdelay $0x4  }
0x6e: {  	v4 =	vld [tilespmem:s29+$0xFFFFFFE0]  }
0x6f: {  	v5 =	vld [tilespmem:s29+$0xFFFFFFD0];
	_ =	sdelay $0x2  }
0x70: {  	v6 =	vpop (erf)  }
0x71: {  	v4 =	vmul.f32 v6, v4  }
0x72: {  	v5 =	vmul.f32 v6, v5;
	v3 =	vmul.f32 v6, v3  }
0x73: {  	[tilespmem:s29+$0xFFFFFFE0] =	vst v4  }
0x74: {  	[tilespmem:s29+$0xFFFFFFD0] =	vst v5;
	v3 =	vsel vm0, v3, v6  }
0x75: {  	v4 =	vld [tilespmem:s29+$0x20];
	[tilespmem:s29+$0xFFFFFFF0] =	vst v3  }
0x76: {  	v3 =	vld [tilespmem:s20+$0x1DF0];
	_ =	sdelay $0x4  }
0x77: {  	v5 =	vperm.xlane v4, v1;
	v3 =	vperm.xlane v3, v2;
	_ =	sdelay $0x1  }
0x78: {  	v3 =	vadd.f32 v3, v5;
	_ =	sdelay $0x1  }
0x79: {  	v5 =	vmul.f32 $2.000000030e-01, v3  }
0x7a: {  	vm1 =	vge.f32 v3, $0.0e+00  }
0x7b: {  	v3 =	vsel vm1, v3, v5  }
0x7c: {  	v3 =	vmul.f32 $1.442695020e+00, v3;
	_ =	sdelay $0x1  }
0x7d: {  	(erf) = vpow2.f32 v3;
	_ =	sdelay $0x4  }
0x7e: {  	v3 =	vld [tilespmem:s29+$0x10]  }
0x7f: {  	v5 =	vld [tilespmem:s29+$0x0];
	_ =	sdelay $0x2  }
0x80: {  	v6 =	vpop (erf)  }
0x81: {  	v3 =	vmul.f32 v6, v3  }
0x82: {  	v5 =	vmul.f32 v6, v5;
	v4 =	vmul.f32 v6, v4  }
0x83: {  	[tilespmem:s29+$0x10] =	vst v3  }
0x84: {  	[tilespmem:s29+$0x0] =	vst v5;
	v4 =	vsel vm0, v4, v6  }
0x85: {  	v3 =	vld [tilespmem:s29+$0x50];
	[tilespmem:s29+$0x20] =	vst v4  }
0x86: {  	v4 =	vld [tilespmem:s20+$0x1E00];
	_ =	sdelay $0x4  }
0x87: {  	v5 =	vperm.xlane v3, v1;
	v4 =	vperm.xlane v4, v2;
	_ =	sdelay $0x1  }
0x88: {  	v4 =	vadd.f32 v4, v5;
	_ =	sdelay $0x1  }
0x89: {  	v5 =	vmul.f32 $2.000000030e-01, v4  }
0x8a: {  	vm1 =	vge.f32 v4, $0.0e+00  }
0x8b: {  	v4 =	vsel vm1, v4, v5  }
0x8c: {  	v4 =	vmul.f32 $1.442695020e+00, v4;
	_ =	sdelay $0x1  }
0x8d: {  	(erf) = vpow2.f32 v4;
	_ =	sdelay $0x4  }
0x8e: {  	v6 =	vld [tilespmem:s29+$0x30]  }
0x8f: {  	v5 =	vld [tilespmem:s29+$0x40];
	_ =	sdelay $0x2  }
0x90: {  	s0 =	simm.s32 $0x60;
	s19 =	simm.s32 $0x1C0;
	v4 =	vpop (erf)  }
.LBB2_5:
0x91: {  	p0 =	sne.s32 s19, $0x13C0  }
0x92: {  	v6 =	vmul.f32 v4, v6;
	v5 =	vmul.f32 v4, v5;
	s29 =	sadd.s32 $0xC0, s29;
	s20 =	smov.u32 s19;
	s19 =	sadd.s32 $0x100, s19  }
0x93: {  	v3 =	vmul.f32 v4, v3  }
0x94: {  	[tilespmem:s0+$0x40] =	vst v5  }
0x95: {  	v3 =	vsel vm0, v3, v4;
	[tilespmem:s0+$0x30] =	vst v6  }
0x96: {  	s20 =	sshra.s32 s20, $0x2;
	v4 =	vld [tilespmem:s29+$0xFFFFFFC0];
	[tilespmem:s0+$0x50] =	vst v3;
	s0 =	smov.u32 s29  }
0x97: {  	v3 =	vld [tilespmem:s20+$0x1DD0];
	_ =	sdelay $0x4  }
0x98: {  	v5 =	vperm.xlane v4, v1;
	v3 =	vperm.xlane v3, v2;
	_ =	sdelay $0x1  }
0x99: {  	v3 =	vadd.f32 v3, v5;
	_ =	sdelay $0x1  }
0x9a: {  	v5 =	vmul.f32 $2.000000030e-01, v3  }
0x9b: {  	vm1 =	vge.f32 v3, $0.0e+00  }
0x9c: {  	v3 =	vsel vm1, v3, v5  }
0x9d: {  	v3 =	vmul.f32 $1.442695020e+00, v3;
	_ =	sdelay $0x1  }
0x9e: {  	(erf) = vpow2.f32 v3;
	_ =	sdelay $0x4  }
0x9f: {  	v3 =	vld [tilespmem:s29+$0xFFFFFFA0]  }
0xa0: {  	v5 =	vld [tilespmem:s29+$0xFFFFFFB0];
	_ =	sdelay $0x2  }
0xa1: {  	v6 =	vpop (erf)  }
0xa2: {  	v3 =	vmul.f32 v6, v3;
	v4 =	vmul.f32 v6, v4  }
0xa3: {  	v5 =	vmul.f32 v6, v5  }
0xa4: {  	[tilespmem:s29+$0xFFFFFFA0] =	vst v3;
	v3 =	vsel vm0, v4, v6  }
0xa5: {  	[tilespmem:s29+$0xFFFFFFC0] =	vst v3  }
0xa6: {  	[tilespmem:s29+$0xFFFFFFB0] =	vst v5;
	v3 =	vld [tilespmem:s29+$0xFFFFFFF0]  }
0xa7: {  	v4 =	vld [tilespmem:s20+$0x1DE0];
	_ =	sdelay $0x3  }
0xa8: {  	v5 =	vperm.xlane v3, v1  }
0xa9: {  	v4 =	vperm.xlane v4, v2;
	_ =	sdelay $0x1  }
0xaa: {  	v4 =	vadd.f32 v4, v5;
	_ =	sdelay $0x1  }
0xab: {  	vm1 =	vge.f32 v4, $0.0e+00;
	v5 =	vmul.f32 $2.000000030e-01, v4;
	_ =	sdelay $0x1  }
0xac: {  	v4 =	vsel vm1, v4, v5  }
0xad: {  	v4 =	vmul.f32 $1.442695020e+00, v4;
	_ =	sdelay $0x1  }
0xae: {  	(erf) = vpow2.f32 v4;
	_ =	sdelay $0x3  }
0xaf: {  	v4 =	vld [tilespmem:s29+$0xFFFFFFE0]  }
0xb0: {  	v5 =	vld [tilespmem:s29+$0xFFFFFFD0];
	_ =	sdelay $0x3  }
0xb1: {  	v6 =	vpop (erf)  }
0xb2: {  	v5 =	vmul.f32 v6, v5;
	v4 =	vmul.f32 v6, v4  }
0xb3: {  	v3 =	vmul.f32 v6, v3  }
0xb4: {  	[tilespmem:s29+$0xFFFFFFE0] =	vst v4  }
0xb5: {  	v3 =	vsel vm0, v3, v6;
	[tilespmem:s29+$0xFFFFFFD0] =	vst v5;
	v4 =	vld [tilespmem:s29+$0x20]  }
0xb6: {  	[tilespmem:s29+$0xFFFFFFF0] =	vst v3  }
0xb7: {  	v3 =	vld [tilespmem:s20+$0x1DF0];
	_ =	sdelay $0x2  }
0xb8: {  	v5 =	vperm.xlane v4, v1;
	_ =	sdelay $0x1  }
0xb9: {  	v3 =	vperm.xlane v3, v2;
	_ =	sdelay $0x1  }
0xba: {  	v3 =	vadd.f32 v3, v5;
	_ =	sdelay $0x1  }
0xbb: {  	vm1 =	vge.f32 v3, $0.0e+00;
	v5 =	vmul.f32 $2.000000030e-01, v3;
	_ =	sdelay $0x1  }
0xbc: {  	v3 =	vsel vm1, v3, v5  }
0xbd: {  	v3 =	vmul.f32 $1.442695020e+00, v3;
	_ =	sdelay $0x1  }
0xbe: {  	(erf) = vpow2.f32 v3;
	_ =	sdelay $0x3  }
0xbf: {  	v3 =	vld [tilespmem:s29+$0x10]  }
0xc0: {  	v5 =	vld [tilespmem:s29+$0x0];
	_ =	sdelay $0x3  }
0xc1: {  	v6 =	vpop (erf)  }
0xc2: {  	v5 =	vmul.f32 v6, v5;
	v3 =	vmul.f32 v6, v3  }
0xc3: {  	v4 =	vmul.f32 v6, v4  }
0xc4: {  	[tilespmem:s29+$0x10] =	vst v3;
	v3 =	vld [tilespmem:s29+$0x50]  }
0xc5: {  	v4 =	vsel vm0, v4, v6;
	[tilespmem:s29+$0x0] =	vst v5  }
0xc6: {  	[tilespmem:s29+$0x20] =	vst v4  }
0xc7: {  	v4 =	vld [tilespmem:s20+$0x1E00];
	_ =	sdelay $0x1  }
0xc8: {  	v5 =	vperm.xlane v3, v1;
	_ =	sdelay $0x2  }
0xc9: {  	v4 =	vperm.xlane v4, v2;
	_ =	sdelay $0x1  }
0xca: {  	v4 =	vadd.f32 v4, v5;
	_ =	sdelay $0x1  }
0xcb: {  	vm1 =	vge.f32 v4, $0.0e+00;
	v5 =	vmul.f32 $2.000000030e-01, v4;
	_ =	sdelay $0x1  }
0xcc: {  	v4 =	vsel vm1, v4, v5  }
0xcd: {  	v4 =	vmul.f32 $1.442695020e+00, v4;
	_ =	sdelay $0x1  }
0xce: {  	(erf) = vpow2.f32 v4;
	_ =	sdelay $0x3  }
0xcf: {  	v5 =	vld [tilespmem:s29+$0x40]  }
.Ltmp1:
0xd0: {  	v6 =	vld [tilespmem:s29+$0x30];
	(pc) =	sbr.rel @p0 .LBB2_5-.Ltmp1, $2  }
0xd1: {  	_ =	sdelay $0x2  }
0xd2: {  	v4 =	vpop (erf)  }
0xd3: {  	v5 =	vmul.f32 v4, v5  }
0xd4: {  	v6 =	vmul.f32 v4, v6;
	v3 =	vmul.f32 v4, v3;
	s19 =	smul.u32 $0x280, s31  }
0xd5: {  	[tilespmem:s0+$0x40] =	vst v5  }
0xd6: {  	[tilespmem:s0+$0x30] =	vst v6;
	v3 =	vsel vm0, v3, v4;
	s19 =	sshra.s32 s19, $0x2  }
0xd7: {  	[tilespmem:s0+$0x50] =	vst v3;
	s19 =	sadd.s32 $0x4F10, s19  }
0xd8: {  	[spmem:s2] =	stream.indirect.scatter.add.f32 [tilespmem:s3], [sflag:$0x3], $0x30, s19, s21, $0xb8;
	[tilespmem:$0xEE20] =	vst v63  }
0xd9: {  	s0 =	smul.u32 $0xA0, s31;
	_ =	swait.ge [sflag:s28], $0xF00  }
0xda: {  	[sflag:s28] =	ssyncset.done $0x0  }
0xdb: {  	s20 =	sadd.s32 $0x28A0, s0;
	[sflag:s28] =	ssyncadd.s32 $0xFFFFF100  }
0xdc: {  	[tilespmem:s3], [sflag:$0x1] =	stream.indirect.gather [hbm4b:s4+s21], $0x30, s20, s21, $0xb8;
	[tilespmem:$0xEE20] =	vst v63  }
0xdd: {  	s0 =	sadd.s32 $0x4FB0, s0  }
0xde: {  	[tilespmem:s22], [sflag:$0x2] =	stream.indirect.gather [hbm4b:s5+s21], $0x10, s0, s21, $0xb8;
	[tilespmem:$0xEE20] =	vst v63  }
0xdf: {  	_ =	swait.ge [sflag:s23], $0xF00  }
0xe0: {  	[sflag:s23] =	ssyncset.done $0x0  }
0xe1: {  	[sflag:s23] =	ssyncadd.s32 $0xFFFFF100  }
0xe2: {  	_ =	swait.ge [sflag:s26], $0x500  }
0xe3: {  	[sflag:s26] =	ssyncset.done $0x0  }
0xe4: {  	s29 =	simm.s32 $0xF60;
	[sflag:s26] =	ssyncadd.s32 $0xFFFFFB00  }
0xe5: {  	s20 =	simm.s32 $0x30;
	v3 =	vld [tilespmem:s29+$0xFFFFFFC0]  }
0xe6: {  	v4 =	vld [tilespmem:s20+$0x22D0];
	_ =	sdelay $0x4  }
0xe7: {  	v5 =	vperm.xlane v3, v1;
	v4 =	vperm.xlane v4, v2;
	_ =	sdelay $0x1  }
0xe8: {  	v4 =	vadd.f32 v4, v5;
	_ =	sdelay $0x1  }
0xe9: {  	v5 =	vmul.f32 $2.000000030e-01, v4  }
0xea: {  	vm1 =	vge.f32 v4, $0.0e+00  }
0xeb: {  	v4 =	vsel vm1, v4, v5  }
0xec: {  	v4 =	vmul.f32 $1.442695020e+00, v4;
	_ =	sdelay $0x1  }
0xed: {  	(erf) = vpow2.f32 v4;
	_ =	sdelay $0x4  }
0xee: {  	v4 =	vld [tilespmem:s29+$0xFFFFFFA0]  }
0xef: {  	v5 =	vld [tilespmem:s29+$0xFFFFFFB0];
	_ =	sdelay $0x2  }
0xf0: {  	v6 =	vpop (erf)  }
0xf1: {  	v4 =	vmul.f32 v6, v4  }
0xf2: {  	v3 =	vmul.f32 v6, v3;
	v5 =	vmul.f32 v6, v5  }
0xf3: {  	[tilespmem:s29+$0xFFFFFFA0] =	vst v4  }
0xf4: {  	v3 =	vsel vm0, v3, v6;
	[tilespmem:s29+$0xFFFFFFB0] =	vst v5  }
0xf5: {  	[tilespmem:s29+$0xFFFFFFC0] =	vst v3;
	v3 =	vld [tilespmem:s29+$0xFFFFFFF0]  }
0xf6: {  	v4 =	vld [tilespmem:s20+$0x22E0];
	_ =	sdelay $0x4  }
0xf7: {  	v5 =	vperm.xlane v3, v1;
	v4 =	vperm.xlane v4, v2;
	_ =	sdelay $0x1  }
0xf8: {  	v4 =	vadd.f32 v4, v5;
	_ =	sdelay $0x1  }
0xf9: {  	v5 =	vmul.f32 $2.000000030e-01, v4  }
0xfa: {  	vm1 =	vge.f32 v4, $0.0e+00  }
0xfb: {  	v4 =	vsel vm1, v4, v5  }
0xfc: {  	v4 =	vmul.f32 $1.442695020e+00, v4;
	_ =	sdelay $0x1  }
0xfd: {  	(erf) = vpow2.f32 v4;
	_ =	sdelay $0x4  }
0xfe: {  	v4 =	vld [tilespmem:s29+$0xFFFFFFE0]  }
0xff: {  	v5 =	vld [tilespmem:s29+$0xFFFFFFD0];
	_ =	sdelay $0x2  }
0x100: {  	v6 =	vpop (erf)  }
0x101: {  	v4 =	vmul.f32 v6, v4  }
0x102: {  	v5 =	vmul.f32 v6, v5;
	v3 =	vmul.f32 v6, v3  }
0x103: {  	[tilespmem:s29+$0xFFFFFFE0] =	vst v4  }
0x104: {  	[tilespmem:s29+$0xFFFFFFD0] =	vst v5;
	v3 =	vsel vm0, v3, v6  }
0x105: {  	v4 =	vld [tilespmem:s29+$0x20];
	[tilespmem:s29+$0xFFFFFFF0] =	vst v3  }
0x106: {  	v3 =	vld [tilespmem:s20+$0x22F0];
	_ =	sdelay $0x4  }
0x107: {  	v5 =	vperm.xlane v4, v1;
	v3 =	vperm.xlane v3, v2;
	_ =	sdelay $0x1  }
0x108: {  	v3 =	vadd.f32 v3, v5;
	_ =	sdelay $0x1  }
0x109: {  	v5 =	vmul.f32 $2.000000030e-01, v3  }
0x10a: {  	vm1 =	vge.f32 v3, $0.0e+00  }
0x10b: {  	v3 =	vsel vm1, v3, v5  }
0x10c: {  	v3 =	vmul.f32 $1.442695020e+00, v3;
	_ =	sdelay $0x1  }
0x10d: {  	(erf) = vpow2.f32 v3;
	_ =	sdelay $0x4  }
0x10e: {  	v3 =	vld [tilespmem:s29+$0x10]  }
0x10f: {  	v5 =	vld [tilespmem:s29+$0x0];
	_ =	sdelay $0x2  }
0x110: {  	v6 =	vpop (erf)  }
0x111: {  	v3 =	vmul.f32 v6, v3  }
0x112: {  	v5 =	vmul.f32 v6, v5;
	v4 =	vmul.f32 v6, v4  }
0x113: {  	[tilespmem:s29+$0x10] =	vst v3  }
0x114: {  	[tilespmem:s29+$0x0] =	vst v5;
	v4 =	vsel vm0, v4, v6  }
0x115: {  	v3 =	vld [tilespmem:s29+$0x50];
	[tilespmem:s29+$0x20] =	vst v4  }
0x116: {  	v4 =	vld [tilespmem:s20+$0x2300];
	_ =	sdelay $0x4  }
0x117: {  	v5 =	vperm.xlane v3, v1;
	v4 =	vperm.xlane v4, v2;
	_ =	sdelay $0x1  }
0x118: {  	v4 =	vadd.f32 v4, v5;
	_ =	sdelay $0x1  }
0x119: {  	v5 =	vmul.f32 $2.000000030e-01, v4  }
0x11a: {  	vm1 =	vge.f32 v4, $0.0e+00  }
0x11b: {  	v4 =	vsel vm1, v4, v5  }
0x11c: {  	v4 =	vmul.f32 $1.442695020e+00, v4;
	_ =	sdelay $0x1  }
0x11d: {  	(erf) = vpow2.f32 v4;
	_ =	sdelay $0x4  }
0x11e: {  	v6 =	vld [tilespmem:s29+$0x30]  }
0x11f: {  	v5 =	vld [tilespmem:s29+$0x40];
	_ =	sdelay $0x2  }
0x120: {  	s19 =	simm.s32 $0x1C0;
	s0 =	simm.s32 $0xF60;
	v4 =	vpop (erf)  }
.LBB2_7:
0x121: {  	p0 =	sne.s32 s19, $0x13C0  }
0x122: {  	v6 =	vmul.f32 v4, v6;
	v5 =	vmul.f32 v4, v5;
	s29 =	sadd.s32 $0xC0, s29;
	s20 =	smov.u32 s19;
	s19 =	sadd.s32 $0x100, s19  }
0x123: {  	v3 =	vmul.f32 v4, v3  }
0x124: {  	[tilespmem:s0+$0x40] =	vst v5  }
0x125: {  	v3 =	vsel vm0, v3, v4;
	[tilespmem:s0+$0x30] =	vst v6  }
0x126: {  	s20 =	sshra.s32 s20, $0x2;
	v4 =	vld [tilespmem:s29+$0xFFFFFFC0];
	[tilespmem:s0+$0x50] =	vst v3;
	s0 =	smov.u32 s29  }
0x127: {  	v3 =	vld [tilespmem:s20+$0x22D0];
	_ =	sdelay $0x4  }
0x128: {  	v5 =	vperm.xlane v4, v1;
	v3 =	vperm.xlane v3, v2;
	_ =	sdelay $0x1  }
0x129: {  	v3 =	vadd.f32 v3, v5;
	_ =	sdelay $0x1  }
0x12a: {  	v5 =	vmul.f32 $2.000000030e-01, v3  }
0x12b: {  	vm1 =	vge.f32 v3, $0.0e+00  }
0x12c: {  	v3 =	vsel vm1, v3, v5  }
0x12d: {  	v3 =	vmul.f32 $1.442695020e+00, v3;
	_ =	sdelay $0x1  }
0x12e: {  	(erf) = vpow2.f32 v3;
	_ =	sdelay $0x4  }
0x12f: {  	v3 =	vld [tilespmem:s29+$0xFFFFFFA0]  }
0x130: {  	v5 =	vld [tilespmem:s29+$0xFFFFFFB0];
	_ =	sdelay $0x2  }
0x131: {  	v6 =	vpop (erf)  }
0x132: {  	v3 =	vmul.f32 v6, v3;
	v4 =	vmul.f32 v6, v4  }
0x133: {  	v5 =	vmul.f32 v6, v5  }
0x134: {  	[tilespmem:s29+$0xFFFFFFA0] =	vst v3;
	v3 =	vsel vm0, v4, v6  }
0x135: {  	[tilespmem:s29+$0xFFFFFFC0] =	vst v3  }
0x136: {  	[tilespmem:s29+$0xFFFFFFB0] =	vst v5;
	v3 =	vld [tilespmem:s29+$0xFFFFFFF0]  }
0x137: {  	v4 =	vld [tilespmem:s20+$0x22E0];
	_ =	sdelay $0x3  }
0x138: {  	v5 =	vperm.xlane v3, v1  }
0x139: {  	v4 =	vperm.xlane v4, v2;
	_ =	sdelay $0x1  }
0x13a: {  	v4 =	vadd.f32 v4, v5;
	_ =	sdelay $0x1  }
0x13b: {  	vm1 =	vge.f32 v4, $0.0e+00;
	v5 =	vmul.f32 $2.000000030e-01, v4;
	_ =	sdelay $0x1  }
0x13c: {  	v4 =	vsel vm1, v4, v5  }
0x13d: {  	v4 =	vmul.f32 $1.442695020e+00, v4;
	_ =	sdelay $0x1  }
0x13e: {  	(erf) = vpow2.f32 v4;
	_ =	sdelay $0x3  }
0x13f: {  	v4 =	vld [tilespmem:s29+$0xFFFFFFE0]  }
0x140: {  	v5 =	vld [tilespmem:s29+$0xFFFFFFD0];
	_ =	sdelay $0x3  }
0x141: {  	v6 =	vpop (erf)  }
0x142: {  	v5 =	vmul.f32 v6, v5;
	v4 =	vmul.f32 v6, v4  }
0x143: {  	v3 =	vmul.f32 v6, v3  }
0x144: {  	[tilespmem:s29+$0xFFFFFFE0] =	vst v4  }
0x145: {  	v3 =	vsel vm0, v3, v6;
	[tilespmem:s29+$0xFFFFFFD0] =	vst v5;
	v4 =	vld [tilespmem:s29+$0x20]  }
0x146: {  	[tilespmem:s29+$0xFFFFFFF0] =	vst v3  }
0x147: {  	v3 =	vld [tilespmem:s20+$0x22F0];
	_ =	sdelay $0x2  }
0x148: {  	v5 =	vperm.xlane v4, v1;
	_ =	sdelay $0x1  }
0x149: {  	v3 =	vperm.xlane v3, v2;
	_ =	sdelay $0x1  }
0x14a: {  	v3 =	vadd.f32 v3, v5;
	_ =	sdelay $0x1  }
0x14b: {  	vm1 =	vge.f32 v3, $0.0e+00;
	v5 =	vmul.f32 $2.000000030e-01, v3;
	_ =	sdelay $0x1  }
0x14c: {  	v3 =	vsel vm1, v3, v5  }
0x14d: {  	v3 =	vmul.f32 $1.442695020e+00, v3;
	_ =	sdelay $0x1  }
0x14e: {  	(erf) = vpow2.f32 v3;
	_ =	sdelay $0x3  }
0x14f: {  	v3 =	vld [tilespmem:s29+$0x10]  }
0x150: {  	v5 =	vld [tilespmem:s29+$0x0];
	_ =	sdelay $0x3  }
0x151: {  	v6 =	vpop (erf)  }
0x152: {  	v5 =	vmul.f32 v6, v5;
	v3 =	vmul.f32 v6, v3  }
0x153: {  	v4 =	vmul.f32 v6, v4  }
0x154: {  	[tilespmem:s29+$0x10] =	vst v3;
	v3 =	vld [tilespmem:s29+$0x50]  }
0x155: {  	v4 =	vsel vm0, v4, v6;
	[tilespmem:s29+$0x0] =	vst v5  }
0x156: {  	[tilespmem:s29+$0x20] =	vst v4  }
0x157: {  	v4 =	vld [tilespmem:s20+$0x2300];
	_ =	sdelay $0x1  }
0x158: {  	v5 =	vperm.xlane v3, v1;
	_ =	sdelay $0x2  }
0x159: {  	v4 =	vperm.xlane v4, v2;
	_ =	sdelay $0x1  }
0x15a: {  	v4 =	vadd.f32 v4, v5;
	_ =	sdelay $0x1  }
0x15b: {  	vm1 =	vge.f32 v4, $0.0e+00;
	v5 =	vmul.f32 $2.000000030e-01, v4;
	_ =	sdelay $0x1  }
0x15c: {  	v4 =	vsel vm1, v4, v5  }
0x15d: {  	v4 =	vmul.f32 $1.442695020e+00, v4;
	_ =	sdelay $0x1  }
0x15e: {  	(erf) = vpow2.f32 v4;
	_ =	sdelay $0x3  }
0x15f: {  	v5 =	vld [tilespmem:s29+$0x40]  }
.Ltmp2:
0x160: {  	v6 =	vld [tilespmem:s29+$0x30];
	(pc) =	sbr.rel @p0 .LBB2_7-.Ltmp2, $2  }
0x161: {  	_ =	sdelay $0x2  }
0x162: {  	v4 =	vpop (erf)  }
0x163: {  	s31 =	sadd.s32 $0x1, s31  }
0x164: {  	v5 =	vmul.f32 v4, v5;
	s1 =	smul.u32 $0x140, s1;
	p0 =	sne.s32 s31, $0x3E  }
.Ltmp3:
0x165: {  	v6 =	vmul.f32 v4, v6;
	v3 =	vmul.f32 v4, v3;
	(pc) =	sbr.rel @p0 .LBB2_4-.Ltmp3, $4  }
0x166: {  	[tilespmem:s0+$0x40] =	vst v5  }
0x167: {  	[tilespmem:s0+$0x30] =	vst v6;
	v3 =	vsel vm0, v3, v4;
	s1 =	sshra.s32 s1, $0x2  }
0x168: {  	[tilespmem:s0+$0x50] =	vst v3;
	s29 =	sadd.s32 $0x4F10, s1  }
0x169: {  	[spmem:s2] =	stream.indirect.scatter.add.f32 [tilespmem:s24], [sflag:$0x3], $0x30, s29, s21, $0xb8;
	[tilespmem:$0xEE20] =	vst v63  }
0x16a: {  	_ =	swait.ge [sflag:s28], $0xF00  }
0x16b: {  	[sflag:s28] =	ssyncset.done $0x0  }
0x16c: {  	[sflag:s28] =	ssyncadd.s32 $0xFFFFF100  }
0x16d: {  	_ =	swait.ge [sflag:s23], $0xF00  }
0x16e: {  	[sflag:s23] =	ssyncset.done $0x0  }
0x16f: {  	[sflag:s23] =	ssyncadd.s32 $0xFFFFF100  }
0x170: {  	_ =	swait.ge [sflag:s26], $0x500  }
0x171: {  	[sflag:s26] =	ssyncset.done $0x0  }
0x172: {  	s1 =	simm.s32 $0x60;
	[sflag:s26] =	ssyncadd.s32 $0xFFFFFB00  }
0x173: {  	s0 =	simm.s32 $0x30;
	v3 =	vld [tilespmem:s1+$0xFFFFFFC0]  }
0x174: {  	v4 =	vld [tilespmem:s0+$0x1DD0];
	_ =	sdelay $0x4  }
0x175: {  	v5 =	vperm.xlane v3, v1;
	v4 =	vperm.xlane v4, v2;
	_ =	sdelay $0x1  }
0x176: {  	v4 =	vadd.f32 v4, v5;
	_ =	sdelay $0x1  }
0x177: {  	v5 =	vmul.f32 $2.000000030e-01, v4  }
0x178: {  	vm1 =	vge.f32 v4, $0.0e+00  }
0x179: {  	v4 =	vsel vm1, v4, v5  }
0x17a: {  	v4 =	vmul.f32 $1.442695020e+00, v4;
	_ =	sdelay $0x1  }
0x17b: {  	(erf) = vpow2.f32 v4;
	_ =	sdelay $0x4  }
0x17c: {  	v4 =	vld [tilespmem:s1+$0xFFFFFFA0]  }
0x17d: {  	v5 =	vld [tilespmem:s1+$0xFFFFFFB0];
	_ =	sdelay $0x2  }
0x17e: {  	v6 =	vpop (erf)  }
0x17f: {  	v4 =	vmul.f32 v6, v4  }
0x180: {  	v3 =	vmul.f32 v6, v3;
	v5 =	vmul.f32 v6, v5  }
0x181: {  	[tilespmem:s1+$0xFFFFFFA0] =	vst v4  }
0x182: {  	v3 =	vsel vm0, v3, v6;
	[tilespmem:s1+$0xFFFFFFB0] =	vst v5  }
0x183: {  	[tilespmem:s1+$0xFFFFFFC0] =	vst v3;
	v3 =	vld [tilespmem:s1+$0xFFFFFFF0]  }
0x184: {  	v4 =	vld [tilespmem:s0+$0x1DE0];
	_ =	sdelay $0x4  }
0x185: {  	v5 =	vperm.xlane v3, v1;
	v4 =	vperm.xlane v4, v2;
	_ =	sdelay $0x1  }
0x186: {  	v4 =	vadd.f32 v4, v5;
	_ =	sdelay $0x1  }
0x187: {  	v5 =	vmul.f32 $2.000000030e-01, v4  }
0x188: {  	vm1 =	vge.f32 v4, $0.0e+00  }
0x189: {  	v4 =	vsel vm1, v4, v5  }
0x18a: {  	v4 =	vmul.f32 $1.442695020e+00, v4;
	_ =	sdelay $0x1  }
0x18b: {  	(erf) = vpow2.f32 v4;
	_ =	sdelay $0x4  }
0x18c: {  	v4 =	vld [tilespmem:s1+$0xFFFFFFE0]  }
0x18d: {  	v5 =	vld [tilespmem:s1+$0xFFFFFFD0];
	_ =	sdelay $0x2  }
0x18e: {  	v6 =	vpop (erf)  }
0x18f: {  	v4 =	vmul.f32 v6, v4  }
0x190: {  	v5 =	vmul.f32 v6, v5;
	v3 =	vmul.f32 v6, v3  }
0x191: {  	[tilespmem:s1+$0xFFFFFFE0] =	vst v4  }
0x192: {  	[tilespmem:s1+$0xFFFFFFD0] =	vst v5;
	v3 =	vsel vm0, v3, v6  }
0x193: {  	v4 =	vld [tilespmem:s1+$0x20];
	[tilespmem:s1+$0xFFFFFFF0] =	vst v3  }
0x194: {  	v3 =	vld [tilespmem:s0+$0x1DF0];
	_ =	sdelay $0x4  }
0x195: {  	v5 =	vperm.xlane v4, v1;
	v3 =	vperm.xlane v3, v2;
	_ =	sdelay $0x1  }
0x196: {  	v3 =	vadd.f32 v3, v5;
	_ =	sdelay $0x1  }
0x197: {  	v5 =	vmul.f32 $2.000000030e-01, v3  }
0x198: {  	vm1 =	vge.f32 v3, $0.0e+00  }
0x199: {  	v3 =	vsel vm1, v3, v5  }
0x19a: {  	v3 =	vmul.f32 $1.442695020e+00, v3;
	_ =	sdelay $0x1  }
0x19b: {  	(erf) = vpow2.f32 v3;
	_ =	sdelay $0x4  }
0x19c: {  	v3 =	vld [tilespmem:s1+$0x10]  }
0x19d: {  	v5 =	vld [tilespmem:s1+$0x0];
	_ =	sdelay $0x2  }
0x19e: {  	v6 =	vpop (erf)  }
0x19f: {  	v3 =	vmul.f32 v6, v3  }
0x1a0: {  	v5 =	vmul.f32 v6, v5;
	v4 =	vmul.f32 v6, v4  }
0x1a1: {  	[tilespmem:s1+$0x10] =	vst v3  }
0x1a2: {  	[tilespmem:s1+$0x0] =	vst v5;
	v4 =	vsel vm0, v4, v6  }
0x1a3: {  	v3 =	vld [tilespmem:s1+$0x50];
	[tilespmem:s1+$0x20] =	vst v4  }
0x1a4: {  	v4 =	vld [tilespmem:s0+$0x1E00];
	_ =	sdelay $0x4  }
0x1a5: {  	v5 =	vperm.xlane v3, v1;
	v4 =	vperm.xlane v4, v2;
	_ =	sdelay $0x1  }
0x1a6: {  	v4 =	vadd.f32 v4, v5;
	_ =	sdelay $0x1  }
0x1a7: {  	v5 =	vmul.f32 $2.000000030e-01, v4  }
0x1a8: {  	vm1 =	vge.f32 v4, $0.0e+00  }
0x1a9: {  	v4 =	vsel vm1, v4, v5  }
0x1aa: {  	v4 =	vmul.f32 $1.442695020e+00, v4;
	_ =	sdelay $0x1  }
0x1ab: {  	(erf) = vpow2.f32 v4;
	_ =	sdelay $0x4  }
0x1ac: {  	v6 =	vld [tilespmem:s1+$0x30]  }
0x1ad: {  	v5 =	vld [tilespmem:s1+$0x40];
	_ =	sdelay $0x2  }
0x1ae: {  	s19 =	simm.s32 $0x1C0;
	s0 =	simm.s32 $0x60;
	v4 =	vpop (erf)  }
.LBB2_10:
0x1af: {  	p0 =	sne.s32 s19, $0x13C0  }
0x1b0: {  	v6 =	vmul.f32 v4, v6;
	v5 =	vmul.f32 v4, v5;
	s1 =	sadd.s32 $0xC0, s1;
	s20 =	smov.u32 s19;
	s19 =	sadd.s32 $0x100, s19  }
0x1b1: {  	v3 =	vmul.f32 v4, v3  }
0x1b2: {  	[tilespmem:s0+$0x40] =	vst v5  }
0x1b3: {  	v3 =	vsel vm0, v3, v4;
	[tilespmem:s0+$0x30] =	vst v6  }
0x1b4: {  	s20 =	sshra.s32 s20, $0x2;
	v4 =	vld [tilespmem:s1+$0xFFFFFFC0];
	[tilespmem:s0+$0x50] =	vst v3;
	s0 =	smov.u32 s1  }
0x1b5: {  	v3 =	vld [tilespmem:s20+$0x1DD0];
	_ =	sdelay $0x4  }
0x1b6: {  	v5 =	vperm.xlane v4, v1;
	v3 =	vperm.xlane v3, v2;
	_ =	sdelay $0x1  }
0x1b7: {  	v3 =	vadd.f32 v3, v5;
	_ =	sdelay $0x1  }
0x1b8: {  	v5 =	vmul.f32 $2.000000030e-01, v3  }
0x1b9: {  	vm1 =	vge.f32 v3, $0.0e+00  }
0x1ba: {  	v3 =	vsel vm1, v3, v5  }
0x1bb: {  	v3 =	vmul.f32 $1.442695020e+00, v3;
	_ =	sdelay $0x1  }
0x1bc: {  	(erf) = vpow2.f32 v3;
	_ =	sdelay $0x4  }
0x1bd: {  	v3 =	vld [tilespmem:s1+$0xFFFFFFA0]  }
0x1be: {  	v5 =	vld [tilespmem:s1+$0xFFFFFFB0];
	_ =	sdelay $0x2  }
0x1bf: {  	v6 =	vpop (erf)  }
0x1c0: {  	v3 =	vmul.f32 v6, v3;
	v4 =	vmul.f32 v6, v4  }
0x1c1: {  	v5 =	vmul.f32 v6, v5  }
0x1c2: {  	[tilespmem:s1+$0xFFFFFFA0] =	vst v3;
	v3 =	vsel vm0, v4, v6  }
0x1c3: {  	[tilespmem:s1+$0xFFFFFFC0] =	vst v3  }
0x1c4: {  	[tilespmem:s1+$0xFFFFFFB0] =	vst v5;
	v3 =	vld [tilespmem:s1+$0xFFFFFFF0]  }
0x1c5: {  	v4 =	vld [tilespmem:s20+$0x1DE0];
	_ =	sdelay $0x3  }
0x1c6: {  	v5 =	vperm.xlane v3, v1  }
0x1c7: {  	v4 =	vperm.xlane v4, v2;
	_ =	sdelay $0x1  }
0x1c8: {  	v4 =	vadd.f32 v4, v5;
	_ =	sdelay $0x1  }
0x1c9: {  	vm1 =	vge.f32 v4, $0.0e+00;
	v5 =	vmul.f32 $2.000000030e-01, v4;
	_ =	sdelay $0x1  }
0x1ca: {  	v4 =	vsel vm1, v4, v5  }
0x1cb: {  	v4 =	vmul.f32 $1.442695020e+00, v4;
	_ =	sdelay $0x1  }
0x1cc: {  	(erf) = vpow2.f32 v4;
	_ =	sdelay $0x3  }
0x1cd: {  	v4 =	vld [tilespmem:s1+$0xFFFFFFE0]  }
0x1ce: {  	v5 =	vld [tilespmem:s1+$0xFFFFFFD0];
	_ =	sdelay $0x3  }
0x1cf: {  	v6 =	vpop (erf)  }
0x1d0: {  	v5 =	vmul.f32 v6, v5;
	v4 =	vmul.f32 v6, v4  }
0x1d1: {  	v3 =	vmul.f32 v6, v3  }
0x1d2: {  	[tilespmem:s1+$0xFFFFFFE0] =	vst v4  }
0x1d3: {  	v3 =	vsel vm0, v3, v6;
	[tilespmem:s1+$0xFFFFFFD0] =	vst v5;
	v4 =	vld [tilespmem:s1+$0x20]  }
0x1d4: {  	[tilespmem:s1+$0xFFFFFFF0] =	vst v3  }
0x1d5: {  	v3 =	vld [tilespmem:s20+$0x1DF0];
	_ =	sdelay $0x2  }
0x1d6: {  	v5 =	vperm.xlane v4, v1;
	_ =	sdelay $0x1  }
0x1d7: {  	v3 =	vperm.xlane v3, v2;
	_ =	sdelay $0x1  }
0x1d8: {  	v3 =	vadd.f32 v3, v5;
	_ =	sdelay $0x1  }
0x1d9: {  	vm1 =	vge.f32 v3, $0.0e+00;
	v5 =	vmul.f32 $2.000000030e-01, v3;
	_ =	sdelay $0x1  }
0x1da: {  	v3 =	vsel vm1, v3, v5  }
0x1db: {  	v3 =	vmul.f32 $1.442695020e+00, v3;
	_ =	sdelay $0x1  }
0x1dc: {  	(erf) = vpow2.f32 v3;
	_ =	sdelay $0x3  }
0x1dd: {  	v3 =	vld [tilespmem:s1+$0x10]  }
0x1de: {  	v5 =	vld [tilespmem:s1+$0x0];
	_ =	sdelay $0x3  }
0x1df: {  	v6 =	vpop (erf)  }
0x1e0: {  	v5 =	vmul.f32 v6, v5;
	v3 =	vmul.f32 v6, v3  }
0x1e1: {  	v4 =	vmul.f32 v6, v4  }
0x1e2: {  	[tilespmem:s1+$0x10] =	vst v3;
	v3 =	vld [tilespmem:s1+$0x50]  }
0x1e3: {  	v4 =	vsel vm0, v4, v6;
	[tilespmem:s1+$0x0] =	vst v5  }
0x1e4: {  	[tilespmem:s1+$0x20] =	vst v4  }
0x1e5: {  	v4 =	vld [tilespmem:s20+$0x1E00];
	_ =	sdelay $0x1  }
0x1e6: {  	v5 =	vperm.xlane v3, v1;
	_ =	sdelay $0x2  }
0x1e7: {  	v4 =	vperm.xlane v4, v2;
	_ =	sdelay $0x1  }
0x1e8: {  	v4 =	vadd.f32 v4, v5;
	_ =	sdelay $0x1  }
0x1e9: {  	vm1 =	vge.f32 v4, $0.0e+00;
	v5 =	vmul.f32 $2.000000030e-01, v4;
	_ =	sdelay $0x1  }
0x1ea: {  	v4 =	vsel vm1, v4, v5  }
0x1eb: {  	v4 =	vmul.f32 $1.442695020e+00, v4;
	_ =	sdelay $0x1  }
0x1ec: {  	(erf) = vpow2.f32 v4;
	_ =	sdelay $0x3  }
0x1ed: {  	v5 =	vld [tilespmem:s1+$0x40]  }
.Ltmp4:
0x1ee: {  	v6 =	vld [tilespmem:s1+$0x30];
	(pc) =	sbr.rel @p0 .LBB2_10-.Ltmp4, $2  }
0x1ef: {  	_ =	sdelay $0x2  }
0x1f0: {  	v4 =	vpop (erf)  }
0x1f1: {  	v5 =	vmul.f32 v4, v5  }
0x1f2: {  	v6 =	vmul.f32 v4, v6;
	v3 =	vmul.f32 v4, v3  }
0x1f3: {  	[tilespmem:s0+$0x40] =	vst v5  }
0x1f4: {  	[tilespmem:s0+$0x30] =	vst v6;
	v3 =	vsel vm0, v3, v4  }
0x1f5: {  	s29 =	simm.s32 $0x75D0;
	[tilespmem:s0+$0x50] =	vst v3  }
0x1f6: {  	[spmem:s2] =	stream.indirect.scatter.add.f32 [tilespmem:s3], [sflag:$0x3], $0x30, s29, s21, $0xb8;
	[tilespmem:$0xEE20] =	vst v63  }
0x1f7: {  	s31 =	stileid.u32;
	_ =	swait.ge [sflag:s28], $0xF00  }
0x1f8: {  	s1 =	sshrl.u32 s6, $0x3;
	s30 =	sadd.s32 $0x1, s30;
	[sflag:s28] =	ssyncset.done $0x0  }
0x1f9: {  	p0 =	sne.s32 s30, s17;
	s0 =	sshll.u32 s31, $0x6;
	[sflag:s28] =	ssyncadd.s32 $0xFFFFF100  }
.Ltmp5:
0x1fa: {  	s0 =	sor.u32 $0x1C04, s0;
	[bflag:$0x0] =	sbarrier.arrive $0xFFFF;
	(pc) =	sbr.rel @p0 .LBB2_1-.Ltmp5, $4  }
0x1fb: {  	[hbm:s16], [sflag:s0] =	dma.local [spmem:s1], $0xF00  }
0x1fc: {  	_ =	swait.ge [sflag:s18], $0xF00  }
0x1fd: {  	[sflag:s18] =	ssyncset.done $0x0  }
0x1fe: {  	[sflag:s18] =	ssyncadd.s32 $0xFFFFF100  }
0x1ff: {  	_ =	sfence.sel $0x180000  }
0x200: {  	[bflag:$0x0] =	sbarrier.arrive $0xFFFF  }
0x201: {  	_ =	strace $0x9000004A  }
0x202: {  	s0 =	stileid.u32;
	[bflag:$0x2] =	sbarrier.arrive $0xFFFF  }
0x203: {  	p0 =	sne.s32 s0, $0x0;
	s0 =	rddreg [dreg:$0x3]  }
0x204: {  	s0 =	sadd.s32 @!p0 $0x100000, s0  }
0x205: {  	[sflag:s0] =	ssyncadd.tile.s32 @!p0 $0x1;
	_ =	shalt  }
.Lfunc_end2:
_tile_overlayer_lowered:
.L_overlay_start_2:
0x206: {  	(tag) =	ssettag $0x2  }
0x207: {  	s0 =	rddreg [dreg:$0x0];
	s2 =	stileid.u32  }
0x208: {  	s1 =	rddreg [dreg:$0x1];
	p0 =	sne.s32 s2, $0x0  }
0x209: {  	s3 =	rddreg [dreg:$0x2];
	[bflag:$0x3] =	sbarrier.arrive $0xFFFF;
	s2 =	simm.s32 @!p0 $0x1C04  }
0x20a: {  	[timem:s3], [sflag:s2] =	dma.local @!p0 [hbm:s0], s1  }
0x20b: {  	s0 =	simm.s32 @!p0 $0x4  }
0x20c: {  	_ =	swait.ge @!p0 [sflag:s0], s1  }
0x20d: {  	s1 =	ssub.s32 @!p0 $0x0, s1;
	[sflag:s0] =	ssyncset.done @!p0 $0x0  }
0x20e: {  	[sflag:s0] =	ssyncadd.s32 @!p0 s1  }
0x20f: {  	[bflag:$0x3] =	sbarrier.arrive $0xFFFF  }
0x210: {  	_ =	shalt  }

// kernel: kernel.7.cloned.1.call-start
scs
__scs_entry_jumppad:
0x0: {  	(pc) =	sbr.rel $0x88, $3  }
0x1: {  	(tag) =	ssettag $0x0;
	lr =	simm.s32 $0x1  }
0x2: {  	[smem:$0x3F97] =	sst lr;
	_ =	strace $0xD0000000  }
0x3: {  	_ = 	snop  }
0x4: {  	_ = 	snop  }
0x5: {  	_ = 	snop  }
0x6: {  	_ = 	snop  }
0x7: {  	_ = 	snop  }
__scs_overlays_trampoline_lowered:
0x8: {  	[smem:$0x3FA6] =	sst s0  }
0x9: {  	[smem:$0x3FA7] =	sst s1  }
0xa: {  	[smem:$0x3FA8] =	sst s2  }
0xb: {  	[smem:$0x3FA9] =	sst s3  }
0xc: {  	[smem:$0x3FAA] =	sst s4  }
0xd: {  	[smem:$0x3FAB] =	sst s5  }
0xe: {  	[smem:$0x3FAC] =	sst s6  }
0xf: {  	[smem:$0x3FAD] =	sst s7  }
0x10: {  	[smem:$0x3FAE] =	sst s8  }
0x11: {  	[smem:$0x3FAF] =	sst s9;
	s0 =	simm.s32 @!p0 $0x0  }
0x12: {  	s1 =	sld [smem:$0x3F95];
	s0 =	simm.s32 @p0 $0x1  }
0x13: {  	[smem:$0x3FB0] =	sst s0;
	s0 =	simm.s32 @!p1 $0x0  }
0x14: {  	s2 =	sld [smem:$0x3F94];
	s0 =	simm.s32 @p1 $0x1  }
0x15: {  	[smem:$0x3FB1] =	sst s0;
	s0 =	simm.s32 @!p2 $0x0  }
0x16: {  	s3 =	sld [smem:$0x3FDB];
	s0 =	simm.s32 @p2 $0x1  }
0x17: {  	s4 =	simm.s32 $0x1BF5;
	[smem:$0x3FB3] =	sst s0  }
0x18: {  	s0 =	sld [smem:$0x3F96];
	_ =	swait.ge [sflag:s4], $0x0  }
0x19: {  	s7 =	sld [smem:$0x3F97]  }
0x1a: {  	s8 =	sadd.s32 $0xFFFFE003, lr  }
0x1b: {  	s9 =	sadd.s32 $0xFFFFFEF7, lr;
	s5 =	simm.s32 $0xFFFFFFFF;
	p2 =	slt.u32 s8, $0xFFFFF086  }
0x1c: {  	p1 =	slt.u32 s9, $0xF7A;
	s5 =	simm.s32 @!p2 $0x0  }
0x1d: {  	s5 =	simm.s32 @p1 $0x1;
	p0 =	seq.s32 s7, s2  }
0x1e: {  	s7 =	smul.u32 @!p0 $0xF7A, s2;
	p2 =	seq.s32 @!p0 s5, $0x0  }
0x1f: {  	s9 =	smul.u32 $0xF7A, s1;
	s8 =	simm.s32 @!p0 $0x1BF5;
	p2 =	por !p2, p0  }
0x20: {  	[sflag:s8] =	ssyncset.s32 @!p0 $0xFFFFF086;
	s6 =	sadd.s32 @!p0 s3, s7;
	s7 =	simm.s32 @!p0 $0x108  }
0x21: {  	s3 =	sadd.s32 s3, s9;
	s6 =	sadd.s32 @!p0 $0x88, s6;
	s7 =	simm.s32 @p2 $0x1082  }
0x22: {  	[simem:s7], [sflag:s8] =	dma.local @!p0 [hbm:s6], $0xF7A  }
0x23: {  	s9 =	sor.u32 $0xD0000000, s2;
	s6 =	simm.s32 $0x108;
	_ =	swait.ge @!p0 [sflag:s8], $0x0  }
0x24: {  	s3 =	sadd.s32 $0x88, s3;
	s6 =	simm.s32 @!p1 $0x1082;
	[sflag:s4] =	ssyncset.s32 $0xFFFFF086  }
0x25: {  	[simem:s6], [sflag:s4] =	dma.local [hbm:s3], $0xF7A  }
0x26: {  	[smem:$0x3F97] =	sst s1;
	(tag) =	ssettag s2;
	_ =	strace s9  }
0x27: {  	s1 =	sld [smem:$0x3FA7]  }
0x28: {  	s2 =	sld [smem:$0x3FA8]  }
0x29: {  	s4 =	sld [smem:$0x3FAA]  }
0x2a: {  	p0 =	seq.s32 s5, $0x0;
	s5 =	sld [smem:$0x3FAB]  }
0x2b: {  	s6 =	sld [smem:$0x3FAC]  }
0x2c: {  	s7 =	sld [smem:$0x3FAD]  }
0x2d: {  	s3 =	simm.s32 $0x108;
	s8 =	sld [smem:$0x3FAE]  }
0x2e: {  	s3 =	simm.s32 @!p0 $0x1082;
	s9 =	sld [smem:$0x3FAF]  }
0x2f: {  	lr =	sadd.s32 s0, s3;
	s0 =	sld [smem:$0x3FA6]  }
0x30: {  	s3 =	sld [smem:$0x3FA9]  }
0x31: {  	[smem:$0x3FB2] =	sst s10  }
0x32: {  	s10 =	sld [smem:$0x3FB0];
	_ =	sdelay $0x3  }
0x33: {  	p0 =	seq.s32 s10, $0x1;
	s10 =	sld [smem:$0x3FB2];
	_ =	sdelay $0x3  }
0x34: {  	[smem:$0x3FB2] =	sst s10  }
0x35: {  	s10 =	sld [smem:$0x3FB1];
	_ =	sdelay $0x3  }
0x36: {  	p1 =	seq.s32 s10, $0x1;
	s10 =	sld [smem:$0x3FB2];
	_ =	sdelay $0x3  }
0x37: {  	[smem:$0x3FB2] =	sst s10  }
0x38: {  	s10 =	sld [smem:$0x3FB3]  }
0x39: {  	_ = 	snop;
	(pc) =	sbr.ind lr, $3  }
0x3a: {  	_ = 	snop  }
0x3b: {  	_ = 	snop  }
0x3c: {  	p2 =	seq.s32 s10, $0x1;
	s10 =	sld [smem:$0x3FB2]  }
0x3d: {  	_ =	shalt  }
0x3e: {  	_ =	shalt  }
0x3f: {  	_ =	shalt  }
0x40: {  	_ =	shalt  }
0x41: {  	_ =	shalt  }
0x42: {  	_ =	shalt  }
0x43: {  	_ =	shalt  }
0x44: {  	_ =	shalt  }
0x45: {  	_ =	shalt  }
0x46: {  	_ =	shalt  }
0x47: {  	_ =	shalt  }
0x48: {  	_ =	shalt  }
0x49: {  	_ =	shalt  }
0x4a: {  	_ =	shalt  }
0x4b: {  	_ =	shalt  }
0x4c: {  	_ =	shalt  }
0x4d: {  	_ =	shalt  }
0x4e: {  	_ =	shalt  }
0x4f: {  	_ =	shalt  }
0x50: {  	_ =	shalt  }
0x51: {  	_ =	shalt  }
0x52: {  	_ =	shalt  }
0x53: {  	_ =	shalt  }
0x54: {  	_ =	shalt  }
0x55: {  	_ =	shalt  }
0x56: {  	_ =	shalt  }
0x57: {  	_ =	shalt  }
0x58: {  	_ =	shalt  }
0x59: {  	_ =	shalt  }
0x5a: {  	_ =	shalt  }
0x5b: {  	_ =	shalt  }
0x5c: {  	_ =	shalt  }
0x5d: {  	_ =	shalt  }
0x5e: {  	_ =	shalt  }
0x5f: {  	_ =	shalt  }
0x60: {  	_ =	shalt  }
0x61: {  	_ =	shalt  }
0x62: {  	_ =	shalt  }
0x63: {  	_ =	shalt  }
0x64: {  	_ =	shalt  }
0x65: {  	_ =	shalt  }
0x66: {  	_ =	shalt  }
0x67: {  	_ =	shalt  }
0x68: {  	_ =	shalt  }
0x69: {  	_ =	shalt  }
0x6a: {  	_ =	shalt  }
0x6b: {  	_ =	shalt  }
0x6c: {  	_ =	shalt  }
0x6d: {  	_ =	shalt  }
0x6e: {  	_ =	shalt  }
0x6f: {  	_ =	shalt  }
0x70: {  	_ =	shalt  }
0x71: {  	_ =	shalt  }
0x72: {  	_ =	shalt  }
0x73: {  	_ =	shalt  }
0x74: {  	_ =	shalt  }
0x75: {  	_ =	shalt  }
0x76: {  	_ =	shalt  }
0x77: {  	_ =	shalt  }
0x78: {  	_ =	shalt  }
0x79: {  	_ =	shalt  }
0x7a: {  	_ =	shalt  }
0x7b: {  	_ =	shalt  }
0x7c: {  	_ =	shalt  }
0x7d: {  	_ =	shalt  }
0x7e: {  	_ =	shalt  }
0x7f: {  	_ =	shalt  }
0x80: {  	_ =	shalt  }
0x81: {  	_ =	shalt  }
0x82: {  	_ =	shalt  }
0x83: {  	_ =	shalt  }
0x84: {  	_ =	shalt  }
0x85: {  	_ =	shalt  }
0x86: {  	_ =	shalt  }
0x87: {  	_ =	shalt  }
.Lfunc_end0:
.L_simem_size_0:
called_computation_lowered:
.L_overlay_start_0:
0x88: {  	s2 =	sld [smem:$0x3FD9]  }
0x89: {  	s3 =	sld [smem:$0x3FFE];
	_ =	sdelay $0x1  }
0x8a: {  	s1 =	srdreg.scid  }
0x8b: {  	s0 =	sand.u32 $0x1, s1  }
0x8c: {  	s14 =	sshll.u32 s0, $0xA;
	s2 =	sadd.s32 s3, s2  }
0x8d: {  	s2 =	sadd.s32 s2, s14  }
0x8e: {  	[smem:$0x3FBE] =	sst s2  }
0x8f: {  	_ = 	snop  }
0x90: {  	s2 =	sld [smem:$0x3FD0];
	_ =	sdelay $0x2  }
0x91: {  	s15 =	simm.s32 $0xA;
	s4 =	simm.s32 $0x10  }
0x92: {  	[smem:s4], [sflag:s15] =	dma.local [hbm:s2], $0x1  }
0x93: {  	_ =	swait.eq [sflag:s15], $0x1  }
0x94: {  	[sflag:s15] =	ssyncset.done $0x0  }
0x95: {  	s16 =	sld [smem:$0x10];
	[sflag:s15] =	ssyncadd.s32 $0xFFFFFFFF  }
0x96: {  	s17 =	sld [smem:$0x11];
	(tm) =	ssettm $0x1  }
0x97: {  	s18 =	sld [smem:$0x3FFB];
	_ =	sdelay $0x3  }
0x98: {  	_ =	strace s18  }
0x99: {  	s4 =	sld [smem:$0x3FFC];
	_ =	sdelay $0x3  }
0x9a: {  	_ =	strace s4  }
0x9b: {  	s4 =	sld [smem:$0x3FFD];
	_ =	sdelay $0x3  }
0x9c: {  	_ =	strace s4  }
0x9d: {  	_ =	strace $0x8FFFFFFF  }
0x9e: {  	s19 =	sld [smem:$0x3FDB];
	_ =	sdelay $0x1  }
0x9f: {  	s5 =	simm.s32 $_scs_section_size  }
0xa0: {  	s6 =	simm.s32 $_size__tile_overlayer_lowered;
	s7 =	simm.s32 $_tile_overlayer_lowered  }
0xa1: {  	s22 =	simm.s32 $0x1BFF;
	s21 =	sshll.u32 s7, $0x1;
	s4 =	sadd.s32 s5, s19  }
0xa2: {  	s8 =	simm.s32 $0x0;
	s20 =	sshll.u32 s6, $0x1;
	s6 =	sadd.s32 s21, s4  }
0xa3: {  	[timem:s8], [sflag:s22] =	dma.local [hbm:s6], s20  }
0xa4: {  	_ =	swait.ge [sflag:s22], s20  }
0xa5: {  	s5 =	ssub.s32 $0x0, s20;
	[sflag:s22] =	ssyncset.done $0x0  }
0xa6: {  	[sflag:s22] =	ssyncadd.s32 s5;
	_ =	sdelay $0x1  }
0xa7: {  	s23 =	simm.s32 $0x1B8B  }
0xa8: {  	_ =	swait.ge [sflag:s23], $0x1  }
0xa9: {  	[sflag:s23] =	ssyncset.done $0x0  }
0xaa: {  	s25 =	simm.s32 $0x1B8E;
	s24 =	sld [smem:$0x3FFE];
	[sflag:s23] =	ssyncadd.s32 $0xFFFFFFFF  }
0xab: {  	s26 =	simm.s32 $execute0_lowered;
	[smem:$0x3FD2] =	sst s25  }
0xac: {  	s6 =	sshll.u32 s26, $0x1;
	_ =	strace $0x80000046;
	[dreg:$0x1] =	wrdreg $0xFFFFFFFF  }
0xad: {  	s28 =	simm.s32 $_size_execute0_lowered;
	s4 =	sadd.s32 s4, s6;
	[dreg:$0x0] =	wrdreg $0x0  }
0xae: {  	s6 =	sshll.u32 s28, $0x1;
	[dreg:$0x2] =	wrdreg s4  }
0xaf: {  	[dreg:$0x3] =	wrdreg s6  }
0xb0: {  	[dreg:$0x4] =	wrdreg $0xC0  }
0xb1: {  	_ =	task [dreg:s8], $0x5FFFF  }
0xb2: {  	[dreg:$0x1] =	wrdreg $0xFFFFFFFF  }
0xb3: {  	[dreg:$0x0] =	wrdreg $0x60  }
0xb4: {  	[dreg:$0x2] =	wrdreg s24  }
0xb5: {  	[dreg:$0x3] =	wrdreg s16  }
0xb6: {  	[dreg:$0x4] =	wrdreg s17  }
0xb7: {  	[dreg:$0x5] =	wrdreg $0x80200  }
0xb8: {  	[dreg:$0x6] =	wrdreg $0x9  }
0xb9: {  	_ =	task.clear_ibuf [dreg:s8], $0x7FFFF;
	_ =	strace $0x90000046  }
0xba: {  	s29 =	simm.s32 $0x9;
	_ =	strace $0x80000048  }
0xbb: {  	_ =	swait.ge [sflag:s29], $0x1  }
0xbc: {  	[sflag:s29] =	ssyncadd.s32 $0xFFFFFFFF  }
0xbd: {  	_ =	strace $0x90000048  }
0xbe: {  	_ =	sfence  }
0xbf: {  	s30 =	sld [smem:$0x0];
	_ =	sdelay $0x2  }
0xc0: {  	s31 =	sshll.u32 s1, $0xD;
	s1 =	sshrl.u32 s1, $0x2  }
0xc1: {  	s3 =	sand.u32 $0x4000, s31;
	s1 =	sadd.s32 s1, s30  }
0xc2: {  	s0 =	sor.u32 s3, s0;
	s1 =	sshll.u32 s1, $0x11  }
0xc3: {  	s0 =	sor.u32 s1, s0  }
0xc4: {  	s0 =	sadd.s32 $0x8F2B, s0  }
0xc5: {  	[sflag:s0] =	ssyncadd.remote.s32 $0x1  }
0xc6: {  	_ =	sfence.sel $0xFFFF  }
0xc7: {  	[dreg:$0x0] =	wrdreg $0xFFFFFFFF;
	(pc) =	sbr.abs _section_cstart, $3  }
0xc8: {  	[dreg:$0x1] =	wrdreg $0xFFFFFFFF  }
0xc9: {  	_ =	task.clear_ibuf [dreg:s8], $0x2FFFF;
	_ =	strace $0x9FFFFFFF  }
0xca: {  	(tm) =	ssettm $0x7FFFFFFF  }
0xcb: {  	_ =	shalt  }
tec
execute0_lowered:
.L_overlay_start_1:
0x0: {  	(tag) =	ssettag $0x1  }
0x1: {  	s0 =	rddreg [dreg:$0x0]  }
0x2: {  	s1 =	srdreg.scid;
	s7 =	rddreg [dreg:$0x1]  }
0x3: {  	s11 =	stileid.u32;
	s2 =	rddreg [dreg:$0x2]  }
0x4: {  	s30 =	simm.s32 $0x28;
	s31 =	simm.s32 $0x2F80;
	s6 =	smul.u32 $0x16800, s11  }
0x5: {  	s1 =	sand.u32 $0x1, s1;
	s3 =	sshll.u32 s11, $0x1;
	s11 =	smul.u32 $0x5A000, s11  }
0x6: {  	s4 =	sor.u32 s1, s3;
	s3 =	rddreg [dreg:$0x3];
	s5 =	smul.u32 $0x168000, s1  }
0x7: {  	s1 =	ssub.s32 $0x2, s1;
	s8 =	smul.u32 $0x4E2, s4;
	s4 =	simm.s32 $0x0  }
0x8: {  	s13 =	sshrl.u32 s1, $0x1;
	s11 =	sshrl.u32 s11, $0x2;
	[smem:$0x7FF] =	sst s4  }
0x9: {  	s10 =	sadd.s32 s6, s5;
	s5 =	sadd.s32 $0x59400, s0;
	s1 =	ssub.s32 s1, s13  }
0xa: {  	s6 =	sadd.s32 s6, s3;
	s14 =	sadd.s32 s11, s3;
	_ =	strace $0x80000047  }
0xb: {  	s9 =	sadd.s32 s8, s0;
	s10 =	sshrl.u32 s10, $0x3;
	s11 =	sadd.s32 $0x1680, s14  }
0xc: {  	s22 =	sadd.s32 $0x2D00, s14;
	s23 =	sadd.s32 $0x4380, s14;
	s24 =	sadd.s32 $0x5A00, s14  }
0xd: {  	s25 =	sadd.s32 $0x7080, s14;
	s26 =	sadd.s32 $0x8700, s14;
	[dreg:$0x5] =	wrdreg s11  }
0xe: {  	s28 =	sadd.s32 $0x9D80, s14;
	s29 =	sadd.s32 $0xB400, s14;
	[dreg:$0x6] =	wrdreg s22  }
0xf: {  	s15 =	sadd.s32 $0xCA80, s14;
	s16 =	sadd.s32 $0xE100, s14;
	[dreg:$0x7] =	wrdreg s23  }
0x10: {  	s17 =	sadd.s32 $0xF780, s14;
	s18 =	sadd.s32 $0x10E00, s14;
	[dreg:$0x8] =	wrdreg s24  }
0x11: {  	s19 =	sadd.s32 $0x12480, s14;
	s20 =	sadd.s32 s7, s8;
	[dreg:$0x9] =	wrdreg s25  }
0x12: {  	s21 =	sadd.s32 $0x13B00, s14;
	s7 =	simm.s32 $0x2;
	[dreg:$0xa] =	wrdreg s26  }
0x13: {  	v0 =	vimm.f32 $0.0e+00;
	s8 =	simm.s32 $0x3;
	s0 =	sadd.s32 s10, s0;
	[dreg:$0xb] =	wrdreg s28  }
0x14: {  	vm0 =	vmmov $0xff;
	v1 =	vimm.s32 $0x0;
	v2 =	vimm.s32 $0x1;
	[dreg:$0xc] =	wrdreg s29;
	s22 =	sadd.s32 $0x15180, s14;
	s23 =	sadd.s32 $0x1400, s9  }
0x15: {  	v3 =	vimm.s32 $0x2;
	v4 =	vimm.s32 $0x3;
	v5 =	vimm.s32 $0x4;
	s25 =	smax.u32 s1, $0x1;
	s26 =	simm.s32 $0x4;
	s1 =	simm.s32 $0x1680  }
0x16: {  	v6 =	vimm.s32 $0x5;
	v7 =	vimm.s32 $0x6;
	v8 =	vimm.s32 $0x7;
	s9 =	simm.s32 $0x0;
	s24 =	sadd.s32 $0x85400, s0;
	s0 =	simm.s32 $0x1  }
.LBB2_1:
0x17: {  	s10 =	simm.s32 $0x0;
	s11 =	simm.s32 $0x240  }
.LBB2_2:
0x18: {  	p0 =	sne.s32 s11, $0x57C0;
	[tilespmem:s10+$0x80] =	vst v0  }
0x19: {  	[tilespmem:s10+$0x0] =	vst v0  }
0x1a: {  	[tilespmem:s10+$0x10] =	vst v0  }
0x1b: {  	[tilespmem:s10+$0x20] =	vst v0  }
.Ltmp0:
0x1c: {  	[tilespmem:s10+$0x30] =	vst v0;
	(pc) =	sbr.rel @p0 .LBB2_2-.Ltmp0, $4  }
0x1d: {  	[tilespmem:s10+$0x40] =	vst v0  }
0x1e: {  	[tilespmem:s10+$0x50] =	vst v0  }
0x1f: {  	[tilespmem:s10+$0x60] =	vst v0  }
0x20: {  	[tilespmem:s10+$0x70] =	vst v0;
	s10 =	sshra.s32 s11, $0x2;
	s11 =	sadd.s32 $0x240, s11  }
0x21: {  	[tilespmem:s10+$0x80] =	vst v0  }
0x22: {  	[tilespmem:s10+$0x0] =	vst v0  }
0x23: {  	[tilespmem:s10+$0x10] =	vst v0  }
0x24: {  	[tilespmem:s10+$0x20] =	vst v0  }
0x25: {  	[tilespmem:s10+$0x30] =	vst v0  }
0x26: {  	[tilespmem:s10+$0x40] =	vst v0  }
0x27: {  	[tilespmem:s10+$0x50] =	vst v0  }
0x28: {  	[tilespmem:s10+$0x60] =	vst v0  }
0x29: {  	[tilespmem:s10+$0x70] =	vst v0;
	s28 =	simm.s32 $0x0  }
0x2a: {  	[spmem:s6] =	stream.linear.scatter [tilespmem:s28], [sflag:$0x4], $0x1680, $0x38;
	[tilespmem:$0x1E820] =	vst v63  }
0x2b: {  	_ =	swait.ge [sflag:s26], $0x1680  }
0x2c: {  	[sflag:s26] =	ssyncset.done $0x0  }
0x2d: {  	s11 =	rddreg [dreg:$0x5];
	[sflag:s26] =	ssyncadd.s32 $0xFFFFE980  }
0x2e: {  	[spmem:s11] =	stream.linear.scatter [tilespmem:s28], [sflag:$0x4], $0x1680, $0x38;
	[tilespmem:$0x1E820] =	vst v63  }
0x2f: {  	_ =	swait.ge [sflag:s26], $0x1680  }
0x30: {  	[sflag:s26] =	ssyncset.done $0x0  }
0x31: {  	s12 =	rddreg [dreg:$0x6];
	[sflag:s26] =	ssyncadd.s32 $0xFFFFE980  }
0x32: {  	[spmem:s12] =	stream.linear.scatter [tilespmem:s28], [sflag:$0x4], $0x1680, $0x38;
	[tilespmem:$0x1E820] =	vst v63  }
0x33: {  	_ =	swait.ge [sflag:s26], $0x1680  }
0x34: {  	[sflag:s26] =	ssyncset.done $0x0  }
0x35: {  	s13 =	rddreg [dreg:$0x7];
	[sflag:s26] =	ssyncadd.s32 $0xFFFFE980  }
0x36: {  	[spmem:s13] =	stream.linear.scatter [tilespmem:s28], [sflag:$0x4], $0x1680, $0x38;
	[tilespmem:$0x1E820] =	vst v63  }
0x37: {  	_ =	swait.ge [sflag:s26], $0x1680  }
0x38: {  	[sflag:s26] =	ssyncset.done $0x0  }
0x39: {  	s14 =	rddreg [dreg:$0x8];
	[sflag:s26] =	ssyncadd.s32 $0xFFFFE980  }
0x3a: {  	[spmem:s14] =	stream.linear.scatter [tilespmem:s28], [sflag:$0x4], $0x1680, $0x38;
	[tilespmem:$0x1E820] =	vst v63  }
0x3b: {  	_ =	swait.ge [sflag:s26], $0x1680  }
0x3c: {  	[sflag:s26] =	ssyncset.done $0x0  }
0x3d: {  	s29 =	rddreg [dreg:$0x9];
	[sflag:s26] =	ssyncadd.s32 $0xFFFFE980  }
0x3e: {  	[spmem:s29] =	stream.linear.scatter [tilespmem:s28], [sflag:$0x4], $0x1680, $0x38;
	[tilespmem:$0x1E820] =	vst v63  }
0x3f: {  	_ =	swait.ge [sflag:s26], $0x1680  }
0x40: {  	[sflag:s26] =	ssyncset.done $0x0  }
0x41: {  	s11 =	rddreg [dreg:$0xa];
	[sflag:s26] =	ssyncadd.s32 $0xFFFFE980  }
0x42: {  	[spmem:s11] =	stream.linear.scatter [tilespmem:s28], [sflag:$0x4], $0x1680, $0x38;
	[tilespmem:$0x1E820] =	vst v63  }
0x43: {  	_ =	swait.ge [sflag:s26], $0x1680  }
0x44: {  	[sflag:s26] =	ssyncset.done $0x0  }
0x45: {  	s12 =	rddreg [dreg:$0xb];
	[sflag:s26] =	ssyncadd.s32 $0xFFFFE980  }
0x46: {  	[spmem:s12] =	stream.linear.scatter [tilespmem:s28], [sflag:$0x4], $0x1680, $0x38;
	[tilespmem:$0x1E820] =	vst v63  }
0x47: {  	_ =	swait.ge [sflag:s26], $0x1680  }
0x48: {  	[sflag:s26] =	ssyncset.done $0x0  }
0x49: {  	s13 =	rddreg [dreg:$0xc];
	[sflag:s26] =	ssyncadd.s32 $0xFFFFE980  }
0x4a: {  	[spmem:s13] =	stream.linear.scatter [tilespmem:s28], [sflag:$0x4], $0x1680, $0x38;
	[tilespmem:$0x1E820] =	vst v63  }
0x4b: {  	_ =	swait.ge [sflag:s26], $0x1680  }
0x4c: {  	[sflag:s26] =	ssyncset.done $0x0  }
0x4d: {  	[sflag:s26] =	ssyncadd.s32 $0xFFFFE980  }
0x4e: {  	[spmem:s15] =	stream.linear.scatter [tilespmem:s28], [sflag:$0x4], $0x1680, $0x38;
	[tilespmem:$0x1E820] =	vst v63  }
0x4f: {  	_ =	swait.ge [sflag:s26], $0x1680  }
0x50: {  	[sflag:s26] =	ssyncset.done $0x0  }
0x51: {  	[sflag:s26] =	ssyncadd.s32 $0xFFFFE980  }
0x52: {  	[spmem:s16] =	stream.linear.scatter [tilespmem:s28], [sflag:$0x4], $0x1680, $0x38;
	[tilespmem:$0x1E820] =	vst v63  }
0x53: {  	_ =	swait.ge [sflag:s26], $0x1680  }
0x54: {  	[sflag:s26] =	ssyncset.done $0x0  }
0x55: {  	[sflag:s26] =	ssyncadd.s32 $0xFFFFE980  }
0x56: {  	[spmem:s17] =	stream.linear.scatter [tilespmem:s28], [sflag:$0x4], $0x1680, $0x38;
	[tilespmem:$0x1E820] =	vst v63  }
0x57: {  	_ =	swait.ge [sflag:s26], $0x1680  }
0x58: {  	[sflag:s26] =	ssyncset.done $0x0  }
0x59: {  	[sflag:s26] =	ssyncadd.s32 $0xFFFFE980  }
0x5a: {  	[spmem:s18] =	stream.linear.scatter [tilespmem:s28], [sflag:$0x4], $0x1680, $0x38;
	[tilespmem:$0x1E820] =	vst v63  }
0x5b: {  	_ =	swait.ge [sflag:s26], $0x1680  }
0x5c: {  	[sflag:s26] =	ssyncset.done $0x0  }
0x5d: {  	[sflag:s26] =	ssyncadd.s32 $0xFFFFE980  }
0x5e: {  	[spmem:s19] =	stream.linear.scatter [tilespmem:s28], [sflag:$0x4], $0x1680, $0x38;
	[tilespmem:$0x1E820] =	vst v63  }
0x5f: {  	_ =	swait.ge [sflag:s26], $0x1680  }
0x60: {  	[sflag:s26] =	ssyncset.done $0x0  }
0x61: {  	[sflag:s26] =	ssyncadd.s32 $0xFFFFE980  }
0x62: {  	[spmem:s21] =	stream.linear.scatter [tilespmem:s28], [sflag:$0x4], $0x1680, $0x38;
	[tilespmem:$0x1E820] =	vst v63  }
0x63: {  	_ =	swait.ge [sflag:s26], $0x1680  }
0x64: {  	[sflag:s26] =	ssyncset.done $0x0  }
0x65: {  	[sflag:s26] =	ssyncadd.s32 $0xFFFFE980  }
0x66: {  	[spmem:s22] =	stream.linear.scatter [tilespmem:s28], [sflag:$0x4], $0x1680, $0x38;
	[tilespmem:$0x1E820] =	vst v63  }
0x67: {  	_ =	swait.ge [sflag:s26], $0x1680  }
0x68: {  	[sflag:s26] =	ssyncset.done $0x0  }
0x69: {  	s14 =	simm.s32 $0x3200;
	[sflag:s26] =	ssyncadd.s32 $0xFFFFE980  }
0x6a: {  	[tilespmem:s14], [sflag:$0x4] =	stream.linear.gather [hbm4b:s23+s28], $0x2710, $0x38;
	[tilespmem:$0x1E820] =	vst v63  }
0x6b: {  	_ =	swait.ge [sflag:s26], $0x2710  }
0x6c: {  	[sflag:s26] =	ssyncset.done $0x0  }
0x6d: {  	s11 =	simm.s32 $0x5910;
	[sflag:s26] =	ssyncadd.s32 $0xFFFFD8F0  }
0x6e: {  	[tilespmem:s11], [sflag:$0x4] =	stream.linear.gather [hbm4b:s20+s28], $0x2710, $0x38;
	[tilespmem:$0x1E820] =	vst v63  }
0x6f: {  	_ =	swait.ge [sflag:s26], $0x2710  }
0x70: {  	[sflag:s26] =	ssyncset.done $0x0  }
0x71: {  	[sflag:s26] =	ssyncadd.s32 $0xFFFFD8F0  }
0x72: {  	[bflag:$0x0] =	sbarrier.arrive $0xFFFF  }
0x73: {  	[tilespmem:s28], [sflag:$0x1] =	stream.indirect.gather [hbm4b:s5+s30], $0x90, s14, s30, $0xb8;
	[tilespmem:$0x1E820] =	vst v63  }
0x74: {  	s29 =	simm.s32 $0x2D00  }
0x75: {  	[tilespmem:s29], [sflag:$0x2] =	stream.indirect.gather [hbm4b:s2+s30], $0x10, s11, s30, $0xb8;
	[tilespmem:$0x1E820] =	vst v63  }
.LBB2_4:
0x76: {  	s10 =	sshll.u32 s28, $0x1;
	p0 =	seq.s32 s28, $0x0  }
0x77: {  	s11 =	simm.s32 @!p0 $0x3;
	s10 =	sor.u32 $0x1, s10  }
0x78: {  	_ =	swait.ge @!p0 [sflag:s11], $0x1680;
	s12 =	smul.u32 $0x28, s10  }
0x79: {  	[sflag:s11] =	ssyncset.done @!p0 $0x0  }
0x7a: {  	[sflag:s11] =	ssyncadd.s32 @!p0 $0xFFFFE980;
	s13 =	sadd.s32 $0x3200, s12  }
0x7b: {  	[tilespmem:s1], [sflag:$0x1] =	stream.indirect.gather [hbm4b:s5+s30], $0x90, s13, s30, $0xb8;
	[tilespmem:$0x1E820] =	vst v63  }
0x7c: {  	s14 =	sadd.s32 $0x5910, s12  }
0x7d: {  	[tilespmem:s31], [sflag:$0x2] =	stream.indirect.gather [hbm4b:s2+s30], $0x10, s14, s30, $0xb8;
	[tilespmem:$0x1E820] =	vst v63  }
0x7e: {  	_ =	swait.ge [sflag:s0], $0x1680  }
0x7f: {  	[sflag:s0] =	ssyncset.done $0x0  }
0x80: {  	[sflag:s0] =	ssyncadd.s32 $0xFFFFE980  }
0x81: {  	_ =	swait.ge [sflag:s7], $0x280  }
0x82: {  	[sflag:s7] =	ssyncset.done $0x0  }
0x83: {  	s11 =	simm.s32 $0x120;
	[sflag:s7] =	ssyncadd.s32 $0xFFFFFD80  }
0x84: {  	s12 =	simm.s32 $0x30;
	v9 =	vld [tilespmem:s11+$0xFFFFFF60]  }
0x85: {  	v10 =	vld [tilespmem:s12+$0x2CD0];
	_ =	sdelay $0x4  }
0x86: {  	v9 =	vadd.f32 v10, v9;
	_ =	sdelay $0x1  }
0x87: {  	v10 =	vmul.f32 $2.000000030e-01, v9  }
0x88: {  	vm1 =	vge.f32 v9, $0.0e+00  }
0x89: {  	v9 =	vsel vm1, v9, v10  }
0x8a: {  	v9 =	vmul.f32 $1.442695020e+00, v9;
	_ =	sdelay $0x1  }
0x8b: {  	(erf) = vpow2.f32 v9;
	_ =	sdelay $0x7  }
0x8c: {  	v10 =	vld [tilespmem:s11+$0xFFFFFEE0]  }
0x8d: {  	v12 =	vld [tilespmem:s11+$0xFFFFFF20];
	v11 =	vpop (erf)  }
0x8e: {  	v13 =	vld [tilespmem:s11+$0xFFFFFF00];
	v11 =	vnsel vm0, $0x0, v11  }
0x8f: {  	v15 =	vld [tilespmem:s11+$0xFFFFFF40];
	v14 =	vperm.xlane v11, v1  }
0x90: {  	v17 =	vld [tilespmem:s11+$0xFFFFFF50];
	v16 =	vperm.xlane v11, v5  }
0x91: {  	v18 =	vperm.xlane v11, v3;
	v10 =	vmul.f32 v10, v14;
	v14 =	vld [tilespmem:s11+$0xFFFFFEF0]  }
0x92: {  	v20 =	vld [tilespmem:s11+$0xFFFFFF10];
	[tilespmem:s11+$0xFFFFFF60] =	vst v11;
	v19 =	vperm.xlane v11, v7;
	v12 =	vmul.f32 v12, v16  }
0x93: {  	v9 =	vld [tilespmem:s11+$0xFFFFFF30];
	[tilespmem:s11+$0xFFFFFEE0] =	vst v10;
	v10 =	vmul.f32 v13, v18;
	v13 =	vperm.xlane v11, v8  }
0x94: {  	v16 =	vperm.xlane v11, v2;
	[tilespmem:s11+$0xFFFFFF20] =	vst v12;
	v12 =	vmul.f32 v15, v19  }
0x95: {  	[tilespmem:s11+$0xFFFFFF00] =	vst v10;
	v10 =	vperm.xlane v11, v4;
	v13 =	vmul.f32 v17, v13  }
0x96: {  	v11 =	vperm.xlane v11, v6;
	[tilespmem:s11+$0xFFFFFF40] =	vst v12;
	v14 =	vmul.f32 v14, v16  }
0x97: {  	v10 =	vmul.f32 v20, v10;
	[tilespmem:s11+$0xFFFFFF50] =	vst v13  }
0x98: {  	v9 =	vmul.f32 v9, v11;
	[tilespmem:s11+$0xFFFFFEF0] =	vst v14  }
0x99: {  	[tilespmem:s11+$0xFFFFFF10] =	vst v10  }
0x9a: {  	[tilespmem:s11+$0xFFFFFF30] =	vst v9;
	v9 =	vld [tilespmem:s11+$0xFFFFFFF0]  }
0x9b: {  	v10 =	vld [tilespmem:s12+$0x2CE0];
	_ =	sdelay $0x4  }
0x9c: {  	v9 =	vadd.f32 v10, v9;
	_ =	sdelay $0x1  }
0x9d: {  	v10 =	vmul.f32 $2.000000030e-01, v9  }
0x9e: {  	vm1 =	vge.f32 v9, $0.0e+00  }
0x9f: {  	v9 =	vsel vm1, v9, v10  }
0xa0: {  	v9 =	vmul.f32 $1.442695020e+00, v9;
	_ =	sdelay $0x1  }
0xa1: {  	(erf) = vpow2.f32 v9;
	_ =	sdelay $0x7  }
0xa2: {  	v10 =	vld [tilespmem:s11+$0xFFFFFFD0]  }
0xa3: {  	v12 =	vld [tilespmem:s11+$0xFFFFFFB0];
	v11 =	vpop (erf)  }
0xa4: {  	v13 =	vld [tilespmem:s11+$0xFFFFFF70];
	v11 =	vnsel vm0, $0x0, v11  }
0xa5: {  	v14 =	vld [tilespmem:s11+$0xFFFFFFC0];
	v15 =	vperm.xlane v11, v7  }
0xa6: {  	v16 =	vld [tilespmem:s11+$0xFFFFFF90];
	v17 =	vperm.xlane v11, v5;
	v19 =	vperm.xlane v11, v1  }
0xa7: {  	v18 =	vld [tilespmem:s11+$0xFFFFFF80];
	v20 =	vperm.xlane v11, v3;
	v10 =	vmul.f32 v10, v15  }
0xa8: {  	v9 =	vld [tilespmem:s11+$0xFFFFFFE0];
	[tilespmem:s11+$0xFFFFFFF0] =	vst v11;
	v12 =	vmul.f32 v12, v17;
	v17 =	vperm.xlane v11, v6  }
0xa9: {  	v15 =	vld [tilespmem:s11+$0xFFFFFFA0];
	v13 =	vmul.f32 v13, v19;
	[tilespmem:s11+$0xFFFFFFD0] =	vst v10;
	v10 =	vperm.xlane v11, v2  }
0xaa: {  	[tilespmem:s11+$0xFFFFFFB0] =	vst v12;
	v12 =	vmul.f32 v14, v17;
	v14 =	vperm.xlane v11, v4  }
0xab: {  	[tilespmem:s11+$0xFFFFFF70] =	vst v13;
	v13 =	vmul.f32 v16, v20;
	v11 =	vperm.xlane v11, v8  }
0xac: {  	v10 =	vmul.f32 v18, v10;
	[tilespmem:s11+$0xFFFFFFC0] =	vst v12  }
0xad: {  	[tilespmem:s11+$0xFFFFFF90] =	vst v13;
	v9 =	vmul.f32 v9, v11  }
0xae: {  	v12 =	vmul.f32 v15, v14;
	[tilespmem:s11+$0xFFFFFF80] =	vst v10  }
0xaf: {  	[tilespmem:s11+$0xFFFFFFE0] =	vst v9  }
0xb0: {  	v9 =	vld [tilespmem:s11+$0x80];
	[tilespmem:s11+$0xFFFFFFA0] =	vst v12  }
0xb1: {  	v10 =	vld [tilespmem:s12+$0x2CF0];
	_ =	sdelay $0x4  }
0xb2: {  	v9 =	vadd.f32 v10, v9;
	_ =	sdelay $0x1  }
0xb3: {  	v10 =	vmul.f32 $2.000000030e-01, v9  }
0xb4: {  	vm1 =	vge.f32 v9, $0.0e+00  }
0xb5: {  	v9 =	vsel vm1, v9, v10  }
0xb6: {  	v9 =	vmul.f32 $1.442695020e+00, v9;
	_ =	sdelay $0x1  }
0xb7: {  	(erf) = vpow2.f32 v9;
	_ =	sdelay $0x5  }
0xb8: {  	v17 =	vld [tilespmem:s11+$0x20]  }
0xb9: {  	v13 =	vld [tilespmem:s11+$0x50]  }
0xba: {  	v15 =	vld [tilespmem:s11+$0x10]  }
0xbb: {  	v14 =	vld [tilespmem:s11+$0x70];
	v11 =	vpop (erf)  }
0xbc: {  	v12 =	vld [tilespmem:s11+$0x0];
	v11 =	vnsel vm0, $0x0, v11  }
0xbd: {  	v10 =	vld [tilespmem:s11+$0x60];
	v18 =	vperm.xlane v11, v2;
	v16 =	vperm.xlane v11, v6  }
0xbe: {  	v9 =	vld [tilespmem:s11+$0x40];
	v20 =	vperm.xlane v11, v3;
	v19 =	vperm.xlane v11, v7  }
0xbf: {  	s29 =	simm.s32 $0x1C0;
	s13 =	simm.s32 $0x120;
	[tilespmem:s11+$0x80] =	vst v11;
	v21 =	vmul.f32 v15, v18;
	v15 =	vld [tilespmem:s11+$0x30];
	v18 =	vperm.xlane v11, v8  }
.LBB2_5:
0xc0: {  	p0 =	sne.s32 s29, $0x9C0  }
0xc1: {  	v17 =	vmul.f32 v17, v20;
	v20 =	vperm.xlane v11, v4;
	s11 =	sadd.s32 $0x240, s11;
	s14 =	smov.u32 s29;
	s29 =	sadd.s32 $0x100, s29  }
0xc2: {  	v22 =	vperm.xlane v11, v1;
	v11 =	vperm.xlane v11, v5;
	[tilespmem:s13+$0x10] =	vst v21  }
0xc3: {  	v10 =	vmul.f32 v10, v19;
	v13 =	vmul.f32 v13, v16;
	[tilespmem:s13+$0x20] =	vst v17  }
0xc4: {  	v12 =	vmul.f32 v12, v22;
	v14 =	vmul.f32 v14, v18  }
0xc5: {  	v9 =	vmul.f32 v9, v11;
	v15 =	vmul.f32 v15, v20;
	[tilespmem:s13+$0x60] =	vst v10  }
0xc6: {  	[tilespmem:s13+$0x50] =	vst v13  }
0xc7: {  	[tilespmem:s13+$0x40] =	vst v9  }
0xc8: {  	[tilespmem:s13+$0x0] =	vst v12  }
0xc9: {  	[tilespmem:s13+$0x70] =	vst v14  }
0xca: {  	[tilespmem:s13+$0x30] =	vst v15;
	v9 =	vld [tilespmem:s13+$0x110]  }
0xcb: {  	v10 =	vld [tilespmem:s12+$0x2D00];
	_ =	sdelay $0x4  }
0xcc: {  	v9 =	vadd.f32 v10, v9;
	_ =	sdelay $0x1  }
0xcd: {  	v10 =	vmul.f32 $2.000000030e-01, v9  }
0xce: {  	vm1 =	vge.f32 v9, $0.0e+00  }
0xcf: {  	v9 =	vsel vm1, v9, v10  }
0xd0: {  	v9 =	vmul.f32 $1.442695020e+00, v9;
	_ =	sdelay $0x1  }
0xd1: {  	(erf) = vpow2.f32 v9;
	_ =	sdelay $0x5  }
0xd2: {  	v9 =	vld [tilespmem:s13+$0x100]  }
0xd3: {  	v10 =	vld [tilespmem:s13+$0xF0]  }
0xd4: {  	v11 =	vld [tilespmem:s13+$0xC0]  }
0xd5: {  	s12 =	sshra.s32 s14, $0x2;
	v12 =	vld [tilespmem:s13+$0xB0];
	v13 =	vpop (erf)  }
0xd6: {  	v13 =	vnsel vm0, $0x0, v13;
	v14 =	vld [tilespmem:s13+$0xD0]  }
0xd7: {  	[tilespmem:s13+$0x110] =	vst v13;
	v15 =	vperm.xlane v13, v1;
	v16 =	vperm.xlane v13, v2;
	v17 =	vld [tilespmem:s13+$0xE0]  }
0xd8: {  	v19 =	vperm.xlane v13, v3;
	v20 =	vperm.xlane v13, v4;
	v18 =	vld [tilespmem:s13+$0x90]  }
0xd9: {  	v22 =	vperm.xlane v13, v5;
	v23 =	vperm.xlane v13, v6;
	v21 =	vld [tilespmem:s13+$0xA0]  }
0xda: {  	v11 =	vmul.f32 v11, v20;
	v12 =	vmul.f32 v12, v19  }
0xdb: {  	v19 =	vperm.xlane v13, v7;
	v14 =	vmul.f32 v14, v22  }
0xdc: {  	v13 =	vperm.xlane v13, v8;
	[tilespmem:s13+$0xB0] =	vst v12;
	v12 =	vmul.f32 v17, v23  }
0xdd: {  	v10 =	vmul.f32 v10, v19;
	v15 =	vmul.f32 v18, v15;
	[tilespmem:s13+$0xC0] =	vst v11  }
0xde: {  	v9 =	vmul.f32 v9, v13;
	v11 =	vmul.f32 v21, v16;
	[tilespmem:s13+$0xD0] =	vst v14  }
0xdf: {  	[tilespmem:s13+$0xE0] =	vst v12  }
0xe0: {  	[tilespmem:s13+$0xF0] =	vst v10  }
0xe1: {  	[tilespmem:s13+$0x100] =	vst v9  }
0xe2: {  	[tilespmem:s13+$0x90] =	vst v15  }
0xe3: {  	v9 =	vld [tilespmem:s11+$0xFFFFFF60];
	[tilespmem:s13+$0xA0] =	vst v11;
	s13 =	smov.u32 s11  }
0xe4: {  	v10 =	vld [tilespmem:s12+$0x2CD0];
	_ =	sdelay $0x4  }
0xe5: {  	v9 =	vadd.f32 v10, v9;
	_ =	sdelay $0x1  }
0xe6: {  	v10 =	vmul.f32 $2.000000030e-01, v9  }
0xe7: {  	vm1 =	vge.f32 v9, $0.0e+00  }
0xe8: {  	v9 =	vsel vm1, v9, v10  }
0xe9: {  	v9 =	vmul.f32 $1.442695020e+00, v9;
	_ =	sdelay $0x1  }
0xea: {  	(erf) = vpow2.f32 v9;
	_ =	sdelay $0x6  }
0xeb: {  	v9 =	vld [tilespmem:s11+$0xFFFFFF30]  }
0xec: {  	v10 =	vld [tilespmem:s11+$0xFFFFFEE0]  }
0xed: {  	v11 =	vld [tilespmem:s11+$0xFFFFFF20];
	v12 =	vpop (erf)  }
0xee: {  	v12 =	vnsel vm0, $0x0, v12;
	v13 =	vld [tilespmem:s11+$0xFFFFFF00]  }
0xef: {  	[tilespmem:s11+$0xFFFFFF60] =	vst v12;
	v14 =	vperm.xlane v12, v1;
	v15 =	vperm.xlane v12, v3;
	v16 =	vld [tilespmem:s11+$0xFFFFFF40]  }
0xf0: {  	v17 =	vperm.xlane v12, v5;
	v18 =	vperm.xlane v12, v6;
	v19 =	vld [tilespmem:s11+$0xFFFFFF50]  }
0xf1: {  	v20 =	vperm.xlane v12, v7;
	v10 =	vmul.f32 v10, v14;
	v14 =	vld [tilespmem:s11+$0xFFFFFEF0]  }
0xf2: {  	v9 =	vmul.f32 v9, v18;
	v21 =	vld [tilespmem:s11+$0xFFFFFF10];
	v11 =	vmul.f32 v11, v17  }
0xf3: {  	[tilespmem:s11+$0xFFFFFEE0] =	vst v10;
	v10 =	vmul.f32 v13, v15;
	v13 =	vperm.xlane v12, v8  }
0xf4: {  	v15 =	vperm.xlane v12, v2;
	[tilespmem:s11+$0xFFFFFF20] =	vst v11;
	v11 =	vmul.f32 v16, v20  }
0xf5: {  	[tilespmem:s11+$0xFFFFFF00] =	vst v10;
	v10 =	vperm.xlane v12, v4;
	v12 =	vmul.f32 v19, v13  }
0xf6: {  	v13 =	vmul.f32 v14, v15;
	[tilespmem:s11+$0xFFFFFF40] =	vst v11  }
0xf7: {  	v10 =	vmul.f32 v21, v10;
	[tilespmem:s11+$0xFFFFFF50] =	vst v12  }
0xf8: {  	[tilespmem:s11+$0xFFFFFEF0] =	vst v13  }
0xf9: {  	[tilespmem:s11+$0xFFFFFF10] =	vst v10  }
0xfa: {  	[tilespmem:s11+$0xFFFFFF30] =	vst v9;
	v9 =	vld [tilespmem:s11+$0xFFFFFFF0]  }
0xfb: {  	v10 =	vld [tilespmem:s12+$0x2CE0];
	_ =	sdelay $0x4  }
0xfc: {  	v9 =	vadd.f32 v10, v9;
	_ =	sdelay $0x1  }
0xfd: {  	v10 =	vmul.f32 $2.000000030e-01, v9  }
0xfe: {  	vm1 =	vge.f32 v9, $0.0e+00  }
0xff: {  	v9 =	vsel vm1, v9, v10  }
0x100: {  	v9 =	vmul.f32 $1.442695020e+00, v9;
	_ =	sdelay $0x1  }
0x101: {  	(erf) = vpow2.f32 v9;
	_ =	sdelay $0x5  }
0x102: {  	v9 =	vld [tilespmem:s11+$0xFFFFFFE0]  }
0x103: {  	v10 =	vld [tilespmem:s11+$0xFFFFFFC0]  }
0x104: {  	v11 =	vld [tilespmem:s11+$0xFFFFFFD0]  }
0x105: {  	v12 =	vld [tilespmem:s11+$0xFFFFFF80];
	v13 =	vpop (erf)  }
0x106: {  	v13 =	vnsel vm0, $0x0, v13;
	v14 =	vld [tilespmem:s11+$0xFFFFFFB0]  }
0x107: {  	[tilespmem:s11+$0xFFFFFFF0] =	vst v13;
	v15 =	vperm.xlane v13, v1;
	v16 =	vld [tilespmem:s11+$0xFFFFFF70];
	v17 =	vperm.xlane v13, v3  }
0x108: {  	v18 =	vperm.xlane v13, v2;
	v20 =	vperm.xlane v13, v7;
	v19 =	vld [tilespmem:s11+$0xFFFFFFA0]  }
0x109: {  	v22 =	vperm.xlane v13, v4;
	v23 =	vperm.xlane v13, v5;
	v21 =	vld [tilespmem:s11+$0xFFFFFF90]  }
0x10a: {  	v11 =	vmul.f32 v11, v20;
	v12 =	vmul.f32 v12, v18  }
0x10b: {  	v18 =	vperm.xlane v13, v6;
	v14 =	vmul.f32 v14, v23  }
0x10c: {  	v15 =	vmul.f32 v16, v15;
	[tilespmem:s11+$0xFFFFFFD0] =	vst v11;
	v11 =	vperm.xlane v13, v8  }
0x10d: {  	v10 =	vmul.f32 v10, v18;
	v13 =	vmul.f32 v19, v22;
	[tilespmem:s11+$0xFFFFFFB0] =	vst v14  }
0x10e: {  	[tilespmem:s11+$0xFFFFFF70] =	vst v15;
	v14 =	vmul.f32 v21, v17;
	v9 =	vmul.f32 v9, v11  }
0x10f: {  	[tilespmem:s11+$0xFFFFFFC0] =	vst v10  }
0x110: {  	[tilespmem:s11+$0xFFFFFF90] =	vst v14  }
0x111: {  	[tilespmem:s11+$0xFFFFFF80] =	vst v12  }
0x112: {  	[tilespmem:s11+$0xFFFFFFA0] =	vst v13  }
0x113: {  	[tilespmem:s11+$0xFFFFFFE0] =	vst v9;
	v9 =	vld [tilespmem:s11+$0x80]  }
0x114: {  	v10 =	vld [tilespmem:s12+$0x2CF0];
	_ =	sdelay $0x4  }
0x115: {  	v9 =	vadd.f32 v10, v9;
	_ =	sdelay $0x1  }
0x116: {  	v10 =	vmul.f32 $2.000000030e-01, v9  }
0x117: {  	vm1 =	vge.f32 v9, $0.0e+00  }
0x118: {  	v9 =	vsel vm1, v9, v10  }
0x119: {  	v9 =	vmul.f32 $1.442695020e+00, v9;
	_ =	sdelay $0x1  }
0x11a: {  	(erf) = vpow2.f32 v9;
	_ =	sdelay $0x5  }
0x11b: {  	v9 =	vld [tilespmem:s11+$0x40]  }
0x11c: {  	v10 =	vld [tilespmem:s11+$0x60]  }
0x11d: {  	v15 =	vld [tilespmem:s11+$0x10]  }
.Ltmp1:
0x11e: {  	v17 =	vld [tilespmem:s11+$0x20];
	v11 =	vpop (erf);
	(pc) =	sbr.rel @p0 .LBB2_5-.Ltmp1, $4  }
0x11f: {  	v11 =	vnsel vm0, $0x0, v11;
	v13 =	vld [tilespmem:s11+$0x50]  }
0x120: {  	[tilespmem:s11+$0x80] =	vst v11;
	v12 =	vld [tilespmem:s11+$0x0];
	v18 =	vperm.xlane v11, v2;
	v16 =	vperm.xlane v11, v6  }
0x121: {  	v20 =	vperm.xlane v11, v3;
	v19 =	vperm.xlane v11, v7;
	v14 =	vld [tilespmem:s11+$0x70]  }
0x122: {  	v21 =	vmul.f32 v15, v18;
	v15 =	vld [tilespmem:s11+$0x30];
	v18 =	vperm.xlane v11, v8  }
0x123: {  	v17 =	vmul.f32 v17, v20  }
0x124: {  	v20 =	vperm.xlane v11, v5;
	v10 =	vmul.f32 v10, v19;
	[tilespmem:s13+$0x10] =	vst v21  }
0x125: {  	v19 =	vperm.xlane v11, v1;
	v13 =	vmul.f32 v13, v16;
	[tilespmem:s13+$0x20] =	vst v17  }
0x126: {  	v9 =	vmul.f32 v9, v20;
	[tilespmem:s13+$0x60] =	vst v10  }
0x127: {  	v10 =	vperm.xlane v11, v4;
	v11 =	vmul.f32 v12, v19;
	[tilespmem:s13+$0x50] =	vst v13  }
0x128: {  	v12 =	vmul.f32 v14, v18;
	[tilespmem:s13+$0x40] =	vst v9  }
0x129: {  	v9 =	vmul.f32 v15, v10;
	[tilespmem:s13+$0x0] =	vst v11  }
0x12a: {  	[tilespmem:s13+$0x70] =	vst v12  }
0x12b: {  	[tilespmem:s13+$0x30] =	vst v9;
	v9 =	vld [tilespmem:s13+$0x110]  }
0x12c: {  	v10 =	vld [tilespmem:s12+$0x2D00];
	_ =	sdelay $0x4  }
0x12d: {  	v9 =	vadd.f32 v10, v9;
	_ =	sdelay $0x1  }
0x12e: {  	v10 =	vmul.f32 $2.000000030e-01, v9  }
0x12f: {  	vm1 =	vge.f32 v9, $0.0e+00  }
0x130: {  	v9 =	vsel vm1, v9, v10  }
0x131: {  	v9 =	vmul.f32 $1.442695020e+00, v9;
	_ =	sdelay $0x1  }
0x132: {  	(erf) = vpow2.f32 v9;
	_ =	sdelay $0x7  }
0x133: {  	v11 =	vld [tilespmem:s13+$0xB0]  }
0x134: {  	v13 =	vld [tilespmem:s13+$0xC0];
	v12 =	vpop (erf)  }
0x135: {  	v14 =	vld [tilespmem:s13+$0xD0];
	v12 =	vnsel vm0, $0x0, v12  }
0x136: {  	v15 =	vld [tilespmem:s13+$0xE0];
	v16 =	vperm.xlane v12, v3  }
0x137: {  	v10 =	vld [tilespmem:s13+$0xF0];
	v17 =	vperm.xlane v12, v4  }
0x138: {  	v9 =	vld [tilespmem:s13+$0x100];
	v19 =	vperm.xlane v12, v5;
	v11 =	vmul.f32 v11, v16  }
0x139: {  	v18 =	vld [tilespmem:s13+$0x90];
	[tilespmem:s13+$0x110] =	vst v12;
	v20 =	vperm.xlane v12, v6;
	v13 =	vmul.f32 v13, v17  }
0x13a: {  	v16 =	vld [tilespmem:s13+$0xA0];
	v14 =	vmul.f32 v14, v19;
	v17 =	vperm.xlane v12, v7;
	[tilespmem:s13+$0xB0] =	vst v11  }
0x13b: {  	v11 =	vmul.f32 v15, v20;
	v15 =	vperm.xlane v12, v8;
	[tilespmem:s13+$0xC0] =	vst v13  }
0x13c: {  	v13 =	vperm.xlane v12, v1;
	v10 =	vmul.f32 v10, v17;
	[tilespmem:s13+$0xD0] =	vst v14  }
0x13d: {  	v12 =	vperm.xlane v12, v2;
	v9 =	vmul.f32 v9, v15;
	[tilespmem:s13+$0xE0] =	vst v11  }
0x13e: {  	s11 =	smul.u32 $0x140, s28;
	v11 =	vmul.f32 v18, v13;
	[tilespmem:s13+$0xF0] =	vst v10  }
0x13f: {  	v10 =	vmul.f32 v16, v12;
	[tilespmem:s13+$0x100] =	vst v9  }
0x140: {  	s11 =	sshra.s32 s11, $0x2;
	[tilespmem:s13+$0x90] =	vst v11  }
0x141: {  	p0 =	seq.s32 s28, $0x7C;
	s11 =	sadd.s32 $0x5910, s11;
	[tilespmem:s13+$0xA0] =	vst v10  }
0x142: {  	[spmem:s3] =	stream.indirect.scatter.add.f32 [tilespmem:s4], [sflag:$0x3], $0x90, s11, s30, $0xb8;
	[tilespmem:$0x1E820] =	vst v63  }
0x143: {  	s11 =	smul.u32 @!p0 $0x50, s28;
	_ =	swait.ge [sflag:s8], $0x1680  }
0x144: {  	s14 =	simm.s32 @!p0 $0x0;
	[sflag:s8] =	ssyncset.done $0x0  }
0x145: {  	s13 =	simm.s32 @!p0 $0x28;
	s12 =	sadd.s32 @!p0 $0x3250, s11;
	[sflag:s8] =	ssyncadd.s32 $0xFFFFE980  }
0x146: {  	[tilespmem:s14], [sflag:$0x1] =	stream.indirect.gather @!p0 [hbm4b:s5+s13], $0x90, s12, s13, $0xb8;
	[tilespmem:$0x1E820] =	vst v63  }
0x147: {  	s11 =	sadd.s32 @!p0 $0x5960, s11;
	s12 =	simm.s32 @!p0 $0x2D00  }
0x148: {  	[tilespmem:s12], [sflag:$0x2] =	stream.indirect.gather @!p0 [hbm4b:s2+s13], $0x10, s11, s13, $0xb8;
	[tilespmem:$0x1E820] =	vst v63  }
0x149: {  	_ =	swait.ge [sflag:s0], $0x1680  }
0x14a: {  	[sflag:s0] =	ssyncset.done $0x0  }
0x14b: {  	[sflag:s0] =	ssyncadd.s32 $0xFFFFE980  }
0x14c: {  	_ =	swait.ge [sflag:s7], $0x280  }
0x14d: {  	[sflag:s7] =	ssyncset.done $0x0  }
0x14e: {  	s11 =	simm.s32 $0x17A0;
	[sflag:s7] =	ssyncadd.s32 $0xFFFFFD80  }
0x14f: {  	s12 =	simm.s32 $0x30;
	v9 =	vld [tilespmem:s11+$0xFFFFFF60]  }
0x150: {  	v10 =	vld [tilespmem:s12+$0x2F50];
	_ =	sdelay $0x4  }
0x151: {  	v9 =	vadd.f32 v10, v9;
	_ =	sdelay $0x1  }
0x152: {  	v10 =	vmul.f32 $2.000000030e-01, v9  }
0x153: {  	vm1 =	vge.f32 v9, $0.0e+00  }
0x154: {  	v9 =	vsel vm1, v9, v10  }
0x155: {  	v9 =	vmul.f32 $1.442695020e+00, v9;
	_ =	sdelay $0x1  }
0x156: {  	(erf) = vpow2.f32 v9;
	_ =	sdelay $0x7  }
0x157: {  	v10 =	vld [tilespmem:s11+$0xFFFFFEE0]  }
0x158: {  	v12 =	vld [tilespmem:s11+$0xFFFFFF20];
	v11 =	vpop (erf)  }
0x159: {  	v13 =	vld [tilespmem:s11+$0xFFFFFF00];
	v11 =	vnsel vm0, $0x0, v11  }
0x15a: {  	v15 =	vld [tilespmem:s11+$0xFFFFFF40];
	v14 =	vperm.xlane v11, v1  }
0x15b: {  	v17 =	vld [tilespmem:s11+$0xFFFFFF50];
	v16 =	vperm.xlane v11, v5  }
0x15c: {  	v18 =	vperm.xlane v11, v3;
	v10 =	vmul.f32 v10, v14;
	v14 =	vld [tilespmem:s11+$0xFFFFFEF0]  }
0x15d: {  	v20 =	vld [tilespmem:s11+$0xFFFFFF10];
	[tilespmem:s11+$0xFFFFFF60] =	vst v11;
	v19 =	vperm.xlane v11, v7;
	v12 =	vmul.f32 v12, v16  }
0x15e: {  	v9 =	vld [tilespmem:s11+$0xFFFFFF30];
	[tilespmem:s11+$0xFFFFFEE0] =	vst v10;
	v10 =	vmul.f32 v13, v18;
	v13 =	vperm.xlane v11, v8  }
0x15f: {  	v16 =	vperm.xlane v11, v2;
	[tilespmem:s11+$0xFFFFFF20] =	vst v12;
	v12 =	vmul.f32 v15, v19  }
0x160: {  	[tilespmem:s11+$0xFFFFFF00] =	vst v10;
	v10 =	vperm.xlane v11, v4;
	v13 =	vmul.f32 v17, v13  }
0x161: {  	v11 =	vperm.xlane v11, v6;
	[tilespmem:s11+$0xFFFFFF40] =	vst v12;
	v14 =	vmul.f32 v14, v16  }
0x162: {  	v10 =	vmul.f32 v20, v10;
	[tilespmem:s11+$0xFFFFFF50] =	vst v13  }
0x163: {  	v9 =	vmul.f32 v9, v11;
	[tilespmem:s11+$0xFFFFFEF0] =	vst v14  }
0x164: {  	[tilespmem:s11+$0xFFFFFF10] =	vst v10  }
0x165: {  	[tilespmem:s11+$0xFFFFFF30] =	vst v9;
	v9 =	vld [tilespmem:s11+$0xFFFFFFF0]  }
0x166: {  	v10 =	vld [tilespmem:s12+$0x2F60];
	_ =	sdelay $0x4  }
0x167: {  	v9 =	vadd.f32 v10, v9;
	_ =	sdelay $0x1  }
0x168: {  	v10 =	vmul.f32 $2.000000030e-01, v9  }
0x169: {  	vm1 =	vge.f32 v9, $0.0e+00  }
0x16a: {  	v9 =	vsel vm1, v9, v10  }
0x16b: {  	v9 =	vmul.f32 $1.442695020e+00, v9;
	_ =	sdelay $0x1  }
0x16c: {  	(erf) = vpow2.f32 v9;
	_ =	sdelay $0x7  }
0x16d: {  	v10 =	vld [tilespmem:s11+$0xFFFFFFD0]  }
0x16e: {  	v12 =	vld [tilespmem:s11+$0xFFFFFFB0];
	v11 =	vpop (erf)  }
0x16f: {  	v13 =	vld [tilespmem:s11+$0xFFFFFF70];
	v11 =	vnsel vm0, $0x0, v11  }
0x170: {  	v14 =	vld [tilespmem:s11+$0xFFFFFFC0];
	v15 =	vperm.xlane v11, v7  }
0x171: {  	v16 =	vld [tilespmem:s11+$0xFFFFFF90];
	v17 =	vperm.xlane v11, v5;
	v19 =	vperm.xlane v11, v1  }
0x172: {  	v18 =	vld [tilespmem:s11+$0xFFFFFF80];
	v20 =	vperm.xlane v11, v3;
	v10 =	vmul.f32 v10, v15  }
0x173: {  	v9 =	vld [tilespmem:s11+$0xFFFFFFE0];
	[tilespmem:s11+$0xFFFFFFF0] =	vst v11;
	v12 =	vmul.f32 v12, v17;
	v17 =	vperm.xlane v11, v6  }
0x174: {  	v15 =	vld [tilespmem:s11+$0xFFFFFFA0];
	v13 =	vmul.f32 v13, v19;
	[tilespmem:s11+$0xFFFFFFD0] =	vst v10;
	v10 =	vperm.xlane v11, v2  }
0x175: {  	[tilespmem:s11+$0xFFFFFFB0] =	vst v12;
	v12 =	vmul.f32 v14, v17;
	v14 =	vperm.xlane v11, v4  }
0x176: {  	[tilespmem:s11+$0xFFFFFF70] =	vst v13;
	v13 =	vmul.f32 v16, v20;
	v11 =	vperm.xlane v11, v8  }
0x177: {  	v10 =	vmul.f32 v18, v10;
	[tilespmem:s11+$0xFFFFFFC0] =	vst v12  }
0x178: {  	[tilespmem:s11+$0xFFFFFF90] =	vst v13;
	v9 =	vmul.f32 v9, v11  }
0x179: {  	v12 =	vmul.f32 v15, v14;
	[tilespmem:s11+$0xFFFFFF80] =	vst v10  }
0x17a: {  	[tilespmem:s11+$0xFFFFFFE0] =	vst v9  }
0x17b: {  	v9 =	vld [tilespmem:s11+$0x80];
	[tilespmem:s11+$0xFFFFFFA0] =	vst v12  }
0x17c: {  	v10 =	vld [tilespmem:s12+$0x2F70];
	_ =	sdelay $0x4  }
0x17d: {  	v9 =	vadd.f32 v10, v9;
	_ =	sdelay $0x1  }
0x17e: {  	v10 =	vmul.f32 $2.000000030e-01, v9  }
0x17f: {  	vm1 =	vge.f32 v9, $0.0e+00  }
0x180: {  	v9 =	vsel vm1, v9, v10  }
0x181: {  	v9 =	vmul.f32 $1.442695020e+00, v9;
	_ =	sdelay $0x1  }
0x182: {  	(erf) = vpow2.f32 v9;
	_ =	sdelay $0x5  }
0x183: {  	v17 =	vld [tilespmem:s11+$0x20]  }
0x184: {  	v13 =	vld [tilespmem:s11+$0x50]  }
0x185: {  	v15 =	vld [tilespmem:s11+$0x10]  }
0x186: {  	v14 =	vld [tilespmem:s11+$0x70];
	v11 =	vpop (erf)  }
0x187: {  	v12 =	vld [tilespmem:s11+$0x0];
	v11 =	vnsel vm0, $0x0, v11  }
0x188: {  	v10 =	vld [tilespmem:s11+$0x60];
	v18 =	vperm.xlane v11, v2;
	v16 =	vperm.xlane v11, v6  }
0x189: {  	v9 =	vld [tilespmem:s11+$0x40];
	v20 =	vperm.xlane v11, v3;
	v19 =	vperm.xlane v11, v7  }
0x18a: {  	s29 =	simm.s32 $0x1C0;
	s13 =	simm.s32 $0x17A0;
	[tilespmem:s11+$0x80] =	vst v11;
	v21 =	vmul.f32 v15, v18;
	v15 =	vld [tilespmem:s11+$0x30];
	v18 =	vperm.xlane v11, v8  }
.LBB2_7:
0x18b: {  	p0 =	sne.s32 s29, $0x9C0  }
0x18c: {  	v17 =	vmul.f32 v17, v20;
	v20 =	vperm.xlane v11, v4;
	s11 =	sadd.s32 $0x240, s11;
	s14 =	smov.u32 s29;
	s29 =	sadd.s32 $0x100, s29  }
0x18d: {  	v22 =	vperm.xlane v11, v1;
	v11 =	vperm.xlane v11, v5;
	[tilespmem:s13+$0x10] =	vst v21  }
0x18e: {  	v10 =	vmul.f32 v10, v19;
	v13 =	vmul.f32 v13, v16;
	[tilespmem:s13+$0x20] =	vst v17  }
0x18f: {  	v12 =	vmul.f32 v12, v22;
	v14 =	vmul.f32 v14, v18  }
0x190: {  	v9 =	vmul.f32 v9, v11;
	v15 =	vmul.f32 v15, v20;
	[tilespmem:s13+$0x60] =	vst v10  }
0x191: {  	[tilespmem:s13+$0x50] =	vst v13  }
0x192: {  	[tilespmem:s13+$0x40] =	vst v9  }
0x193: {  	[tilespmem:s13+$0x0] =	vst v12  }
0x194: {  	[tilespmem:s13+$0x70] =	vst v14  }
0x195: {  	[tilespmem:s13+$0x30] =	vst v15;
	v9 =	vld [tilespmem:s13+$0x110]  }
0x196: {  	v10 =	vld [tilespmem:s12+$0x2F80];
	_ =	sdelay $0x4  }
0x197: {  	v9 =	vadd.f32 v10, v9;
	_ =	sdelay $0x1  }
0x198: {  	v10 =	vmul.f32 $2.000000030e-01, v9  }
0x199: {  	vm1 =	vge.f32 v9, $0.0e+00  }
0x19a: {  	v9 =	vsel vm1, v9, v10  }
0x19b: {  	v9 =	vmul.f32 $1.442695020e+00, v9;
	_ =	sdelay $0x1  }
0x19c: {  	(erf) = vpow2.f32 v9;
	_ =	sdelay $0x5  }
0x19d: {  	v9 =	vld [tilespmem:s13+$0x100]  }
0x19e: {  	v10 =	vld [tilespmem:s13+$0xF0]  }
0x19f: {  	v11 =	vld [tilespmem:s13+$0xC0]  }
0x1a0: {  	s12 =	sshra.s32 s14, $0x2;
	v12 =	vld [tilespmem:s13+$0xB0];
	v13 =	vpop (erf)  }
0x1a1: {  	v13 =	vnsel vm0, $0x0, v13;
	v14 =	vld [tilespmem:s13+$0xD0]  }
0x1a2: {  	[tilespmem:s13+$0x110] =	vst v13;
	v15 =	vperm.xlane v13, v1;
	v16 =	vperm.xlane v13, v2;
	v17 =	vld [tilespmem:s13+$0xE0]  }
0x1a3: {  	v19 =	vperm.xlane v13, v3;
	v20 =	vperm.xlane v13, v4;
	v18 =	vld [tilespmem:s13+$0x90]  }
0x1a4: {  	v22 =	vperm.xlane v13, v5;
	v23 =	vperm.xlane v13, v6;
	v21 =	vld [tilespmem:s13+$0xA0]  }
0x1a5: {  	v11 =	vmul.f32 v11, v20;
	v12 =	vmul.f32 v12, v19  }
0x1a6: {  	v19 =	vperm.xlane v13, v7;
	v14 =	vmul.f32 v14, v22  }
0x1a7: {  	v13 =	vperm.xlane v13, v8;
	[tilespmem:s13+$0xB0] =	vst v12;
	v12 =	vmul.f32 v17, v23  }
0x1a8: {  	v10 =	vmul.f32 v10, v19;
	v15 =	vmul.f32 v18, v15;
	[tilespmem:s13+$0xC0] =	vst v11  }
0x1a9: {  	v9 =	vmul.f32 v9, v13;
	v11 =	vmul.f32 v21, v16;
	[tilespmem:s13+$0xD0] =	vst v14  }
0x1aa: {  	[tilespmem:s13+$0xE0] =	vst v12  }
0x1ab: {  	[tilespmem:s13+$0xF0] =	vst v10  }
0x1ac: {  	[tilespmem:s13+$0x100] =	vst v9  }
0x1ad: {  	[tilespmem:s13+$0x90] =	vst v15  }
0x1ae: {  	v9 =	vld [tilespmem:s11+$0xFFFFFF60];
	[tilespmem:s13+$0xA0] =	vst v11;
	s13 =	smov.u32 s11  }
0x1af: {  	v10 =	vld [tilespmem:s12+$0x2F50];
	_ =	sdelay $0x4  }
0x1b0: {  	v9 =	vadd.f32 v10, v9;
	_ =	sdelay $0x1  }
0x1b1: {  	v10 =	vmul.f32 $2.000000030e-01, v9  }
0x1b2: {  	vm1 =	vge.f32 v9, $0.0e+00  }
0x1b3: {  	v9 =	vsel vm1, v9, v10  }
0x1b4: {  	v9 =	vmul.f32 $1.442695020e+00, v9;
	_ =	sdelay $0x1  }
0x1b5: {  	(erf) = vpow2.f32 v9;
	_ =	sdelay $0x6  }
0x1b6: {  	v9 =	vld [tilespmem:s11+$0xFFFFFF30]  }
0x1b7: {  	v10 =	vld [tilespmem:s11+$0xFFFFFEE0]  }
0x1b8: {  	v11 =	vld [tilespmem:s11+$0xFFFFFF20];
	v12 =	vpop (erf)  }
0x1b9: {  	v12 =	vnsel vm0, $0x0, v12;
	v13 =	vld [tilespmem:s11+$0xFFFFFF00]  }
0x1ba: {  	[tilespmem:s11+$0xFFFFFF60] =	vst v12;
	v14 =	vperm.xlane v12, v1;
	v15 =	vperm.xlane v12, v3;
	v16 =	vld [tilespmem:s11+$0xFFFFFF40]  }
0x1bb: {  	v17 =	vperm.xlane v12, v5;
	v18 =	vperm.xlane v12, v6;
	v19 =	vld [tilespmem:s11+$0xFFFFFF50]  }
0x1bc: {  	v20 =	vperm.xlane v12, v7;
	v10 =	vmul.f32 v10, v14;
	v14 =	vld [tilespmem:s11+$0xFFFFFEF0]  }
0x1bd: {  	v9 =	vmul.f32 v9, v18;
	v21 =	vld [tilespmem:s11+$0xFFFFFF10];
	v11 =	vmul.f32 v11, v17  }
0x1be: {  	[tilespmem:s11+$0xFFFFFEE0] =	vst v10;
	v10 =	vmul.f32 v13, v15;
	v13 =	vperm.xlane v12, v8  }
0x1bf: {  	v15 =	vperm.xlane v12, v2;
	[tilespmem:s11+$0xFFFFFF20] =	vst v11;
	v11 =	vmul.f32 v16, v20  }
0x1c0: {  	[tilespmem:s11+$0xFFFFFF00] =	vst v10;
	v10 =	vperm.xlane v12, v4;
	v12 =	vmul.f32 v19, v13  }
0x1c1: {  	v13 =	vmul.f32 v14, v15;
	[tilespmem:s11+$0xFFFFFF40] =	vst v11  }
0x1c2: {  	v10 =	vmul.f32 v21, v10;
	[tilespmem:s11+$0xFFFFFF50] =	vst v12  }
0x1c3: {  	[tilespmem:s11+$0xFFFFFEF0] =	vst v13  }
0x1c4: {  	[tilespmem:s11+$0xFFFFFF10] =	vst v10  }
0x1c5: {  	[tilespmem:s11+$0xFFFFFF30] =	vst v9;
	v9 =	vld [tilespmem:s11+$0xFFFFFFF0]  }
0x1c6: {  	v10 =	vld [tilespmem:s12+$0x2F60];
	_ =	sdelay $0x4  }
0x1c7: {  	v9 =	vadd.f32 v10, v9;
	_ =	sdelay $0x1  }
0x1c8: {  	v10 =	vmul.f32 $2.000000030e-01, v9  }
0x1c9: {  	vm1 =	vge.f32 v9, $0.0e+00  }
0x1ca: {  	v9 =	vsel vm1, v9, v10  }
0x1cb: {  	v9 =	vmul.f32 $1.442695020e+00, v9;
	_ =	sdelay $0x1  }
0x1cc: {  	(erf) = vpow2.f32 v9;
	_ =	sdelay $0x5  }
0x1cd: {  	v9 =	vld [tilespmem:s11+$0xFFFFFFE0]  }
0x1ce: {  	v10 =	vld [tilespmem:s11+$0xFFFFFFC0]  }
0x1cf: {  	v11 =	vld [tilespmem:s11+$0xFFFFFFD0]  }
0x1d0: {  	v12 =	vld [tilespmem:s11+$0xFFFFFF80];
	v13 =	vpop (erf)  }
0x1d1: {  	v13 =	vnsel vm0, $0x0, v13;
	v14 =	vld [tilespmem:s11+$0xFFFFFFB0]  }
0x1d2: {  	[tilespmem:s11+$0xFFFFFFF0] =	vst v13;
	v15 =	vperm.xlane v13, v1;
	v16 =	vld [tilespmem:s11+$0xFFFFFF70];
	v17 =	vperm.xlane v13, v3  }
0x1d3: {  	v18 =	vperm.xlane v13, v2;
	v20 =	vperm.xlane v13, v7;
	v19 =	vld [tilespmem:s11+$0xFFFFFFA0]  }
0x1d4: {  	v22 =	vperm.xlane v13, v4;
	v23 =	vperm.xlane v13, v5;
	v21 =	vld [tilespmem:s11+$0xFFFFFF90]  }
0x1d5: {  	v11 =	vmul.f32 v11, v20;
	v12 =	vmul.f32 v12, v18  }
0x1d6: {  	v18 =	vperm.xlane v13, v6;
	v14 =	vmul.f32 v14, v23  }
0x1d7: {  	v15 =	vmul.f32 v16, v15;
	[tilespmem:s11+$0xFFFFFFD0] =	vst v11;
	v11 =	vperm.xlane v13, v8  }
0x1d8: {  	v10 =	vmul.f32 v10, v18;
	v13 =	vmul.f32 v19, v22;
	[tilespmem:s11+$0xFFFFFFB0] =	vst v14  }
0x1d9: {  	[tilespmem:s11+$0xFFFFFF70] =	vst v15;
	v14 =	vmul.f32 v21, v17;
	v9 =	vmul.f32 v9, v11  }
0x1da: {  	[tilespmem:s11+$0xFFFFFFC0] =	vst v10  }
0x1db: {  	[tilespmem:s11+$0xFFFFFF90] =	vst v14  }
0x1dc: {  	[tilespmem:s11+$0xFFFFFF80] =	vst v12  }
0x1dd: {  	[tilespmem:s11+$0xFFFFFFA0] =	vst v13  }
0x1de: {  	[tilespmem:s11+$0xFFFFFFE0] =	vst v9;
	v9 =	vld [tilespmem:s11+$0x80]  }
0x1df: {  	v10 =	vld [tilespmem:s12+$0x2F70];
	_ =	sdelay $0x4  }
0x1e0: {  	v9 =	vadd.f32 v10, v9;
	_ =	sdelay $0x1  }
0x1e1: {  	v10 =	vmul.f32 $2.000000030e-01, v9  }
0x1e2: {  	vm1 =	vge.f32 v9, $0.0e+00  }
0x1e3: {  	v9 =	vsel vm1, v9, v10  }
0x1e4: {  	v9 =	vmul.f32 $1.442695020e+00, v9;
	_ =	sdelay $0x1  }
0x1e5: {  	(erf) = vpow2.f32 v9;
	_ =	sdelay $0x5  }
0x1e6: {  	v9 =	vld [tilespmem:s11+$0x40]  }
0x1e7: {  	v10 =	vld [tilespmem:s11+$0x60]  }
0x1e8: {  	v15 =	vld [tilespmem:s11+$0x10]  }
.Ltmp2:
0x1e9: {  	v17 =	vld [tilespmem:s11+$0x20];
	v11 =	vpop (erf);
	(pc) =	sbr.rel @p0 .LBB2_7-.Ltmp2, $4  }
0x1ea: {  	v11 =	vnsel vm0, $0x0, v11;
	v13 =	vld [tilespmem:s11+$0x50]  }
0x1eb: {  	[tilespmem:s11+$0x80] =	vst v11;
	v12 =	vld [tilespmem:s11+$0x0];
	v18 =	vperm.xlane v11, v2;
	v16 =	vperm.xlane v11, v6  }
0x1ec: {  	v20 =	vperm.xlane v11, v3;
	v19 =	vperm.xlane v11, v7;
	v14 =	vld [tilespmem:s11+$0x70]  }
0x1ed: {  	v21 =	vmul.f32 v15, v18;
	v15 =	vld [tilespmem:s11+$0x30];
	v18 =	vperm.xlane v11, v8  }
0x1ee: {  	v17 =	vmul.f32 v17, v20  }
0x1ef: {  	v48 =	vperm.xlane v11, v5;
	v10 =	vmul.f32 v10, v19;
	[tilespmem:s13+$0x10] =	vst v21  }
0x1f0: {  	v49 =	vperm.xlane v11, v1;
	v13 =	vmul.f32 v13, v16;
	[tilespmem:s13+$0x20] =	vst v17  }
0x1f1: {  	v9 =	vmul.f32 v9, v48;
	[tilespmem:s13+$0x60] =	vst v10  }
0x1f2: {  	v10 =	vperm.xlane v11, v4;
	v11 =	vmul.f32 v12, v49;
	[tilespmem:s13+$0x50] =	vst v13  }
0x1f3: {  	v50 =	vmul.f32 v14, v18;
	[tilespmem:s13+$0x40] =	vst v9  }
0x1f4: {  	v9 =	vmul.f32 v15, v10;
	[tilespmem:s13+$0x0] =	vst v11  }
0x1f5: {  	[tilespmem:s13+$0x70] =	vst v50  }
0x1f6: {  	[tilespmem:s13+$0x30] =	vst v9;
	v9 =	vld [tilespmem:s13+$0x110]  }
0x1f7: {  	v10 =	vld [tilespmem:s12+$0x2F80];
	_ =	sdelay $0x4  }
0x1f8: {  	v9 =	vadd.f32 v10, v9;
	_ =	sdelay $0x1  }
0x1f9: {  	v10 =	vmul.f32 $2.000000030e-01, v9  }
0x1fa: {  	vm1 =	vge.f32 v9, $0.0e+00  }
0x1fb: {  	v9 =	vsel vm1, v9, v10  }
0x1fc: {  	v9 =	vmul.f32 $1.442695020e+00, v9;
	_ =	sdelay $0x1  }
0x1fd: {  	(erf) = vpow2.f32 v9;
	_ =	sdelay $0x7  }
0x1fe: {  	v11 =	vld [tilespmem:s13+$0xB0]  }
0x1ff: {  	v52 =	vld [tilespmem:s13+$0xC0];
	v51 =	vpop (erf)  }
0x200: {  	v53 =	vld [tilespmem:s13+$0xD0];
	v12 =	vnsel vm0, $0x0, v51  }
0x201: {  	v10 =	vld [tilespmem:s13+$0xF0];
	v55 =	vperm.xlane v12, v3  }
0x202: {  	v9 =	vld [tilespmem:s13+$0x100];
	v56 =	vperm.xlane v12, v4;
	v58 =	vperm.xlane v12, v5  }
0x203: {  	v54 =	vld [tilespmem:s13+$0xE0];
	v60 =	vperm.xlane v12, v6;
	v11 =	vmul.f32 v11, v55  }
0x204: {  	v59 =	vld [tilespmem:s13+$0xA0];
	[tilespmem:s13+$0x110] =	vst v12;
	v61 =	vperm.xlane v12, v7;
	v13 =	vmul.f32 v52, v56  }
0x205: {  	v57 =	vld [tilespmem:s13+$0x90];
	v62 =	vperm.xlane v12, v8;
	v14 =	vmul.f32 v53, v58;
	[tilespmem:s13+$0xB0] =	vst v11  }
0x206: {  	v63 =	vperm.xlane v12, v1;
	v10 =	vmul.f32 v10, v61;
	[tilespmem:s13+$0xC0] =	vst v13  }
0x207: {  	s28 =	sadd.s32 $0x1, s28;
	v12 =	vperm.xlane v12, v2;
	v9 =	vmul.f32 v9, v62;
	[tilespmem:s13+$0xD0] =	vst v14  }
0x208: {  	s10 =	smul.u32 $0xA0, s10;
	p0 =	sne.s32 s28, $0x7D;
	v11 =	vmul.f32 v54, v60;
	[tilespmem:s13+$0xF0] =	vst v10  }
.Ltmp3:
0x209: {  	v10 =	vmul.f32 v59, v12;
	[tilespmem:s13+$0x100] =	vst v9;
	(pc) =	sbr.rel @p0 .LBB2_4-.Ltmp3, $4  }
0x20a: {  	[tilespmem:s13+$0xE0] =	vst v11;
	v11 =	vmul.f32 v57, v63  }
0x20b: {  	s10 =	sshra.s32 s10, $0x2;
	[tilespmem:s13+$0xA0] =	vst v10  }
0x20c: {  	s10 =	sadd.s32 $0x5910, s10;
	[tilespmem:s13+$0x90] =	vst v11  }
0x20d: {  	[spmem:s3] =	stream.indirect.scatter.add.f32 [tilespmem:s1], [sflag:$0x3], $0x90, s10, s30, $0xb8;
	[tilespmem:$0x1E820] =	vst v63  }
0x20e: {  	_ =	swait.ge [sflag:s8], $0x1680;
	s10 =	stileid.u32  }
0x20f: {  	s11 =	sshrl.u32 s6, $0x3;
	s9 =	sadd.s32 $0x1, s9;
	[sflag:s8] =	ssyncset.done $0x0  }
0x210: {  	s10 =	sshll.u32 s10, $0x6;
	p0 =	sne.s32 s9, s25;
	[sflag:s8] =	ssyncadd.s32 $0xFFFFE980  }
.Ltmp4:
0x211: {  	s10 =	sor.u32 $0x1C04, s10;
	[bflag:$0x0] =	sbarrier.arrive $0xFFFF;
	(pc) =	sbr.rel @p0 .LBB2_1-.Ltmp4, $4  }
0x212: {  	[hbm:s24], [sflag:s10] =	dma.local [spmem:s11], $0x2D00  }
0x213: {  	_ =	swait.ge [sflag:s26], $0x2D00  }
0x214: {  	[sflag:s26] =	ssyncset.done $0x0  }
0x215: {  	[sflag:s26] =	ssyncadd.s32 $0xFFFFD300  }
0x216: {  	_ =	sfence.sel $0x180000  }
0x217: {  	[bflag:$0x0] =	sbarrier.arrive $0xFFFF  }
0x218: {  	_ =	strace $0x90000047  }
0x219: {  	s0 =	stileid.u32;
	[bflag:$0x2] =	sbarrier.arrive $0xFFFF  }
0x21a: {  	p0 =	sne.s32 s0, $0x0;
	s0 =	rddreg [dreg:$0x4]  }
0x21b: {  	s0 =	sadd.s32 @!p0 $0x100000, s0  }
0x21c: {  	[sflag:s0] =	ssyncadd.tile.s32 @!p0 $0x1;
	_ =	shalt  }
.Lfunc_end2:
_tile_overlayer_lowered:
.L_overlay_start_2:
0x21d: {  	(tag) =	ssettag $0x2  }
0x21e: {  	s0 =	rddreg [dreg:$0x0];
	s2 =	stileid.u32  }
0x21f: {  	s1 =	rddreg [dreg:$0x1];
	p0 =	sne.s32 s2, $0x0  }
0x220: {  	s3 =	rddreg [dreg:$0x2];
	[bflag:$0x3] =	sbarrier.arrive $0xFFFF;
	s2 =	simm.s32 @!p0 $0x1C04  }
0x221: {  	[timem:s3], [sflag:s2] =	dma.local @!p0 [hbm:s0], s1  }
0x222: {  	s0 =	simm.s32 @!p0 $0x4  }
0x223: {  	_ =	swait.ge @!p0 [sflag:s0], s1  }
0x224: {  	s1 =	ssub.s32 @!p0 $0x0, s1;
	[sflag:s0] =	ssyncset.done @!p0 $0x0  }
0x225: {  	[sflag:s0] =	ssyncadd.s32 @!p0 s1  }
0x226: {  	[bflag:$0x3] =	sbarrier.arrive $0xFFFF  }
0x227: {  	_ =	shalt  }

</sc_bundles>
